<compile_context>
chip_gen: v7x
topology: tpu7x:2x2x1
jax: 0.10.2.dev20260603
libtpu: 0.0.44.dev20260713+nightly
codegen_flags: <defaults>
</compile_context>

<pallas_src>
import functools

import jax
import jax.numpy as jnp
from jax import lax
from jax.experimental import pallas as pl
from jax.experimental.pallas import tpu as pltpu
from jax.experimental.pallas import tpu_sc as plsc

NL, POOL, LEN, ED = 12, 64, 5, 2048
BS, TOPK = 128, 2

NC, NS, L = 2, 16, 16
NW = NC * NS
SL, LN = 8, 128
ET = ED // LN
TR = NL * LEN * POOL * ET
OR = NL * TOPK * LEN * BS * ET
RPW = OR // NW
CHUNK = 128
NCH = RPW // CHUNK
VPC = CHUNK // L
NBUF = 4


def _gather_body(table, idxf, out, idxv, idxc, bufs, gsems, ssems):
    wid = lax.axis_index("s") * NC + lax.axis_index("c")
    obase = wid * RPW

    pltpu.sync_copy(idxf, idxv)

    iota = lax.iota(jnp.int32, L)

    def fill_chunk(c):
        for i in range(VPC):
            o = obase + c * CHUNK + i * L + iota
            nlr = o >> 11
            nl = (nlr * 205) >> 11
            r = nlr - nl * 10
            rem = o & 2047
            bt = rem >> 7
            et = (rem >> 3) & 15
            bi = rem & 7
            b = (bt << 3) | bi
            t = (r * 52) >> 8
            l = r - t * 5
            p = plsc.load_gather(idxv, [(b << 1) | t])
            row = (((nl * 5 + l) << 10) | ((p >> 3) << 7)
                   | (et << 3) | (p & 7))
            idxc[c, pl.ds(i * L, L)] = row

    def start_gather(c, b):
        pltpu.make_async_copy(table.at[idxc.at[c]], bufs[b], gsems[b]).start()

    def wait_gather(b):
        pltpu.make_async_copy(
            table.at[idxc.at[0]], bufs[b], gsems[b]
        ).wait()

    def start_scatter(c, b):
        pltpu.make_async_copy(
            bufs[b], out.at[pl.ds(obase + c * CHUNK, CHUNK)], ssems[b]
        ).start()

    def wait_scatter(b):
        pltpu.make_async_copy(
            bufs[b], out.at[pl.ds(obase, CHUNK)], ssems[b]
        ).wait()

    def step(c, b, refill, head):
        bg = (c + 2) % NBUF if isinstance(c, int) else (b + 2) % NBUF
        if refill:
            if not head:
                wait_scatter(bg)
            fill_chunk(c + 2)
            start_gather(c + 2, bg)
        wait_gather(b)
        start_scatter(c, b)

    for c in range(2):
        fill_chunk(c)
        start_gather(c, c)
    step(0, 0, True, True)
    step(1, 1, True, True)

    def body(g, _):
        for bb in range(NBUF):
            c = g * NBUF + 2 + bb
            step(c, (2 + bb) % NBUF, True, False)
        return None

    lax.fori_loop(0, (NCH - 2) // NBUF, body, None)
    for c in range(2 + ((NCH - 2) // NBUF) * NBUF, NCH):
        step(c, c % NBUF, False, False)

    for b in range(NBUF):
        wait_scatter(b)


@functools.partial(
    pl.kernel,
    out_type=jax.ShapeDtypeStruct((OR, LN), jnp.float32),
    mesh=plsc.VectorSubcoreMesh(
        core_axis_name="c", subcore_axis_name="s", num_cores=NC, num_subcores=NS
    ),
    compiler_params=pltpu.CompilerParams(
        needs_layout_passes=False, use_tc_tiling_on_sc=False
    ),
    scratch_types=[
        pltpu.VMEM((BS * TOPK,), jnp.int32),
        pltpu.VMEM((NCH, CHUNK), jnp.int32),
        [pltpu.VMEM((CHUNK, LN), jnp.float32) for _ in range(NBUF)],
        [pltpu.SemaphoreType.DMA for _ in range(NBUF)],
        [pltpu.SemaphoreType.DMA for _ in range(NBUF)],
    ],
)
def _sc_gather(table, idxf, out, idxv, idxc, bufs, gsems, ssems):
    _gather_body(table, idxf, out, idxv, idxc, bufs, gsems, ssems)


def kernel(x_embed, prompt_idx, prompt, prompt_key):
    table = (
        prompt.reshape(NL, POOL // SL, SL, LEN, ET, LN)
        .transpose(0, 3, 1, 4, 2, 5)
        .reshape(TR, LN)
    )
    idxf = prompt_idx.reshape(BS * TOPK)
    out = _sc_gather(table, idxf)
    return (
        out.reshape(NL, TOPK * LEN, BS // SL, ET, SL, LN)
        .transpose(0, 2, 4, 1, 3, 5)
        .reshape(NL, BS, TOPK * LEN, ED)
    )

# --- scband reference (transcript-rebuilt; emitter-appended) ---
"""Pipeline reference for scband-eprompt-69191923138891 (READ-ONLY COPY).

The authoritative reference and input builder live on the scoring server;
editing this copy changes nothing except your own understanding.
"""

import jax, jax.numpy as jnp
import numpy as np

NL, POOL, LEN, ED = 12, 64, 5, 2048
BS, TOPK = 128, 2

def setup_inputs(seed: int = 0) -> dict:
    key = jax.random.key(seed)
    k1, k2, k3, k4 = jax.random.split(key, 4)
    x_embed = jax.random.normal(k1, (BS, ED), dtype=jnp.float32)
    prompt_idx = jax.random.randint(k2, (BS, TOPK), 0, POOL, dtype=jnp.int32)
    # learned parameters, init uniform(-1, 1) as in the torch module
    prompt = jax.random.uniform(k3, (NL, POOL, LEN, ED), minval=-1.0, maxval=1.0, dtype=jnp.float32)
    prompt_key = jax.random.uniform(k4, (POOL, ED), minval=-1.0, maxval=1.0, dtype=jnp.float32)
    return {"x_embed": x_embed, "prompt_idx": prompt_idx, "prompt": prompt, "prompt_key": prompt_key}

def reference(x_embed, prompt_idx, prompt, prompt_key):
    # Non-prefix-tune path with explicit prompt_idx (key-matching indices),
    # batchwise_prompt=False, prompt_mask=None, prompt_weight=None.
    # raw = self.prompt[:, idx] -> gather prompts per batch element
    raw = jnp.take(prompt, prompt_idx, axis=1)  # (nl, bs, tk, le, ed)
    nl, bs, tk, le, ed = raw.shape
    batched_prompt = raw.reshape(nl, bs, tk * le, ed)
    return batched_prompt

if __name__ == "__main__":
    import jax
    _d = setup_inputs()
    print(jax.jit(kernel)(*tuple(_d.values())))

</pallas_src>

<mosaic_0001>
#map = affine_map<(d0, d1) -> (0, 0)>
#map1 = affine_map<(d0, d1) -> (0)>
module attributes {stable_mosaic.version = 14 : i64} {
  func.func @_sc_gather(%arg0: i32, %arg1: i32, %arg2: memref<61440x128xf32, #tpu.memory_space<hbm>>, %arg3: memref<256xi32, #tpu.memory_space<hbm>>, %arg4: memref<245760x128xf32, #tpu.memory_space<hbm>>, %arg5: memref<256xi32, #tpu.memory_space<vmem>>, %arg6: memref<60x128xi32, #tpu.memory_space<vmem>>, %arg7: memref<128x128xf32, #tpu.memory_space<vmem>>, %arg8: memref<128x128xf32, #tpu.memory_space<vmem>>, %arg9: memref<128x128xf32, #tpu.memory_space<vmem>>, %arg10: memref<128x128xf32, #tpu.memory_space<vmem>>, %arg11: memref<!tpu.dma_semaphore, #tpu.memory_space<semaphore_mem>>, %arg12: memref<!tpu.dma_semaphore, #tpu.memory_space<semaphore_mem>>, %arg13: memref<!tpu.dma_semaphore, #tpu.memory_space<semaphore_mem>>, %arg14: memref<!tpu.dma_semaphore, #tpu.memory_space<semaphore_mem>>, %arg15: memref<!tpu.dma_semaphore, #tpu.memory_space<semaphore_mem>>, %arg16: memref<!tpu.dma_semaphore, #tpu.memory_space<semaphore_mem>>, %arg17: memref<!tpu.dma_semaphore, #tpu.memory_space<semaphore_mem>>, %arg18: memref<!tpu.dma_semaphore, #tpu.memory_space<semaphore_mem>>) attributes {dimension_semantics = [#tpu.dimension_semantics<core_parallel>, #tpu.dimension_semantics<subcore_parallel>], iteration_bounds = array<i64: 2, 16>, scalar_prefetch = 0 : i64, scratch_operands = 14 : i64, tpu.core_type = #tpu.core_type<sc_vector_subcore>, window_params = [{transform_indices = #map}, {transform_indices = #map1}, {transform_indices = #map}]} {
    %mul3A = arith.constant 2 : i32
    %mul3A_0 = arith.muli %arg1, %mul3A : i32
    %add3A = arith.addi %mul3A_0, %arg0 : i32
    %mul3A_1 = arith.constant 7680 : i32
    %mul3A_2 = arith.muli %add3A, %mul3A_1 : i32
    "tpu.region"() ({
      %run_scoped3A = tpu.sem_alloc : memref<!tpu.dma_semaphore, #tpu.memory_space<semaphore_mem>>
      tpu.enqueue_dma source(%arg3 : memref<256xi32, #tpu.memory_space<hbm>>) target(%arg5 : memref<256xi32, #tpu.memory_space<vmem>>) target_semaphore(%run_scoped3A : memref<!tpu.dma_semaphore, #tpu.memory_space<semaphore_mem>>)
      tpu.wait_dma2 semaphore(%run_scoped3A : memref<!tpu.dma_semaphore, #tpu.memory_space<semaphore_mem>>) src(%arg3 : memref<256xi32, #tpu.memory_space<hbm>>) dst(%arg5 : memref<256xi32, #tpu.memory_space<vmem>>)
      tpu.yield
    }) : () -> ()
    %iota3A = tpu.iota {dimensions = array<i32: 0>} : vector<16xi32>
    %add3A_3 = arith.constant 0 : i32
    %add3A_4 = arith.addi %mul3A_2, %add3A_3 : i32
    %add3A_5 = arith.constant 0 : i32
    %add3A_6 = arith.addi %add3A_4, %add3A_5 : i32
    %add3A_7 = vector.broadcast %add3A_6 : i32 to vector<16xi32>
    %add3A_8 = arith.addi %add3A_7, %iota3A : vector<16xi32>
    %shift_right_arithmetic3A = arith.constant 11 : i32
    %shift_right_arithmetic3A_9 = vector.broadcast %shift_right_arithmetic3A : i32 to vector<16xi32>
    %shift_right_arithmetic3A_10 = arith.shrsi %add3A_8, %shift_right_arithmetic3A_9 : vector<16xi32>
    %mul3A_11 = arith.constant 205 : i32
    %mul3A_12 = vector.broadcast %mul3A_11 : i32 to vector<16xi32>
    %mul3A_13 = arith.muli %shift_right_arithmetic3A_10, %mul3A_12 : vector<16xi32>
    %shift_right_arithmetic3A_14 = arith.constant 11 : i32
    %shift_right_arithmetic3A_15 = vector.broadcast %shift_right_arithmetic3A_14 : i32 to vector<16xi32>
    %shift_right_arithmetic3A_16 = arith.shrsi %mul3A_13, %shift_right_arithmetic3A_15 : vector<16xi32>
    %mul3A_17 = arith.constant 10 : i32
    %mul3A_18 = vector.broadcast %mul3A_17 : i32 to vector<16xi32>
    %mul3A_19 = arith.muli %shift_right_arithmetic3A_16, %mul3A_18 : vector<16xi32>
    %sub3A = arith.subi %shift_right_arithmetic3A_10, %mul3A_19 : vector<16xi32>
    %and3A = arith.constant 2047 : i32
    %and3A_20 = vector.broadcast %and3A : i32 to vector<16xi32>
    %and3A_21 = arith.andi %add3A_8, %and3A_20 : vector<16xi32>
    %shift_right_arithmetic3A_22 = arith.constant 7 : i32
    %shift_right_arithmetic3A_23 = vector.broadcast %shift_right_arithmetic3A_22 : i32 to vector<16xi32>
    %shift_right_arithmetic3A_24 = arith.shrsi %and3A_21, %shift_right_arithmetic3A_23 : vector<16xi32>
    %shift_right_arithmetic3A_25 = arith.constant 3 : i32
    %shift_right_arithmetic3A_26 = vector.broadcast %shift_right_arithmetic3A_25 : i32 to vector<16xi32>
    %shift_right_arithmetic3A_27 = arith.shrsi %and3A_21, %shift_right_arithmetic3A_26 : vector<16xi32>
    %and3A_28 = arith.constant 15 : i32
    %and3A_29 = vector.broadcast %and3A_28 : i32 to vector<16xi32>
    %and3A_30 = arith.andi %shift_right_arithmetic3A_27, %and3A_29 : vector<16xi32>
    %and3A_31 = arith.constant 7 : i32
    %and3A_32 = vector.broadcast %and3A_31 : i32 to vector<16xi32>
    %and3A_33 = arith.andi %and3A_21, %and3A_32 : vector<16xi32>
    %shift_left3A = arith.constant 3 : i32
    %shift_left3A_34 = vector.broadcast %shift_left3A : i32 to vector<16xi32>
    %shift_left3A_35 = arith.shli %shift_right_arithmetic3A_24, %shift_left3A_34 : vector<16xi32>
    %or3A = arith.ori %shift_left3A_35, %and3A_33 : vector<16xi32>
    %mul3A_36 = arith.constant 52 : i32
    %mul3A_37 = vector.broadcast %mul3A_36 : i32 to vector<16xi32>
    %mul3A_38 = arith.muli %sub3A, %mul3A_37 : vector<16xi32>
    %shift_right_arithmetic3A_39 = arith.constant 8 : i32
    %shift_right_arithmetic3A_40 = vector.broadcast %shift_right_arithmetic3A_39 : i32 to vector<16xi32>
    %shift_right_arithmetic3A_41 = arith.shrsi %mul3A_38, %shift_right_arithmetic3A_40 : vector<16xi32>
    %mul3A_42 = arith.constant 5 : i32
    %mul3A_43 = vector.broadcast %mul3A_42 : i32 to vector<16xi32>
    %mul3A_44 = arith.muli %shift_right_arithmetic3A_41, %mul3A_43 : vector<16xi32>
    %sub3A_45 = arith.subi %sub3A, %mul3A_44 : vector<16xi32>
    %shift_left3A_46 = arith.constant 1 : i32
    %shift_left3A_47 = vector.broadcast %shift_left3A_46 : i32 to vector<16xi32>
    %shift_left3A_48 = arith.shli %or3A, %shift_left3A_47 : vector<16xi32>
    %or3A_49 = arith.ori %shift_left3A_48, %shift_right_arithmetic3A_41 : vector<16xi32>
    %gather3A = tpu.vector_load_idx %arg5[%or3A_49] : memref<256xi32, #tpu.memory_space<vmem>>[vector<16xi32>], vector<16xi32>,
    %mul3A_50 = arith.constant 5 : i32
    %mul3A_51 = vector.broadcast %mul3A_50 : i32 to vector<16xi32>
    %mul3A_52 = arith.muli %shift_right_arithmetic3A_16, %mul3A_51 : vector<16xi32>
    %add3A_53 = arith.addi %mul3A_52, %sub3A_45 : vector<16xi32>
    %shift_left3A_54 = arith.constant 10 : i32
    %shift_left3A_55 = vector.broadcast %shift_left3A_54 : i32 to vector<16xi32>
    %shift_left3A_56 = arith.shli %add3A_53, %shift_left3A_55 : vector<16xi32>
    %shift_right_arithmetic3A_57 = arith.constant 3 : i32
    %shift_right_arithmetic3A_58 = vector.broadcast %shift_right_arithmetic3A_57 : i32 to vector<16xi32>
    %shift_right_arithmetic3A_59 = arith.shrsi %gather3A, %shift_right_arithmetic3A_58 : vector<16xi32>
    %shift_left3A_60 = arith.constant 7 : i32
    %shift_left3A_61 = vector.broadcast %shift_left3A_60 : i32 to vector<16xi32>
    %shift_left3A_62 = arith.shli %shift_right_arithmetic3A_59, %shift_left3A_61 : vector<16xi32>
    %or3A_63 = arith.ori %shift_left3A_56, %shift_left3A_62 : vector<16xi32>
    %shift_left3A_64 = arith.constant 3 : i32
    %shift_left3A_65 = vector.broadcast %shift_left3A_64 : i32 to vector<16xi32>
    %shift_left3A_66 = arith.shli %and3A_30, %shift_left3A_65 : vector<16xi32>
    %or3A_67 = arith.ori %or3A_63, %shift_left3A_66 : vector<16xi32>
    %and3A_68 = arith.constant 7 : i32
    %and3A_69 = vector.broadcast %and3A_68 : i32 to vector<16xi32>
    %and3A_70 = arith.andi %gather3A, %and3A_69 : vector<16xi32>
    %or3A_71 = arith.ori %or3A_67, %and3A_70 : vector<16xi32>
    %swap3A = arith.constant 0 : i32
    %swap3A_72 = arith.index_cast %swap3A : i32 to index
    %swap3A_73 = arith.constant 0 : index
    %swap3A_74 = tpu.vector_load %arg6[%swap3A_72, %swap3A_73] {strides = array<i32>} : memref<60x128xi32, #tpu.memory_space<vmem>>, vector<16xi32>,
    tpu.vector_store %arg6[%swap3A_72, %swap3A_73], %or3A_71 {strides = array<i32>} : memref<60x128xi32, #tpu.memory_space<vmem>>, vector<16xi32>,
    %add3A_75 = arith.constant 0 : i32
    %add3A_76 = arith.addi %mul3A_2, %add3A_75 : i32
    %add3A_77 = arith.constant 16 : i32
    %add3A_78 = arith.addi %add3A_76, %add3A_77 : i32
    %add3A_79 = vector.broadcast %add3A_78 : i32 to vector<16xi32>
    %add3A_80 = arith.addi %add3A_79, %iota3A : vector<16xi32>
    %shift_right_arithmetic3A_81 = arith.constant 11 : i32
    %shift_right_arithmetic3A_82 = vector.broadcast %shift_right_arithmetic3A_81 : i32 to vector<16xi32>
    %shift_right_arithmetic3A_83 = arith.shrsi %add3A_80, %shift_right_arithmetic3A_82 : vector<16xi32>
    %mul3A_84 = arith.constant 205 : i32
    %mul3A_85 = vector.broadcast %mul3A_84 : i32 to vector<16xi32>
    %mul3A_86 = arith.muli %shift_right_arithmetic3A_83, %mul3A_85 : vector<16xi32>
    %shift_right_arithmetic3A_87 = arith.constant 11 : i32
    %shift_right_arithmetic3A_88 = vector.broadcast %shift_right_arithmetic3A_87 : i32 to vector<16xi32>
    %shift_right_arithmetic3A_89 = arith.shrsi %mul3A_86, %shift_right_arithmetic3A_88 : vector<16xi32>
    %mul3A_90 = arith.constant 10 : i32
    %mul3A_91 = vector.broadcast %mul3A_90 : i32 to vector<16xi32>
    %mul3A_92 = arith.muli %shift_right_arithmetic3A_89, %mul3A_91 : vector<16xi32>
    %sub3A_93 = arith.subi %shift_right_arithmetic3A_83, %mul3A_92 : vector<16xi32>
    %and3A_94 = arith.constant 2047 : i32
    %and3A_95 = vector.broadcast %and3A_94 : i32 to vector<16xi32>
    %and3A_96 = arith.andi %add3A_80, %and3A_95 : vector<16xi32>
    %shift_right_arithmetic3A_97 = arith.constant 7 : i32
    %shift_right_arithmetic3A_98 = vector.broadcast %shift_right_arithmetic3A_97 : i32 to vector<16xi32>
    %shift_right_arithmetic3A_99 = arith.shrsi %and3A_96, %shift_right_arithmetic3A_98 : vector<16xi32>
    %shift_right_arithmetic3A_100 = arith.constant 3 : i32
    %shift_right_arithmetic3A_101 = vector.broadcast %shift_right_arithmetic3A_100 : i32 to vector<16xi32>
    %shift_right_arithmetic3A_102 = arith.shrsi %and3A_96, %shift_right_arithmetic3A_101 : vector<16xi32>
    %and3A_103 = arith.constant 15 : i32
    %and3A_104 = vector.broadcast %and3A_103 : i32 to vector<16xi32>
    %and3A_105 = arith.andi %shift_right_arithmetic3A_102, %and3A_104 : vector<16xi32>
    %and3A_106 = arith.constant 7 : i32
    %and3A_107 = vector.broadcast %and3A_106 : i32 to vector<16xi32>
    %and3A_108 = arith.andi %and3A_96, %and3A_107 : vector<16xi32>
    %shift_left3A_109 = arith.constant 3 : i32
    %shift_left3A_110 = vector.broadcast %shift_left3A_109 : i32 to vector<16xi32>
    %shift_left3A_111 = arith.shli %shift_right_arithmetic3A_99, %shift_left3A_110 : vector<16xi32>
    %or3A_112 = arith.ori %shift_left3A_111, %and3A_108 : vector<16xi32>
    %mul3A_113 = arith.constant 52 : i32
    %mul3A_114 = vector.broadcast %mul3A_113 : i32 to vector<16xi32>
    %mul3A_115 = arith.muli %sub3A_93, %mul3A_114 : vector<16xi32>
    %shift_right_arithmetic3A_116 = arith.constant 8 : i32
    %shift_right_arithmetic3A_117 = vector.broadcast %shift_right_arithmetic3A_116 : i32 to vector<16xi32>
    %shift_right_arithmetic3A_118 = arith.shrsi %mul3A_115, %shift_right_arithmetic3A_117 : vector<16xi32>
    %mul3A_119 = arith.constant 5 : i32
    %mul3A_120 = vector.broadcast %mul3A_119 : i32 to vector<16xi32>
    %mul3A_121 = arith.muli %shift_right_arithmetic3A_118, %mul3A_120 : vector<16xi32>
    %sub3A_122 = arith.subi %sub3A_93, %mul3A_121 : vector<16xi32>
    %shift_left3A_123 = arith.constant 1 : i32
    %shift_left3A_124 = vector.broadcast %shift_left3A_123 : i32 to vector<16xi32>
    %shift_left3A_125 = arith.shli %or3A_112, %shift_left3A_124 : vector<16xi32>
    %or3A_126 = arith.ori %shift_left3A_125, %shift_right_arithmetic3A_118 : vector<16xi32>
    %gather3A_127 = tpu.vector_load_idx %arg5[%or3A_126] : memref<256xi32, #tpu.memory_space<vmem>>[vector<16xi32>], vector<16xi32>,
    %mul3A_128 = arith.constant 5 : i32
    %mul3A_129 = vector.broadcast %mul3A_128 : i32 to vector<16xi32>
    %mul3A_130 = arith.muli %shift_right_arithmetic3A_89, %mul3A_129 : vector<16xi32>
    %add3A_131 = arith.addi %mul3A_130, %sub3A_122 : vector<16xi32>
    %shift_left3A_132 = arith.constant 10 : i32
    %shift_left3A_133 = vector.broadcast %shift_left3A_132 : i32 to vector<16xi32>
    %shift_left3A_134 = arith.shli %add3A_131, %shift_left3A_133 : vector<16xi32>
    %shift_right_arithmetic3A_135 = arith.constant 3 : i32
    %shift_right_arithmetic3A_136 = vector.broadcast %shift_right_arithmetic3A_135 : i32 to vector<16xi32>
    %shift_right_arithmetic3A_137 = arith.shrsi %gather3A_127, %shift_right_arithmetic3A_136 : vector<16xi32>
    %shift_left3A_138 = arith.constant 7 : i32
    %shift_left3A_139 = vector.broadcast %shift_left3A_138 : i32 to vector<16xi32>
    %shift_left3A_140 = arith.shli %shift_right_arithmetic3A_137, %shift_left3A_139 : vector<16xi32>
    %or3A_141 = arith.ori %shift_left3A_134, %shift_left3A_140 : vector<16xi32>
    %shift_left3A_142 = arith.constant 3 : i32
    %shift_left3A_143 = vector.broadcast %shift_left3A_142 : i32 to vector<16xi32>
    %shift_left3A_144 = arith.shli %and3A_105, %shift_left3A_143 : vector<16xi32>
    %or3A_145 = arith.ori %or3A_141, %shift_left3A_144 : vector<16xi32>
    %and3A_146 = arith.constant 7 : i32
    %and3A_147 = vector.broadcast %and3A_146 : i32 to vector<16xi32>
    %and3A_148 = arith.andi %gather3A_127, %and3A_147 : vector<16xi32>
    %or3A_149 = arith.ori %or3A_145, %and3A_148 : vector<16xi32>
    %swap3A_150 = arith.constant 0 : i32
    %swap3A_151 = arith.index_cast %swap3A_150 : i32 to index
    %swap3A_152 = arith.constant 16 : index
    %swap3A_153 = tpu.vector_load %arg6[%swap3A_151, %swap3A_152] {strides = array<i32>} : memref<60x128xi32, #tpu.memory_space<vmem>>, vector<16xi32>,
    tpu.vector_store %arg6[%swap3A_151, %swap3A_152], %or3A_149 {strides = array<i32>} : memref<60x128xi32, #tpu.memory_space<vmem>>, vector<16xi32>,
    %add3A_154 = arith.constant 0 : i32
    %add3A_155 = arith.addi %mul3A_2, %add3A_154 : i32
    %add3A_156 = arith.constant 32 : i32
    %add3A_157 = arith.addi %add3A_155, %add3A_156 : i32
    %add3A_158 = vector.broadcast %add3A_157 : i32 to vector<16xi32>
    %add3A_159 = arith.addi %add3A_158, %iota3A : vector<16xi32>
    %shift_right_arithmetic3A_160 = arith.constant 11 : i32
    %shift_right_arithmetic3A_161 = vector.broadcast %shift_right_arithmetic3A_160 : i32 to vector<16xi32>
    %shift_right_arithmetic3A_162 = arith.shrsi %add3A_159, %shift_right_arithmetic3A_161 : vector<16xi32>
    %mul3A_163 = arith.constant 205 : i32
    %mul3A_164 = vector.broadcast %mul3A_163 : i32 to vector<16xi32>
    %mul3A_165 = arith.muli %shift_right_arithmetic3A_162, %mul3A_164 : vector<16xi32>
    %shift_right_arithmetic3A_166 = arith.constant 11 : i32
    %shift_right_arithmetic3A_167 = vector.broadcast %shift_right_arithmetic3A_166 : i32 to vector<16xi32>
    %shift_right_arithmetic3A_168 = arith.shrsi %mul3A_165, %shift_right_arithmetic3A_167 : vector<16xi32>
    %mul3A_169 = arith.constant 10 : i32
    %mul3A_170 = vector.broadcast %mul3A_169 : i32 to vector<16xi32>
    %mul3A_171 = arith.muli %shift_right_arithmetic3A_168, %mul3A_170 : vector<16xi32>
    %sub3A_172 = arith.subi %shift_right_arithmetic3A_162, %mul3A_171 : vector<16xi32>
    %and3A_173 = arith.constant 2047 : i32
    %and3A_174 = vector.broadcast %and3A_173 : i32 to vector<16xi32>
    %and3A_175 = arith.andi %add3A_159, %and3A_174 : vector<16xi32>
    %shift_right_arithmetic3A_176 = arith.constant 7 : i32
    %shift_right_arithmetic3A_177 = vector.broadcast %shift_right_arithmetic3A_176 : i32 to vector<16xi32>
    %shift_right_arithmetic3A_178 = arith.shrsi %and3A_175, %shift_right_arithmetic3A_177 : vector<16xi32>
    %shift_right_arithmetic3A_179 = arith.constant 3 : i32
    %shift_right_arithmetic3A_180 = vector.broadcast %shift_right_arithmetic3A_179 : i32 to vector<16xi32>
    %shift_right_arithmetic3A_181 = arith.shrsi %and3A_175, %shift_right_arithmetic3A_180 : vector<16xi32>
    %and3A_182 = arith.constant 15 : i32
    %and3A_183 = vector.broadcast %and3A_182 : i32 to vector<16xi32>
    %and3A_184 = arith.andi %shift_right_arithmetic3A_181, %and3A_183 : vector<16xi32>
    %and3A_185 = arith.constant 7 : i32
    %and3A_186 = vector.broadcast %and3A_185 : i32 to vector<16xi32>
    %and3A_187 = arith.andi %and3A_175, %and3A_186 : vector<16xi32>
    %shift_left3A_188 = arith.constant 3 : i32
    %shift_left3A_189 = vector.broadcast %shift_left3A_188 : i32 to vector<16xi32>
    %shift_left3A_190 = arith.shli %shift_right_arithmetic3A_178, %shift_left3A_189 : vector<16xi32>
    %or3A_191 = arith.ori %shift_left3A_190, %and3A_187 : vector<16xi32>
    %mul3A_192 = arith.constant 52 : i32
    %mul3A_193 = vector.broadcast %mul3A_192 : i32 to vector<16xi32>
    %mul3A_194 = arith.muli %sub3A_172, %mul3A_193 : vector<16xi32>
    %shift_right_arithmetic3A_195 = arith.constant 8 : i32
    %shift_right_arithmetic3A_196 = vector.broadcast %shift_right_arithmetic3A_195 : i32 to vector<16xi32>
    %shift_right_arithmetic3A_197 = arith.shrsi %mul3A_194, %shift_right_arithmetic3A_196 : vector<16xi32>
    %mul3A_198 = arith.constant 5 : i32
    %mul3A_199 = vector.broadcast %mul3A_198 : i32 to vector<16xi32>
    %mul3A_200 = arith.muli %shift_right_arithmetic3A_197, %mul3A_199 : vector<16xi32>
    %sub3A_201 = arith.subi %sub3A_172, %mul3A_200 : vector<16xi32>
    %shift_left3A_202 = arith.constant 1 : i32
    %shift_left3A_203 = vector.broadcast %shift_left3A_202 : i32 to vector<16xi32>
    %shift_left3A_204 = arith.shli %or3A_191, %shift_left3A_203 : vector<16xi32>
    %or3A_205 = arith.ori %shift_left3A_204, %shift_right_arithmetic3A_197 : vector<16xi32>
    %gather3A_206 = tpu.vector_load_idx %arg5[%or3A_205] : memref<256xi32, #tpu.memory_space<vmem>>[vector<16xi32>], vector<16xi32>,
    %mul3A_207 = arith.constant 5 : i32
    %mul3A_208 = vector.broadcast %mul3A_207 : i32 to vector<16xi32>
    %mul3A_209 = arith.muli %shift_right_arithmetic3A_168, %mul3A_208 : vector<16xi32>
    %add3A_210 = arith.addi %mul3A_209, %sub3A_201 : vector<16xi32>
    %shift_left3A_211 = arith.constant 10 : i32
    %shift_left3A_212 = vector.broadcast %shift_left3A_211 : i32 to vector<16xi32>
    %shift_left3A_213 = arith.shli %add3A_210, %shift_left3A_212 : vector<16xi32>
    %shift_right_arithmetic3A_214 = arith.constant 3 : i32
    %shift_right_arithmetic3A_215 = vector.broadcast %shift_right_arithmetic3A_214 : i32 to vector<16xi32>
    %shift_right_arithmetic3A_216 = arith.shrsi %gather3A_206, %shift_right_arithmetic3A_215 : vector<16xi32>
    %shift_left3A_217 = arith.constant 7 : i32
    %shift_left3A_218 = vector.broadcast %shift_left3A_217 : i32 to vector<16xi32>
    %shift_left3A_219 = arith.shli %shift_right_arithmetic3A_216, %shift_left3A_218 : vector<16xi32>
    %or3A_220 = arith.ori %shift_left3A_213, %shift_left3A_219 : vector<16xi32>
    %shift_left3A_221 = arith.constant 3 : i32
    %shift_left3A_222 = vector.broadcast %shift_left3A_221 : i32 to vector<16xi32>
    %shift_left3A_223 = arith.shli %and3A_184, %shift_left3A_222 : vector<16xi32>
    %or3A_224 = arith.ori %or3A_220, %shift_left3A_223 : vector<16xi32>
    %and3A_225 = arith.constant 7 : i32
    %and3A_226 = vector.broadcast %and3A_225 : i32 to vector<16xi32>
    %and3A_227 = arith.andi %gather3A_206, %and3A_226 : vector<16xi32>
    %or3A_228 = arith.ori %or3A_224, %and3A_227 : vector<16xi32>
    %swap3A_229 = arith.constant 0 : i32
    %swap3A_230 = arith.index_cast %swap3A_229 : i32 to index
    %swap3A_231 = arith.constant 32 : index
    %swap3A_232 = tpu.vector_load %arg6[%swap3A_230, %swap3A_231] {strides = array<i32>} : memref<60x128xi32, #tpu.memory_space<vmem>>, vector<16xi32>,
    tpu.vector_store %arg6[%swap3A_230, %swap3A_231], %or3A_228 {strides = array<i32>} : memref<60x128xi32, #tpu.memory_space<vmem>>, vector<16xi32>,
    %add3A_233 = arith.constant 0 : i32
    %add3A_234 = arith.addi %mul3A_2, %add3A_233 : i32
    %add3A_235 = arith.constant 48 : i32
    %add3A_236 = arith.addi %add3A_234, %add3A_235 : i32
    %add3A_237 = vector.broadcast %add3A_236 : i32 to vector<16xi32>
    %add3A_238 = arith.addi %add3A_237, %iota3A : vector<16xi32>
    %shift_right_arithmetic3A_239 = arith.constant 11 : i32
    %shift_right_arithmetic3A_240 = vector.broadcast %shift_right_arithmetic3A_239 : i32 to vector<16xi32>
    %shift_right_arithmetic3A_241 = arith.shrsi %add3A_238, %shift_right_arithmetic3A_240 : vector<16xi32>
    %mul3A_242 = arith.constant 205 : i32
    %mul3A_243 = vector.broadcast %mul3A_242 : i32 to vector<16xi32>
    %mul3A_244 = arith.muli %shift_right_arithmetic3A_241, %mul3A_243 : vector<16xi32>
    %shift_right_arithmetic3A_245 = arith.constant 11 : i32
    %shift_right_arithmetic3A_246 = vector.broadcast %shift_right_arithmetic3A_245 : i32 to vector<16xi32>
    %shift_right_arithmetic3A_247 = arith.shrsi %mul3A_244, %shift_right_arithmetic3A_246 : vector<16xi32>
    %mul3A_248 = arith.constant 10 : i32
    %mul3A_249 = vector.broadcast %mul3A_248 : i32 to vector<16xi32>
    %mul3A_250 = arith.muli %shift_right_arithmetic3A_247, %mul3A_249 : vector<16xi32>
    %sub3A_251 = arith.subi %shift_right_arithmetic3A_241, %mul3A_250 : vector<16xi32>
    %and3A_252 = arith.constant 2047 : i32
    %and3A_253 = vector.broadcast %and3A_252 : i32 to vector<16xi32>
    %and3A_254 = arith.andi %add3A_238, %and3A_253 : vector<16xi32>
    %shift_right_arithmetic3A_255 = arith.constant 7 : i32
    %shift_right_arithmetic3A_256 = vector.broadcast %shift_right_arithmetic3A_255 : i32 to vector<16xi32>
    %shift_right_arithmetic3A_257 = arith.shrsi %and3A_254, %shift_right_arithmetic3A_256 : vector<16xi32>
    %shift_right_arithmetic3A_258 = arith.constant 3 : i32
    %shift_right_arithmetic3A_259 = vector.broadcast %shift_right_arithmetic3A_258 : i32 to vector<16xi32>
    %shift_right_arithmetic3A_260 = arith.shrsi %and3A_254, %shift_right_arithmetic3A_259 : vector<16xi32>
    %and3A_261 = arith.constant 15 : i32
    %and3A_262 = vector.broadcast %and3A_261 : i32 to vector<16xi32>
    %and3A_263 = arith.andi %shift_right_arithmetic3A_260, %and3A_262 : vector<16xi32>
    %and3A_264 = arith.constant 7 : i32
    %and3A_265 = vector.broadcast %and3A_264 : i32 to vector<16xi32>
    %and3A_266 = arith.andi %and3A_254, %and3A_265 : vector<16xi32>
    %shift_left3A_267 = arith.constant 3 : i32
    %shift_left3A_268 = vector.broadcast %shift_left3A_267 : i32 to vector<16xi32>
    %shift_left3A_269 = arith.shli %shift_right_arithmetic3A_257, %shift_left3A_268 : vector<16xi32>
    %or3A_270 = arith.ori %shift_left3A_269, %and3A_266 : vector<16xi32>
    %mul3A_271 = arith.constant 52 : i32
    %mul3A_272 = vector.broadcast %mul3A_271 : i32 to vector<16xi32>
    %mul3A_273 = arith.muli %sub3A_251, %mul3A_272 : vector<16xi32>
    %shift_right_arithmetic3A_274 = arith.constant 8 : i32
    %shift_right_arithmetic3A_275 = vector.broadcast %shift_right_arithmetic3A_274 : i32 to vector<16xi32>
    %shift_right_arithmetic3A_276 = arith.shrsi %mul3A_273, %shift_right_arithmetic3A_275 : vector<16xi32>
    %mul3A_277 = arith.constant 5 : i32
    %mul3A_278 = vector.broadcast %mul3A_277 : i32 to vector<16xi32>
    %mul3A_279 = arith.muli %shift_right_arithmetic3A_276, %mul3A_278 : vector<16xi32>
    %sub3A_280 = arith.subi %sub3A_251, %mul3A_279 : vector<16xi32>
    %shift_left3A_281 = arith.constant 1 : i32
    %shift_left3A_282 = vector.broadcast %shift_left3A_281 : i32 to vector<16xi32>
    %shift_left3A_283 = arith.shli %or3A_270, %shift_left3A_282 : vector<16xi32>
    %or3A_284 = arith.ori %shift_left3A_283, %shift_right_arithmetic3A_276 : vector<16xi32>
    %gather3A_285 = tpu.vector_load_idx %arg5[%or3A_284] : memref<256xi32, #tpu.memory_space<vmem>>[vector<16xi32>], vector<16xi32>,
    %mul3A_286 = arith.constant 5 : i32
    %mul3A_287 = vector.broadcast %mul3A_286 : i32 to vector<16xi32>
    %mul3A_288 = arith.muli %shift_right_arithmetic3A_247, %mul3A_287 : vector<16xi32>
    %add3A_289 = arith.addi %mul3A_288, %sub3A_280 : vector<16xi32>
    %shift_left3A_290 = arith.constant 10 : i32
    %shift_left3A_291 = vector.broadcast %shift_left3A_290 : i32 to vector<16xi32>
    %shift_left3A_292 = arith.shli %add3A_289, %shift_left3A_291 : vector<16xi32>
    %shift_right_arithmetic3A_293 = arith.constant 3 : i32
    %shift_right_arithmetic3A_294 = vector.broadcast %shift_right_arithmetic3A_293 : i32 to vector<16xi32>
    %shift_right_arithmetic3A_295 = arith.shrsi %gather3A_285, %shift_right_arithmetic3A_294 : vector<16xi32>
    %shift_left3A_296 = arith.constant 7 : i32
    %shift_left3A_297 = vector.broadcast %shift_left3A_296 : i32 to vector<16xi32>
    %shift_left3A_298 = arith.shli %shift_right_arithmetic3A_295, %shift_left3A_297 : vector<16xi32>
    %or3A_299 = arith.ori %shift_left3A_292, %shift_left3A_298 : vector<16xi32>
    %shift_left3A_300 = arith.constant 3 : i32
    %shift_left3A_301 = vector.broadcast %shift_left3A_300 : i32 to vector<16xi32>
    %shift_left3A_302 = arith.shli %and3A_263, %shift_left3A_301 : vector<16xi32>
    %or3A_303 = arith.ori %or3A_299, %shift_left3A_302 : vector<16xi32>
    %and3A_304 = arith.constant 7 : i32
    %and3A_305 = vector.broadcast %and3A_304 : i32 to vector<16xi32>
    %and3A_306 = arith.andi %gather3A_285, %and3A_305 : vector<16xi32>
    %or3A_307 = arith.ori %or3A_303, %and3A_306 : vector<16xi32>
    %swap3A_308 = arith.constant 0 : i32
    %swap3A_309 = arith.index_cast %swap3A_308 : i32 to index
    %swap3A_310 = arith.constant 48 : index
    %swap3A_311 = tpu.vector_load %arg6[%swap3A_309, %swap3A_310] {strides = array<i32>} : memref<60x128xi32, #tpu.memory_space<vmem>>, vector<16xi32>,
    tpu.vector_store %arg6[%swap3A_309, %swap3A_310], %or3A_307 {strides = array<i32>} : memref<60x128xi32, #tpu.memory_space<vmem>>, vector<16xi32>,
    %add3A_312 = arith.constant 0 : i32
    %add3A_313 = arith.addi %mul3A_2, %add3A_312 : i32
    %add3A_314 = arith.constant 64 : i32
    %add3A_315 = arith.addi %add3A_313, %add3A_314 : i32
    %add3A_316 = vector.broadcast %add3A_315 : i32 to vector<16xi32>
    %add3A_317 = arith.addi %add3A_316, %iota3A : vector<16xi32>
    %shift_right_arithmetic3A_318 = arith.constant 11 : i32
    %shift_right_arithmetic3A_319 = vector.broadcast %shift_right_arithmetic3A_318 : i32 to vector<16xi32>
    %shift_right_arithmetic3A_320 = arith.shrsi %add3A_317, %shift_right_arithmetic3A_319 : vector<16xi32>
    %mul3A_321 = arith.constant 205 : i32
    %mul3A_322 = vector.broadcast %mul3A_321 : i32 to vector<16xi32>
    %mul3A_323 = arith.muli %shift_right_arithmetic3A_320, %mul3A_322 : vector<16xi32>
    %shift_right_arithmetic3A_324 = arith.constant 11 : i32
    %shift_right_arithmetic3A_325 = vector.broadcast %shift_right_arithmetic3A_324 : i32 to vector<16xi32>
    %shift_right_arithmetic3A_326 = arith.shrsi %mul3A_323, %shift_right_arithmetic3A_325 : vector<16xi32>
    %mul3A_327 = arith.constant 10 : i32
    %mul3A_328 = vector.broadcast %mul3A_327 : i32 to vector<16xi32>
    %mul3A_329 = arith.muli %shift_right_arithmetic3A_326, %mul3A_328 : vector<16xi32>
    %sub3A_330 = arith.subi %shift_right_arithmetic3A_320, %mul3A_329 : vector<16xi32>
    %and3A_331 = arith.constant 2047 : i32
    %and3A_332 = vector.broadcast %and3A_331 : i32 to vector<16xi32>
    %and3A_333 = arith.andi %add3A_317, %and3A_332 : vector<16xi32>
    %shift_right_arithmetic3A_334 = arith.constant 7 : i32
    %shift_right_arithmetic3A_335 = vector.broadcast %shift_right_arithmetic3A_334 : i32 to vector<16xi32>
    %shift_right_arithmetic3A_336 = arith.shrsi %and3A_333, %shift_right_arithmetic3A_335 : vector<16xi32>
    %shift_right_arithmetic3A_337 = arith.constant 3 : i32
    %shift_right_arithmetic3A_338 = vector.broadcast %shift_right_arithmetic3A_337 : i32 to vector<16xi32>
    %shift_right_arithmetic3A_339 = arith.shrsi %and3A_333, %shift_right_arithmetic3A_338 : vector<16xi32>
    %and3A_340 = arith.constant 15 : i32
    %and3A_341 = vector.broadcast %and3A_340 : i32 to vector<16xi32>
    %and3A_342 = arith.andi %shift_right_arithmetic3A_339, %and3A_341 : vector<16xi32>
    %and3A_343 = arith.constant 7 : i32
    %and3A_344 = vector.broadcast %and3A_343 : i32 to vector<16xi32>
    %and3A_345 = arith.andi %and3A_333, %and3A_344 : vector<16xi32>
    %shift_left3A_346 = arith.constant 3 : i32
    %shift_left3A_347 = vector.broadcast %shift_left3A_346 : i32 to vector<16xi32>
    %shift_left3A_348 = arith.shli %shift_right_arithmetic3A_336, %shift_left3A_347 : vector<16xi32>
    %or3A_349 = arith.ori %shift_left3A_348, %and3A_345 : vector<16xi32>
    %mul3A_350 = arith.constant 52 : i32
    %mul3A_351 = vector.broadcast %mul3A_350 : i32 to vector<16xi32>
    %mul3A_352 = arith.muli %sub3A_330, %mul3A_351 : vector<16xi32>
    %shift_right_arithmetic3A_353 = arith.constant 8 : i32
    %shift_right_arithmetic3A_354 = vector.broadcast %shift_right_arithmetic3A_353 : i32 to vector<16xi32>
    %shift_right_arithmetic3A_355 = arith.shrsi %mul3A_352, %shift_right_arithmetic3A_354 : vector<16xi32>
    %mul3A_356 = arith.constant 5 : i32
    %mul3A_357 = vector.broadcast %mul3A_356 : i32 to vector<16xi32>
    %mul3A_358 = arith.muli %shift_right_arithmetic3A_355, %mul3A_357 : vector<16xi32>
    %sub3A_359 = arith.subi %sub3A_330, %mul3A_358 : vector<16xi32>
    %shift_left3A_360 = arith.constant 1 : i32
    %shift_left3A_361 = vector.broadcast %shift_left3A_360 : i32 to vector<16xi32>
    %shift_left3A_362 = arith.shli %or3A_349, %shift_left3A_361 : vector<16xi32>
    %or3A_363 = arith.ori %shift_left3A_362, %shift_right_arithmetic3A_355 : vector<16xi32>
    %gather3A_364 = tpu.vector_load_idx %arg5[%or3A_363] : memref<256xi32, #tpu.memory_space<vmem>>[vector<16xi32>], vector<16xi32>,
    %mul3A_365 = arith.constant 5 : i32
    %mul3A_366 = vector.broadcast %mul3A_365 : i32 to vector<16xi32>
    %mul3A_367 = arith.muli %shift_right_arithmetic3A_326, %mul3A_366 : vector<16xi32>
    %add3A_368 = arith.addi %mul3A_367, %sub3A_359 : vector<16xi32>
    %shift_left3A_369 = arith.constant 10 : i32
    %shift_left3A_370 = vector.broadcast %shift_left3A_369 : i32 to vector<16xi32>
    %shift_left3A_371 = arith.shli %add3A_368, %shift_left3A_370 : vector<16xi32>
    %shift_right_arithmetic3A_372 = arith.constant 3 : i32
    %shift_right_arithmetic3A_373 = vector.broadcast %shift_right_arithmetic3A_372 : i32 to vector<16xi32>
    %shift_right_arithmetic3A_374 = arith.shrsi %gather3A_364, %shift_right_arithmetic3A_373 : vector<16xi32>
    %shift_left3A_375 = arith.constant 7 : i32
    %shift_left3A_376 = vector.broadcast %shift_left3A_375 : i32 to vector<16xi32>
    %shift_left3A_377 = arith.shli %shift_right_arithmetic3A_374, %shift_left3A_376 : vector<16xi32>
    %or3A_378 = arith.ori %shift_left3A_371, %shift_left3A_377 : vector<16xi32>
    %shift_left3A_379 = arith.constant 3 : i32
    %shift_left3A_380 = vector.broadcast %shift_left3A_379 : i32 to vector<16xi32>
    %shift_left3A_381 = arith.shli %and3A_342, %shift_left3A_380 : vector<16xi32>
    %or3A_382 = arith.ori %or3A_378, %shift_left3A_381 : vector<16xi32>
    %and3A_383 = arith.constant 7 : i32
    %and3A_384 = vector.broadcast %and3A_383 : i32 to vector<16xi32>
    %and3A_385 = arith.andi %gather3A_364, %and3A_384 : vector<16xi32>
    %or3A_386 = arith.ori %or3A_382, %and3A_385 : vector<16xi32>
    %swap3A_387 = arith.constant 0 : i32
    %swap3A_388 = arith.index_cast %swap3A_387 : i32 to index
    %swap3A_389 = arith.constant 64 : index
    %swap3A_390 = tpu.vector_load %arg6[%swap3A_388, %swap3A_389] {strides = array<i32>} : memref<60x128xi32, #tpu.memory_space<vmem>>, vector<16xi32>,
    tpu.vector_store %arg6[%swap3A_388, %swap3A_389], %or3A_386 {strides = array<i32>} : memref<60x128xi32, #tpu.memory_space<vmem>>, vector<16xi32>,
    %add3A_391 = arith.constant 0 : i32
    %add3A_392 = arith.addi %mul3A_2, %add3A_391 : i32
    %add3A_393 = arith.constant 80 : i32
    %add3A_394 = arith.addi %add3A_392, %add3A_393 : i32
    %add3A_395 = vector.broadcast %add3A_394 : i32 to vector<16xi32>
    %add3A_396 = arith.addi %add3A_395, %iota3A : vector<16xi32>
    %shift_right_arithmetic3A_397 = arith.constant 11 : i32
    %shift_right_arithmetic3A_398 = vector.broadcast %shift_right_arithmetic3A_397 : i32 to vector<16xi32>
    %shift_right_arithmetic3A_399 = arith.shrsi %add3A_396, %shift_right_arithmetic3A_398 : vector<16xi32>
    %mul3A_400 = arith.constant 205 : i32
    %mul3A_401 = vector.broadcast %mul3A_400 : i32 to vector<16xi32>
    %mul3A_402 = arith.muli %shift_right_arithmetic3A_399, %mul3A_401 : vector<16xi32>
    %shift_right_arithmetic3A_403 = arith.constant 11 : i32
    %shift_right_arithmetic3A_404 = vector.broadcast %shift_right_arithmetic3A_403 : i32 to vector<16xi32>
    %shift_right_arithmetic3A_405 = arith.shrsi %mul3A_402, %shift_right_arithmetic3A_404 : vector<16xi32>
    %mul3A_406 = arith.constant 10 : i32
    %mul3A_407 = vector.broadcast %mul3A_406 : i32 to vector<16xi32>
    %mul3A_408 = arith.muli %shift_right_arithmetic3A_405, %mul3A_407 : vector<16xi32>
    %sub3A_409 = arith.subi %shift_right_arithmetic3A_399, %mul3A_408 : vector<16xi32>
    %and3A_410 = arith.constant 2047 : i32
    %and3A_411 = vector.broadcast %and3A_410 : i32 to vector<16xi32>
    %and3A_412 = arith.andi %add3A_396, %and3A_411 : vector<16xi32>
    %shift_right_arithmetic3A_413 = arith.constant 7 : i32
    %shift_right_arithmetic3A_414 = vector.broadcast %shift_right_arithmetic3A_413 : i32 to vector<16xi32>
    %shift_right_arithmetic3A_415 = arith.shrsi %and3A_412, %shift_right_arithmetic3A_414 : vector<16xi32>
    %shift_right_arithmetic3A_416 = arith.constant 3 : i32
    %shift_right_arithmetic3A_417 = vector.broadcast %shift_right_arithmetic3A_416 : i32 to vector<16xi32>
    %shift_right_arithmetic3A_418 = arith.shrsi %and3A_412, %shift_right_arithmetic3A_417 : vector<16xi32>
    %and3A_419 = arith.constant 15 : i32
    %and3A_420 = vector.broadcast %and3A_419 : i32 to vector<16xi32>
    %and3A_421 = arith.andi %shift_right_arithmetic3A_418, %and3A_420 : vector<16xi32>
    %and3A_422 = arith.constant 7 : i32
    %and3A_423 = vector.broadcast %and3A_422 : i32 to vector<16xi32>
    %and3A_424 = arith.andi %and3A_412, %and3A_423 : vector<16xi32>
    %shift_left3A_425 = arith.constant 3 : i32
    %shift_left3A_426 = vector.broadcast %shift_left3A_425 : i32 to vector<16xi32>
    %shift_left3A_427 = arith.shli %shift_right_arithmetic3A_415, %shift_left3A_426 : vector<16xi32>
    %or3A_428 = arith.ori %shift_left3A_427, %and3A_424 : vector<16xi32>
    %mul3A_429 = arith.constant 52 : i32
    %mul3A_430 = vector.broadcast %mul3A_429 : i32 to vector<16xi32>
    %mul3A_431 = arith.muli %sub3A_409, %mul3A_430 : vector<16xi32>
    %shift_right_arithmetic3A_432 = arith.constant 8 : i32
    %shift_right_arithmetic3A_433 = vector.broadcast %shift_right_arithmetic3A_432 : i32 to vector<16xi32>
    %shift_right_arithmetic3A_434 = arith.shrsi %mul3A_431, %shift_right_arithmetic3A_433 : vector<16xi32>
    %mul3A_435 = arith.constant 5 : i32
    %mul3A_436 = vector.broadcast %mul3A_435 : i32 to vector<16xi32>
    %mul3A_437 = arith.muli %shift_right_arithmetic3A_434, %mul3A_436 : vector<16xi32>
    %sub3A_438 = arith.subi %sub3A_409, %mul3A_437 : vector<16xi32>
    %shift_left3A_439 = arith.constant 1 : i32
    %shift_left3A_440 = vector.broadcast %shift_left3A_439 : i32 to vector<16xi32>
    %shift_left3A_441 = arith.shli %or3A_428, %shift_left3A_440 : vector<16xi32>
    %or3A_442 = arith.ori %shift_left3A_441, %shift_right_arithmetic3A_434 : vector<16xi32>
    %gather3A_443 = tpu.vector_load_idx %arg5[%or3A_442] : memref<256xi32, #tpu.memory_space<vmem>>[vector<16xi32>], vector<16xi32>,
    %mul3A_444 = arith.constant 5 : i32
    %mul3A_445 = vector.broadcast %mul3A_444 : i32 to vector<16xi32>
    %mul3A_446 = arith.muli %shift_right_arithmetic3A_405, %mul3A_445 : vector<16xi32>
    %add3A_447 = arith.addi %mul3A_446, %sub3A_438 : vector<16xi32>
    %shift_left3A_448 = arith.constant 10 : i32
    %shift_left3A_449 = vector.broadcast %shift_left3A_448 : i32 to vector<16xi32>
    %shift_left3A_450 = arith.shli %add3A_447, %shift_left3A_449 : vector<16xi32>
    %shift_right_arithmetic3A_451 = arith.constant 3 : i32
    %shift_right_arithmetic3A_452 = vector.broadcast %shift_right_arithmetic3A_451 : i32 to vector<16xi32>
    %shift_right_arithmetic3A_453 = arith.shrsi %gather3A_443, %shift_right_arithmetic3A_452 : vector<16xi32>
    %shift_left3A_454 = arith.constant 7 : i32
    %shift_left3A_455 = vector.broadcast %shift_left3A_454 : i32 to vector<16xi32>
    %shift_left3A_456 = arith.shli %shift_right_arithmetic3A_453, %shift_left3A_455 : vector<16xi32>
    %or3A_457 = arith.ori %shift_left3A_450, %shift_left3A_456 : vector<16xi32>
    %shift_left3A_458 = arith.constant 3 : i32
    %shift_left3A_459 = vector.broadcast %shift_left3A_458 : i32 to vector<16xi32>
    %shift_left3A_460 = arith.shli %and3A_421, %shift_left3A_459 : vector<16xi32>
    %or3A_461 = arith.ori %or3A_457, %shift_left3A_460 : vector<16xi32>
    %and3A_462 = arith.constant 7 : i32
    %and3A_463 = vector.broadcast %and3A_462 : i32 to vector<16xi32>
    %and3A_464 = arith.andi %gather3A_443, %and3A_463 : vector<16xi32>
    %or3A_465 = arith.ori %or3A_461, %and3A_464 : vector<16xi32>
    %swap3A_466 = arith.constant 0 : i32
    %swap3A_467 = arith.index_cast %swap3A_466 : i32 to index
    %swap3A_468 = arith.constant 80 : index
    %swap3A_469 = tpu.vector_load %arg6[%swap3A_467, %swap3A_468] {strides = array<i32>} : memref<60x128xi32, #tpu.memory_space<vmem>>, vector<16xi32>,
    tpu.vector_store %arg6[%swap3A_467, %swap3A_468], %or3A_465 {strides = array<i32>} : memref<60x128xi32, #tpu.memory_space<vmem>>, vector<16xi32>,
    %add3A_470 = arith.constant 0 : i32
    %add3A_471 = arith.addi %mul3A_2, %add3A_470 : i32
    %add3A_472 = arith.constant 96 : i32
    %add3A_473 = arith.addi %add3A_471, %add3A_472 : i32
    %add3A_474 = vector.broadcast %add3A_473 : i32 to vector<16xi32>
    %add3A_475 = arith.addi %add3A_474, %iota3A : vector<16xi32>
    %shift_right_arithmetic3A_476 = arith.constant 11 : i32
    %shift_right_arithmetic3A_477 = vector.broadcast %shift_right_arithmetic3A_476 : i32 to vector<16xi32>
    %shift_right_arithmetic3A_478 = arith.shrsi %add3A_475, %shift_right_arithmetic3A_477 : vector<16xi32>
    %mul3A_479 = arith.constant 205 : i32
    %mul3A_480 = vector.broadcast %mul3A_479 : i32 to vector<16xi32>
    %mul3A_481 = arith.muli %shift_right_arithmetic3A_478, %mul3A_480 : vector<16xi32>
    %shift_right_arithmetic3A_482 = arith.constant 11 : i32
    %shift_right_arithmetic3A_483 = vector.broadcast %shift_right_arithmetic3A_482 : i32 to vector<16xi32>
    %shift_right_arithmetic3A_484 = arith.shrsi %mul3A_481, %shift_right_arithmetic3A_483 : vector<16xi32>
    %mul3A_485 = arith.constant 10 : i32
    %mul3A_486 = vector.broadcast %mul3A_485 : i32 to vector<16xi32>
    %mul3A_487 = arith.muli %shift_right_arithmetic3A_484, %mul3A_486 : vector<16xi32>
    %sub3A_488 = arith.subi %shift_right_arithmetic3A_478, %mul3A_487 : vector<16xi32>
    %and3A_489 = arith.constant 2047 : i32
    %and3A_490 = vector.broadcast %and3A_489 : i32 to vector<16xi32>
    %and3A_491 = arith.andi %add3A_475, %and3A_490 : vector<16xi32>
    %shift_right_arithmetic3A_492 = arith.constant 7 : i32
    %shift_right_arithmetic3A_493 = vector.broadcast %shift_right_arithmetic3A_492 : i32 to vector<16xi32>
    %shift_right_arithmetic3A_494 = arith.shrsi %and3A_491, %shift_right_arithmetic3A_493 : vector<16xi32>
    %shift_right_arithmetic3A_495 = arith.constant 3 : i32
    %shift_right_arithmetic3A_496 = vector.broadcast %shift_right_arithmetic3A_495 : i32 to vector<16xi32>
    %shift_right_arithmetic3A_497 = arith.shrsi %and3A_491, %shift_right_arithmetic3A_496 : vector<16xi32>
    %and3A_498 = arith.constant 15 : i32
    %and3A_499 = vector.broadcast %and3A_498 : i32 to vector<16xi32>
    %and3A_500 = arith.andi %shift_right_arithmetic3A_497, %and3A_499 : vector<16xi32>
    %and3A_501 = arith.constant 7 : i32
    %and3A_502 = vector.broadcast %and3A_501 : i32 to vector<16xi32>
    %and3A_503 = arith.andi %and3A_491, %and3A_502 : vector<16xi32>
    %shift_left3A_504 = arith.constant 3 : i32
    %shift_left3A_505 = vector.broadcast %shift_left3A_504 : i32 to vector<16xi32>
    %shift_left3A_506 = arith.shli %shift_right_arithmetic3A_494, %shift_left3A_505 : vector<16xi32>
    %or3A_507 = arith.ori %shift_left3A_506, %and3A_503 : vector<16xi32>
    %mul3A_508 = arith.constant 52 : i32
    %mul3A_509 = vector.broadcast %mul3A_508 : i32 to vector<16xi32>
    %mul3A_510 = arith.muli %sub3A_488, %mul3A_509 : vector<16xi32>
    %shift_right_arithmetic3A_511 = arith.constant 8 : i32
    %shift_right_arithmetic3A_512 = vector.broadcast %shift_right_arithmetic3A_511 : i32 to vector<16xi32>
    %shift_right_arithmetic3A_513 = arith.shrsi %mul3A_510, %shift_right_arithmetic3A_512 : vector<16xi32>
    %mul3A_514 = arith.constant 5 : i32
    %mul3A_515 = vector.broadcast %mul3A_514 : i32 to vector<16xi32>
    %mul3A_516 = arith.muli %shift_right_arithmetic3A_513, %mul3A_515 : vector<16xi32>
    %sub3A_517 = arith.subi %sub3A_488, %mul3A_516 : vector<16xi32>
    %shift_left3A_518 = arith.constant 1 : i32
    %shift_left3A_519 = vector.broadcast %shift_left3A_518 : i32 to vector<16xi32>
    %shift_left3A_520 = arith.shli %or3A_507, %shift_left3A_519 : vector<16xi32>
    %or3A_521 = arith.ori %shift_left3A_520, %shift_right_arithmetic3A_513 : vector<16xi32>
    %gather3A_522 = tpu.vector_load_idx %arg5[%or3A_521] : memref<256xi32, #tpu.memory_space<vmem>>[vector<16xi32>], vector<16xi32>,
    %mul3A_523 = arith.constant 5 : i32
    %mul3A_524 = vector.broadcast %mul3A_523 : i32 to vector<16xi32>
    %mul3A_525 = arith.muli %shift_right_arithmetic3A_484, %mul3A_524 : vector<16xi32>
    %add3A_526 = arith.addi %mul3A_525, %sub3A_517 : vector<16xi32>
    %shift_left3A_527 = arith.constant 10 : i32
    %shift_left3A_528 = vector.broadcast %shift_left3A_527 : i32 to vector<16xi32>
    %shift_left3A_529 = arith.shli %add3A_526, %shift_left3A_528 : vector<16xi32>
    %shift_right_arithmetic3A_530 = arith.constant 3 : i32
    %shift_right_arithmetic3A_531 = vector.broadcast %shift_right_arithmetic3A_530 : i32 to vector<16xi32>
    %shift_right_arithmetic3A_532 = arith.shrsi %gather3A_522, %shift_right_arithmetic3A_531 : vector<16xi32>
    %shift_left3A_533 = arith.constant 7 : i32
    %shift_left3A_534 = vector.broadcast %shift_left3A_533 : i32 to vector<16xi32>
    %shift_left3A_535 = arith.shli %shift_right_arithmetic3A_532, %shift_left3A_534 : vector<16xi32>
    %or3A_536 = arith.ori %shift_left3A_529, %shift_left3A_535 : vector<16xi32>
    %shift_left3A_537 = arith.constant 3 : i32
    %shift_left3A_538 = vector.broadcast %shift_left3A_537 : i32 to vector<16xi32>
    %shift_left3A_539 = arith.shli %and3A_500, %shift_left3A_538 : vector<16xi32>
    %or3A_540 = arith.ori %or3A_536, %shift_left3A_539 : vector<16xi32>
    %and3A_541 = arith.constant 7 : i32
    %and3A_542 = vector.broadcast %and3A_541 : i32 to vector<16xi32>
    %and3A_543 = arith.andi %gather3A_522, %and3A_542 : vector<16xi32>
    %or3A_544 = arith.ori %or3A_540, %and3A_543 : vector<16xi32>
    %swap3A_545 = arith.constant 0 : i32
    %swap3A_546 = arith.index_cast %swap3A_545 : i32 to index
    %swap3A_547 = arith.constant 96 : index
    %swap3A_548 = tpu.vector_load %arg6[%swap3A_546, %swap3A_547] {strides = array<i32>} : memref<60x128xi32, #tpu.memory_space<vmem>>, vector<16xi32>,
    tpu.vector_store %arg6[%swap3A_546, %swap3A_547], %or3A_544 {strides = array<i32>} : memref<60x128xi32, #tpu.memory_space<vmem>>, vector<16xi32>,
    %add3A_549 = arith.constant 0 : i32
    %add3A_550 = arith.addi %mul3A_2, %add3A_549 : i32
    %add3A_551 = arith.constant 112 : i32
    %add3A_552 = arith.addi %add3A_550, %add3A_551 : i32
    %add3A_553 = vector.broadcast %add3A_552 : i32 to vector<16xi32>
    %add3A_554 = arith.addi %add3A_553, %iota3A : vector<16xi32>
    %shift_right_arithmetic3A_555 = arith.constant 11 : i32
    %shift_right_arithmetic3A_556 = vector.broadcast %shift_right_arithmetic3A_555 : i32 to vector<16xi32>
    %shift_right_arithmetic3A_557 = arith.shrsi %add3A_554, %shift_right_arithmetic3A_556 : vector<16xi32>
    %mul3A_558 = arith.constant 205 : i32
    %mul3A_559 = vector.broadcast %mul3A_558 : i32 to vector<16xi32>
    %mul3A_560 = arith.muli %shift_right_arithmetic3A_557, %mul3A_559 : vector<16xi32>
    %shift_right_arithmetic3A_561 = arith.constant 11 : i32
    %shift_right_arithmetic3A_562 = vector.broadcast %shift_right_arithmetic3A_561 : i32 to vector<16xi32>
    %shift_right_arithmetic3A_563 = arith.shrsi %mul3A_560, %shift_right_arithmetic3A_562 : vector<16xi32>
    %mul3A_564 = arith.constant 10 : i32
    %mul3A_565 = vector.broadcast %mul3A_564 : i32 to vector<16xi32>
    %mul3A_566 = arith.muli %shift_right_arithmetic3A_563, %mul3A_565 : vector<16xi32>
    %sub3A_567 = arith.subi %shift_right_arithmetic3A_557, %mul3A_566 : vector<16xi32>
    %and3A_568 = arith.constant 2047 : i32
    %and3A_569 = vector.broadcast %and3A_568 : i32 to vector<16xi32>
    %and3A_570 = arith.andi %add3A_554, %and3A_569 : vector<16xi32>
    %shift_right_arithmetic3A_571 = arith.constant 7 : i32
    %shift_right_arithmetic3A_572 = vector.broadcast %shift_right_arithmetic3A_571 : i32 to vector<16xi32>
    %shift_right_arithmetic3A_573 = arith.shrsi %and3A_570, %shift_right_arithmetic3A_572 : vector<16xi32>
    %shift_right_arithmetic3A_574 = arith.constant 3 : i32
    %shift_right_arithmetic3A_575 = vector.broadcast %shift_right_arithmetic3A_574 : i32 to vector<16xi32>
    %shift_right_arithmetic3A_576 = arith.shrsi %and3A_570, %shift_right_arithmetic3A_575 : vector<16xi32>
    %and3A_577 = arith.constant 15 : i32
    %and3A_578 = vector.broadcast %and3A_577 : i32 to vector<16xi32>
    %and3A_579 = arith.andi %shift_right_arithmetic3A_576, %and3A_578 : vector<16xi32>
    %and3A_580 = arith.constant 7 : i32
    %and3A_581 = vector.broadcast %and3A_580 : i32 to vector<16xi32>
    %and3A_582 = arith.andi %and3A_570, %and3A_581 : vector<16xi32>
    %shift_left3A_583 = arith.constant 3 : i32
    %shift_left3A_584 = vector.broadcast %shift_left3A_583 : i32 to vector<16xi32>
    %shift_left3A_585 = arith.shli %shift_right_arithmetic3A_573, %shift_left3A_584 : vector<16xi32>
    %or3A_586 = arith.ori %shift_left3A_585, %and3A_582 : vector<16xi32>
    %mul3A_587 = arith.constant 52 : i32
    %mul3A_588 = vector.broadcast %mul3A_587 : i32 to vector<16xi32>
    %mul3A_589 = arith.muli %sub3A_567, %mul3A_588 : vector<16xi32>
    %shift_right_arithmetic3A_590 = arith.constant 8 : i32
    %shift_right_arithmetic3A_591 = vector.broadcast %shift_right_arithmetic3A_590 : i32 to vector<16xi32>
    %shift_right_arithmetic3A_592 = arith.shrsi %mul3A_589, %shift_right_arithmetic3A_591 : vector<16xi32>
    %mul3A_593 = arith.constant 5 : i32
    %mul3A_594 = vector.broadcast %mul3A_593 : i32 to vector<16xi32>
    %mul3A_595 = arith.muli %shift_right_arithmetic3A_592, %mul3A_594 : vector<16xi32>
    %sub3A_596 = arith.subi %sub3A_567, %mul3A_595 : vector<16xi32>
    %shift_left3A_597 = arith.constant 1 : i32
    %shift_left3A_598 = vector.broadcast %shift_left3A_597 : i32 to vector<16xi32>
    %shift_left3A_599 = arith.shli %or3A_586, %shift_left3A_598 : vector<16xi32>
    %or3A_600 = arith.ori %shift_left3A_599, %shift_right_arithmetic3A_592 : vector<16xi32>
    %gather3A_601 = tpu.vector_load_idx %arg5[%or3A_600] : memref<256xi32, #tpu.memory_space<vmem>>[vector<16xi32>], vector<16xi32>,
    %mul3A_602 = arith.constant 5 : i32
    %mul3A_603 = vector.broadcast %mul3A_602 : i32 to vector<16xi32>
    %mul3A_604 = arith.muli %shift_right_arithmetic3A_563, %mul3A_603 : vector<16xi32>
    %add3A_605 = arith.addi %mul3A_604, %sub3A_596 : vector<16xi32>
    %shift_left3A_606 = arith.constant 10 : i32
    %shift_left3A_607 = vector.broadcast %shift_left3A_606 : i32 to vector<16xi32>
    %shift_left3A_608 = arith.shli %add3A_605, %shift_left3A_607 : vector<16xi32>
    %shift_right_arithmetic3A_609 = arith.constant 3 : i32
    %shift_right_arithmetic3A_610 = vector.broadcast %shift_right_arithmetic3A_609 : i32 to vector<16xi32>
    %shift_right_arithmetic3A_611 = arith.shrsi %gather3A_601, %shift_right_arithmetic3A_610 : vector<16xi32>
    %shift_left3A_612 = arith.constant 7 : i32
    %shift_left3A_613 = vector.broadcast %shift_left3A_612 : i32 to vector<16xi32>
    %shift_left3A_614 = arith.shli %shift_right_arithmetic3A_611, %shift_left3A_613 : vector<16xi32>
    %or3A_615 = arith.ori %shift_left3A_608, %shift_left3A_614 : vector<16xi32>
    %shift_left3A_616 = arith.constant 3 : i32
    %shift_left3A_617 = vector.broadcast %shift_left3A_616 : i32 to vector<16xi32>
    %shift_left3A_618 = arith.shli %and3A_579, %shift_left3A_617 : vector<16xi32>
    %or3A_619 = arith.ori %or3A_615, %shift_left3A_618 : vector<16xi32>
    %and3A_620 = arith.constant 7 : i32
    %and3A_621 = vector.broadcast %and3A_620 : i32 to vector<16xi32>
    %and3A_622 = arith.andi %gather3A_601, %and3A_621 : vector<16xi32>
    %or3A_623 = arith.ori %or3A_619, %and3A_622 : vector<16xi32>
    %swap3A_624 = arith.constant 0 : i32
    %swap3A_625 = arith.index_cast %swap3A_624 : i32 to index
    %swap3A_626 = arith.constant 112 : index
    %swap3A_627 = tpu.vector_load %arg6[%swap3A_625, %swap3A_626] {strides = array<i32>} : memref<60x128xi32, #tpu.memory_space<vmem>>, vector<16xi32>,
    tpu.vector_store %arg6[%swap3A_625, %swap3A_626], %or3A_623 {strides = array<i32>} : memref<60x128xi32, #tpu.memory_space<vmem>>, vector<16xi32>,
    %dma_start3A = arith.constant 0 : i32
    %dma_start3A_628 = arith.constant 0 : i32
    %dma_start3A_629 = tpu.memref_slice %arg6[%dma_start3A, %dma_start3A_628] : memref<60x128xi32, #tpu.memory_space<vmem>> -> memref<1x128xi32, #tpu.memory_space<vmem>>
    %dma_start3A_630 = tpu.memref_squeeze %dma_start3A_629 : memref<1x128xi32, #tpu.memory_space<vmem>> -> memref<128xi32, #tpu.memory_space<vmem>>
    %dma_start3A_631 = arith.constant 0 : i32
    %dma_start3A_632 = arith.constant 0 : i32
    %dma_start3A_633 = tpu.memref_slice %arg2[%dma_start3A_631, %dma_start3A_632] : memref<61440x128xf32, #tpu.memory_space<hbm>> -> memref<61440x128xf32, #tpu.memory_space<hbm>>
    tpu.enqueue_indirect_dma source(%dma_start3A_633 : memref<61440x128xf32, #tpu.memory_space<hbm>>) target(%arg7 : memref<128x128xf32, #tpu.memory_space<vmem>>) offsets(%dma_start3A_630 : memref<128xi32, #tpu.memory_space<vmem>>) semaphore(%arg11 : memref<!tpu.dma_semaphore, #tpu.memory_space<semaphore_mem>>)
    %add3A_634 = arith.constant 128 : i32
    %add3A_635 = arith.addi %mul3A_2, %add3A_634 : i32
    %add3A_636 = arith.constant 0 : i32
    %add3A_637 = arith.addi %add3A_635, %add3A_636 : i32
    %add3A_638 = vector.broadcast %add3A_637 : i32 to vector<16xi32>
    %add3A_639 = arith.addi %add3A_638, %iota3A : vector<16xi32>
    %shift_right_arithmetic3A_640 = arith.constant 11 : i32
    %shift_right_arithmetic3A_641 = vector.broadcast %shift_right_arithmetic3A_640 : i32 to vector<16xi32>
    %shift_right_arithmetic3A_642 = arith.shrsi %add3A_639, %shift_right_arithmetic3A_641 : vector<16xi32>
    %mul3A_643 = arith.constant 205 : i32
    %mul3A_644 = vector.broadcast %mul3A_643 : i32 to vector<16xi32>
    %mul3A_645 = arith.muli %shift_right_arithmetic3A_642, %mul3A_644 : vector<16xi32>
    %shift_right_arithmetic3A_646 = arith.constant 11 : i32
    %shift_right_arithmetic3A_647 = vector.broadcast %shift_right_arithmetic3A_646 : i32 to vector<16xi32>
    %shift_right_arithmetic3A_648 = arith.shrsi %mul3A_645, %shift_right_arithmetic3A_647 : vector<16xi32>
    %mul3A_649 = arith.constant 10 : i32
    %mul3A_650 = vector.broadcast %mul3A_649 : i32 to vector<16xi32>
    %mul3A_651 = arith.muli %shift_right_arithmetic3A_648, %mul3A_650 : vector<16xi32>
    %sub3A_652 = arith.subi %shift_right_arithmetic3A_642, %mul3A_651 : vector<16xi32>
    %and3A_653 = arith.constant 2047 : i32
    %and3A_654 = vector.broadcast %and3A_653 : i32 to vector<16xi32>
    %and3A_655 = arith.andi %add3A_639, %and3A_654 : vector<16xi32>
    %shift_right_arithmetic3A_656 = arith.constant 7 : i32
    %shift_right_arithmetic3A_657 = vector.broadcast %shift_right_arithmetic3A_656 : i32 to vector<16xi32>
    %shift_right_arithmetic3A_658 = arith.shrsi %and3A_655, %shift_right_arithmetic3A_657 : vector<16xi32>
    %shift_right_arithmetic3A_659 = arith.constant 3 : i32
    %shift_right_arithmetic3A_660 = vector.broadcast %shift_right_arithmetic3A_659 : i32 to vector<16xi32>
    %shift_right_arithmetic3A_661 = arith.shrsi %and3A_655, %shift_right_arithmetic3A_660 : vector<16xi32>
    %and3A_662 = arith.constant 15 : i32
    %and3A_663 = vector.broadcast %and3A_662 : i32 to vector<16xi32>
    %and3A_664 = arith.andi %shift_right_arithmetic3A_661, %and3A_663 : vector<16xi32>
    %and3A_665 = arith.constant 7 : i32
    %and3A_666 = vector.broadcast %and3A_665 : i32 to vector<16xi32>
    %and3A_667 = arith.andi %and3A_655, %and3A_666 : vector<16xi32>
    %shift_left3A_668 = arith.constant 3 : i32
    %shift_left3A_669 = vector.broadcast %shift_left3A_668 : i32 to vector<16xi32>
    %shift_left3A_670 = arith.shli %shift_right_arithmetic3A_658, %shift_left3A_669 : vector<16xi32>
    %or3A_671 = arith.ori %shift_left3A_670, %and3A_667 : vector<16xi32>
    %mul3A_672 = arith.constant 52 : i32
    %mul3A_673 = vector.broadcast %mul3A_672 : i32 to vector<16xi32>
    %mul3A_674 = arith.muli %sub3A_652, %mul3A_673 : vector<16xi32>
    %shift_right_arithmetic3A_675 = arith.constant 8 : i32
    %shift_right_arithmetic3A_676 = vector.broadcast %shift_right_arithmetic3A_675 : i32 to vector<16xi32>
    %shift_right_arithmetic3A_677 = arith.shrsi %mul3A_674, %shift_right_arithmetic3A_676 : vector<16xi32>
    %mul3A_678 = arith.constant 5 : i32
    %mul3A_679 = vector.broadcast %mul3A_678 : i32 to vector<16xi32>
    %mul3A_680 = arith.muli %shift_right_arithmetic3A_677, %mul3A_679 : vector<16xi32>
    %sub3A_681 = arith.subi %sub3A_652, %mul3A_680 : vector<16xi32>
    %shift_left3A_682 = arith.constant 1 : i32
    %shift_left3A_683 = vector.broadcast %shift_left3A_682 : i32 to vector<16xi32>
    %shift_left3A_684 = arith.shli %or3A_671, %shift_left3A_683 : vector<16xi32>
    %or3A_685 = arith.ori %shift_left3A_684, %shift_right_arithmetic3A_677 : vector<16xi32>
    %gather3A_686 = tpu.vector_load_idx %arg5[%or3A_685] : memref<256xi32, #tpu.memory_space<vmem>>[vector<16xi32>], vector<16xi32>,
    %mul3A_687 = arith.constant 5 : i32
    %mul3A_688 = vector.broadcast %mul3A_687 : i32 to vector<16xi32>
    %mul3A_689 = arith.muli %shift_right_arithmetic3A_648, %mul3A_688 : vector<16xi32>
    %add3A_690 = arith.addi %mul3A_689, %sub3A_681 : vector<16xi32>
    %shift_left3A_691 = arith.constant 10 : i32
    %shift_left3A_692 = vector.broadcast %shift_left3A_691 : i32 to vector<16xi32>
    %shift_left3A_693 = arith.shli %add3A_690, %shift_left3A_692 : vector<16xi32>
    %shift_right_arithmetic3A_694 = arith.constant 3 : i32
    %shift_right_arithmetic3A_695 = vector.broadcast %shift_right_arithmetic3A_694 : i32 to vector<16xi32>
    %shift_right_arithmetic3A_696 = arith.shrsi %gather3A_686, %shift_right_arithmetic3A_695 : vector<16xi32>
    %shift_left3A_697 = arith.constant 7 : i32
    %shift_left3A_698 = vector.broadcast %shift_left3A_697 : i32 to vector<16xi32>
    %shift_left3A_699 = arith.shli %shift_right_arithmetic3A_696, %shift_left3A_698 : vector<16xi32>
    %or3A_700 = arith.ori %shift_left3A_693, %shift_left3A_699 : vector<16xi32>
    %shift_left3A_701 = arith.constant 3 : i32
    %shift_left3A_702 = vector.broadcast %shift_left3A_701 : i32 to vector<16xi32>
    %shift_left3A_703 = arith.shli %and3A_664, %shift_left3A_702 : vector<16xi32>
    %or3A_704 = arith.ori %or3A_700, %shift_left3A_703 : vector<16xi32>
    %and3A_705 = arith.constant 7 : i32
    %and3A_706 = vector.broadcast %and3A_705 : i32 to vector<16xi32>
    %and3A_707 = arith.andi %gather3A_686, %and3A_706 : vector<16xi32>
    %or3A_708 = arith.ori %or3A_704, %and3A_707 : vector<16xi32>
    %swap3A_709 = arith.constant 1 : i32
    %swap3A_710 = arith.index_cast %swap3A_709 : i32 to index
    %swap3A_711 = arith.constant 0 : index
    %swap3A_712 = tpu.vector_load %arg6[%swap3A_710, %swap3A_711] {strides = array<i32>} : memref<60x128xi32, #tpu.memory_space<vmem>>, vector<16xi32>,
    tpu.vector_store %arg6[%swap3A_710, %swap3A_711], %or3A_708 {strides = array<i32>} : memref<60x128xi32, #tpu.memory_space<vmem>>, vector<16xi32>,
    %add3A_713 = arith.constant 128 : i32
    %add3A_714 = arith.addi %mul3A_2, %add3A_713 : i32
    %add3A_715 = arith.constant 16 : i32
    %add3A_716 = arith.addi %add3A_714, %add3A_715 : i32
    %add3A_717 = vector.broadcast %add3A_716 : i32 to vector<16xi32>
    %add3A_718 = arith.addi %add3A_717, %iota3A : vector<16xi32>
    %shift_right_arithmetic3A_719 = arith.constant 11 : i32
    %shift_right_arithmetic3A_720 = vector.broadcast %shift_right_arithmetic3A_719 : i32 to vector<16xi32>
    %shift_right_arithmetic3A_721 = arith.shrsi %add3A_718, %shift_right_arithmetic3A_720 : vector<16xi32>
    %mul3A_722 = arith.constant 205 : i32
    %mul3A_723 = vector.broadcast %mul3A_722 : i32 to vector<16xi32>
    %mul3A_724 = arith.muli %shift_right_arithmetic3A_721, %mul3A_723 : vector<16xi32>
    %shift_right_arithmetic3A_725 = arith.constant 11 : i32
    %shift_right_arithmetic3A_726 = vector.broadcast %shift_right_arithmetic3A_725 : i32 to vector<16xi32>
    %shift_right_arithmetic3A_727 = arith.shrsi %mul3A_724, %shift_right_arithmetic3A_726 : vector<16xi32>
    %mul3A_728 = arith.constant 10 : i32
    %mul3A_729 = vector.broadcast %mul3A_728 : i32 to vector<16xi32>
    %mul3A_730 = arith.muli %shift_right_arithmetic3A_727, %mul3A_729 : vector<16xi32>
    %sub3A_731 = arith.subi %shift_right_arithmetic3A_721, %mul3A_730 : vector<16xi32>
    %and3A_732 = arith.constant 2047 : i32
    %and3A_733 = vector.broadcast %and3A_732 : i32 to vector<16xi32>
    %and3A_734 = arith.andi %add3A_718, %and3A_733 : vector<16xi32>
    %shift_right_arithmetic3A_735 = arith.constant 7 : i32
    %shift_right_arithmetic3A_736 = vector.broadcast %shift_right_arithmetic3A_735 : i32 to vector<16xi32>
    %shift_right_arithmetic3A_737 = arith.shrsi %and3A_734, %shift_right_arithmetic3A_736 : vector<16xi32>
    %shift_right_arithmetic3A_738 = arith.constant 3 : i32
    %shift_right_arithmetic3A_739 = vector.broadcast %shift_right_arithmetic3A_738 : i32 to vector<16xi32>
    %shift_right_arithmetic3A_740 = arith.shrsi %and3A_734, %shift_right_arithmetic3A_739 : vector<16xi32>
    %and3A_741 = arith.constant 15 : i32
    %and3A_742 = vector.broadcast %and3A_741 : i32 to vector<16xi32>
    %and3A_743 = arith.andi %shift_right_arithmetic3A_740, %and3A_742 : vector<16xi32>
    %and3A_744 = arith.constant 7 : i32
    %and3A_745 = vector.broadcast %and3A_744 : i32 to vector<16xi32>
    %and3A_746 = arith.andi %and3A_734, %and3A_745 : vector<16xi32>
    %shift_left3A_747 = arith.constant 3 : i32
    %shift_left3A_748 = vector.broadcast %shift_left3A_747 : i32 to vector<16xi32>
    %shift_left3A_749 = arith.shli %shift_right_arithmetic3A_737, %shift_left3A_748 : vector<16xi32>
    %or3A_750 = arith.ori %shift_left3A_749, %and3A_746 : vector<16xi32>
    %mul3A_751 = arith.constant 52 : i32
    %mul3A_752 = vector.broadcast %mul3A_751 : i32 to vector<16xi32>
    %mul3A_753 = arith.muli %sub3A_731, %mul3A_752 : vector<16xi32>
    %shift_right_arithmetic3A_754 = arith.constant 8 : i32
    %shift_right_arithmetic3A_755 = vector.broadcast %shift_right_arithmetic3A_754 : i32 to vector<16xi32>
    %shift_right_arithmetic3A_756 = arith.shrsi %mul3A_753, %shift_right_arithmetic3A_755 : vector<16xi32>
    %mul3A_757 = arith.constant 5 : i32
    %mul3A_758 = vector.broadcast %mul3A_757 : i32 to vector<16xi32>
    %mul3A_759 = arith.muli %shift_right_arithmetic3A_756, %mul3A_758 : vector<16xi32>
    %sub3A_760 = arith.subi %sub3A_731, %mul3A_759 : vector<16xi32>
    %shift_left3A_761 = arith.constant 1 : i32
    %shift_left3A_762 = vector.broadcast %shift_left3A_761 : i32 to vector<16xi32>
    %shift_left3A_763 = arith.shli %or3A_750, %shift_left3A_762 : vector<16xi32>
    %or3A_764 = arith.ori %shift_left3A_763, %shift_right_arithmetic3A_756 : vector<16xi32>
    %gather3A_765 = tpu.vector_load_idx %arg5[%or3A_764] : memref<256xi32, #tpu.memory_space<vmem>>[vector<16xi32>], vector<16xi32>,
    %mul3A_766 = arith.constant 5 : i32
    %mul3A_767 = vector.broadcast %mul3A_766 : i32 to vector<16xi32>
    %mul3A_768 = arith.muli %shift_right_arithmetic3A_727, %mul3A_767 : vector<16xi32>
    %add3A_769 = arith.addi %mul3A_768, %sub3A_760 : vector<16xi32>
    %shift_left3A_770 = arith.constant 10 : i32
    %shift_left3A_771 = vector.broadcast %shift_left3A_770 : i32 to vector<16xi32>
    %shift_left3A_772 = arith.shli %add3A_769, %shift_left3A_771 : vector<16xi32>
    %shift_right_arithmetic3A_773 = arith.constant 3 : i32
    %shift_right_arithmetic3A_774 = vector.broadcast %shift_right_arithmetic3A_773 : i32 to vector<16xi32>
    %shift_right_arithmetic3A_775 = arith.shrsi %gather3A_765, %shift_right_arithmetic3A_774 : vector<16xi32>
    %shift_left3A_776 = arith.constant 7 : i32
    %shift_left3A_777 = vector.broadcast %shift_left3A_776 : i32 to vector<16xi32>
    %shift_left3A_778 = arith.shli %shift_right_arithmetic3A_775, %shift_left3A_777 : vector<16xi32>
    %or3A_779 = arith.ori %shift_left3A_772, %shift_left3A_778 : vector<16xi32>
    %shift_left3A_780 = arith.constant 3 : i32
    %shift_left3A_781 = vector.broadcast %shift_left3A_780 : i32 to vector<16xi32>
    %shift_left3A_782 = arith.shli %and3A_743, %shift_left3A_781 : vector<16xi32>
    %or3A_783 = arith.ori %or3A_779, %shift_left3A_782 : vector<16xi32>
    %and3A_784 = arith.constant 7 : i32
    %and3A_785 = vector.broadcast %and3A_784 : i32 to vector<16xi32>
    %and3A_786 = arith.andi %gather3A_765, %and3A_785 : vector<16xi32>
    %or3A_787 = arith.ori %or3A_783, %and3A_786 : vector<16xi32>
    %swap3A_788 = arith.constant 1 : i32
    %swap3A_789 = arith.index_cast %swap3A_788 : i32 to index
    %swap3A_790 = arith.constant 16 : index
    %swap3A_791 = tpu.vector_load %arg6[%swap3A_789, %swap3A_790] {strides = array<i32>} : memref<60x128xi32, #tpu.memory_space<vmem>>, vector<16xi32>,
    tpu.vector_store %arg6[%swap3A_789, %swap3A_790], %or3A_787 {strides = array<i32>} : memref<60x128xi32, #tpu.memory_space<vmem>>, vector<16xi32>,
    %add3A_792 = arith.constant 128 : i32
    %add3A_793 = arith.addi %mul3A_2, %add3A_792 : i32
    %add3A_794 = arith.constant 32 : i32
    %add3A_795 = arith.addi %add3A_793, %add3A_794 : i32
    %add3A_796 = vector.broadcast %add3A_795 : i32 to vector<16xi32>
    %add3A_797 = arith.addi %add3A_796, %iota3A : vector<16xi32>
    %shift_right_arithmetic3A_798 = arith.constant 11 : i32
    %shift_right_arithmetic3A_799 = vector.broadcast %shift_right_arithmetic3A_798 : i32 to vector<16xi32>
    %shift_right_arithmetic3A_800 = arith.shrsi %add3A_797, %shift_right_arithmetic3A_799 : vector<16xi32>
    %mul3A_801 = arith.constant 205 : i32
    %mul3A_802 = vector.broadcast %mul3A_801 : i32 to vector<16xi32>
    %mul3A_803 = arith.muli %shift_right_arithmetic3A_800, %mul3A_802 : vector<16xi32>
    %shift_right_arithmetic3A_804 = arith.constant 11 : i32
    %shift_right_arithmetic3A_805 = vector.broadcast %shift_right_arithmetic3A_804 : i32 to vector<16xi32>
    %shift_right_arithmetic3A_806 = arith.shrsi %mul3A_803, %shift_right_arithmetic3A_805 : vector<16xi32>
    %mul3A_807 = arith.constant 10 : i32
    %mul3A_808 = vector.broadcast %mul3A_807 : i32 to vector<16xi32>
    %mul3A_809 = arith.muli %shift_right_arithmetic3A_806, %mul3A_808 : vector<16xi32>
    %sub3A_810 = arith.subi %shift_right_arithmetic3A_800, %mul3A_809 : vector<16xi32>
    %and3A_811 = arith.constant 2047 : i32
    %and3A_812 = vector.broadcast %and3A_811 : i32 to vector<16xi32>
    %and3A_813 = arith.andi %add3A_797, %and3A_812 : vector<16xi32>
    %shift_right_arithmetic3A_814 = arith.constant 7 : i32
    %shift_right_arithmetic3A_815 = vector.broadcast %shift_right_arithmetic3A_814 : i32 to vector<16xi32>
    %shift_right_arithmetic3A_816 = arith.shrsi %and3A_813, %shift_right_arithmetic3A_815 : vector<16xi32>
    %shift_right_arithmetic3A_817 = arith.constant 3 : i32
    %shift_right_arithmetic3A_818 = vector.broadcast %shift_right_arithmetic3A_817 : i32 to vector<16xi32>
    %shift_right_arithmetic3A_819 = arith.shrsi %and3A_813, %shift_right_arithmetic3A_818 : vector<16xi32>
    %and3A_820 = arith.constant 15 : i32
    %and3A_821 = vector.broadcast %and3A_820 : i32 to vector<16xi32>
    %and3A_822 = arith.andi %shift_right_arithmetic3A_819, %and3A_821 : vector<16xi32>
    %and3A_823 = arith.constant 7 : i32
    %and3A_824 = vector.broadcast %and3A_823 : i32 to vector<16xi32>
    %and3A_825 = arith.andi %and3A_813, %and3A_824 : vector<16xi32>
    %shift_left3A_826 = arith.constant 3 : i32
    %shift_left3A_827 = vector.broadcast %shift_left3A_826 : i32 to vector<16xi32>
    %shift_left3A_828 = arith.shli %shift_right_arithmetic3A_816, %shift_left3A_827 : vector<16xi32>
    %or3A_829 = arith.ori %shift_left3A_828, %and3A_825 : vector<16xi32>
    %mul3A_830 = arith.constant 52 : i32
    %mul3A_831 = vector.broadcast %mul3A_830 : i32 to vector<16xi32>
    %mul3A_832 = arith.muli %sub3A_810, %mul3A_831 : vector<16xi32>
    %shift_right_arithmetic3A_833 = arith.constant 8 : i32
    %shift_right_arithmetic3A_834 = vector.broadcast %shift_right_arithmetic3A_833 : i32 to vector<16xi32>
    %shift_right_arithmetic3A_835 = arith.shrsi %mul3A_832, %shift_right_arithmetic3A_834 : vector<16xi32>
    %mul3A_836 = arith.constant 5 : i32
    %mul3A_837 = vector.broadcast %mul3A_836 : i32 to vector<16xi32>
    %mul3A_838 = arith.muli %shift_right_arithmetic3A_835, %mul3A_837 : vector<16xi32>
    %sub3A_839 = arith.subi %sub3A_810, %mul3A_838 : vector<16xi32>
    %shift_left3A_840 = arith.constant 1 : i32
    %shift_left3A_841 = vector.broadcast %shift_left3A_840 : i32 to vector<16xi32>
    %shift_left3A_842 = arith.shli %or3A_829, %shift_left3A_841 : vector<16xi32>
    %or3A_843 = arith.ori %shift_left3A_842, %shift_right_arithmetic3A_835 : vector<16xi32>
    %gather3A_844 = tpu.vector_load_idx %arg5[%or3A_843] : memref<256xi32, #tpu.memory_space<vmem>>[vector<16xi32>], vector<16xi32>,
    %mul3A_845 = arith.constant 5 : i32
    %mul3A_846 = vector.broadcast %mul3A_845 : i32 to vector<16xi32>
    %mul3A_847 = arith.muli %shift_right_arithmetic3A_806, %mul3A_846 : vector<16xi32>
    %add3A_848 = arith.addi %mul3A_847, %sub3A_839 : vector<16xi32>
    %shift_left3A_849 = arith.constant 10 : i32
    %shift_left3A_850 = vector.broadcast %shift_left3A_849 : i32 to vector<16xi32>
    %shift_left3A_851 = arith.shli %add3A_848, %shift_left3A_850 : vector<16xi32>
    %shift_right_arithmetic3A_852 = arith.constant 3 : i32
    %shift_right_arithmetic3A_853 = vector.broadcast %shift_right_arithmetic3A_852 : i32 to vector<16xi32>
    %shift_right_arithmetic3A_854 = arith.shrsi %gather3A_844, %shift_right_arithmetic3A_853 : vector<16xi32>
    %shift_left3A_855 = arith.constant 7 : i32
    %shift_left3A_856 = vector.broadcast %shift_left3A_855 : i32 to vector<16xi32>
    %shift_left3A_857 = arith.shli %shift_right_arithmetic3A_854, %shift_left3A_856 : vector<16xi32>
    %or3A_858 = arith.ori %shift_left3A_851, %shift_left3A_857 : vector<16xi32>
    %shift_left3A_859 = arith.constant 3 : i32
    %shift_left3A_860 = vector.broadcast %shift_left3A_859 : i32 to vector<16xi32>
    %shift_left3A_861 = arith.shli %and3A_822, %shift_left3A_860 : vector<16xi32>
    %or3A_862 = arith.ori %or3A_858, %shift_left3A_861 : vector<16xi32>
    %and3A_863 = arith.constant 7 : i32
    %and3A_864 = vector.broadcast %and3A_863 : i32 to vector<16xi32>
    %and3A_865 = arith.andi %gather3A_844, %and3A_864 : vector<16xi32>
    %or3A_866 = arith.ori %or3A_862, %and3A_865 : vector<16xi32>
    %swap3A_867 = arith.constant 1 : i32
    %swap3A_868 = arith.index_cast %swap3A_867 : i32 to index
    %swap3A_869 = arith.constant 32 : index
    %swap3A_870 = tpu.vector_load %arg6[%swap3A_868, %swap3A_869] {strides = array<i32>} : memref<60x128xi32, #tpu.memory_space<vmem>>, vector<16xi32>,
    tpu.vector_store %arg6[%swap3A_868, %swap3A_869], %or3A_866 {strides = array<i32>} : memref<60x128xi32, #tpu.memory_space<vmem>>, vector<16xi32>,
    %add3A_871 = arith.constant 128 : i32
    %add3A_872 = arith.addi %mul3A_2, %add3A_871 : i32
    %add3A_873 = arith.constant 48 : i32
    %add3A_874 = arith.addi %add3A_872, %add3A_873 : i32
    %add3A_875 = vector.broadcast %add3A_874 : i32 to vector<16xi32>
    %add3A_876 = arith.addi %add3A_875, %iota3A : vector<16xi32>
    %shift_right_arithmetic3A_877 = arith.constant 11 : i32
    %shift_right_arithmetic3A_878 = vector.broadcast %shift_right_arithmetic3A_877 : i32 to vector<16xi32>
    %shift_right_arithmetic3A_879 = arith.shrsi %add3A_876, %shift_right_arithmetic3A_878 : vector<16xi32>
    %mul3A_880 = arith.constant 205 : i32
    %mul3A_881 = vector.broadcast %mul3A_880 : i32 to vector<16xi32>
    %mul3A_882 = arith.muli %shift_right_arithmetic3A_879, %mul3A_881 : vector<16xi32>
    %shift_right_arithmetic3A_883 = arith.constant 11 : i32
    %shift_right_arithmetic3A_884 = vector.broadcast %shift_right_arithmetic3A_883 : i32 to vector<16xi32>
    %shift_right_arithmetic3A_885 = arith.shrsi %mul3A_882, %shift_right_arithmetic3A_884 : vector<16xi32>
    %mul3A_886 = arith.constant 10 : i32
    %mul3A_887 = vector.broadcast %mul3A_886 : i32 to vector<16xi32>
    %mul3A_888 = arith.muli %shift_right_arithmetic3A_885, %mul3A_887 : vector<16xi32>
    %sub3A_889 = arith.subi %shift_right_arithmetic3A_879, %mul3A_888 : vector<16xi32>
    %and3A_890 = arith.constant 2047 : i32
    %and3A_891 = vector.broadcast %and3A_890 : i32 to vector<16xi32>
    %and3A_892 = arith.andi %add3A_876, %and3A_891 : vector<16xi32>
    %shift_right_arithmetic3A_893 = arith.constant 7 : i32
    %shift_right_arithmetic3A_894 = vector.broadcast %shift_right_arithmetic3A_893 : i32 to vector<16xi32>
    %shift_right_arithmetic3A_895 = arith.shrsi %and3A_892, %shift_right_arithmetic3A_894 : vector<16xi32>
    %shift_right_arithmetic3A_896 = arith.constant 3 : i32
    %shift_right_arithmetic3A_897 = vector.broadcast %shift_right_arithmetic3A_896 : i32 to vector<16xi32>
    %shift_right_arithmetic3A_898 = arith.shrsi %and3A_892, %shift_right_arithmetic3A_897 : vector<16xi32>
    %and3A_899 = arith.constant 15 : i32
    %and3A_900 = vector.broadcast %and3A_899 : i32 to vector<16xi32>
    %and3A_901 = arith.andi %shift_right_arithmetic3A_898, %and3A_900 : vector<16xi32>
    %and3A_902 = arith.constant 7 : i32
    %and3A_903 = vector.broadcast %and3A_902 : i32 to vector<16xi32>
    %and3A_904 = arith.andi %and3A_892, %and3A_903 : vector<16xi32>
    %shift_left3A_905 = arith.constant 3 : i32
    %shift_left3A_906 = vector.broadcast %shift_left3A_905 : i32 to vector<16xi32>
    %shift_left3A_907 = arith.shli %shift_right_arithmetic3A_895, %shift_left3A_906 : vector<16xi32>
    %or3A_908 = arith.ori %shift_left3A_907, %and3A_904 : vector<16xi32>
    %mul3A_909 = arith.constant 52 : i32
    %mul3A_910 = vector.broadcast %mul3A_909 : i32 to vector<16xi32>
    %mul3A_911 = arith.muli %sub3A_889, %mul3A_910 : vector<16xi32>
    %shift_right_arithmetic3A_912 = arith.constant 8 : i32
    %shift_right_arithmetic3A_913 = vector.broadcast %shift_right_arithmetic3A_912 : i32 to vector<16xi32>
    %shift_right_arithmetic3A_914 = arith.shrsi %mul3A_911, %shift_right_arithmetic3A_913 : vector<16xi32>
    %mul3A_915 = arith.constant 5 : i32
    %mul3A_916 = vector.broadcast %mul3A_915 : i32 to vector<16xi32>
    %mul3A_917 = arith.muli %shift_right_arithmetic3A_914, %mul3A_916 : vector<16xi32>
    %sub3A_918 = arith.subi %sub3A_889, %mul3A_917 : vector<16xi32>
    %shift_left3A_919 = arith.constant 1 : i32
    %shift_left3A_920 = vector.broadcast %shift_left3A_919 : i32 to vector<16xi32>
    %shift_left3A_921 = arith.shli %or3A_908, %shift_left3A_920 : vector<16xi32>
    %or3A_922 = arith.ori %shift_left3A_921, %shift_right_arithmetic3A_914 : vector<16xi32>
    %gather3A_923 = tpu.vector_load_idx %arg5[%or3A_922] : memref<256xi32, #tpu.memory_space<vmem>>[vector<16xi32>], vector<16xi32>,
    %mul3A_924 = arith.constant 5 : i32
    %mul3A_925 = vector.broadcast %mul3A_924 : i32 to vector<16xi32>
    %mul3A_926 = arith.muli %shift_right_arithmetic3A_885, %mul3A_925 : vector<16xi32>
    %add3A_927 = arith.addi %mul3A_926, %sub3A_918 : vector<16xi32>
    %shift_left3A_928 = arith.constant 10 : i32
    %shift_left3A_929 = vector.broadcast %shift_left3A_928 : i32 to vector<16xi32>
    %shift_left3A_930 = arith.shli %add3A_927, %shift_left3A_929 : vector<16xi32>
    %shift_right_arithmetic3A_931 = arith.constant 3 : i32
    %shift_right_arithmetic3A_932 = vector.broadcast %shift_right_arithmetic3A_931 : i32 to vector<16xi32>
    %shift_right_arithmetic3A_933 = arith.shrsi %gather3A_923, %shift_right_arithmetic3A_932 : vector<16xi32>
    %shift_left3A_934 = arith.constant 7 : i32
    %shift_left3A_935 = vector.broadcast %shift_left3A_934 : i32 to vector<16xi32>
    %shift_left3A_936 = arith.shli %shift_right_arithmetic3A_933, %shift_left3A_935 : vector<16xi32>
    %or3A_937 = arith.ori %shift_left3A_930, %shift_left3A_936 : vector<16xi32>
    %shift_left3A_938 = arith.constant 3 : i32
    %shift_left3A_939 = vector.broadcast %shift_left3A_938 : i32 to vector<16xi32>
    %shift_left3A_940 = arith.shli %and3A_901, %shift_left3A_939 : vector<16xi32>
    %or3A_941 = arith.ori %or3A_937, %shift_left3A_940 : vector<16xi32>
    %and3A_942 = arith.constant 7 : i32
    %and3A_943 = vector.broadcast %and3A_942 : i32 to vector<16xi32>
    %and3A_944 = arith.andi %gather3A_923, %and3A_943 : vector<16xi32>
    %or3A_945 = arith.ori %or3A_941, %and3A_944 : vector<16xi32>
    %swap3A_946 = arith.constant 1 : i32
    %swap3A_947 = arith.index_cast %swap3A_946 : i32 to index
    %swap3A_948 = arith.constant 48 : index
    %swap3A_949 = tpu.vector_load %arg6[%swap3A_947, %swap3A_948] {strides = array<i32>} : memref<60x128xi32, #tpu.memory_space<vmem>>, vector<16xi32>,
    tpu.vector_store %arg6[%swap3A_947, %swap3A_948], %or3A_945 {strides = array<i32>} : memref<60x128xi32, #tpu.memory_space<vmem>>, vector<16xi32>,
    %add3A_950 = arith.constant 128 : i32
    %add3A_951 = arith.addi %mul3A_2, %add3A_950 : i32
    %add3A_952 = arith.constant 64 : i32
    %add3A_953 = arith.addi %add3A_951, %add3A_952 : i32
    %add3A_954 = vector.broadcast %add3A_953 : i32 to vector<16xi32>
    %add3A_955 = arith.addi %add3A_954, %iota3A : vector<16xi32>
    %shift_right_arithmetic3A_956 = arith.constant 11 : i32
    %shift_right_arithmetic3A_957 = vector.broadcast %shift_right_arithmetic3A_956 : i32 to vector<16xi32>
    %shift_right_arithmetic3A_958 = arith.shrsi %add3A_955, %shift_right_arithmetic3A_957 : vector<16xi32>
    %mul3A_959 = arith.constant 205 : i32
    %mul3A_960 = vector.broadcast %mul3A_959 : i32 to vector<16xi32>
    %mul3A_961 = arith.muli %shift_right_arithmetic3A_958, %mul3A_960 : vector<16xi32>
    %shift_right_arithmetic3A_962 = arith.constant 11 : i32
    %shift_right_arithmetic3A_963 = vector.broadcast %shift_right_arithmetic3A_962 : i32 to vector<16xi32>
    %shift_right_arithmetic3A_964 = arith.shrsi %mul3A_961, %shift_right_arithmetic3A_963 : vector<16xi32>
    %mul3A_965 = arith.constant 10 : i32
    %mul3A_966 = vector.broadcast %mul3A_965 : i32 to vector<16xi32>
    %mul3A_967 = arith.muli %shift_right_arithmetic3A_964, %mul3A_966 : vector<16xi32>
    %sub3A_968 = arith.subi %shift_right_arithmetic3A_958, %mul3A_967 : vector<16xi32>
    %and3A_969 = arith.constant 2047 : i32
    %and3A_970 = vector.broadcast %and3A_969 : i32 to vector<16xi32>
    %and3A_971 = arith.andi %add3A_955, %and3A_970 : vector<16xi32>
    %shift_right_arithmetic3A_972 = arith.constant 7 : i32
    %shift_right_arithmetic3A_973 = vector.broadcast %shift_right_arithmetic3A_972 : i32 to vector<16xi32>
    %shift_right_arithmetic3A_974 = arith.shrsi %and3A_971, %shift_right_arithmetic3A_973 : vector<16xi32>
    %shift_right_arithmetic3A_975 = arith.constant 3 : i32
    %shift_right_arithmetic3A_976 = vector.broadcast %shift_right_arithmetic3A_975 : i32 to vector<16xi32>
    %shift_right_arithmetic3A_977 = arith.shrsi %and3A_971, %shift_right_arithmetic3A_976 : vector<16xi32>
    %and3A_978 = arith.constant 15 : i32
    %and3A_979 = vector.broadcast %and3A_978 : i32 to vector<16xi32>
    %and3A_980 = arith.andi %shift_right_arithmetic3A_977, %and3A_979 : vector<16xi32>
    %and3A_981 = arith.constant 7 : i32
    %and3A_982 = vector.broadcast %and3A_981 : i32 to vector<16xi32>
    %and3A_983 = arith.andi %and3A_971, %and3A_982 : vector<16xi32>
    %shift_left3A_984 = arith.constant 3 : i32
    %shift_left3A_985 = vector.broadcast %shift_left3A_984 : i32 to vector<16xi32>
    %shift_left3A_986 = arith.shli %shift_right_arithmetic3A_974, %shift_left3A_985 : vector<16xi32>
    %or3A_987 = arith.ori %shift_left3A_986, %and3A_983 : vector<16xi32>
    %mul3A_988 = arith.constant 52 : i32
    %mul3A_989 = vector.broadcast %mul3A_988 : i32 to vector<16xi32>
    %mul3A_990 = arith.muli %sub3A_968, %mul3A_989 : vector<16xi32>
    %shift_right_arithmetic3A_991 = arith.constant 8 : i32
    %shift_right_arithmetic3A_992 = vector.broadcast %shift_right_arithmetic3A_991 : i32 to vector<16xi32>
    %shift_right_arithmetic3A_993 = arith.shrsi %mul3A_990, %shift_right_arithmetic3A_992 : vector<16xi32>
    %mul3A_994 = arith.constant 5 : i32
    %mul3A_995 = vector.broadcast %mul3A_994 : i32 to vector<16xi32>
    %mul3A_996 = arith.muli %shift_right_arithmetic3A_993, %mul3A_995 : vector<16xi32>
    %sub3A_997 = arith.subi %sub3A_968, %mul3A_996 : vector<16xi32>
    %shift_left3A_998 = arith.constant 1 : i32
    %shift_left3A_999 = vector.broadcast %shift_left3A_998 : i32 to vector<16xi32>
    %shift_left3A_1000 = arith.shli %or3A_987, %shift_left3A_999 : vector<16xi32>
    %or3A_1001 = arith.ori %shift_left3A_1000, %shift_right_arithmetic3A_993 : vector<16xi32>
    %gather3A_1002 = tpu.vector_load_idx %arg5[%or3A_1001] : memref<256xi32, #tpu.memory_space<vmem>>[vector<16xi32>], vector<16xi32>,
    %mul3A_1003 = arith.constant 5 : i32
    %mul3A_1004 = vector.broadcast %mul3A_1003 : i32 to vector<16xi32>
    %mul3A_1005 = arith.muli %shift_right_arithmetic3A_964, %mul3A_1004 : vector<16xi32>
    %add3A_1006 = arith.addi %mul3A_1005, %sub3A_997 : vector<16xi32>
    %shift_left3A_1007 = arith.constant 10 : i32
    %shift_left3A_1008 = vector.broadcast %shift_left3A_1007 : i32 to vector<16xi32>
    %shift_left3A_1009 = arith.shli %add3A_1006, %shift_left3A_1008 : vector<16xi32>
    %shift_right_arithmetic3A_1010 = arith.constant 3 : i32
    %shift_right_arithmetic3A_1011 = vector.broadcast %shift_right_arithmetic3A_1010 : i32 to vector<16xi32>
    %shift_right_arithmetic3A_1012 = arith.shrsi %gather3A_1002, %shift_right_arithmetic3A_1011 : vector<16xi32>
    %shift_left3A_1013 = arith.constant 7 : i32
    %shift_left3A_1014 = vector.broadcast %shift_left3A_1013 : i32 to vector<16xi32>
    %shift_left3A_1015 = arith.shli %shift_right_arithmetic3A_1012, %shift_left3A_1014 : vector<16xi32>
    %or3A_1016 = arith.ori %shift_left3A_1009, %shift_left3A_1015 : vector<16xi32>
    %shift_left3A_1017 = arith.constant 3 : i32
    %shift_left3A_1018 = vector.broadcast %shift_left3A_1017 : i32 to vector<16xi32>
    %shift_left3A_1019 = arith.shli %and3A_980, %shift_left3A_1018 : vector<16xi32>
    %or3A_1020 = arith.ori %or3A_1016, %shift_left3A_1019 : vector<16xi32>
    %and3A_1021 = arith.constant 7 : i32
    %and3A_1022 = vector.broadcast %and3A_1021 : i32 to vector<16xi32>
    %and3A_1023 = arith.andi %gather3A_1002, %and3A_1022 : vector<16xi32>
    %or3A_1024 = arith.ori %or3A_1020, %and3A_1023 : vector<16xi32>
    %swap3A_1025 = arith.constant 1 : i32
    %swap3A_1026 = arith.index_cast %swap3A_1025 : i32 to index
    %swap3A_1027 = arith.constant 64 : index
    %swap3A_1028 = tpu.vector_load %arg6[%swap3A_1026, %swap3A_1027] {strides = array<i32>} : memref<60x128xi32, #tpu.memory_space<vmem>>, vector<16xi32>,
    tpu.vector_store %arg6[%swap3A_1026, %swap3A_1027], %or3A_1024 {strides = array<i32>} : memref<60x128xi32, #tpu.memory_space<vmem>>, vector<16xi32>,
    %add3A_1029 = arith.constant 128 : i32
    %add3A_1030 = arith.addi %mul3A_2, %add3A_1029 : i32
    %add3A_1031 = arith.constant 80 : i32
    %add3A_1032 = arith.addi %add3A_1030, %add3A_1031 : i32
    %add3A_1033 = vector.broadcast %add3A_1032 : i32 to vector<16xi32>
    %add3A_1034 = arith.addi %add3A_1033, %iota3A : vector<16xi32>
    %shift_right_arithmetic3A_1035 = arith.constant 11 : i32
    %shift_right_arithmetic3A_1036 = vector.broadcast %shift_right_arithmetic3A_1035 : i32 to vector<16xi32>
    %shift_right_arithmetic3A_1037 = arith.shrsi %add3A_1034, %shift_right_arithmetic3A_1036 : vector<16xi32>
    %mul3A_1038 = arith.constant 205 : i32
    %mul3A_1039 = vector.broadcast %mul3A_1038 : i32 to vector<16xi32>
    %mul3A_1040 = arith.muli %shift_right_arithmetic3A_1037, %mul3A_1039 : vector<16xi32>
    %shift_right_arithmetic3A_1041 = arith.constant 11 : i32
    %shift_right_arithmetic3A_1042 = vector.broadcast %shift_right_arithmetic3A_1041 : i32 to vector<16xi32>
    %shift_right_arithmetic3A_1043 = arith.shrsi %mul3A_1040, %shift_right_arithmetic3A_1042 : vector<16xi32>
    %mul3A_1044 = arith.constant 10 : i32
    %mul3A_1045 = vector.broadcast %mul3A_1044 : i32 to vector<16xi32>
    %mul3A_1046 = arith.muli %shift_right_arithmetic3A_1043, %mul3A_1045 : vector<16xi32>
    %sub3A_1047 = arith.subi %shift_right_arithmetic3A_1037, %mul3A_1046 : vector<16xi32>
    %and3A_1048 = arith.constant 2047 : i32
    %and3A_1049 = vector.broadcast %and3A_1048 : i32 to vector<16xi32>
    %and3A_1050 = arith.andi %add3A_1034, %and3A_1049 : vector<16xi32>
    %shift_right_arithmetic3A_1051 = arith.constant 7 : i32
    %shift_right_arithmetic3A_1052 = vector.broadcast %shift_right_arithmetic3A_1051 : i32 to vector<16xi32>
    %shift_right_arithmetic3A_1053 = arith.shrsi %and3A_1050, %shift_right_arithmetic3A_1052 : vector<16xi32>
    %shift_right_arithmetic3A_1054 = arith.constant 3 : i32
    %shift_right_arithmetic3A_1055 = vector.broadcast %shift_right_arithmetic3A_1054 : i32 to vector<16xi32>
    %shift_right_arithmetic3A_1056 = arith.shrsi %and3A_1050, %shift_right_arithmetic3A_1055 : vector<16xi32>
    %and3A_1057 = arith.constant 15 : i32
    %and3A_1058 = vector.broadcast %and3A_1057 : i32 to vector<16xi32>
    %and3A_1059 = arith.andi %shift_right_arithmetic3A_1056, %and3A_1058 : vector<16xi32>
    %and3A_1060 = arith.constant 7 : i32
    %and3A_1061 = vector.broadcast %and3A_1060 : i32 to vector<16xi32>
    %and3A_1062 = arith.andi %and3A_1050, %and3A_1061 : vector<16xi32>
    %shift_left3A_1063 = arith.constant 3 : i32
    %shift_left3A_1064 = vector.broadcast %shift_left3A_1063 : i32 to vector<16xi32>
    %shift_left3A_1065 = arith.shli %shift_right_arithmetic3A_1053, %shift_left3A_1064 : vector<16xi32>
    %or3A_1066 = arith.ori %shift_left3A_1065, %and3A_1062 : vector<16xi32>
    %mul3A_1067 = arith.constant 52 : i32
    %mul3A_1068 = vector.broadcast %mul3A_1067 : i32 to vector<16xi32>
    %mul3A_1069 = arith.muli %sub3A_1047, %mul3A_1068 : vector<16xi32>
    %shift_right_arithmetic3A_1070 = arith.constant 8 : i32
    %shift_right_arithmetic3A_1071 = vector.broadcast %shift_right_arithmetic3A_1070 : i32 to vector<16xi32>
    %shift_right_arithmetic3A_1072 = arith.shrsi %mul3A_1069, %shift_right_arithmetic3A_1071 : vector<16xi32>
    %mul3A_1073 = arith.constant 5 : i32
    %mul3A_1074 = vector.broadcast %mul3A_1073 : i32 to vector<16xi32>
    %mul3A_1075 = arith.muli %shift_right_arithmetic3A_1072, %mul3A_1074 : vector<16xi32>
    %sub3A_1076 = arith.subi %sub3A_1047, %mul3A_1075 : vector<16xi32>
    %shift_left3A_1077 = arith.constant 1 : i32
    %shift_left3A_1078 = vector.broadcast %shift_left3A_1077 : i32 to vector<16xi32>
    %shift_left3A_1079 = arith.shli %or3A_1066, %shift_left3A_1078 : vector<16xi32>
    %or3A_1080 = arith.ori %shift_left3A_1079, %shift_right_arithmetic3A_1072 : vector<16xi32>
    %gather3A_1081 = tpu.vector_load_idx %arg5[%or3A_1080] : memref<256xi32, #tpu.memory_space<vmem>>[vector<16xi32>], vector<16xi32>,
    %mul3A_1082 = arith.constant 5 : i32
    %mul3A_1083 = vector.broadcast %mul3A_1082 : i32 to vector<16xi32>
    %mul3A_1084 = arith.muli %shift_right_arithmetic3A_1043, %mul3A_1083 : vector<16xi32>
    %add3A_1085 = arith.addi %mul3A_1084, %sub3A_1076 : vector<16xi32>
    %shift_left3A_1086 = arith.constant 10 : i32
    %shift_left3A_1087 = vector.broadcast %shift_left3A_1086 : i32 to vector<16xi32>
    %shift_left3A_1088 = arith.shli %add3A_1085, %shift_left3A_1087 : vector<16xi32>
    %shift_right_arithmetic3A_1089 = arith.constant 3 : i32
    %shift_right_arithmetic3A_1090 = vector.broadcast %shift_right_arithmetic3A_1089 : i32 to vector<16xi32>
    %shift_right_arithmetic3A_1091 = arith.shrsi %gather3A_1081, %shift_right_arithmetic3A_1090 : vector<16xi32>
    %shift_left3A_1092 = arith.constant 7 : i32
    %shift_left3A_1093 = vector.broadcast %shift_left3A_1092 : i32 to vector<16xi32>
    %shift_left3A_1094 = arith.shli %shift_right_arithmetic3A_1091, %shift_left3A_1093 : vector<16xi32>
    %or3A_1095 = arith.ori %shift_left3A_1088, %shift_left3A_1094 : vector<16xi32>
    %shift_left3A_1096 = arith.constant 3 : i32
    %shift_left3A_1097 = vector.broadcast %shift_left3A_1096 : i32 to vector<16xi32>
    %shift_left3A_1098 = arith.shli %and3A_1059, %shift_left3A_1097 : vector<16xi32>
    %or3A_1099 = arith.ori %or3A_1095, %shift_left3A_1098 : vector<16xi32>
    %and3A_1100 = arith.constant 7 : i32
    %and3A_1101 = vector.broadcast %and3A_1100 : i32 to vector<16xi32>
    %and3A_1102 = arith.andi %gather3A_1081, %and3A_1101 : vector<16xi32>
    %or3A_1103 = arith.ori %or3A_1099, %and3A_1102 : vector<16xi32>
    %swap3A_1104 = arith.constant 1 : i32
    %swap3A_1105 = arith.index_cast %swap3A_1104 : i32 to index
    %swap3A_1106 = arith.constant 80 : index
    %swap3A_1107 = tpu.vector_load %arg6[%swap3A_1105, %swap3A_1106] {strides = array<i32>} : memref<60x128xi32, #tpu.memory_space<vmem>>, vector<16xi32>,
    tpu.vector_store %arg6[%swap3A_1105, %swap3A_1106], %or3A_1103 {strides = array<i32>} : memref<60x128xi32, #tpu.memory_space<vmem>>, vector<16xi32>,
    %add3A_1108 = arith.constant 128 : i32
    %add3A_1109 = arith.addi %mul3A_2, %add3A_1108 : i32
    %add3A_1110 = arith.constant 96 : i32
    %add3A_1111 = arith.addi %add3A_1109, %add3A_1110 : i32
    %add3A_1112 = vector.broadcast %add3A_1111 : i32 to vector<16xi32>
    %add3A_1113 = arith.addi %add3A_1112, %iota3A : vector<16xi32>
    %shift_right_arithmetic3A_1114 = arith.constant 11 : i32
    %shift_right_arithmetic3A_1115 = vector.broadcast %shift_right_arithmetic3A_1114 : i32 to vector<16xi32>
    %shift_right_arithmetic3A_1116 = arith.shrsi %add3A_1113, %shift_right_arithmetic3A_1115 : vector<16xi32>
    %mul3A_1117 = arith.constant 205 : i32
    %mul3A_1118 = vector.broadcast %mul3A_1117 : i32 to vector<16xi32>
    %mul3A_1119 = arith.muli %shift_right_arithmetic3A_1116, %mul3A_1118 : vector<16xi32>
    %shift_right_arithmetic3A_1120 = arith.constant 11 : i32
    %shift_right_arithmetic3A_1121 = vector.broadcast %shift_right_arithmetic3A_1120 : i32 to vector<16xi32>
    %shift_right_arithmetic3A_1122 = arith.shrsi %mul3A_1119, %shift_right_arithmetic3A_1121 : vector<16xi32>
    %mul3A_1123 = arith.constant 10 : i32
    %mul3A_1124 = vector.broadcast %mul3A_1123 : i32 to vector<16xi32>
    %mul3A_1125 = arith.muli %shift_right_arithmetic3A_1122, %mul3A_1124 : vector<16xi32>
    %sub3A_1126 = arith.subi %shift_right_arithmetic3A_1116, %mul3A_1125 : vector<16xi32>
    %and3A_1127 = arith.constant 2047 : i32
    %and3A_1128 = vector.broadcast %and3A_1127 : i32 to vector<16xi32>
    %and3A_1129 = arith.andi %add3A_1113, %and3A_1128 : vector<16xi32>
    %shift_right_arithmetic3A_1130 = arith.constant 7 : i32
    %shift_right_arithmetic3A_1131 = vector.broadcast %shift_right_arithmetic3A_1130 : i32 to vector<16xi32>
    %shift_right_arithmetic3A_1132 = arith.shrsi %and3A_1129, %shift_right_arithmetic3A_1131 : vector<16xi32>
    %shift_right_arithmetic3A_1133 = arith.constant 3 : i32
    %shift_right_arithmetic3A_1134 = vector.broadcast %shift_right_arithmetic3A_1133 : i32 to vector<16xi32>
    %shift_right_arithmetic3A_1135 = arith.shrsi %and3A_1129, %shift_right_arithmetic3A_1134 : vector<16xi32>
    %and3A_1136 = arith.constant 15 : i32
    %and3A_1137 = vector.broadcast %and3A_1136 : i32 to vector<16xi32>
    %and3A_1138 = arith.andi %shift_right_arithmetic3A_1135, %and3A_1137 : vector<16xi32>
    %and3A_1139 = arith.constant 7 : i32
    %and3A_1140 = vector.broadcast %and3A_1139 : i32 to vector<16xi32>
    %and3A_1141 = arith.andi %and3A_1129, %and3A_1140 : vector<16xi32>
    %shift_left3A_1142 = arith.constant 3 : i32
    %shift_left3A_1143 = vector.broadcast %shift_left3A_1142 : i32 to vector<16xi32>
    %shift_left3A_1144 = arith.shli %shift_right_arithmetic3A_1132, %shift_left3A_1143 : vector<16xi32>
    %or3A_1145 = arith.ori %shift_left3A_1144, %and3A_1141 : vector<16xi32>
    %mul3A_1146 = arith.constant 52 : i32
    %mul3A_1147 = vector.broadcast %mul3A_1146 : i32 to vector<16xi32>
    %mul3A_1148 = arith.muli %sub3A_1126, %mul3A_1147 : vector<16xi32>
    %shift_right_arithmetic3A_1149 = arith.constant 8 : i32
    %shift_right_arithmetic3A_1150 = vector.broadcast %shift_right_arithmetic3A_1149 : i32 to vector<16xi32>
    %shift_right_arithmetic3A_1151 = arith.shrsi %mul3A_1148, %shift_right_arithmetic3A_1150 : vector<16xi32>
    %mul3A_1152 = arith.constant 5 : i32
    %mul3A_1153 = vector.broadcast %mul3A_1152 : i32 to vector<16xi32>
    %mul3A_1154 = arith.muli %shift_right_arithmetic3A_1151, %mul3A_1153 : vector<16xi32>
    %sub3A_1155 = arith.subi %sub3A_1126, %mul3A_1154 : vector<16xi32>
    %shift_left3A_1156 = arith.constant 1 : i32
    %shift_left3A_1157 = vector.broadcast %shift_left3A_1156 : i32 to vector<16xi32>
    %shift_left3A_1158 = arith.shli %or3A_1145, %shift_left3A_1157 : vector<16xi32>
    %or3A_1159 = arith.ori %shift_left3A_1158, %shift_right_arithmetic3A_1151 : vector<16xi32>
    %gather3A_1160 = tpu.vector_load_idx %arg5[%or3A_1159] : memref<256xi32, #tpu.memory_space<vmem>>[vector<16xi32>], vector<16xi32>,
    %mul3A_1161 = arith.constant 5 : i32
    %mul3A_1162 = vector.broadcast %mul3A_1161 : i32 to vector<16xi32>
    %mul3A_1163 = arith.muli %shift_right_arithmetic3A_1122, %mul3A_1162 : vector<16xi32>
    %add3A_1164 = arith.addi %mul3A_1163, %sub3A_1155 : vector<16xi32>
    %shift_left3A_1165 = arith.constant 10 : i32
    %shift_left3A_1166 = vector.broadcast %shift_left3A_1165 : i32 to vector<16xi32>
    %shift_left3A_1167 = arith.shli %add3A_1164, %shift_left3A_1166 : vector<16xi32>
    %shift_right_arithmetic3A_1168 = arith.constant 3 : i32
    %shift_right_arithmetic3A_1169 = vector.broadcast %shift_right_arithmetic3A_1168 : i32 to vector<16xi32>
    %shift_right_arithmetic3A_1170 = arith.shrsi %gather3A_1160, %shift_right_arithmetic3A_1169 : vector<16xi32>
    %shift_left3A_1171 = arith.constant 7 : i32
    %shift_left3A_1172 = vector.broadcast %shift_left3A_1171 : i32 to vector<16xi32>
    %shift_left3A_1173 = arith.shli %shift_right_arithmetic3A_1170, %shift_left3A_1172 : vector<16xi32>
    %or3A_1174 = arith.ori %shift_left3A_1167, %shift_left3A_1173 : vector<16xi32>
    %shift_left3A_1175 = arith.constant 3 : i32
    %shift_left3A_1176 = vector.broadcast %shift_left3A_1175 : i32 to vector<16xi32>
    %shift_left3A_1177 = arith.shli %and3A_1138, %shift_left3A_1176 : vector<16xi32>
    %or3A_1178 = arith.ori %or3A_1174, %shift_left3A_1177 : vector<16xi32>
    %and3A_1179 = arith.constant 7 : i32
    %and3A_1180 = vector.broadcast %and3A_1179 : i32 to vector<16xi32>
    %and3A_1181 = arith.andi %gather3A_1160, %and3A_1180 : vector<16xi32>
    %or3A_1182 = arith.ori %or3A_1178, %and3A_1181 : vector<16xi32>
    %swap3A_1183 = arith.constant 1 : i32
    %swap3A_1184 = arith.index_cast %swap3A_1183 : i32 to index
    %swap3A_1185 = arith.constant 96 : index
    %swap3A_1186 = tpu.vector_load %arg6[%swap3A_1184, %swap3A_1185] {strides = array<i32>} : memref<60x128xi32, #tpu.memory_space<vmem>>, vector<16xi32>,
    tpu.vector_store %arg6[%swap3A_1184, %swap3A_1185], %or3A_1182 {strides = array<i32>} : memref<60x128xi32, #tpu.memory_space<vmem>>, vector<16xi32>,
    %add3A_1187 = arith.constant 128 : i32
    %add3A_1188 = arith.addi %mul3A_2, %add3A_1187 : i32
    %add3A_1189 = arith.constant 112 : i32
    %add3A_1190 = arith.addi %add3A_1188, %add3A_1189 : i32
    %add3A_1191 = vector.broadcast %add3A_1190 : i32 to vector<16xi32>
    %add3A_1192 = arith.addi %add3A_1191, %iota3A : vector<16xi32>
    %shift_right_arithmetic3A_1193 = arith.constant 11 : i32
    %shift_right_arithmetic3A_1194 = vector.broadcast %shift_right_arithmetic3A_1193 : i32 to vector<16xi32>
    %shift_right_arithmetic3A_1195 = arith.shrsi %add3A_1192, %shift_right_arithmetic3A_1194 : vector<16xi32>
    %mul3A_1196 = arith.constant 205 : i32
    %mul3A_1197 = vector.broadcast %mul3A_1196 : i32 to vector<16xi32>
    %mul3A_1198 = arith.muli %shift_right_arithmetic3A_1195, %mul3A_1197 : vector<16xi32>
    %shift_right_arithmetic3A_1199 = arith.constant 11 : i32
    %shift_right_arithmetic3A_1200 = vector.broadcast %shift_right_arithmetic3A_1199 : i32 to vector<16xi32>
    %shift_right_arithmetic3A_1201 = arith.shrsi %mul3A_1198, %shift_right_arithmetic3A_1200 : vector<16xi32>
    %mul3A_1202 = arith.constant 10 : i32
    %mul3A_1203 = vector.broadcast %mul3A_1202 : i32 to vector<16xi32>
    %mul3A_1204 = arith.muli %shift_right_arithmetic3A_1201, %mul3A_1203 : vector<16xi32>
    %sub3A_1205 = arith.subi %shift_right_arithmetic3A_1195, %mul3A_1204 : vector<16xi32>
    %and3A_1206 = arith.constant 2047 : i32
    %and3A_1207 = vector.broadcast %and3A_1206 : i32 to vector<16xi32>
    %and3A_1208 = arith.andi %add3A_1192, %and3A_1207 : vector<16xi32>
    %shift_right_arithmetic3A_1209 = arith.constant 7 : i32
    %shift_right_arithmetic3A_1210 = vector.broadcast %shift_right_arithmetic3A_1209 : i32 to vector<16xi32>
    %shift_right_arithmetic3A_1211 = arith.shrsi %and3A_1208, %shift_right_arithmetic3A_1210 : vector<16xi32>
    %shift_right_arithmetic3A_1212 = arith.constant 3 : i32
    %shift_right_arithmetic3A_1213 = vector.broadcast %shift_right_arithmetic3A_1212 : i32 to vector<16xi32>
    %shift_right_arithmetic3A_1214 = arith.shrsi %and3A_1208, %shift_right_arithmetic3A_1213 : vector<16xi32>
    %and3A_1215 = arith.constant 15 : i32
    %and3A_1216 = vector.broadcast %and3A_1215 : i32 to vector<16xi32>
    %and3A_1217 = arith.andi %shift_right_arithmetic3A_1214, %and3A_1216 : vector<16xi32>
    %and3A_1218 = arith.constant 7 : i32
    %and3A_1219 = vector.broadcast %and3A_1218 : i32 to vector<16xi32>
    %and3A_1220 = arith.andi %and3A_1208, %and3A_1219 : vector<16xi32>
    %shift_left3A_1221 = arith.constant 3 : i32
    %shift_left3A_1222 = vector.broadcast %shift_left3A_1221 : i32 to vector<16xi32>
    %shift_left3A_1223 = arith.shli %shift_right_arithmetic3A_1211, %shift_left3A_1222 : vector<16xi32>
    %or3A_1224 = arith.ori %shift_left3A_1223, %and3A_1220 : vector<16xi32>
    %mul3A_1225 = arith.constant 52 : i32
    %mul3A_1226 = vector.broadcast %mul3A_1225 : i32 to vector<16xi32>
    %mul3A_1227 = arith.muli %sub3A_1205, %mul3A_1226 : vector<16xi32>
    %shift_right_arithmetic3A_1228 = arith.constant 8 : i32
    %shift_right_arithmetic3A_1229 = vector.broadcast %shift_right_arithmetic3A_1228 : i32 to vector<16xi32>
    %shift_right_arithmetic3A_1230 = arith.shrsi %mul3A_1227, %shift_right_arithmetic3A_1229 : vector<16xi32>
    %mul3A_1231 = arith.constant 5 : i32
    %mul3A_1232 = vector.broadcast %mul3A_1231 : i32 to vector<16xi32>
    %mul3A_1233 = arith.muli %shift_right_arithmetic3A_1230, %mul3A_1232 : vector<16xi32>
    %sub3A_1234 = arith.subi %sub3A_1205, %mul3A_1233 : vector<16xi32>
    %shift_left3A_1235 = arith.constant 1 : i32
    %shift_left3A_1236 = vector.broadcast %shift_left3A_1235 : i32 to vector<16xi32>
    %shift_left3A_1237 = arith.shli %or3A_1224, %shift_left3A_1236 : vector<16xi32>
    %or3A_1238 = arith.ori %shift_left3A_1237, %shift_right_arithmetic3A_1230 : vector<16xi32>
    %gather3A_1239 = tpu.vector_load_idx %arg5[%or3A_1238] : memref<256xi32, #tpu.memory_space<vmem>>[vector<16xi32>], vector<16xi32>,
    %mul3A_1240 = arith.constant 5 : i32
    %mul3A_1241 = vector.broadcast %mul3A_1240 : i32 to vector<16xi32>
    %mul3A_1242 = arith.muli %shift_right_arithmetic3A_1201, %mul3A_1241 : vector<16xi32>
    %add3A_1243 = arith.addi %mul3A_1242, %sub3A_1234 : vector<16xi32>
    %shift_left3A_1244 = arith.constant 10 : i32
    %shift_left3A_1245 = vector.broadcast %shift_left3A_1244 : i32 to vector<16xi32>
    %shift_left3A_1246 = arith.shli %add3A_1243, %shift_left3A_1245 : vector<16xi32>
    %shift_right_arithmetic3A_1247 = arith.constant 3 : i32
    %shift_right_arithmetic3A_1248 = vector.broadcast %shift_right_arithmetic3A_1247 : i32 to vector<16xi32>
    %shift_right_arithmetic3A_1249 = arith.shrsi %gather3A_1239, %shift_right_arithmetic3A_1248 : vector<16xi32>
    %shift_left3A_1250 = arith.constant 7 : i32
    %shift_left3A_1251 = vector.broadcast %shift_left3A_1250 : i32 to vector<16xi32>
    %shift_left3A_1252 = arith.shli %shift_right_arithmetic3A_1249, %shift_left3A_1251 : vector<16xi32>
    %or3A_1253 = arith.ori %shift_left3A_1246, %shift_left3A_1252 : vector<16xi32>
    %shift_left3A_1254 = arith.constant 3 : i32
    %shift_left3A_1255 = vector.broadcast %shift_left3A_1254 : i32 to vector<16xi32>
    %shift_left3A_1256 = arith.shli %and3A_1217, %shift_left3A_1255 : vector<16xi32>
    %or3A_1257 = arith.ori %or3A_1253, %shift_left3A_1256 : vector<16xi32>
    %and3A_1258 = arith.constant 7 : i32
    %and3A_1259 = vector.broadcast %and3A_1258 : i32 to vector<16xi32>
    %and3A_1260 = arith.andi %gather3A_1239, %and3A_1259 : vector<16xi32>
    %or3A_1261 = arith.ori %or3A_1257, %and3A_1260 : vector<16xi32>
    %swap3A_1262 = arith.constant 1 : i32
    %swap3A_1263 = arith.index_cast %swap3A_1262 : i32 to index
    %swap3A_1264 = arith.constant 112 : index
    %swap3A_1265 = tpu.vector_load %arg6[%swap3A_1263, %swap3A_1264] {strides = array<i32>} : memref<60x128xi32, #tpu.memory_space<vmem>>, vector<16xi32>,
    tpu.vector_store %arg6[%swap3A_1263, %swap3A_1264], %or3A_1261 {strides = array<i32>} : memref<60x128xi32, #tpu.memory_space<vmem>>, vector<16xi32>,
    %dma_start3A_1266 = arith.constant 1 : i32
    %dma_start3A_1267 = arith.constant 0 : i32
    %dma_start3A_1268 = tpu.memref_slice %arg6[%dma_start3A_1266, %dma_start3A_1267] : memref<60x128xi32, #tpu.memory_space<vmem>> -> memref<1x128xi32, #tpu.memory_space<vmem>>
    %dma_start3A_1269 = tpu.memref_squeeze %dma_start3A_1268 : memref<1x128xi32, #tpu.memory_space<vmem>> -> memref<128xi32, #tpu.memory_space<vmem>>
    %dma_start3A_1270 = arith.constant 0 : i32
    %dma_start3A_1271 = arith.constant 0 : i32
    %dma_start3A_1272 = tpu.memref_slice %arg2[%dma_start3A_1270, %dma_start3A_1271] : memref<61440x128xf32, #tpu.memory_space<hbm>> -> memref<61440x128xf32, #tpu.memory_space<hbm>>
    tpu.enqueue_indirect_dma source(%dma_start3A_1272 : memref<61440x128xf32, #tpu.memory_space<hbm>>) target(%arg8 : memref<128x128xf32, #tpu.memory_space<vmem>>) offsets(%dma_start3A_1269 : memref<128xi32, #tpu.memory_space<vmem>>) semaphore(%arg12 : memref<!tpu.dma_semaphore, #tpu.memory_space<semaphore_mem>>)
    %add3A_1273 = arith.constant 256 : i32
    %add3A_1274 = arith.addi %mul3A_2, %add3A_1273 : i32
    %add3A_1275 = arith.constant 0 : i32
    %add3A_1276 = arith.addi %add3A_1274, %add3A_1275 : i32
    %add3A_1277 = vector.broadcast %add3A_1276 : i32 to vector<16xi32>
    %add3A_1278 = arith.addi %add3A_1277, %iota3A : vector<16xi32>
    %shift_right_arithmetic3A_1279 = arith.constant 11 : i32
    %shift_right_arithmetic3A_1280 = vector.broadcast %shift_right_arithmetic3A_1279 : i32 to vector<16xi32>
    %shift_right_arithmetic3A_1281 = arith.shrsi %add3A_1278, %shift_right_arithmetic3A_1280 : vector<16xi32>
    %mul3A_1282 = arith.constant 205 : i32
    %mul3A_1283 = vector.broadcast %mul3A_1282 : i32 to vector<16xi32>
    %mul3A_1284 = arith.muli %shift_right_arithmetic3A_1281, %mul3A_1283 : vector<16xi32>
    %shift_right_arithmetic3A_1285 = arith.constant 11 : i32
    %shift_right_arithmetic3A_1286 = vector.broadcast %shift_right_arithmetic3A_1285 : i32 to vector<16xi32>
    %shift_right_arithmetic3A_1287 = arith.shrsi %mul3A_1284, %shift_right_arithmetic3A_1286 : vector<16xi32>
    %mul3A_1288 = arith.constant 10 : i32
    %mul3A_1289 = vector.broadcast %mul3A_1288 : i32 to vector<16xi32>
    %mul3A_1290 = arith.muli %shift_right_arithmetic3A_1287, %mul3A_1289 : vector<16xi32>
    %sub3A_1291 = arith.subi %shift_right_arithmetic3A_1281, %mul3A_1290 : vector<16xi32>
    %and3A_1292 = arith.constant 2047 : i32
    %and3A_1293 = vector.broadcast %and3A_1292 : i32 to vector<16xi32>
    %and3A_1294 = arith.andi %add3A_1278, %and3A_1293 : vector<16xi32>
    %shift_right_arithmetic3A_1295 = arith.constant 7 : i32
    %shift_right_arithmetic3A_1296 = vector.broadcast %shift_right_arithmetic3A_1295 : i32 to vector<16xi32>
    %shift_right_arithmetic3A_1297 = arith.shrsi %and3A_1294, %shift_right_arithmetic3A_1296 : vector<16xi32>
    %shift_right_arithmetic3A_1298 = arith.constant 3 : i32
    %shift_right_arithmetic3A_1299 = vector.broadcast %shift_right_arithmetic3A_1298 : i32 to vector<16xi32>
    %shift_right_arithmetic3A_1300 = arith.shrsi %and3A_1294, %shift_right_arithmetic3A_1299 : vector<16xi32>
    %and3A_1301 = arith.constant 15 : i32
    %and3A_1302 = vector.broadcast %and3A_1301 : i32 to vector<16xi32>
    %and3A_1303 = arith.andi %shift_right_arithmetic3A_1300, %and3A_1302 : vector<16xi32>
    %and3A_1304 = arith.constant 7 : i32
    %and3A_1305 = vector.broadcast %and3A_1304 : i32 to vector<16xi32>
    %and3A_1306 = arith.andi %and3A_1294, %and3A_1305 : vector<16xi32>
    %shift_left3A_1307 = arith.constant 3 : i32
    %shift_left3A_1308 = vector.broadcast %shift_left3A_1307 : i32 to vector<16xi32>
    %shift_left3A_1309 = arith.shli %shift_right_arithmetic3A_1297, %shift_left3A_1308 : vector<16xi32>
    %or3A_1310 = arith.ori %shift_left3A_1309, %and3A_1306 : vector<16xi32>
    %mul3A_1311 = arith.constant 52 : i32
    %mul3A_1312 = vector.broadcast %mul3A_1311 : i32 to vector<16xi32>
    %mul3A_1313 = arith.muli %sub3A_1291, %mul3A_1312 : vector<16xi32>
    %shift_right_arithmetic3A_1314 = arith.constant 8 : i32
    %shift_right_arithmetic3A_1315 = vector.broadcast %shift_right_arithmetic3A_1314 : i32 to vector<16xi32>
    %shift_right_arithmetic3A_1316 = arith.shrsi %mul3A_1313, %shift_right_arithmetic3A_1315 : vector<16xi32>
    %mul3A_1317 = arith.constant 5 : i32
    %mul3A_1318 = vector.broadcast %mul3A_1317 : i32 to vector<16xi32>
    %mul3A_1319 = arith.muli %shift_right_arithmetic3A_1316, %mul3A_1318 : vector<16xi32>
    %sub3A_1320 = arith.subi %sub3A_1291, %mul3A_1319 : vector<16xi32>
    %shift_left3A_1321 = arith.constant 1 : i32
    %shift_left3A_1322 = vector.broadcast %shift_left3A_1321 : i32 to vector<16xi32>
    %shift_left3A_1323 = arith.shli %or3A_1310, %shift_left3A_1322 : vector<16xi32>
    %or3A_1324 = arith.ori %shift_left3A_1323, %shift_right_arithmetic3A_1316 : vector<16xi32>
    %gather3A_1325 = tpu.vector_load_idx %arg5[%or3A_1324] : memref<256xi32, #tpu.memory_space<vmem>>[vector<16xi32>], vector<16xi32>,
    %mul3A_1326 = arith.constant 5 : i32
    %mul3A_1327 = vector.broadcast %mul3A_1326 : i32 to vector<16xi32>
    %mul3A_1328 = arith.muli %shift_right_arithmetic3A_1287, %mul3A_1327 : vector<16xi32>
    %add3A_1329 = arith.addi %mul3A_1328, %sub3A_1320 : vector<16xi32>
    %shift_left3A_1330 = arith.constant 10 : i32
    %shift_left3A_1331 = vector.broadcast %shift_left3A_1330 : i32 to vector<16xi32>
    %shift_left3A_1332 = arith.shli %add3A_1329, %shift_left3A_1331 : vector<16xi32>
    %shift_right_arithmetic3A_1333 = arith.constant 3 : i32
    %shift_right_arithmetic3A_1334 = vector.broadcast %shift_right_arithmetic3A_1333 : i32 to vector<16xi32>
    %shift_right_arithmetic3A_1335 = arith.shrsi %gather3A_1325, %shift_right_arithmetic3A_1334 : vector<16xi32>
    %shift_left3A_1336 = arith.constant 7 : i32
    %shift_left3A_1337 = vector.broadcast %shift_left3A_1336 : i32 to vector<16xi32>
    %shift_left3A_1338 = arith.shli %shift_right_arithmetic3A_1335, %shift_left3A_1337 : vector<16xi32>
    %or3A_1339 = arith.ori %shift_left3A_1332, %shift_left3A_1338 : vector<16xi32>
    %shift_left3A_1340 = arith.constant 3 : i32
    %shift_left3A_1341 = vector.broadcast %shift_left3A_1340 : i32 to vector<16xi32>
    %shift_left3A_1342 = arith.shli %and3A_1303, %shift_left3A_1341 : vector<16xi32>
    %or3A_1343 = arith.ori %or3A_1339, %shift_left3A_1342 : vector<16xi32>
    %and3A_1344 = arith.constant 7 : i32
    %and3A_1345 = vector.broadcast %and3A_1344 : i32 to vector<16xi32>
    %and3A_1346 = arith.andi %gather3A_1325, %and3A_1345 : vector<16xi32>
    %or3A_1347 = arith.ori %or3A_1343, %and3A_1346 : vector<16xi32>
    %swap3A_1348 = arith.constant 2 : i32
    %swap3A_1349 = arith.index_cast %swap3A_1348 : i32 to index
    %swap3A_1350 = arith.constant 0 : index
    %swap3A_1351 = tpu.vector_load %arg6[%swap3A_1349, %swap3A_1350] {strides = array<i32>} : memref<60x128xi32, #tpu.memory_space<vmem>>, vector<16xi32>,
    tpu.vector_store %arg6[%swap3A_1349, %swap3A_1350], %or3A_1347 {strides = array<i32>} : memref<60x128xi32, #tpu.memory_space<vmem>>, vector<16xi32>,
    %add3A_1352 = arith.constant 256 : i32
    %add3A_1353 = arith.addi %mul3A_2, %add3A_1352 : i32
    %add3A_1354 = arith.constant 16 : i32
    %add3A_1355 = arith.addi %add3A_1353, %add3A_1354 : i32
    %add3A_1356 = vector.broadcast %add3A_1355 : i32 to vector<16xi32>
    %add3A_1357 = arith.addi %add3A_1356, %iota3A : vector<16xi32>
    %shift_right_arithmetic3A_1358 = arith.constant 11 : i32
    %shift_right_arithmetic3A_1359 = vector.broadcast %shift_right_arithmetic3A_1358 : i32 to vector<16xi32>
    %shift_right_arithmetic3A_1360 = arith.shrsi %add3A_1357, %shift_right_arithmetic3A_1359 : vector<16xi32>
    %mul3A_1361 = arith.constant 205 : i32
    %mul3A_1362 = vector.broadcast %mul3A_1361 : i32 to vector<16xi32>
    %mul3A_1363 = arith.muli %shift_right_arithmetic3A_1360, %mul3A_1362 : vector<16xi32>
    %shift_right_arithmetic3A_1364 = arith.constant 11 : i32
    %shift_right_arithmetic3A_1365 = vector.broadcast %shift_right_arithmetic3A_1364 : i32 to vector<16xi32>
    %shift_right_arithmetic3A_1366 = arith.shrsi %mul3A_1363, %shift_right_arithmetic3A_1365 : vector<16xi32>
    %mul3A_1367 = arith.constant 10 : i32
    %mul3A_1368 = vector.broadcast %mul3A_1367 : i32 to vector<16xi32>
    %mul3A_1369 = arith.muli %shift_right_arithmetic3A_1366, %mul3A_1368 : vector<16xi32>
    %sub3A_1370 = arith.subi %shift_right_arithmetic3A_1360, %mul3A_1369 : vector<16xi32>
    %and3A_1371 = arith.constant 2047 : i32
    %and3A_1372 = vector.broadcast %and3A_1371 : i32 to vector<16xi32>
    %and3A_1373 = arith.andi %add3A_1357, %and3A_1372 : vector<16xi32>
    %shift_right_arithmetic3A_1374 = arith.constant 7 : i32
    %shift_right_arithmetic3A_1375 = vector.broadcast %shift_right_arithmetic3A_1374 : i32 to vector<16xi32>
    %shift_right_arithmetic3A_1376 = arith.shrsi %and3A_1373, %shift_right_arithmetic3A_1375 : vector<16xi32>
    %shift_right_arithmetic3A_1377 = arith.constant 3 : i32
    %shift_right_arithmetic3A_1378 = vector.broadcast %shift_right_arithmetic3A_1377 : i32 to vector<16xi32>
    %shift_right_arithmetic3A_1379 = arith.shrsi %and3A_1373, %shift_right_arithmetic3A_1378 : vector<16xi32>
    %and3A_1380 = arith.constant 15 : i32
    %and3A_1381 = vector.broadcast %and3A_1380 : i32 to vector<16xi32>
    %and3A_1382 = arith.andi %shift_right_arithmetic3A_1379, %and3A_1381 : vector<16xi32>
    %and3A_1383 = arith.constant 7 : i32
    %and3A_1384 = vector.broadcast %and3A_1383 : i32 to vector<16xi32>
    %and3A_1385 = arith.andi %and3A_1373, %and3A_1384 : vector<16xi32>
    %shift_left3A_1386 = arith.constant 3 : i32
    %shift_left3A_1387 = vector.broadcast %shift_left3A_1386 : i32 to vector<16xi32>
    %shift_left3A_1388 = arith.shli %shift_right_arithmetic3A_1376, %shift_left3A_1387 : vector<16xi32>
    %or3A_1389 = arith.ori %shift_left3A_1388, %and3A_1385 : vector<16xi32>
    %mul3A_1390 = arith.constant 52 : i32
    %mul3A_1391 = vector.broadcast %mul3A_1390 : i32 to vector<16xi32>
    %mul3A_1392 = arith.muli %sub3A_1370, %mul3A_1391 : vector<16xi32>
    %shift_right_arithmetic3A_1393 = arith.constant 8 : i32
    %shift_right_arithmetic3A_1394 = vector.broadcast %shift_right_arithmetic3A_1393 : i32 to vector<16xi32>
    %shift_right_arithmetic3A_1395 = arith.shrsi %mul3A_1392, %shift_right_arithmetic3A_1394 : vector<16xi32>
    %mul3A_1396 = arith.constant 5 : i32
    %mul3A_1397 = vector.broadcast %mul3A_1396 : i32 to vector<16xi32>
    %mul3A_1398 = arith.muli %shift_right_arithmetic3A_1395, %mul3A_1397 : vector<16xi32>
    %sub3A_1399 = arith.subi %sub3A_1370, %mul3A_1398 : vector<16xi32>
    %shift_left3A_1400 = arith.constant 1 : i32
    %shift_left3A_1401 = vector.broadcast %shift_left3A_1400 : i32 to vector<16xi32>
    %shift_left3A_1402 = arith.shli %or3A_1389, %shift_left3A_1401 : vector<16xi32>
    %or3A_1403 = arith.ori %shift_left3A_1402, %shift_right_arithmetic3A_1395 : vector<16xi32>
    %gather3A_1404 = tpu.vector_load_idx %arg5[%or3A_1403] : memref<256xi32, #tpu.memory_space<vmem>>[vector<16xi32>], vector<16xi32>,
    %mul3A_1405 = arith.constant 5 : i32
    %mul3A_1406 = vector.broadcast %mul3A_1405 : i32 to vector<16xi32>
    %mul3A_1407 = arith.muli %shift_right_arithmetic3A_1366, %mul3A_1406 : vector<16xi32>
    %add3A_1408 = arith.addi %mul3A_1407, %sub3A_1399 : vector<16xi32>
    %shift_left3A_1409 = arith.constant 10 : i32
    %shift_left3A_1410 = vector.broadcast %shift_left3A_1409 : i32 to vector<16xi32>
    %shift_left3A_1411 = arith.shli %add3A_1408, %shift_left3A_1410 : vector<16xi32>
    %shift_right_arithmetic3A_1412 = arith.constant 3 : i32
    %shift_right_arithmetic3A_1413 = vector.broadcast %shift_right_arithmetic3A_1412 : i32 to vector<16xi32>
    %shift_right_arithmetic3A_1414 = arith.shrsi %gather3A_1404, %shift_right_arithmetic3A_1413 : vector<16xi32>
    %shift_left3A_1415 = arith.constant 7 : i32
    %shift_left3A_1416 = vector.broadcast %shift_left3A_1415 : i32 to vector<16xi32>
    %shift_left3A_1417 = arith.shli %shift_right_arithmetic3A_1414, %shift_left3A_1416 : vector<16xi32>
    %or3A_1418 = arith.ori %shift_left3A_1411, %shift_left3A_1417 : vector<16xi32>
    %shift_left3A_1419 = arith.constant 3 : i32
    %shift_left3A_1420 = vector.broadcast %shift_left3A_1419 : i32 to vector<16xi32>
    %shift_left3A_1421 = arith.shli %and3A_1382, %shift_left3A_1420 : vector<16xi32>
    %or3A_1422 = arith.ori %or3A_1418, %shift_left3A_1421 : vector<16xi32>
    %and3A_1423 = arith.constant 7 : i32
    %and3A_1424 = vector.broadcast %and3A_1423 : i32 to vector<16xi32>
    %and3A_1425 = arith.andi %gather3A_1404, %and3A_1424 : vector<16xi32>
    %or3A_1426 = arith.ori %or3A_1422, %and3A_1425 : vector<16xi32>
    %swap3A_1427 = arith.constant 2 : i32
    %swap3A_1428 = arith.index_cast %swap3A_1427 : i32 to index
    %swap3A_1429 = arith.constant 16 : index
    %swap3A_1430 = tpu.vector_load %arg6[%swap3A_1428, %swap3A_1429] {strides = array<i32>} : memref<60x128xi32, #tpu.memory_space<vmem>>, vector<16xi32>,
    tpu.vector_store %arg6[%swap3A_1428, %swap3A_1429], %or3A_1426 {strides = array<i32>} : memref<60x128xi32, #tpu.memory_space<vmem>>, vector<16xi32>,
    %add3A_1431 = arith.constant 256 : i32
    %add3A_1432 = arith.addi %mul3A_2, %add3A_1431 : i32
    %add3A_1433 = arith.constant 32 : i32
    %add3A_1434 = arith.addi %add3A_1432, %add3A_1433 : i32
    %add3A_1435 = vector.broadcast %add3A_1434 : i32 to vector<16xi32>
    %add3A_1436 = arith.addi %add3A_1435, %iota3A : vector<16xi32>
    %shift_right_arithmetic3A_1437 = arith.constant 11 : i32
    %shift_right_arithmetic3A_1438 = vector.broadcast %shift_right_arithmetic3A_1437 : i32 to vector<16xi32>
    %shift_right_arithmetic3A_1439 = arith.shrsi %add3A_1436, %shift_right_arithmetic3A_1438 : vector<16xi32>
    %mul3A_1440 = arith.constant 205 : i32
    %mul3A_1441 = vector.broadcast %mul3A_1440 : i32 to vector<16xi32>
    %mul3A_1442 = arith.muli %shift_right_arithmetic3A_1439, %mul3A_1441 : vector<16xi32>
    %shift_right_arithmetic3A_1443 = arith.constant 11 : i32
    %shift_right_arithmetic3A_1444 = vector.broadcast %shift_right_arithmetic3A_1443 : i32 to vector<16xi32>
    %shift_right_arithmetic3A_1445 = arith.shrsi %mul3A_1442, %shift_right_arithmetic3A_1444 : vector<16xi32>
    %mul3A_1446 = arith.constant 10 : i32
    %mul3A_1447 = vector.broadcast %mul3A_1446 : i32 to vector<16xi32>
    %mul3A_1448 = arith.muli %shift_right_arithmetic3A_1445, %mul3A_1447 : vector<16xi32>
    %sub3A_1449 = arith.subi %shift_right_arithmetic3A_1439, %mul3A_1448 : vector<16xi32>
    %and3A_1450 = arith.constant 2047 : i32
    %and3A_1451 = vector.broadcast %and3A_1450 : i32 to vector<16xi32>
    %and3A_1452 = arith.andi %add3A_1436, %and3A_1451 : vector<16xi32>
    %shift_right_arithmetic3A_1453 = arith.constant 7 : i32
    %shift_right_arithmetic3A_1454 = vector.broadcast %shift_right_arithmetic3A_1453 : i32 to vector<16xi32>
    %shift_right_arithmetic3A_1455 = arith.shrsi %and3A_1452, %shift_right_arithmetic3A_1454 : vector<16xi32>
    %shift_right_arithmetic3A_1456 = arith.constant 3 : i32
    %shift_right_arithmetic3A_1457 = vector.broadcast %shift_right_arithmetic3A_1456 : i32 to vector<16xi32>
    %shift_right_arithmetic3A_1458 = arith.shrsi %and3A_1452, %shift_right_arithmetic3A_1457 : vector<16xi32>
    %and3A_1459 = arith.constant 15 : i32
    %and3A_1460 = vector.broadcast %and3A_1459 : i32 to vector<16xi32>
    %and3A_1461 = arith.andi %shift_right_arithmetic3A_1458, %and3A_1460 : vector<16xi32>
    %and3A_1462 = arith.constant 7 : i32
    %and3A_1463 = vector.broadcast %and3A_1462 : i32 to vector<16xi32>
    %and3A_1464 = arith.andi %and3A_1452, %and3A_1463 : vector<16xi32>
    %shift_left3A_1465 = arith.constant 3 : i32
    %shift_left3A_1466 = vector.broadcast %shift_left3A_1465 : i32 to vector<16xi32>
    %shift_left3A_1467 = arith.shli %shift_right_arithmetic3A_1455, %shift_left3A_1466 : vector<16xi32>
    %or3A_1468 = arith.ori %shift_left3A_1467, %and3A_1464 : vector<16xi32>
    %mul3A_1469 = arith.constant 52 : i32
    %mul3A_1470 = vector.broadcast %mul3A_1469 : i32 to vector<16xi32>
    %mul3A_1471 = arith.muli %sub3A_1449, %mul3A_1470 : vector<16xi32>
    %shift_right_arithmetic3A_1472 = arith.constant 8 : i32
    %shift_right_arithmetic3A_1473 = vector.broadcast %shift_right_arithmetic3A_1472 : i32 to vector<16xi32>
    %shift_right_arithmetic3A_1474 = arith.shrsi %mul3A_1471, %shift_right_arithmetic3A_1473 : vector<16xi32>
    %mul3A_1475 = arith.constant 5 : i32
    %mul3A_1476 = vector.broadcast %mul3A_1475 : i32 to vector<16xi32>
    %mul3A_1477 = arith.muli %shift_right_arithmetic3A_1474, %mul3A_1476 : vector<16xi32>
    %sub3A_1478 = arith.subi %sub3A_1449, %mul3A_1477 : vector<16xi32>
    %shift_left3A_1479 = arith.constant 1 : i32
    %shift_left3A_1480 = vector.broadcast %shift_left3A_1479 : i32 to vector<16xi32>
    %shift_left3A_1481 = arith.shli %or3A_1468, %shift_left3A_1480 : vector<16xi32>
    %or3A_1482 = arith.ori %shift_left3A_1481, %shift_right_arithmetic3A_1474 : vector<16xi32>
    %gather3A_1483 = tpu.vector_load_idx %arg5[%or3A_1482] : memref<256xi32, #tpu.memory_space<vmem>>[vector<16xi32>], vector<16xi32>,
    %mul3A_1484 = arith.constant 5 : i32
    %mul3A_1485 = vector.broadcast %mul3A_1484 : i32 to vector<16xi32>
    %mul3A_1486 = arith.muli %shift_right_arithmetic3A_1445, %mul3A_1485 : vector<16xi32>
    %add3A_1487 = arith.addi %mul3A_1486, %sub3A_1478 : vector<16xi32>
    %shift_left3A_1488 = arith.constant 10 : i32
    %shift_left3A_1489 = vector.broadcast %shift_left3A_1488 : i32 to vector<16xi32>
    %shift_left3A_1490 = arith.shli %add3A_1487, %shift_left3A_1489 : vector<16xi32>
    %shift_right_arithmetic3A_1491 = arith.constant 3 : i32
    %shift_right_arithmetic3A_1492 = vector.broadcast %shift_right_arithmetic3A_1491 : i32 to vector<16xi32>
    %shift_right_arithmetic3A_1493 = arith.shrsi %gather3A_1483, %shift_right_arithmetic3A_1492 : vector<16xi32>
    %shift_left3A_1494 = arith.constant 7 : i32
    %shift_left3A_1495 = vector.broadcast %shift_left3A_1494 : i32 to vector<16xi32>
    %shift_left3A_1496 = arith.shli %shift_right_arithmetic3A_1493, %shift_left3A_1495 : vector<16xi32>
    %or3A_1497 = arith.ori %shift_left3A_1490, %shift_left3A_1496 : vector<16xi32>
    %shift_left3A_1498 = arith.constant 3 : i32
    %shift_left3A_1499 = vector.broadcast %shift_left3A_1498 : i32 to vector<16xi32>
    %shift_left3A_1500 = arith.shli %and3A_1461, %shift_left3A_1499 : vector<16xi32>
    %or3A_1501 = arith.ori %or3A_1497, %shift_left3A_1500 : vector<16xi32>
    %and3A_1502 = arith.constant 7 : i32
    %and3A_1503 = vector.broadcast %and3A_1502 : i32 to vector<16xi32>
    %and3A_1504 = arith.andi %gather3A_1483, %and3A_1503 : vector<16xi32>
    %or3A_1505 = arith.ori %or3A_1501, %and3A_1504 : vector<16xi32>
    %swap3A_1506 = arith.constant 2 : i32
    %swap3A_1507 = arith.index_cast %swap3A_1506 : i32 to index
    %swap3A_1508 = arith.constant 32 : index
    %swap3A_1509 = tpu.vector_load %arg6[%swap3A_1507, %swap3A_1508] {strides = array<i32>} : memref<60x128xi32, #tpu.memory_space<vmem>>, vector<16xi32>,
    tpu.vector_store %arg6[%swap3A_1507, %swap3A_1508], %or3A_1505 {strides = array<i32>} : memref<60x128xi32, #tpu.memory_space<vmem>>, vector<16xi32>,
    %add3A_1510 = arith.constant 256 : i32
    %add3A_1511 = arith.addi %mul3A_2, %add3A_1510 : i32
    %add3A_1512 = arith.constant 48 : i32
    %add3A_1513 = arith.addi %add3A_1511, %add3A_1512 : i32
    %add3A_1514 = vector.broadcast %add3A_1513 : i32 to vector<16xi32>
    %add3A_1515 = arith.addi %add3A_1514, %iota3A : vector<16xi32>
    %shift_right_arithmetic3A_1516 = arith.constant 11 : i32
    %shift_right_arithmetic3A_1517 = vector.broadcast %shift_right_arithmetic3A_1516 : i32 to vector<16xi32>
    %shift_right_arithmetic3A_1518 = arith.shrsi %add3A_1515, %shift_right_arithmetic3A_1517 : vector<16xi32>
    %mul3A_1519 = arith.constant 205 : i32
    %mul3A_1520 = vector.broadcast %mul3A_1519 : i32 to vector<16xi32>
    %mul3A_1521 = arith.muli %shift_right_arithmetic3A_1518, %mul3A_1520 : vector<16xi32>
    %shift_right_arithmetic3A_1522 = arith.constant 11 : i32
    %shift_right_arithmetic3A_1523 = vector.broadcast %shift_right_arithmetic3A_1522 : i32 to vector<16xi32>
    %shift_right_arithmetic3A_1524 = arith.shrsi %mul3A_1521, %shift_right_arithmetic3A_1523 : vector<16xi32>
    %mul3A_1525 = arith.constant 10 : i32
    %mul3A_1526 = vector.broadcast %mul3A_1525 : i32 to vector<16xi32>
    %mul3A_1527 = arith.muli %shift_right_arithmetic3A_1524, %mul3A_1526 : vector<16xi32>
    %sub3A_1528 = arith.subi %shift_right_arithmetic3A_1518, %mul3A_1527 : vector<16xi32>
    %and3A_1529 = arith.constant 2047 : i32
    %and3A_1530 = vector.broadcast %and3A_1529 : i32 to vector<16xi32>
    %and3A_1531 = arith.andi %add3A_1515, %and3A_1530 : vector<16xi32>
    %shift_right_arithmetic3A_1532 = arith.constant 7 : i32
    %shift_right_arithmetic3A_1533 = vector.broadcast %shift_right_arithmetic3A_1532 : i32 to vector<16xi32>
    %shift_right_arithmetic3A_1534 = arith.shrsi %and3A_1531, %shift_right_arithmetic3A_1533 : vector<16xi32>
    %shift_right_arithmetic3A_1535 = arith.constant 3 : i32
    %shift_right_arithmetic3A_1536 = vector.broadcast %shift_right_arithmetic3A_1535 : i32 to vector<16xi32>
    %shift_right_arithmetic3A_1537 = arith.shrsi %and3A_1531, %shift_right_arithmetic3A_1536 : vector<16xi32>
    %and3A_1538 = arith.constant 15 : i32
    %and3A_1539 = vector.broadcast %and3A_1538 : i32 to vector<16xi32>
    %and3A_1540 = arith.andi %shift_right_arithmetic3A_1537, %and3A_1539 : vector<16xi32>
    %and3A_1541 = arith.constant 7 : i32
    %and3A_1542 = vector.broadcast %and3A_1541 : i32 to vector<16xi32>
    %and3A_1543 = arith.andi %and3A_1531, %and3A_1542 : vector<16xi32>
    %shift_left3A_1544 = arith.constant 3 : i32
    %shift_left3A_1545 = vector.broadcast %shift_left3A_1544 : i32 to vector<16xi32>
    %shift_left3A_1546 = arith.shli %shift_right_arithmetic3A_1534, %shift_left3A_1545 : vector<16xi32>
    %or3A_1547 = arith.ori %shift_left3A_1546, %and3A_1543 : vector<16xi32>
    %mul3A_1548 = arith.constant 52 : i32
    %mul3A_1549 = vector.broadcast %mul3A_1548 : i32 to vector<16xi32>
    %mul3A_1550 = arith.muli %sub3A_1528, %mul3A_1549 : vector<16xi32>
    %shift_right_arithmetic3A_1551 = arith.constant 8 : i32
    %shift_right_arithmetic3A_1552 = vector.broadcast %shift_right_arithmetic3A_1551 : i32 to vector<16xi32>
    %shift_right_arithmetic3A_1553 = arith.shrsi %mul3A_1550, %shift_right_arithmetic3A_1552 : vector<16xi32>
    %mul3A_1554 = arith.constant 5 : i32
    %mul3A_1555 = vector.broadcast %mul3A_1554 : i32 to vector<16xi32>
    %mul3A_1556 = arith.muli %shift_right_arithmetic3A_1553, %mul3A_1555 : vector<16xi32>
    %sub3A_1557 = arith.subi %sub3A_1528, %mul3A_1556 : vector<16xi32>
    %shift_left3A_1558 = arith.constant 1 : i32
    %shift_left3A_1559 = vector.broadcast %shift_left3A_1558 : i32 to vector<16xi32>
    %shift_left3A_1560 = arith.shli %or3A_1547, %shift_left3A_1559 : vector<16xi32>
    %or3A_1561 = arith.ori %shift_left3A_1560, %shift_right_arithmetic3A_1553 : vector<16xi32>
    %gather3A_1562 = tpu.vector_load_idx %arg5[%or3A_1561] : memref<256xi32, #tpu.memory_space<vmem>>[vector<16xi32>], vector<16xi32>,
    %mul3A_1563 = arith.constant 5 : i32
    %mul3A_1564 = vector.broadcast %mul3A_1563 : i32 to vector<16xi32>
    %mul3A_1565 = arith.muli %shift_right_arithmetic3A_1524, %mul3A_1564 : vector<16xi32>
    %add3A_1566 = arith.addi %mul3A_1565, %sub3A_1557 : vector<16xi32>
    %shift_left3A_1567 = arith.constant 10 : i32
    %shift_left3A_1568 = vector.broadcast %shift_left3A_1567 : i32 to vector<16xi32>
    %shift_left3A_1569 = arith.shli %add3A_1566, %shift_left3A_1568 : vector<16xi32>
    %shift_right_arithmetic3A_1570 = arith.constant 3 : i32
    %shift_right_arithmetic3A_1571 = vector.broadcast %shift_right_arithmetic3A_1570 : i32 to vector<16xi32>
    %shift_right_arithmetic3A_1572 = arith.shrsi %gather3A_1562, %shift_right_arithmetic3A_1571 : vector<16xi32>
    %shift_left3A_1573 = arith.constant 7 : i32
    %shift_left3A_1574 = vector.broadcast %shift_left3A_1573 : i32 to vector<16xi32>
    %shift_left3A_1575 = arith.shli %shift_right_arithmetic3A_1572, %shift_left3A_1574 : vector<16xi32>
    %or3A_1576 = arith.ori %shift_left3A_1569, %shift_left3A_1575 : vector<16xi32>
    %shift_left3A_1577 = arith.constant 3 : i32
    %shift_left3A_1578 = vector.broadcast %shift_left3A_1577 : i32 to vector<16xi32>
    %shift_left3A_1579 = arith.shli %and3A_1540, %shift_left3A_1578 : vector<16xi32>
    %or3A_1580 = arith.ori %or3A_1576, %shift_left3A_1579 : vector<16xi32>
    %and3A_1581 = arith.constant 7 : i32
    %and3A_1582 = vector.broadcast %and3A_1581 : i32 to vector<16xi32>
    %and3A_1583 = arith.andi %gather3A_1562, %and3A_1582 : vector<16xi32>
    %or3A_1584 = arith.ori %or3A_1580, %and3A_1583 : vector<16xi32>
    %swap3A_1585 = arith.constant 2 : i32
    %swap3A_1586 = arith.index_cast %swap3A_1585 : i32 to index
    %swap3A_1587 = arith.constant 48 : index
    %swap3A_1588 = tpu.vector_load %arg6[%swap3A_1586, %swap3A_1587] {strides = array<i32>} : memref<60x128xi32, #tpu.memory_space<vmem>>, vector<16xi32>,
    tpu.vector_store %arg6[%swap3A_1586, %swap3A_1587], %or3A_1584 {strides = array<i32>} : memref<60x128xi32, #tpu.memory_space<vmem>>, vector<16xi32>,
    %add3A_1589 = arith.constant 256 : i32
    %add3A_1590 = arith.addi %mul3A_2, %add3A_1589 : i32
    %add3A_1591 = arith.constant 64 : i32
    %add3A_1592 = arith.addi %add3A_1590, %add3A_1591 : i32
    %add3A_1593 = vector.broadcast %add3A_1592 : i32 to vector<16xi32>
    %add3A_1594 = arith.addi %add3A_1593, %iota3A : vector<16xi32>
    %shift_right_arithmetic3A_1595 = arith.constant 11 : i32
    %shift_right_arithmetic3A_1596 = vector.broadcast %shift_right_arithmetic3A_1595 : i32 to vector<16xi32>
    %shift_right_arithmetic3A_1597 = arith.shrsi %add3A_1594, %shift_right_arithmetic3A_1596 : vector<16xi32>
    %mul3A_1598 = arith.constant 205 : i32
    %mul3A_1599 = vector.broadcast %mul3A_1598 : i32 to vector<16xi32>
    %mul3A_1600 = arith.muli %shift_right_arithmetic3A_1597, %mul3A_1599 : vector<16xi32>
    %shift_right_arithmetic3A_1601 = arith.constant 11 : i32
    %shift_right_arithmetic3A_1602 = vector.broadcast %shift_right_arithmetic3A_1601 : i32 to vector<16xi32>
    %shift_right_arithmetic3A_1603 = arith.shrsi %mul3A_1600, %shift_right_arithmetic3A_1602 : vector<16xi32>
    %mul3A_1604 = arith.constant 10 : i32
    %mul3A_1605 = vector.broadcast %mul3A_1604 : i32 to vector<16xi32>
    %mul3A_1606 = arith.muli %shift_right_arithmetic3A_1603, %mul3A_1605 : vector<16xi32>
    %sub3A_1607 = arith.subi %shift_right_arithmetic3A_1597, %mul3A_1606 : vector<16xi32>
    %and3A_1608 = arith.constant 2047 : i32
    %and3A_1609 = vector.broadcast %and3A_1608 : i32 to vector<16xi32>
    %and3A_1610 = arith.andi %add3A_1594, %and3A_1609 : vector<16xi32>
    %shift_right_arithmetic3A_1611 = arith.constant 7 : i32
    %shift_right_arithmetic3A_1612 = vector.broadcast %shift_right_arithmetic3A_1611 : i32 to vector<16xi32>
    %shift_right_arithmetic3A_1613 = arith.shrsi %and3A_1610, %shift_right_arithmetic3A_1612 : vector<16xi32>
    %shift_right_arithmetic3A_1614 = arith.constant 3 : i32
    %shift_right_arithmetic3A_1615 = vector.broadcast %shift_right_arithmetic3A_1614 : i32 to vector<16xi32>
    %shift_right_arithmetic3A_1616 = arith.shrsi %and3A_1610, %shift_right_arithmetic3A_1615 : vector<16xi32>
    %and3A_1617 = arith.constant 15 : i32
    %and3A_1618 = vector.broadcast %and3A_1617 : i32 to vector<16xi32>
    %and3A_1619 = arith.andi %shift_right_arithmetic3A_1616, %and3A_1618 : vector<16xi32>
    %and3A_1620 = arith.constant 7 : i32
    %and3A_1621 = vector.broadcast %and3A_1620 : i32 to vector<16xi32>
    %and3A_1622 = arith.andi %and3A_1610, %and3A_1621 : vector<16xi32>
    %shift_left3A_1623 = arith.constant 3 : i32
    %shift_left3A_1624 = vector.broadcast %shift_left3A_1623 : i32 to vector<16xi32>
    %shift_left3A_1625 = arith.shli %shift_right_arithmetic3A_1613, %shift_left3A_1624 : vector<16xi32>
    %or3A_1626 = arith.ori %shift_left3A_1625, %and3A_1622 : vector<16xi32>
    %mul3A_1627 = arith.constant 52 : i32
    %mul3A_1628 = vector.broadcast %mul3A_1627 : i32 to vector<16xi32>
    %mul3A_1629 = arith.muli %sub3A_1607, %mul3A_1628 : vector<16xi32>
    %shift_right_arithmetic3A_1630 = arith.constant 8 : i32
    %shift_right_arithmetic3A_1631 = vector.broadcast %shift_right_arithmetic3A_1630 : i32 to vector<16xi32>
    %shift_right_arithmetic3A_1632 = arith.shrsi %mul3A_1629, %shift_right_arithmetic3A_1631 : vector<16xi32>
    %mul3A_1633 = arith.constant 5 : i32
    %mul3A_1634 = vector.broadcast %mul3A_1633 : i32 to vector<16xi32>
    %mul3A_1635 = arith.muli %shift_right_arithmetic3A_1632, %mul3A_1634 : vector<16xi32>
    %sub3A_1636 = arith.subi %sub3A_1607, %mul3A_1635 : vector<16xi32>
    %shift_left3A_1637 = arith.constant 1 : i32
    %shift_left3A_1638 = vector.broadcast %shift_left3A_1637 : i32 to vector<16xi32>
    %shift_left3A_1639 = arith.shli %or3A_1626, %shift_left3A_1638 : vector<16xi32>
    %or3A_1640 = arith.ori %shift_left3A_1639, %shift_right_arithmetic3A_1632 : vector<16xi32>
    %gather3A_1641 = tpu.vector_load_idx %arg5[%or3A_1640] : memref<256xi32, #tpu.memory_space<vmem>>[vector<16xi32>], vector<16xi32>,
    %mul3A_1642 = arith.constant 5 : i32
    %mul3A_1643 = vector.broadcast %mul3A_1642 : i32 to vector<16xi32>
    %mul3A_1644 = arith.muli %shift_right_arithmetic3A_1603, %mul3A_1643 : vector<16xi32>
    %add3A_1645 = arith.addi %mul3A_1644, %sub3A_1636 : vector<16xi32>
    %shift_left3A_1646 = arith.constant 10 : i32
    %shift_left3A_1647 = vector.broadcast %shift_left3A_1646 : i32 to vector<16xi32>
    %shift_left3A_1648 = arith.shli %add3A_1645, %shift_left3A_1647 : vector<16xi32>
    %shift_right_arithmetic3A_1649 = arith.constant 3 : i32
    %shift_right_arithmetic3A_1650 = vector.broadcast %shift_right_arithmetic3A_1649 : i32 to vector<16xi32>
    %shift_right_arithmetic3A_1651 = arith.shrsi %gather3A_1641, %shift_right_arithmetic3A_1650 : vector<16xi32>
    %shift_left3A_1652 = arith.constant 7 : i32
    %shift_left3A_1653 = vector.broadcast %shift_left3A_1652 : i32 to vector<16xi32>
    %shift_left3A_1654 = arith.shli %shift_right_arithmetic3A_1651, %shift_left3A_1653 : vector<16xi32>
    %or3A_1655 = arith.ori %shift_left3A_1648, %shift_left3A_1654 : vector<16xi32>
    %shift_left3A_1656 = arith.constant 3 : i32
    %shift_left3A_1657 = vector.broadcast %shift_left3A_1656 : i32 to vector<16xi32>
    %shift_left3A_1658 = arith.shli %and3A_1619, %shift_left3A_1657 : vector<16xi32>
    %or3A_1659 = arith.ori %or3A_1655, %shift_left3A_1658 : vector<16xi32>
    %and3A_1660 = arith.constant 7 : i32
    %and3A_1661 = vector.broadcast %and3A_1660 : i32 to vector<16xi32>
    %and3A_1662 = arith.andi %gather3A_1641, %and3A_1661 : vector<16xi32>
    %or3A_1663 = arith.ori %or3A_1659, %and3A_1662 : vector<16xi32>
    %swap3A_1664 = arith.constant 2 : i32
    %swap3A_1665 = arith.index_cast %swap3A_1664 : i32 to index
    %swap3A_1666 = arith.constant 64 : index
    %swap3A_1667 = tpu.vector_load %arg6[%swap3A_1665, %swap3A_1666] {strides = array<i32>} : memref<60x128xi32, #tpu.memory_space<vmem>>, vector<16xi32>,
    tpu.vector_store %arg6[%swap3A_1665, %swap3A_1666], %or3A_1663 {strides = array<i32>} : memref<60x128xi32, #tpu.memory_space<vmem>>, vector<16xi32>,
    %add3A_1668 = arith.constant 256 : i32
    %add3A_1669 = arith.addi %mul3A_2, %add3A_1668 : i32
    %add3A_1670 = arith.constant 80 : i32
    %add3A_1671 = arith.addi %add3A_1669, %add3A_1670 : i32
    %add3A_1672 = vector.broadcast %add3A_1671 : i32 to vector<16xi32>
    %add3A_1673 = arith.addi %add3A_1672, %iota3A : vector<16xi32>
    %shift_right_arithmetic3A_1674 = arith.constant 11 : i32
    %shift_right_arithmetic3A_1675 = vector.broadcast %shift_right_arithmetic3A_1674 : i32 to vector<16xi32>
    %shift_right_arithmetic3A_1676 = arith.shrsi %add3A_1673, %shift_right_arithmetic3A_1675 : vector<16xi32>
    %mul3A_1677 = arith.constant 205 : i32
    %mul3A_1678 = vector.broadcast %mul3A_1677 : i32 to vector<16xi32>
    %mul3A_1679 = arith.muli %shift_right_arithmetic3A_1676, %mul3A_1678 : vector<16xi32>
    %shift_right_arithmetic3A_1680 = arith.constant 11 : i32
    %shift_right_arithmetic3A_1681 = vector.broadcast %shift_right_arithmetic3A_1680 : i32 to vector<16xi32>
    %shift_right_arithmetic3A_1682 = arith.shrsi %mul3A_1679, %shift_right_arithmetic3A_1681 : vector<16xi32>
    %mul3A_1683 = arith.constant 10 : i32
    %mul3A_1684 = vector.broadcast %mul3A_1683 : i32 to vector<16xi32>
    %mul3A_1685 = arith.muli %shift_right_arithmetic3A_1682, %mul3A_1684 : vector<16xi32>
    %sub3A_1686 = arith.subi %shift_right_arithmetic3A_1676, %mul3A_1685 : vector<16xi32>
    %and3A_1687 = arith.constant 2047 : i32
    %and3A_1688 = vector.broadcast %and3A_1687 : i32 to vector<16xi32>
    %and3A_1689 = arith.andi %add3A_1673, %and3A_1688 : vector<16xi32>
    %shift_right_arithmetic3A_1690 = arith.constant 7 : i32
    %shift_right_arithmetic3A_1691 = vector.broadcast %shift_right_arithmetic3A_1690 : i32 to vector<16xi32>
    %shift_right_arithmetic3A_1692 = arith.shrsi %and3A_1689, %shift_right_arithmetic3A_1691 : vector<16xi32>
    %shift_right_arithmetic3A_1693 = arith.constant 3 : i32
    %shift_right_arithmetic3A_1694 = vector.broadcast %shift_right_arithmetic3A_1693 : i32 to vector<16xi32>
    %shift_right_arithmetic3A_1695 = arith.shrsi %and3A_1689, %shift_right_arithmetic3A_1694 : vector<16xi32>
    %and3A_1696 = arith.constant 15 : i32
    %and3A_1697 = vector.broadcast %and3A_1696 : i32 to vector<16xi32>
    %and3A_1698 = arith.andi %shift_right_arithmetic3A_1695, %and3A_1697 : vector<16xi32>
    %and3A_1699 = arith.constant 7 : i32
    %and3A_1700 = vector.broadcast %and3A_1699 : i32 to vector<16xi32>
    %and3A_1701 = arith.andi %and3A_1689, %and3A_1700 : vector<16xi32>
    %shift_left3A_1702 = arith.constant 3 : i32
    %shift_left3A_1703 = vector.broadcast %shift_left3A_1702 : i32 to vector<16xi32>
    %shift_left3A_1704 = arith.shli %shift_right_arithmetic3A_1692, %shift_left3A_1703 : vector<16xi32>
    %or3A_1705 = arith.ori %shift_left3A_1704, %and3A_1701 : vector<16xi32>
    %mul3A_1706 = arith.constant 52 : i32
    %mul3A_1707 = vector.broadcast %mul3A_1706 : i32 to vector<16xi32>
    %mul3A_1708 = arith.muli %sub3A_1686, %mul3A_1707 : vector<16xi32>
    %shift_right_arithmetic3A_1709 = arith.constant 8 : i32
    %shift_right_arithmetic3A_1710 = vector.broadcast %shift_right_arithmetic3A_1709 : i32 to vector<16xi32>
    %shift_right_arithmetic3A_1711 = arith.shrsi %mul3A_1708, %shift_right_arithmetic3A_1710 : vector<16xi32>
    %mul3A_1712 = arith.constant 5 : i32
    %mul3A_1713 = vector.broadcast %mul3A_1712 : i32 to vector<16xi32>
    %mul3A_1714 = arith.muli %shift_right_arithmetic3A_1711, %mul3A_1713 : vector<16xi32>
    %sub3A_1715 = arith.subi %sub3A_1686, %mul3A_1714 : vector<16xi32>
    %shift_left3A_1716 = arith.constant 1 : i32
    %shift_left3A_1717 = vector.broadcast %shift_left3A_1716 : i32 to vector<16xi32>
    %shift_left3A_1718 = arith.shli %or3A_1705, %shift_left3A_1717 : vector<16xi32>
    %or3A_1719 = arith.ori %shift_left3A_1718, %shift_right_arithmetic3A_1711 : vector<16xi32>
    %gather3A_1720 = tpu.vector_load_idx %arg5[%or3A_1719] : memref<256xi32, #tpu.memory_space<vmem>>[vector<16xi32>], vector<16xi32>,
    %mul3A_1721 = arith.constant 5 : i32
    %mul3A_1722 = vector.broadcast %mul3A_1721 : i32 to vector<16xi32>
    %mul3A_1723 = arith.muli %shift_right_arithmetic3A_1682, %mul3A_1722 : vector<16xi32>
    %add3A_1724 = arith.addi %mul3A_1723, %sub3A_1715 : vector<16xi32>
    %shift_left3A_1725 = arith.constant 10 : i32
    %shift_left3A_1726 = vector.broadcast %shift_left3A_1725 : i32 to vector<16xi32>
    %shift_left3A_1727 = arith.shli %add3A_1724, %shift_left3A_1726 : vector<16xi32>
    %shift_right_arithmetic3A_1728 = arith.constant 3 : i32
    %shift_right_arithmetic3A_1729 = vector.broadcast %shift_right_arithmetic3A_1728 : i32 to vector<16xi32>
    %shift_right_arithmetic3A_1730 = arith.shrsi %gather3A_1720, %shift_right_arithmetic3A_1729 : vector<16xi32>
    %shift_left3A_1731 = arith.constant 7 : i32
    %shift_left3A_1732 = vector.broadcast %shift_left3A_1731 : i32 to vector<16xi32>
    %shift_left3A_1733 = arith.shli %shift_right_arithmetic3A_1730, %shift_left3A_1732 : vector<16xi32>
    %or3A_1734 = arith.ori %shift_left3A_1727, %shift_left3A_1733 : vector<16xi32>
    %shift_left3A_1735 = arith.constant 3 : i32
    %shift_left3A_1736 = vector.broadcast %shift_left3A_1735 : i32 to vector<16xi32>
    %shift_left3A_1737 = arith.shli %and3A_1698, %shift_left3A_1736 : vector<16xi32>
    %or3A_1738 = arith.ori %or3A_1734, %shift_left3A_1737 : vector<16xi32>
    %and3A_1739 = arith.constant 7 : i32
    %and3A_1740 = vector.broadcast %and3A_1739 : i32 to vector<16xi32>
    %and3A_1741 = arith.andi %gather3A_1720, %and3A_1740 : vector<16xi32>
    %or3A_1742 = arith.ori %or3A_1738, %and3A_1741 : vector<16xi32>
    %swap3A_1743 = arith.constant 2 : i32
    %swap3A_1744 = arith.index_cast %swap3A_1743 : i32 to index
    %swap3A_1745 = arith.constant 80 : index
    %swap3A_1746 = tpu.vector_load %arg6[%swap3A_1744, %swap3A_1745] {strides = array<i32>} : memref<60x128xi32, #tpu.memory_space<vmem>>, vector<16xi32>,
    tpu.vector_store %arg6[%swap3A_1744, %swap3A_1745], %or3A_1742 {strides = array<i32>} : memref<60x128xi32, #tpu.memory_space<vmem>>, vector<16xi32>,
    %add3A_1747 = arith.constant 256 : i32
    %add3A_1748 = arith.addi %mul3A_2, %add3A_1747 : i32
    %add3A_1749 = arith.constant 96 : i32
    %add3A_1750 = arith.addi %add3A_1748, %add3A_1749 : i32
    %add3A_1751 = vector.broadcast %add3A_1750 : i32 to vector<16xi32>
    %add3A_1752 = arith.addi %add3A_1751, %iota3A : vector<16xi32>
    %shift_right_arithmetic3A_1753 = arith.constant 11 : i32
    %shift_right_arithmetic3A_1754 = vector.broadcast %shift_right_arithmetic3A_1753 : i32 to vector<16xi32>
    %shift_right_arithmetic3A_1755 = arith.shrsi %add3A_1752, %shift_right_arithmetic3A_1754 : vector<16xi32>
    %mul3A_1756 = arith.constant 205 : i32
    %mul3A_1757 = vector.broadcast %mul3A_1756 : i32 to vector<16xi32>
    %mul3A_1758 = arith.muli %shift_right_arithmetic3A_1755, %mul3A_1757 : vector<16xi32>
    %shift_right_arithmetic3A_1759 = arith.constant 11 : i32
    %shift_right_arithmetic3A_1760 = vector.broadcast %shift_right_arithmetic3A_1759 : i32 to vector<16xi32>
    %shift_right_arithmetic3A_1761 = arith.shrsi %mul3A_1758, %shift_right_arithmetic3A_1760 : vector<16xi32>
    %mul3A_1762 = arith.constant 10 : i32
    %mul3A_1763 = vector.broadcast %mul3A_1762 : i32 to vector<16xi32>
    %mul3A_1764 = arith.muli %shift_right_arithmetic3A_1761, %mul3A_1763 : vector<16xi32>
    %sub3A_1765 = arith.subi %shift_right_arithmetic3A_1755, %mul3A_1764 : vector<16xi32>
    %and3A_1766 = arith.constant 2047 : i32
    %and3A_1767 = vector.broadcast %and3A_1766 : i32 to vector<16xi32>
    %and3A_1768 = arith.andi %add3A_1752, %and3A_1767 : vector<16xi32>
    %shift_right_arithmetic3A_1769 = arith.constant 7 : i32
    %shift_right_arithmetic3A_1770 = vector.broadcast %shift_right_arithmetic3A_1769 : i32 to vector<16xi32>
    %shift_right_arithmetic3A_1771 = arith.shrsi %and3A_1768, %shift_right_arithmetic3A_1770 : vector<16xi32>
    %shift_right_arithmetic3A_1772 = arith.constant 3 : i32
    %shift_right_arithmetic3A_1773 = vector.broadcast %shift_right_arithmetic3A_1772 : i32 to vector<16xi32>
    %shift_right_arithmetic3A_1774 = arith.shrsi %and3A_1768, %shift_right_arithmetic3A_1773 : vector<16xi32>
    %and3A_1775 = arith.constant 15 : i32
    %and3A_1776 = vector.broadcast %and3A_1775 : i32 to vector<16xi32>
    %and3A_1777 = arith.andi %shift_right_arithmetic3A_1774, %and3A_1776 : vector<16xi32>
    %and3A_1778 = arith.constant 7 : i32
    %and3A_1779 = vector.broadcast %and3A_1778 : i32 to vector<16xi32>
    %and3A_1780 = arith.andi %and3A_1768, %and3A_1779 : vector<16xi32>
    %shift_left3A_1781 = arith.constant 3 : i32
    %shift_left3A_1782 = vector.broadcast %shift_left3A_1781 : i32 to vector<16xi32>
    %shift_left3A_1783 = arith.shli %shift_right_arithmetic3A_1771, %shift_left3A_1782 : vector<16xi32>
    %or3A_1784 = arith.ori %shift_left3A_1783, %and3A_1780 : vector<16xi32>
    %mul3A_1785 = arith.constant 52 : i32
    %mul3A_1786 = vector.broadcast %mul3A_1785 : i32 to vector<16xi32>
    %mul3A_1787 = arith.muli %sub3A_1765, %mul3A_1786 : vector<16xi32>
    %shift_right_arithmetic3A_1788 = arith.constant 8 : i32
    %shift_right_arithmetic3A_1789 = vector.broadcast %shift_right_arithmetic3A_1788 : i32 to vector<16xi32>
    %shift_right_arithmetic3A_1790 = arith.shrsi %mul3A_1787, %shift_right_arithmetic3A_1789 : vector<16xi32>
    %mul3A_1791 = arith.constant 5 : i32
    %mul3A_1792 = vector.broadcast %mul3A_1791 : i32 to vector<16xi32>
    %mul3A_1793 = arith.muli %shift_right_arithmetic3A_1790, %mul3A_1792 : vector<16xi32>
    %sub3A_1794 = arith.subi %sub3A_1765, %mul3A_1793 : vector<16xi32>
    %shift_left3A_1795 = arith.constant 1 : i32
    %shift_left3A_1796 = vector.broadcast %shift_left3A_1795 : i32 to vector<16xi32>
    %shift_left3A_1797 = arith.shli %or3A_1784, %shift_left3A_1796 : vector<16xi32>
    %or3A_1798 = arith.ori %shift_left3A_1797, %shift_right_arithmetic3A_1790 : vector<16xi32>
    %gather3A_1799 = tpu.vector_load_idx %arg5[%or3A_1798] : memref<256xi32, #tpu.memory_space<vmem>>[vector<16xi32>], vector<16xi32>,
    %mul3A_1800 = arith.constant 5 : i32
    %mul3A_1801 = vector.broadcast %mul3A_1800 : i32 to vector<16xi32>
    %mul3A_1802 = arith.muli %shift_right_arithmetic3A_1761, %mul3A_1801 : vector<16xi32>
    %add3A_1803 = arith.addi %mul3A_1802, %sub3A_1794 : vector<16xi32>
    %shift_left3A_1804 = arith.constant 10 : i32
    %shift_left3A_1805 = vector.broadcast %shift_left3A_1804 : i32 to vector<16xi32>
    %shift_left3A_1806 = arith.shli %add3A_1803, %shift_left3A_1805 : vector<16xi32>
    %shift_right_arithmetic3A_1807 = arith.constant 3 : i32
    %shift_right_arithmetic3A_1808 = vector.broadcast %shift_right_arithmetic3A_1807 : i32 to vector<16xi32>
    %shift_right_arithmetic3A_1809 = arith.shrsi %gather3A_1799, %shift_right_arithmetic3A_1808 : vector<16xi32>
    %shift_left3A_1810 = arith.constant 7 : i32
    %shift_left3A_1811 = vector.broadcast %shift_left3A_1810 : i32 to vector<16xi32>
    %shift_left3A_1812 = arith.shli %shift_right_arithmetic3A_1809, %shift_left3A_1811 : vector<16xi32>
    %or3A_1813 = arith.ori %shift_left3A_1806, %shift_left3A_1812 : vector<16xi32>
    %shift_left3A_1814 = arith.constant 3 : i32
    %shift_left3A_1815 = vector.broadcast %shift_left3A_1814 : i32 to vector<16xi32>
    %shift_left3A_1816 = arith.shli %and3A_1777, %shift_left3A_1815 : vector<16xi32>
    %or3A_1817 = arith.ori %or3A_1813, %shift_left3A_1816 : vector<16xi32>
    %and3A_1818 = arith.constant 7 : i32
    %and3A_1819 = vector.broadcast %and3A_1818 : i32 to vector<16xi32>
    %and3A_1820 = arith.andi %gather3A_1799, %and3A_1819 : vector<16xi32>
    %or3A_1821 = arith.ori %or3A_1817, %and3A_1820 : vector<16xi32>
    %swap3A_1822 = arith.constant 2 : i32
    %swap3A_1823 = arith.index_cast %swap3A_1822 : i32 to index
    %swap3A_1824 = arith.constant 96 : index
    %swap3A_1825 = tpu.vector_load %arg6[%swap3A_1823, %swap3A_1824] {strides = array<i32>} : memref<60x128xi32, #tpu.memory_space<vmem>>, vector<16xi32>,
    tpu.vector_store %arg6[%swap3A_1823, %swap3A_1824], %or3A_1821 {strides = array<i32>} : memref<60x128xi32, #tpu.memory_space<vmem>>, vector<16xi32>,
    %add3A_1826 = arith.constant 256 : i32
    %add3A_1827 = arith.addi %mul3A_2, %add3A_1826 : i32
    %add3A_1828 = arith.constant 112 : i32
    %add3A_1829 = arith.addi %add3A_1827, %add3A_1828 : i32
    %add3A_1830 = vector.broadcast %add3A_1829 : i32 to vector<16xi32>
    %add3A_1831 = arith.addi %add3A_1830, %iota3A : vector<16xi32>
    %shift_right_arithmetic3A_1832 = arith.constant 11 : i32
    %shift_right_arithmetic3A_1833 = vector.broadcast %shift_right_arithmetic3A_1832 : i32 to vector<16xi32>
    %shift_right_arithmetic3A_1834 = arith.shrsi %add3A_1831, %shift_right_arithmetic3A_1833 : vector<16xi32>
    %mul3A_1835 = arith.constant 205 : i32
    %mul3A_1836 = vector.broadcast %mul3A_1835 : i32 to vector<16xi32>
    %mul3A_1837 = arith.muli %shift_right_arithmetic3A_1834, %mul3A_1836 : vector<16xi32>
    %shift_right_arithmetic3A_1838 = arith.constant 11 : i32
    %shift_right_arithmetic3A_1839 = vector.broadcast %shift_right_arithmetic3A_1838 : i32 to vector<16xi32>
    %shift_right_arithmetic3A_1840 = arith.shrsi %mul3A_1837, %shift_right_arithmetic3A_1839 : vector<16xi32>
    %mul3A_1841 = arith.constant 10 : i32
    %mul3A_1842 = vector.broadcast %mul3A_1841 : i32 to vector<16xi32>
    %mul3A_1843 = arith.muli %shift_right_arithmetic3A_1840, %mul3A_1842 : vector<16xi32>
    %sub3A_1844 = arith.subi %shift_right_arithmetic3A_1834, %mul3A_1843 : vector<16xi32>
    %and3A_1845 = arith.constant 2047 : i32
    %and3A_1846 = vector.broadcast %and3A_1845 : i32 to vector<16xi32>
    %and3A_1847 = arith.andi %add3A_1831, %and3A_1846 : vector<16xi32>
    %shift_right_arithmetic3A_1848 = arith.constant 7 : i32
    %shift_right_arithmetic3A_1849 = vector.broadcast %shift_right_arithmetic3A_1848 : i32 to vector<16xi32>
    %shift_right_arithmetic3A_1850 = arith.shrsi %and3A_1847, %shift_right_arithmetic3A_1849 : vector<16xi32>
    %shift_right_arithmetic3A_1851 = arith.constant 3 : i32
    %shift_right_arithmetic3A_1852 = vector.broadcast %shift_right_arithmetic3A_1851 : i32 to vector<16xi32>
    %shift_right_arithmetic3A_1853 = arith.shrsi %and3A_1847, %shift_right_arithmetic3A_1852 : vector<16xi32>
    %and3A_1854 = arith.constant 15 : i32
    %and3A_1855 = vector.broadcast %and3A_1854 : i32 to vector<16xi32>
    %and3A_1856 = arith.andi %shift_right_arithmetic3A_1853, %and3A_1855 : vector<16xi32>
    %and3A_1857 = arith.constant 7 : i32
    %and3A_1858 = vector.broadcast %and3A_1857 : i32 to vector<16xi32>
    %and3A_1859 = arith.andi %and3A_1847, %and3A_1858 : vector<16xi32>
    %shift_left3A_1860 = arith.constant 3 : i32
    %shift_left3A_1861 = vector.broadcast %shift_left3A_1860 : i32 to vector<16xi32>
    %shift_left3A_1862 = arith.shli %shift_right_arithmetic3A_1850, %shift_left3A_1861 : vector<16xi32>
    %or3A_1863 = arith.ori %shift_left3A_1862, %and3A_1859 : vector<16xi32>
    %mul3A_1864 = arith.constant 52 : i32
    %mul3A_1865 = vector.broadcast %mul3A_1864 : i32 to vector<16xi32>
    %mul3A_1866 = arith.muli %sub3A_1844, %mul3A_1865 : vector<16xi32>
    %shift_right_arithmetic3A_1867 = arith.constant 8 : i32
    %shift_right_arithmetic3A_1868 = vector.broadcast %shift_right_arithmetic3A_1867 : i32 to vector<16xi32>
    %shift_right_arithmetic3A_1869 = arith.shrsi %mul3A_1866, %shift_right_arithmetic3A_1868 : vector<16xi32>
    %mul3A_1870 = arith.constant 5 : i32
    %mul3A_1871 = vector.broadcast %mul3A_1870 : i32 to vector<16xi32>
    %mul3A_1872 = arith.muli %shift_right_arithmetic3A_1869, %mul3A_1871 : vector<16xi32>
    %sub3A_1873 = arith.subi %sub3A_1844, %mul3A_1872 : vector<16xi32>
    %shift_left3A_1874 = arith.constant 1 : i32
    %shift_left3A_1875 = vector.broadcast %shift_left3A_1874 : i32 to vector<16xi32>
    %shift_left3A_1876 = arith.shli %or3A_1863, %shift_left3A_1875 : vector<16xi32>
    %or3A_1877 = arith.ori %shift_left3A_1876, %shift_right_arithmetic3A_1869 : vector<16xi32>
    %gather3A_1878 = tpu.vector_load_idx %arg5[%or3A_1877] : memref<256xi32, #tpu.memory_space<vmem>>[vector<16xi32>], vector<16xi32>,
    %mul3A_1879 = arith.constant 5 : i32
    %mul3A_1880 = vector.broadcast %mul3A_1879 : i32 to vector<16xi32>
    %mul3A_1881 = arith.muli %shift_right_arithmetic3A_1840, %mul3A_1880 : vector<16xi32>
    %add3A_1882 = arith.addi %mul3A_1881, %sub3A_1873 : vector<16xi32>
    %shift_left3A_1883 = arith.constant 10 : i32
    %shift_left3A_1884 = vector.broadcast %shift_left3A_1883 : i32 to vector<16xi32>
    %shift_left3A_1885 = arith.shli %add3A_1882, %shift_left3A_1884 : vector<16xi32>
    %shift_right_arithmetic3A_1886 = arith.constant 3 : i32
    %shift_right_arithmetic3A_1887 = vector.broadcast %shift_right_arithmetic3A_1886 : i32 to vector<16xi32>
    %shift_right_arithmetic3A_1888 = arith.shrsi %gather3A_1878, %shift_right_arithmetic3A_1887 : vector<16xi32>
    %shift_left3A_1889 = arith.constant 7 : i32
    %shift_left3A_1890 = vector.broadcast %shift_left3A_1889 : i32 to vector<16xi32>
    %shift_left3A_1891 = arith.shli %shift_right_arithmetic3A_1888, %shift_left3A_1890 : vector<16xi32>
    %or3A_1892 = arith.ori %shift_left3A_1885, %shift_left3A_1891 : vector<16xi32>
    %shift_left3A_1893 = arith.constant 3 : i32
    %shift_left3A_1894 = vector.broadcast %shift_left3A_1893 : i32 to vector<16xi32>
    %shift_left3A_1895 = arith.shli %and3A_1856, %shift_left3A_1894 : vector<16xi32>
    %or3A_1896 = arith.ori %or3A_1892, %shift_left3A_1895 : vector<16xi32>
    %and3A_1897 = arith.constant 7 : i32
    %and3A_1898 = vector.broadcast %and3A_1897 : i32 to vector<16xi32>
    %and3A_1899 = arith.andi %gather3A_1878, %and3A_1898 : vector<16xi32>
    %or3A_1900 = arith.ori %or3A_1896, %and3A_1899 : vector<16xi32>
    %swap3A_1901 = arith.constant 2 : i32
    %swap3A_1902 = arith.index_cast %swap3A_1901 : i32 to index
    %swap3A_1903 = arith.constant 112 : index
    %swap3A_1904 = tpu.vector_load %arg6[%swap3A_1902, %swap3A_1903] {strides = array<i32>} : memref<60x128xi32, #tpu.memory_space<vmem>>, vector<16xi32>,
    tpu.vector_store %arg6[%swap3A_1902, %swap3A_1903], %or3A_1900 {strides = array<i32>} : memref<60x128xi32, #tpu.memory_space<vmem>>, vector<16xi32>,
    %dma_start3A_1905 = arith.constant 2 : i32
    %dma_start3A_1906 = arith.constant 0 : i32
    %dma_start3A_1907 = tpu.memref_slice %arg6[%dma_start3A_1905, %dma_start3A_1906] : memref<60x128xi32, #tpu.memory_space<vmem>> -> memref<1x128xi32, #tpu.memory_space<vmem>>
    %dma_start3A_1908 = tpu.memref_squeeze %dma_start3A_1907 : memref<1x128xi32, #tpu.memory_space<vmem>> -> memref<128xi32, #tpu.memory_space<vmem>>
    %dma_start3A_1909 = arith.constant 0 : i32
    %dma_start3A_1910 = arith.constant 0 : i32
    %dma_start3A_1911 = tpu.memref_slice %arg2[%dma_start3A_1909, %dma_start3A_1910] : memref<61440x128xf32, #tpu.memory_space<hbm>> -> memref<61440x128xf32, #tpu.memory_space<hbm>>
    tpu.enqueue_indirect_dma source(%dma_start3A_1911 : memref<61440x128xf32, #tpu.memory_space<hbm>>) target(%arg9 : memref<128x128xf32, #tpu.memory_space<vmem>>) offsets(%dma_start3A_1908 : memref<128xi32, #tpu.memory_space<vmem>>) semaphore(%arg13 : memref<!tpu.dma_semaphore, #tpu.memory_space<semaphore_mem>>)
    %dma_wait3A = arith.constant 0 : i32
    %dma_wait3A_1912 = arith.constant 0 : i32
    %dma_wait3A_1913 = tpu.memref_slice %arg6[%dma_wait3A, %dma_wait3A_1912] : memref<60x128xi32, #tpu.memory_space<vmem>> -> memref<1x128xi32, #tpu.memory_space<vmem>>
    %dma_wait3A_1914 = tpu.memref_squeeze %dma_wait3A_1913 : memref<1x128xi32, #tpu.memory_space<vmem>> -> memref<128xi32, #tpu.memory_space<vmem>>
    %dma_wait3A_1915 = arith.constant 0 : i32
    %dma_wait3A_1916 = arith.constant 0 : i32
    %dma_wait3A_1917 = tpu.memref_slice %arg2[%dma_wait3A_1915, %dma_wait3A_1916] : memref<61440x128xf32, #tpu.memory_space<hbm>> -> memref<61440x128xf32, #tpu.memory_space<hbm>>
    tpu.wait_indirect_dma semaphore(%arg11 : memref<!tpu.dma_semaphore, #tpu.memory_space<semaphore_mem>>) src(%dma_wait3A_1917 : memref<61440x128xf32, #tpu.memory_space<hbm>>) dst(%arg7 : memref<128x128xf32, #tpu.memory_space<vmem>>)
    %add3A_1918 = arith.constant 0 : i32
    %add3A_1919 = arith.addi %mul3A_2, %add3A_1918 : i32
    %dma_start3A_1920 = arith.constant 0 : i32
    %dma_start3A_1921 = tpu.memref_slice %arg4[%add3A_1919, %dma_start3A_1920] : memref<245760x128xf32, #tpu.memory_space<hbm>> -> memref<128x128xf32, #tpu.memory_space<hbm>>
    %dma_start3A_1922 = arith.constant 0 : i32
    %dma_start3A_1923 = tpu.memref_slice %arg4[%add3A_1919, %dma_start3A_1922] : memref<245760x128xf32, #tpu.memory_space<hbm>> -> memref<128x128xf32, #tpu.memory_space<hbm>>
    tpu.enqueue_dma source(%arg7 : memref<128x128xf32, #tpu.memory_space<vmem>>) target(%dma_start3A_1923 : memref<128x128xf32, #tpu.memory_space<hbm>>) target_semaphore(%arg15 : memref<!tpu.dma_semaphore, #tpu.memory_space<semaphore_mem>>)
    %add3A_1924 = arith.constant 384 : i32
    %add3A_1925 = arith.addi %mul3A_2, %add3A_1924 : i32
    %add3A_1926 = arith.constant 0 : i32
    %add3A_1927 = arith.addi %add3A_1925, %add3A_1926 : i32
    %add3A_1928 = vector.broadcast %add3A_1927 : i32 to vector<16xi32>
    %add3A_1929 = arith.addi %add3A_1928, %iota3A : vector<16xi32>
    %shift_right_arithmetic3A_1930 = arith.constant 11 : i32
    %shift_right_arithmetic3A_1931 = vector.broadcast %shift_right_arithmetic3A_1930 : i32 to vector<16xi32>
    %shift_right_arithmetic3A_1932 = arith.shrsi %add3A_1929, %shift_right_arithmetic3A_1931 : vector<16xi32>
    %mul3A_1933 = arith.constant 205 : i32
    %mul3A_1934 = vector.broadcast %mul3A_1933 : i32 to vector<16xi32>
    %mul3A_1935 = arith.muli %shift_right_arithmetic3A_1932, %mul3A_1934 : vector<16xi32>
    %shift_right_arithmetic3A_1936 = arith.constant 11 : i32
    %shift_right_arithmetic3A_1937 = vector.broadcast %shift_right_arithmetic3A_1936 : i32 to vector<16xi32>
    %shift_right_arithmetic3A_1938 = arith.shrsi %mul3A_1935, %shift_right_arithmetic3A_1937 : vector<16xi32>
    %mul3A_1939 = arith.constant 10 : i32
    %mul3A_1940 = vector.broadcast %mul3A_1939 : i32 to vector<16xi32>
    %mul3A_1941 = arith.muli %shift_right_arithmetic3A_1938, %mul3A_1940 : vector<16xi32>
    %sub3A_1942 = arith.subi %shift_right_arithmetic3A_1932, %mul3A_1941 : vector<16xi32>
    %and3A_1943 = arith.constant 2047 : i32
    %and3A_1944 = vector.broadcast %and3A_1943 : i32 to vector<16xi32>
    %and3A_1945 = arith.andi %add3A_1929, %and3A_1944 : vector<16xi32>
    %shift_right_arithmetic3A_1946 = arith.constant 7 : i32
    %shift_right_arithmetic3A_1947 = vector.broadcast %shift_right_arithmetic3A_1946 : i32 to vector<16xi32>
    %shift_right_arithmetic3A_1948 = arith.shrsi %and3A_1945, %shift_right_arithmetic3A_1947 : vector<16xi32>
    %shift_right_arithmetic3A_1949 = arith.constant 3 : i32
    %shift_right_arithmetic3A_1950 = vector.broadcast %shift_right_arithmetic3A_1949 : i32 to vector<16xi32>
    %shift_right_arithmetic3A_1951 = arith.shrsi %and3A_1945, %shift_right_arithmetic3A_1950 : vector<16xi32>
    %and3A_1952 = arith.constant 15 : i32
    %and3A_1953 = vector.broadcast %and3A_1952 : i32 to vector<16xi32>
    %and3A_1954 = arith.andi %shift_right_arithmetic3A_1951, %and3A_1953 : vector<16xi32>
    %and3A_1955 = arith.constant 7 : i32
    %and3A_1956 = vector.broadcast %and3A_1955 : i32 to vector<16xi32>
    %and3A_1957 = arith.andi %and3A_1945, %and3A_1956 : vector<16xi32>
    %shift_left3A_1958 = arith.constant 3 : i32
    %shift_left3A_1959 = vector.broadcast %shift_left3A_1958 : i32 to vector<16xi32>
    %shift_left3A_1960 = arith.shli %shift_right_arithmetic3A_1948, %shift_left3A_1959 : vector<16xi32>
    %or3A_1961 = arith.ori %shift_left3A_1960, %and3A_1957 : vector<16xi32>
    %mul3A_1962 = arith.constant 52 : i32
    %mul3A_1963 = vector.broadcast %mul3A_1962 : i32 to vector<16xi32>
    %mul3A_1964 = arith.muli %sub3A_1942, %mul3A_1963 : vector<16xi32>
    %shift_right_arithmetic3A_1965 = arith.constant 8 : i32
    %shift_right_arithmetic3A_1966 = vector.broadcast %shift_right_arithmetic3A_1965 : i32 to vector<16xi32>
    %shift_right_arithmetic3A_1967 = arith.shrsi %mul3A_1964, %shift_right_arithmetic3A_1966 : vector<16xi32>
    %mul3A_1968 = arith.constant 5 : i32
    %mul3A_1969 = vector.broadcast %mul3A_1968 : i32 to vector<16xi32>
    %mul3A_1970 = arith.muli %shift_right_arithmetic3A_1967, %mul3A_1969 : vector<16xi32>
    %sub3A_1971 = arith.subi %sub3A_1942, %mul3A_1970 : vector<16xi32>
    %shift_left3A_1972 = arith.constant 1 : i32
    %shift_left3A_1973 = vector.broadcast %shift_left3A_1972 : i32 to vector<16xi32>
    %shift_left3A_1974 = arith.shli %or3A_1961, %shift_left3A_1973 : vector<16xi32>
    %or3A_1975 = arith.ori %shift_left3A_1974, %shift_right_arithmetic3A_1967 : vector<16xi32>
    %gather3A_1976 = tpu.vector_load_idx %arg5[%or3A_1975] : memref<256xi32, #tpu.memory_space<vmem>>[vector<16xi32>], vector<16xi32>,
    %mul3A_1977 = arith.constant 5 : i32
    %mul3A_1978 = vector.broadcast %mul3A_1977 : i32 to vector<16xi32>
    %mul3A_1979 = arith.muli %shift_right_arithmetic3A_1938, %mul3A_1978 : vector<16xi32>
    %add3A_1980 = arith.addi %mul3A_1979, %sub3A_1971 : vector<16xi32>
    %shift_left3A_1981 = arith.constant 10 : i32
    %shift_left3A_1982 = vector.broadcast %shift_left3A_1981 : i32 to vector<16xi32>
    %shift_left3A_1983 = arith.shli %add3A_1980, %shift_left3A_1982 : vector<16xi32>
    %shift_right_arithmetic3A_1984 = arith.constant 3 : i32
    %shift_right_arithmetic3A_1985 = vector.broadcast %shift_right_arithmetic3A_1984 : i32 to vector<16xi32>
    %shift_right_arithmetic3A_1986 = arith.shrsi %gather3A_1976, %shift_right_arithmetic3A_1985 : vector<16xi32>
    %shift_left3A_1987 = arith.constant 7 : i32
    %shift_left3A_1988 = vector.broadcast %shift_left3A_1987 : i32 to vector<16xi32>
    %shift_left3A_1989 = arith.shli %shift_right_arithmetic3A_1986, %shift_left3A_1988 : vector<16xi32>
    %or3A_1990 = arith.ori %shift_left3A_1983, %shift_left3A_1989 : vector<16xi32>
    %shift_left3A_1991 = arith.constant 3 : i32
    %shift_left3A_1992 = vector.broadcast %shift_left3A_1991 : i32 to vector<16xi32>
    %shift_left3A_1993 = arith.shli %and3A_1954, %shift_left3A_1992 : vector<16xi32>
    %or3A_1994 = arith.ori %or3A_1990, %shift_left3A_1993 : vector<16xi32>
    %and3A_1995 = arith.constant 7 : i32
    %and3A_1996 = vector.broadcast %and3A_1995 : i32 to vector<16xi32>
    %and3A_1997 = arith.andi %gather3A_1976, %and3A_1996 : vector<16xi32>
    %or3A_1998 = arith.ori %or3A_1994, %and3A_1997 : vector<16xi32>
    %swap3A_1999 = arith.constant 3 : i32
    %swap3A_2000 = arith.index_cast %swap3A_1999 : i32 to index
    %swap3A_2001 = arith.constant 0 : index
    %swap3A_2002 = tpu.vector_load %arg6[%swap3A_2000, %swap3A_2001] {strides = array<i32>} : memref<60x128xi32, #tpu.memory_space<vmem>>, vector<16xi32>,
    tpu.vector_store %arg6[%swap3A_2000, %swap3A_2001], %or3A_1998 {strides = array<i32>} : memref<60x128xi32, #tpu.memory_space<vmem>>, vector<16xi32>,
    %add3A_2003 = arith.constant 384 : i32
    %add3A_2004 = arith.addi %mul3A_2, %add3A_2003 : i32
    %add3A_2005 = arith.constant 16 : i32
    %add3A_2006 = arith.addi %add3A_2004, %add3A_2005 : i32
    %add3A_2007 = vector.broadcast %add3A_2006 : i32 to vector<16xi32>
    %add3A_2008 = arith.addi %add3A_2007, %iota3A : vector<16xi32>
    %shift_right_arithmetic3A_2009 = arith.constant 11 : i32
    %shift_right_arithmetic3A_2010 = vector.broadcast %shift_right_arithmetic3A_2009 : i32 to vector<16xi32>
    %shift_right_arithmetic3A_2011 = arith.shrsi %add3A_2008, %shift_right_arithmetic3A_2010 : vector<16xi32>
    %mul3A_2012 = arith.constant 205 : i32
    %mul3A_2013 = vector.broadcast %mul3A_2012 : i32 to vector<16xi32>
    %mul3A_2014 = arith.muli %shift_right_arithmetic3A_2011, %mul3A_2013 : vector<16xi32>
    %shift_right_arithmetic3A_2015 = arith.constant 11 : i32
    %shift_right_arithmetic3A_2016 = vector.broadcast %shift_right_arithmetic3A_2015 : i32 to vector<16xi32>
    %shift_right_arithmetic3A_2017 = arith.shrsi %mul3A_2014, %shift_right_arithmetic3A_2016 : vector<16xi32>
    %mul3A_2018 = arith.constant 10 : i32
    %mul3A_2019 = vector.broadcast %mul3A_2018 : i32 to vector<16xi32>
    %mul3A_2020 = arith.muli %shift_right_arithmetic3A_2017, %mul3A_2019 : vector<16xi32>
    %sub3A_2021 = arith.subi %shift_right_arithmetic3A_2011, %mul3A_2020 : vector<16xi32>
    %and3A_2022 = arith.constant 2047 : i32
    %and3A_2023 = vector.broadcast %and3A_2022 : i32 to vector<16xi32>
    %and3A_2024 = arith.andi %add3A_2008, %and3A_2023 : vector<16xi32>
    %shift_right_arithmetic3A_2025 = arith.constant 7 : i32
    %shift_right_arithmetic3A_2026 = vector.broadcast %shift_right_arithmetic3A_2025 : i32 to vector<16xi32>
    %shift_right_arithmetic3A_2027 = arith.shrsi %and3A_2024, %shift_right_arithmetic3A_2026 : vector<16xi32>
    %shift_right_arithmetic3A_2028 = arith.constant 3 : i32
    %shift_right_arithmetic3A_2029 = vector.broadcast %shift_right_arithmetic3A_2028 : i32 to vector<16xi32>
    %shift_right_arithmetic3A_2030 = arith.shrsi %and3A_2024, %shift_right_arithmetic3A_2029 : vector<16xi32>
    %and3A_2031 = arith.constant 15 : i32
    %and3A_2032 = vector.broadcast %and3A_2031 : i32 to vector<16xi32>
    %and3A_2033 = arith.andi %shift_right_arithmetic3A_2030, %and3A_2032 : vector<16xi32>
    %and3A_2034 = arith.constant 7 : i32
    %and3A_2035 = vector.broadcast %and3A_2034 : i32 to vector<16xi32>
    %and3A_2036 = arith.andi %and3A_2024, %and3A_2035 : vector<16xi32>
    %shift_left3A_2037 = arith.constant 3 : i32
    %shift_left3A_2038 = vector.broadcast %shift_left3A_2037 : i32 to vector<16xi32>
    %shift_left3A_2039 = arith.shli %shift_right_arithmetic3A_2027, %shift_left3A_2038 : vector<16xi32>
    %or3A_2040 = arith.ori %shift_left3A_2039, %and3A_2036 : vector<16xi32>
    %mul3A_2041 = arith.constant 52 : i32
    %mul3A_2042 = vector.broadcast %mul3A_2041 : i32 to vector<16xi32>
    %mul3A_2043 = arith.muli %sub3A_2021, %mul3A_2042 : vector<16xi32>
    %shift_right_arithmetic3A_2044 = arith.constant 8 : i32
    %shift_right_arithmetic3A_2045 = vector.broadcast %shift_right_arithmetic3A_2044 : i32 to vector<16xi32>
    %shift_right_arithmetic3A_2046 = arith.shrsi %mul3A_2043, %shift_right_arithmetic3A_2045 : vector<16xi32>
    %mul3A_2047 = arith.constant 5 : i32
    %mul3A_2048 = vector.broadcast %mul3A_2047 : i32 to vector<16xi32>
    %mul3A_2049 = arith.muli %shift_right_arithmetic3A_2046, %mul3A_2048 : vector<16xi32>
    %sub3A_2050 = arith.subi %sub3A_2021, %mul3A_2049 : vector<16xi32>
    %shift_left3A_2051 = arith.constant 1 : i32
    %shift_left3A_2052 = vector.broadcast %shift_left3A_2051 : i32 to vector<16xi32>
    %shift_left3A_2053 = arith.shli %or3A_2040, %shift_left3A_2052 : vector<16xi32>
    %or3A_2054 = arith.ori %shift_left3A_2053, %shift_right_arithmetic3A_2046 : vector<16xi32>
    %gather3A_2055 = tpu.vector_load_idx %arg5[%or3A_2054] : memref<256xi32, #tpu.memory_space<vmem>>[vector<16xi32>], vector<16xi32>,
    %mul3A_2056 = arith.constant 5 : i32
    %mul3A_2057 = vector.broadcast %mul3A_2056 : i32 to vector<16xi32>
    %mul3A_2058 = arith.muli %shift_right_arithmetic3A_2017, %mul3A_2057 : vector<16xi32>
    %add3A_2059 = arith.addi %mul3A_2058, %sub3A_2050 : vector<16xi32>
    %shift_left3A_2060 = arith.constant 10 : i32
    %shift_left3A_2061 = vector.broadcast %shift_left3A_2060 : i32 to vector<16xi32>
    %shift_left3A_2062 = arith.shli %add3A_2059, %shift_left3A_2061 : vector<16xi32>
    %shift_right_arithmetic3A_2063 = arith.constant 3 : i32
    %shift_right_arithmetic3A_2064 = vector.broadcast %shift_right_arithmetic3A_2063 : i32 to vector<16xi32>
    %shift_right_arithmetic3A_2065 = arith.shrsi %gather3A_2055, %shift_right_arithmetic3A_2064 : vector<16xi32>
    %shift_left3A_2066 = arith.constant 7 : i32
    %shift_left3A_2067 = vector.broadcast %shift_left3A_2066 : i32 to vector<16xi32>
    %shift_left3A_2068 = arith.shli %shift_right_arithmetic3A_2065, %shift_left3A_2067 : vector<16xi32>
    %or3A_2069 = arith.ori %shift_left3A_2062, %shift_left3A_2068 : vector<16xi32>
    %shift_left3A_2070 = arith.constant 3 : i32
    %shift_left3A_2071 = vector.broadcast %shift_left3A_2070 : i32 to vector<16xi32>
    %shift_left3A_2072 = arith.shli %and3A_2033, %shift_left3A_2071 : vector<16xi32>
    %or3A_2073 = arith.ori %or3A_2069, %shift_left3A_2072 : vector<16xi32>
    %and3A_2074 = arith.constant 7 : i32
    %and3A_2075 = vector.broadcast %and3A_2074 : i32 to vector<16xi32>
    %and3A_2076 = arith.andi %gather3A_2055, %and3A_2075 : vector<16xi32>
    %or3A_2077 = arith.ori %or3A_2073, %and3A_2076 : vector<16xi32>
    %swap3A_2078 = arith.constant 3 : i32
    %swap3A_2079 = arith.index_cast %swap3A_2078 : i32 to index
    %swap3A_2080 = arith.constant 16 : index
    %swap3A_2081 = tpu.vector_load %arg6[%swap3A_2079, %swap3A_2080] {strides = array<i32>} : memref<60x128xi32, #tpu.memory_space<vmem>>, vector<16xi32>,
    tpu.vector_store %arg6[%swap3A_2079, %swap3A_2080], %or3A_2077 {strides = array<i32>} : memref<60x128xi32, #tpu.memory_space<vmem>>, vector<16xi32>,
    %add3A_2082 = arith.constant 384 : i32
    %add3A_2083 = arith.addi %mul3A_2, %add3A_2082 : i32
    %add3A_2084 = arith.constant 32 : i32
    %add3A_2085 = arith.addi %add3A_2083, %add3A_2084 : i32
    %add3A_2086 = vector.broadcast %add3A_2085 : i32 to vector<16xi32>
    %add3A_2087 = arith.addi %add3A_2086, %iota3A : vector<16xi32>
    %shift_right_arithmetic3A_2088 = arith.constant 11 : i32
    %shift_right_arithmetic3A_2089 = vector.broadcast %shift_right_arithmetic3A_2088 : i32 to vector<16xi32>
    %shift_right_arithmetic3A_2090 = arith.shrsi %add3A_2087, %shift_right_arithmetic3A_2089 : vector<16xi32>
    %mul3A_2091 = arith.constant 205 : i32
    %mul3A_2092 = vector.broadcast %mul3A_2091 : i32 to vector<16xi32>
    %mul3A_2093 = arith.muli %shift_right_arithmetic3A_2090, %mul3A_2092 : vector<16xi32>
    %shift_right_arithmetic3A_2094 = arith.constant 11 : i32
    %shift_right_arithmetic3A_2095 = vector.broadcast %shift_right_arithmetic3A_2094 : i32 to vector<16xi32>
    %shift_right_arithmetic3A_2096 = arith.shrsi %mul3A_2093, %shift_right_arithmetic3A_2095 : vector<16xi32>
    %mul3A_2097 = arith.constant 10 : i32
    %mul3A_2098 = vector.broadcast %mul3A_2097 : i32 to vector<16xi32>
    %mul3A_2099 = arith.muli %shift_right_arithmetic3A_2096, %mul3A_2098 : vector<16xi32>
    %sub3A_2100 = arith.subi %shift_right_arithmetic3A_2090, %mul3A_2099 : vector<16xi32>
    %and3A_2101 = arith.constant 2047 : i32
    %and3A_2102 = vector.broadcast %and3A_2101 : i32 to vector<16xi32>
    %and3A_2103 = arith.andi %add3A_2087, %and3A_2102 : vector<16xi32>
    %shift_right_arithmetic3A_2104 = arith.constant 7 : i32
    %shift_right_arithmetic3A_2105 = vector.broadcast %shift_right_arithmetic3A_2104 : i32 to vector<16xi32>
    %shift_right_arithmetic3A_2106 = arith.shrsi %and3A_2103, %shift_right_arithmetic3A_2105 : vector<16xi32>
    %shift_right_arithmetic3A_2107 = arith.constant 3 : i32
    %shift_right_arithmetic3A_2108 = vector.broadcast %shift_right_arithmetic3A_2107 : i32 to vector<16xi32>
    %shift_right_arithmetic3A_2109 = arith.shrsi %and3A_2103, %shift_right_arithmetic3A_2108 : vector<16xi32>
    %and3A_2110 = arith.constant 15 : i32
    %and3A_2111 = vector.broadcast %and3A_2110 : i32 to vector<16xi32>
    %and3A_2112 = arith.andi %shift_right_arithmetic3A_2109, %and3A_2111 : vector<16xi32>
    %and3A_2113 = arith.constant 7 : i32
    %and3A_2114 = vector.broadcast %and3A_2113 : i32 to vector<16xi32>
    %and3A_2115 = arith.andi %and3A_2103, %and3A_2114 : vector<16xi32>
    %shift_left3A_2116 = arith.constant 3 : i32
    %shift_left3A_2117 = vector.broadcast %shift_left3A_2116 : i32 to vector<16xi32>
    %shift_left3A_2118 = arith.shli %shift_right_arithmetic3A_2106, %shift_left3A_2117 : vector<16xi32>
    %or3A_2119 = arith.ori %shift_left3A_2118, %and3A_2115 : vector<16xi32>
    %mul3A_2120 = arith.constant 52 : i32
    %mul3A_2121 = vector.broadcast %mul3A_2120 : i32 to vector<16xi32>
    %mul3A_2122 = arith.muli %sub3A_2100, %mul3A_2121 : vector<16xi32>
    %shift_right_arithmetic3A_2123 = arith.constant 8 : i32
    %shift_right_arithmetic3A_2124 = vector.broadcast %shift_right_arithmetic3A_2123 : i32 to vector<16xi32>
    %shift_right_arithmetic3A_2125 = arith.shrsi %mul3A_2122, %shift_right_arithmetic3A_2124 : vector<16xi32>
    %mul3A_2126 = arith.constant 5 : i32
    %mul3A_2127 = vector.broadcast %mul3A_2126 : i32 to vector<16xi32>
    %mul3A_2128 = arith.muli %shift_right_arithmetic3A_2125, %mul3A_2127 : vector<16xi32>
    %sub3A_2129 = arith.subi %sub3A_2100, %mul3A_2128 : vector<16xi32>
    %shift_left3A_2130 = arith.constant 1 : i32
    %shift_left3A_2131 = vector.broadcast %shift_left3A_2130 : i32 to vector<16xi32>
    %shift_left3A_2132 = arith.shli %or3A_2119, %shift_left3A_2131 : vector<16xi32>
    %or3A_2133 = arith.ori %shift_left3A_2132, %shift_right_arithmetic3A_2125 : vector<16xi32>
    %gather3A_2134 = tpu.vector_load_idx %arg5[%or3A_2133] : memref<256xi32, #tpu.memory_space<vmem>>[vector<16xi32>], vector<16xi32>,
    %mul3A_2135 = arith.constant 5 : i32
    %mul3A_2136 = vector.broadcast %mul3A_2135 : i32 to vector<16xi32>
    %mul3A_2137 = arith.muli %shift_right_arithmetic3A_2096, %mul3A_2136 : vector<16xi32>
    %add3A_2138 = arith.addi %mul3A_2137, %sub3A_2129 : vector<16xi32>
    %shift_left3A_2139 = arith.constant 10 : i32
    %shift_left3A_2140 = vector.broadcast %shift_left3A_2139 : i32 to vector<16xi32>
    %shift_left3A_2141 = arith.shli %add3A_2138, %shift_left3A_2140 : vector<16xi32>
    %shift_right_arithmetic3A_2142 = arith.constant 3 : i32
    %shift_right_arithmetic3A_2143 = vector.broadcast %shift_right_arithmetic3A_2142 : i32 to vector<16xi32>
    %shift_right_arithmetic3A_2144 = arith.shrsi %gather3A_2134, %shift_right_arithmetic3A_2143 : vector<16xi32>
    %shift_left3A_2145 = arith.constant 7 : i32
    %shift_left3A_2146 = vector.broadcast %shift_left3A_2145 : i32 to vector<16xi32>
    %shift_left3A_2147 = arith.shli %shift_right_arithmetic3A_2144, %shift_left3A_2146 : vector<16xi32>
    %or3A_2148 = arith.ori %shift_left3A_2141, %shift_left3A_2147 : vector<16xi32>
    %shift_left3A_2149 = arith.constant 3 : i32
    %shift_left3A_2150 = vector.broadcast %shift_left3A_2149 : i32 to vector<16xi32>
    %shift_left3A_2151 = arith.shli %and3A_2112, %shift_left3A_2150 : vector<16xi32>
    %or3A_2152 = arith.ori %or3A_2148, %shift_left3A_2151 : vector<16xi32>
    %and3A_2153 = arith.constant 7 : i32
    %and3A_2154 = vector.broadcast %and3A_2153 : i32 to vector<16xi32>
    %and3A_2155 = arith.andi %gather3A_2134, %and3A_2154 : vector<16xi32>
    %or3A_2156 = arith.ori %or3A_2152, %and3A_2155 : vector<16xi32>
    %swap3A_2157 = arith.constant 3 : i32
    %swap3A_2158 = arith.index_cast %swap3A_2157 : i32 to index
    %swap3A_2159 = arith.constant 32 : index
    %swap3A_2160 = tpu.vector_load %arg6[%swap3A_2158, %swap3A_2159] {strides = array<i32>} : memref<60x128xi32, #tpu.memory_space<vmem>>, vector<16xi32>,
    tpu.vector_store %arg6[%swap3A_2158, %swap3A_2159], %or3A_2156 {strides = array<i32>} : memref<60x128xi32, #tpu.memory_space<vmem>>, vector<16xi32>,
    %add3A_2161 = arith.constant 384 : i32
    %add3A_2162 = arith.addi %mul3A_2, %add3A_2161 : i32
    %add3A_2163 = arith.constant 48 : i32
    %add3A_2164 = arith.addi %add3A_2162, %add3A_2163 : i32
    %add3A_2165 = vector.broadcast %add3A_2164 : i32 to vector<16xi32>
    %add3A_2166 = arith.addi %add3A_2165, %iota3A : vector<16xi32>
    %shift_right_arithmetic3A_2167 = arith.constant 11 : i32
    %shift_right_arithmetic3A_2168 = vector.broadcast %shift_right_arithmetic3A_2167 : i32 to vector<16xi32>
    %shift_right_arithmetic3A_2169 = arith.shrsi %add3A_2166, %shift_right_arithmetic3A_2168 : vector<16xi32>
    %mul3A_2170 = arith.constant 205 : i32
    %mul3A_2171 = vector.broadcast %mul3A_2170 : i32 to vector<16xi32>
    %mul3A_2172 = arith.muli %shift_right_arithmetic3A_2169, %mul3A_2171 : vector<16xi32>
    %shift_right_arithmetic3A_2173 = arith.constant 11 : i32
    %shift_right_arithmetic3A_2174 = vector.broadcast %shift_right_arithmetic3A_2173 : i32 to vector<16xi32>
    %shift_right_arithmetic3A_2175 = arith.shrsi %mul3A_2172, %shift_right_arithmetic3A_2174 : vector<16xi32>
    %mul3A_2176 = arith.constant 10 : i32
    %mul3A_2177 = vector.broadcast %mul3A_2176 : i32 to vector<16xi32>
    %mul3A_2178 = arith.muli %shift_right_arithmetic3A_2175, %mul3A_2177 : vector<16xi32>
    %sub3A_2179 = arith.subi %shift_right_arithmetic3A_2169, %mul3A_2178 : vector<16xi32>
    %and3A_2180 = arith.constant 2047 : i32
    %and3A_2181 = vector.broadcast %and3A_2180 : i32 to vector<16xi32>
    %and3A_2182 = arith.andi %add3A_2166, %and3A_2181 : vector<16xi32>
    %shift_right_arithmetic3A_2183 = arith.constant 7 : i32
    %shift_right_arithmetic3A_2184 = vector.broadcast %shift_right_arithmetic3A_2183 : i32 to vector<16xi32>
    %shift_right_arithmetic3A_2185 = arith.shrsi %and3A_2182, %shift_right_arithmetic3A_2184 : vector<16xi32>
    %shift_right_arithmetic3A_2186 = arith.constant 3 : i32
    %shift_right_arithmetic3A_2187 = vector.broadcast %shift_right_arithmetic3A_2186 : i32 to vector<16xi32>
    %shift_right_arithmetic3A_2188 = arith.shrsi %and3A_2182, %shift_right_arithmetic3A_2187 : vector<16xi32>
    %and3A_2189 = arith.constant 15 : i32
    %and3A_2190 = vector.broadcast %and3A_2189 : i32 to vector<16xi32>
    %and3A_2191 = arith.andi %shift_right_arithmetic3A_2188, %and3A_2190 : vector<16xi32>
    %and3A_2192 = arith.constant 7 : i32
    %and3A_2193 = vector.broadcast %and3A_2192 : i32 to vector<16xi32>
    %and3A_2194 = arith.andi %and3A_2182, %and3A_2193 : vector<16xi32>
    %shift_left3A_2195 = arith.constant 3 : i32
    %shift_left3A_2196 = vector.broadcast %shift_left3A_2195 : i32 to vector<16xi32>
    %shift_left3A_2197 = arith.shli %shift_right_arithmetic3A_2185, %shift_left3A_2196 : vector<16xi32>
    %or3A_2198 = arith.ori %shift_left3A_2197, %and3A_2194 : vector<16xi32>
    %mul3A_2199 = arith.constant 52 : i32
    %mul3A_2200 = vector.broadcast %mul3A_2199 : i32 to vector<16xi32>
    %mul3A_2201 = arith.muli %sub3A_2179, %mul3A_2200 : vector<16xi32>
    %shift_right_arithmetic3A_2202 = arith.constant 8 : i32
    %shift_right_arithmetic3A_2203 = vector.broadcast %shift_right_arithmetic3A_2202 : i32 to vector<16xi32>
    %shift_right_arithmetic3A_2204 = arith.shrsi %mul3A_2201, %shift_right_arithmetic3A_2203 : vector<16xi32>
    %mul3A_2205 = arith.constant 5 : i32
    %mul3A_2206 = vector.broadcast %mul3A_2205 : i32 to vector<16xi32>
    %mul3A_2207 = arith.muli %shift_right_arithmetic3A_2204, %mul3A_2206 : vector<16xi32>
    %sub3A_2208 = arith.subi %sub3A_2179, %mul3A_2207 : vector<16xi32>
    %shift_left3A_2209 = arith.constant 1 : i32
    %shift_left3A_2210 = vector.broadcast %shift_left3A_2209 : i32 to vector<16xi32>
    %shift_left3A_2211 = arith.shli %or3A_2198, %shift_left3A_2210 : vector<16xi32>
    %or3A_2212 = arith.ori %shift_left3A_2211, %shift_right_arithmetic3A_2204 : vector<16xi32>
    %gather3A_2213 = tpu.vector_load_idx %arg5[%or3A_2212] : memref<256xi32, #tpu.memory_space<vmem>>[vector<16xi32>], vector<16xi32>,
    %mul3A_2214 = arith.constant 5 : i32
    %mul3A_2215 = vector.broadcast %mul3A_2214 : i32 to vector<16xi32>
    %mul3A_2216 = arith.muli %shift_right_arithmetic3A_2175, %mul3A_2215 : vector<16xi32>
    %add3A_2217 = arith.addi %mul3A_2216, %sub3A_2208 : vector<16xi32>
    %shift_left3A_2218 = arith.constant 10 : i32
    %shift_left3A_2219 = vector.broadcast %shift_left3A_2218 : i32 to vector<16xi32>
    %shift_left3A_2220 = arith.shli %add3A_2217, %shift_left3A_2219 : vector<16xi32>
    %shift_right_arithmetic3A_2221 = arith.constant 3 : i32
    %shift_right_arithmetic3A_2222 = vector.broadcast %shift_right_arithmetic3A_2221 : i32 to vector<16xi32>
    %shift_right_arithmetic3A_2223 = arith.shrsi %gather3A_2213, %shift_right_arithmetic3A_2222 : vector<16xi32>
    %shift_left3A_2224 = arith.constant 7 : i32
    %shift_left3A_2225 = vector.broadcast %shift_left3A_2224 : i32 to vector<16xi32>
    %shift_left3A_2226 = arith.shli %shift_right_arithmetic3A_2223, %shift_left3A_2225 : vector<16xi32>
    %or3A_2227 = arith.ori %shift_left3A_2220, %shift_left3A_2226 : vector<16xi32>
    %shift_left3A_2228 = arith.constant 3 : i32
    %shift_left3A_2229 = vector.broadcast %shift_left3A_2228 : i32 to vector<16xi32>
    %shift_left3A_2230 = arith.shli %and3A_2191, %shift_left3A_2229 : vector<16xi32>
    %or3A_2231 = arith.ori %or3A_2227, %shift_left3A_2230 : vector<16xi32>
    %and3A_2232 = arith.constant 7 : i32
    %and3A_2233 = vector.broadcast %and3A_2232 : i32 to vector<16xi32>
    %and3A_2234 = arith.andi %gather3A_2213, %and3A_2233 : vector<16xi32>
    %or3A_2235 = arith.ori %or3A_2231, %and3A_2234 : vector<16xi32>
    %swap3A_2236 = arith.constant 3 : i32
    %swap3A_2237 = arith.index_cast %swap3A_2236 : i32 to index
    %swap3A_2238 = arith.constant 48 : index
    %swap3A_2239 = tpu.vector_load %arg6[%swap3A_2237, %swap3A_2238] {strides = array<i32>} : memref<60x128xi32, #tpu.memory_space<vmem>>, vector<16xi32>,
    tpu.vector_store %arg6[%swap3A_2237, %swap3A_2238], %or3A_2235 {strides = array<i32>} : memref<60x128xi32, #tpu.memory_space<vmem>>, vector<16xi32>,
    %add3A_2240 = arith.constant 384 : i32
    %add3A_2241 = arith.addi %mul3A_2, %add3A_2240 : i32
    %add3A_2242 = arith.constant 64 : i32
    %add3A_2243 = arith.addi %add3A_2241, %add3A_2242 : i32
    %add3A_2244 = vector.broadcast %add3A_2243 : i32 to vector<16xi32>
    %add3A_2245 = arith.addi %add3A_2244, %iota3A : vector<16xi32>
    %shift_right_arithmetic3A_2246 = arith.constant 11 : i32
    %shift_right_arithmetic3A_2247 = vector.broadcast %shift_right_arithmetic3A_2246 : i32 to vector<16xi32>
    %shift_right_arithmetic3A_2248 = arith.shrsi %add3A_2245, %shift_right_arithmetic3A_2247 : vector<16xi32>
    %mul3A_2249 = arith.constant 205 : i32
    %mul3A_2250 = vector.broadcast %mul3A_2249 : i32 to vector<16xi32>
    %mul3A_2251 = arith.muli %shift_right_arithmetic3A_2248, %mul3A_2250 : vector<16xi32>
    %shift_right_arithmetic3A_2252 = arith.constant 11 : i32
    %shift_right_arithmetic3A_2253 = vector.broadcast %shift_right_arithmetic3A_2252 : i32 to vector<16xi32>
    %shift_right_arithmetic3A_2254 = arith.shrsi %mul3A_2251, %shift_right_arithmetic3A_2253 : vector<16xi32>
    %mul3A_2255 = arith.constant 10 : i32
    %mul3A_2256 = vector.broadcast %mul3A_2255 : i32 to vector<16xi32>
    %mul3A_2257 = arith.muli %shift_right_arithmetic3A_2254, %mul3A_2256 : vector<16xi32>
    %sub3A_2258 = arith.subi %shift_right_arithmetic3A_2248, %mul3A_2257 : vector<16xi32>
    %and3A_2259 = arith.constant 2047 : i32
    %and3A_2260 = vector.broadcast %and3A_2259 : i32 to vector<16xi32>
    %and3A_2261 = arith.andi %add3A_2245, %and3A_2260 : vector<16xi32>
    %shift_right_arithmetic3A_2262 = arith.constant 7 : i32
    %shift_right_arithmetic3A_2263 = vector.broadcast %shift_right_arithmetic3A_2262 : i32 to vector<16xi32>
    %shift_right_arithmetic3A_2264 = arith.shrsi %and3A_2261, %shift_right_arithmetic3A_2263 : vector<16xi32>
    %shift_right_arithmetic3A_2265 = arith.constant 3 : i32
    %shift_right_arithmetic3A_2266 = vector.broadcast %shift_right_arithmetic3A_2265 : i32 to vector<16xi32>
    %shift_right_arithmetic3A_2267 = arith.shrsi %and3A_2261, %shift_right_arithmetic3A_2266 : vector<16xi32>
    %and3A_2268 = arith.constant 15 : i32
    %and3A_2269 = vector.broadcast %and3A_2268 : i32 to vector<16xi32>
    %and3A_2270 = arith.andi %shift_right_arithmetic3A_2267, %and3A_2269 : vector<16xi32>
    %and3A_2271 = arith.constant 7 : i32
    %and3A_2272 = vector.broadcast %and3A_2271 : i32 to vector<16xi32>
    %and3A_2273 = arith.andi %and3A_2261, %and3A_2272 : vector<16xi32>
    %shift_left3A_2274 = arith.constant 3 : i32
    %shift_left3A_2275 = vector.broadcast %shift_left3A_2274 : i32 to vector<16xi32>
    %shift_left3A_2276 = arith.shli %shift_right_arithmetic3A_2264, %shift_left3A_2275 : vector<16xi32>
    %or3A_2277 = arith.ori %shift_left3A_2276, %and3A_2273 : vector<16xi32>
    %mul3A_2278 = arith.constant 52 : i32
    %mul3A_2279 = vector.broadcast %mul3A_2278 : i32 to vector<16xi32>
    %mul3A_2280 = arith.muli %sub3A_2258, %mul3A_2279 : vector<16xi32>
    %shift_right_arithmetic3A_2281 = arith.constant 8 : i32
    %shift_right_arithmetic3A_2282 = vector.broadcast %shift_right_arithmetic3A_2281 : i32 to vector<16xi32>
    %shift_right_arithmetic3A_2283 = arith.shrsi %mul3A_2280, %shift_right_arithmetic3A_2282 : vector<16xi32>
    %mul3A_2284 = arith.constant 5 : i32
    %mul3A_2285 = vector.broadcast %mul3A_2284 : i32 to vector<16xi32>
    %mul3A_2286 = arith.muli %shift_right_arithmetic3A_2283, %mul3A_2285 : vector<16xi32>
    %sub3A_2287 = arith.subi %sub3A_2258, %mul3A_2286 : vector<16xi32>
    %shift_left3A_2288 = arith.constant 1 : i32
    %shift_left3A_2289 = vector.broadcast %shift_left3A_2288 : i32 to vector<16xi32>
    %shift_left3A_2290 = arith.shli %or3A_2277, %shift_left3A_2289 : vector<16xi32>
    %or3A_2291 = arith.ori %shift_left3A_2290, %shift_right_arithmetic3A_2283 : vector<16xi32>
    %gather3A_2292 = tpu.vector_load_idx %arg5[%or3A_2291] : memref<256xi32, #tpu.memory_space<vmem>>[vector<16xi32>], vector<16xi32>,
    %mul3A_2293 = arith.constant 5 : i32
    %mul3A_2294 = vector.broadcast %mul3A_2293 : i32 to vector<16xi32>
    %mul3A_2295 = arith.muli %shift_right_arithmetic3A_2254, %mul3A_2294 : vector<16xi32>
    %add3A_2296 = arith.addi %mul3A_2295, %sub3A_2287 : vector<16xi32>
    %shift_left3A_2297 = arith.constant 10 : i32
    %shift_left3A_2298 = vector.broadcast %shift_left3A_2297 : i32 to vector<16xi32>
    %shift_left3A_2299 = arith.shli %add3A_2296, %shift_left3A_2298 : vector<16xi32>
    %shift_right_arithmetic3A_2300 = arith.constant 3 : i32
    %shift_right_arithmetic3A_2301 = vector.broadcast %shift_right_arithmetic3A_2300 : i32 to vector<16xi32>
    %shift_right_arithmetic3A_2302 = arith.shrsi %gather3A_2292, %shift_right_arithmetic3A_2301 : vector<16xi32>
    %shift_left3A_2303 = arith.constant 7 : i32
    %shift_left3A_2304 = vector.broadcast %shift_left3A_2303 : i32 to vector<16xi32>
    %shift_left3A_2305 = arith.shli %shift_right_arithmetic3A_2302, %shift_left3A_2304 : vector<16xi32>
    %or3A_2306 = arith.ori %shift_left3A_2299, %shift_left3A_2305 : vector<16xi32>
    %shift_left3A_2307 = arith.constant 3 : i32
    %shift_left3A_2308 = vector.broadcast %shift_left3A_2307 : i32 to vector<16xi32>
    %shift_left3A_2309 = arith.shli %and3A_2270, %shift_left3A_2308 : vector<16xi32>
    %or3A_2310 = arith.ori %or3A_2306, %shift_left3A_2309 : vector<16xi32>
    %and3A_2311 = arith.constant 7 : i32
    %and3A_2312 = vector.broadcast %and3A_2311 : i32 to vector<16xi32>
    %and3A_2313 = arith.andi %gather3A_2292, %and3A_2312 : vector<16xi32>
    %or3A_2314 = arith.ori %or3A_2310, %and3A_2313 : vector<16xi32>
    %swap3A_2315 = arith.constant 3 : i32
    %swap3A_2316 = arith.index_cast %swap3A_2315 : i32 to index
    %swap3A_2317 = arith.constant 64 : index
    %swap3A_2318 = tpu.vector_load %arg6[%swap3A_2316, %swap3A_2317] {strides = array<i32>} : memref<60x128xi32, #tpu.memory_space<vmem>>, vector<16xi32>,
    tpu.vector_store %arg6[%swap3A_2316, %swap3A_2317], %or3A_2314 {strides = array<i32>} : memref<60x128xi32, #tpu.memory_space<vmem>>, vector<16xi32>,
    %add3A_2319 = arith.constant 384 : i32
    %add3A_2320 = arith.addi %mul3A_2, %add3A_2319 : i32
    %add3A_2321 = arith.constant 80 : i32
    %add3A_2322 = arith.addi %add3A_2320, %add3A_2321 : i32
    %add3A_2323 = vector.broadcast %add3A_2322 : i32 to vector<16xi32>
    %add3A_2324 = arith.addi %add3A_2323, %iota3A : vector<16xi32>
    %shift_right_arithmetic3A_2325 = arith.constant 11 : i32
    %shift_right_arithmetic3A_2326 = vector.broadcast %shift_right_arithmetic3A_2325 : i32 to vector<16xi32>
    %shift_right_arithmetic3A_2327 = arith.shrsi %add3A_2324, %shift_right_arithmetic3A_2326 : vector<16xi32>
    %mul3A_2328 = arith.constant 205 : i32
    %mul3A_2329 = vector.broadcast %mul3A_2328 : i32 to vector<16xi32>
    %mul3A_2330 = arith.muli %shift_right_arithmetic3A_2327, %mul3A_2329 : vector<16xi32>
    %shift_right_arithmetic3A_2331 = arith.constant 11 : i32
    %shift_right_arithmetic3A_2332 = vector.broadcast %shift_right_arithmetic3A_2331 : i32 to vector<16xi32>
    %shift_right_arithmetic3A_2333 = arith.shrsi %mul3A_2330, %shift_right_arithmetic3A_2332 : vector<16xi32>
    %mul3A_2334 = arith.constant 10 : i32
    %mul3A_2335 = vector.broadcast %mul3A_2334 : i32 to vector<16xi32>
    %mul3A_2336 = arith.muli %shift_right_arithmetic3A_2333, %mul3A_2335 : vector<16xi32>
    %sub3A_2337 = arith.subi %shift_right_arithmetic3A_2327, %mul3A_2336 : vector<16xi32>
    %and3A_2338 = arith.constant 2047 : i32
    %and3A_2339 = vector.broadcast %and3A_2338 : i32 to vector<16xi32>
    %and3A_2340 = arith.andi %add3A_2324, %and3A_2339 : vector<16xi32>
    %shift_right_arithmetic3A_2341 = arith.constant 7 : i32
    %shift_right_arithmetic3A_2342 = vector.broadcast %shift_right_arithmetic3A_2341 : i32 to vector<16xi32>
    %shift_right_arithmetic3A_2343 = arith.shrsi %and3A_2340, %shift_right_arithmetic3A_2342 : vector<16xi32>
    %shift_right_arithmetic3A_2344 = arith.constant 3 : i32
    %shift_right_arithmetic3A_2345 = vector.broadcast %shift_right_arithmetic3A_2344 : i32 to vector<16xi32>
    %shift_right_arithmetic3A_2346 = arith.shrsi %and3A_2340, %shift_right_arithmetic3A_2345 : vector<16xi32>
    %and3A_2347 = arith.constant 15 : i32
    %and3A_2348 = vector.broadcast %and3A_2347 : i32 to vector<16xi32>
    %and3A_2349 = arith.andi %shift_right_arithmetic3A_2346, %and3A_2348 : vector<16xi32>
    %and3A_2350 = arith.constant 7 : i32
    %and3A_2351 = vector.broadcast %and3A_2350 : i32 to vector<16xi32>
    %and3A_2352 = arith.andi %and3A_2340, %and3A_2351 : vector<16xi32>
    %shift_left3A_2353 = arith.constant 3 : i32
    %shift_left3A_2354 = vector.broadcast %shift_left3A_2353 : i32 to vector<16xi32>
    %shift_left3A_2355 = arith.shli %shift_right_arithmetic3A_2343, %shift_left3A_2354 : vector<16xi32>
    %or3A_2356 = arith.ori %shift_left3A_2355, %and3A_2352 : vector<16xi32>
    %mul3A_2357 = arith.constant 52 : i32
    %mul3A_2358 = vector.broadcast %mul3A_2357 : i32 to vector<16xi32>
    %mul3A_2359 = arith.muli %sub3A_2337, %mul3A_2358 : vector<16xi32>
    %shift_right_arithmetic3A_2360 = arith.constant 8 : i32
    %shift_right_arithmetic3A_2361 = vector.broadcast %shift_right_arithmetic3A_2360 : i32 to vector<16xi32>
    %shift_right_arithmetic3A_2362 = arith.shrsi %mul3A_2359, %shift_right_arithmetic3A_2361 : vector<16xi32>
    %mul3A_2363 = arith.constant 5 : i32
    %mul3A_2364 = vector.broadcast %mul3A_2363 : i32 to vector<16xi32>
    %mul3A_2365 = arith.muli %shift_right_arithmetic3A_2362, %mul3A_2364 : vector<16xi32>
    %sub3A_2366 = arith.subi %sub3A_2337, %mul3A_2365 : vector<16xi32>
    %shift_left3A_2367 = arith.constant 1 : i32
    %shift_left3A_2368 = vector.broadcast %shift_left3A_2367 : i32 to vector<16xi32>
    %shift_left3A_2369 = arith.shli %or3A_2356, %shift_left3A_2368 : vector<16xi32>
    %or3A_2370 = arith.ori %shift_left3A_2369, %shift_right_arithmetic3A_2362 : vector<16xi32>
    %gather3A_2371 = tpu.vector_load_idx %arg5[%or3A_2370] : memref<256xi32, #tpu.memory_space<vmem>>[vector<16xi32>], vector<16xi32>,
    %mul3A_2372 = arith.constant 5 : i32
    %mul3A_2373 = vector.broadcast %mul3A_2372 : i32 to vector<16xi32>
    %mul3A_2374 = arith.muli %shift_right_arithmetic3A_2333, %mul3A_2373 : vector<16xi32>
    %add3A_2375 = arith.addi %mul3A_2374, %sub3A_2366 : vector<16xi32>
    %shift_left3A_2376 = arith.constant 10 : i32
    %shift_left3A_2377 = vector.broadcast %shift_left3A_2376 : i32 to vector<16xi32>
    %shift_left3A_2378 = arith.shli %add3A_2375, %shift_left3A_2377 : vector<16xi32>
    %shift_right_arithmetic3A_2379 = arith.constant 3 : i32
    %shift_right_arithmetic3A_2380 = vector.broadcast %shift_right_arithmetic3A_2379 : i32 to vector<16xi32>
    %shift_right_arithmetic3A_2381 = arith.shrsi %gather3A_2371, %shift_right_arithmetic3A_2380 : vector<16xi32>
    %shift_left3A_2382 = arith.constant 7 : i32
    %shift_left3A_2383 = vector.broadcast %shift_left3A_2382 : i32 to vector<16xi32>
    %shift_left3A_2384 = arith.shli %shift_right_arithmetic3A_2381, %shift_left3A_2383 : vector<16xi32>
    %or3A_2385 = arith.ori %shift_left3A_2378, %shift_left3A_2384 : vector<16xi32>
    %shift_left3A_2386 = arith.constant 3 : i32
    %shift_left3A_2387 = vector.broadcast %shift_left3A_2386 : i32 to vector<16xi32>
    %shift_left3A_2388 = arith.shli %and3A_2349, %shift_left3A_2387 : vector<16xi32>
    %or3A_2389 = arith.ori %or3A_2385, %shift_left3A_2388 : vector<16xi32>
    %and3A_2390 = arith.constant 7 : i32
    %and3A_2391 = vector.broadcast %and3A_2390 : i32 to vector<16xi32>
    %and3A_2392 = arith.andi %gather3A_2371, %and3A_2391 : vector<16xi32>
    %or3A_2393 = arith.ori %or3A_2389, %and3A_2392 : vector<16xi32>
    %swap3A_2394 = arith.constant 3 : i32
    %swap3A_2395 = arith.index_cast %swap3A_2394 : i32 to index
    %swap3A_2396 = arith.constant 80 : index
    %swap3A_2397 = tpu.vector_load %arg6[%swap3A_2395, %swap3A_2396] {strides = array<i32>} : memref<60x128xi32, #tpu.memory_space<vmem>>, vector<16xi32>,
    tpu.vector_store %arg6[%swap3A_2395, %swap3A_2396], %or3A_2393 {strides = array<i32>} : memref<60x128xi32, #tpu.memory_space<vmem>>, vector<16xi32>,
    %add3A_2398 = arith.constant 384 : i32
    %add3A_2399 = arith.addi %mul3A_2, %add3A_2398 : i32
    %add3A_2400 = arith.constant 96 : i32
    %add3A_2401 = arith.addi %add3A_2399, %add3A_2400 : i32
    %add3A_2402 = vector.broadcast %add3A_2401 : i32 to vector<16xi32>
    %add3A_2403 = arith.addi %add3A_2402, %iota3A : vector<16xi32>
    %shift_right_arithmetic3A_2404 = arith.constant 11 : i32
    %shift_right_arithmetic3A_2405 = vector.broadcast %shift_right_arithmetic3A_2404 : i32 to vector<16xi32>
    %shift_right_arithmetic3A_2406 = arith.shrsi %add3A_2403, %shift_right_arithmetic3A_2405 : vector<16xi32>
    %mul3A_2407 = arith.constant 205 : i32
    %mul3A_2408 = vector.broadcast %mul3A_2407 : i32 to vector<16xi32>
    %mul3A_2409 = arith.muli %shift_right_arithmetic3A_2406, %mul3A_2408 : vector<16xi32>
    %shift_right_arithmetic3A_2410 = arith.constant 11 : i32
    %shift_right_arithmetic3A_2411 = vector.broadcast %shift_right_arithmetic3A_2410 : i32 to vector<16xi32>
    %shift_right_arithmetic3A_2412 = arith.shrsi %mul3A_2409, %shift_right_arithmetic3A_2411 : vector<16xi32>
    %mul3A_2413 = arith.constant 10 : i32
    %mul3A_2414 = vector.broadcast %mul3A_2413 : i32 to vector<16xi32>
    %mul3A_2415 = arith.muli %shift_right_arithmetic3A_2412, %mul3A_2414 : vector<16xi32>
    %sub3A_2416 = arith.subi %shift_right_arithmetic3A_2406, %mul3A_2415 : vector<16xi32>
    %and3A_2417 = arith.constant 2047 : i32
    %and3A_2418 = vector.broadcast %and3A_2417 : i32 to vector<16xi32>
    %and3A_2419 = arith.andi %add3A_2403, %and3A_2418 : vector<16xi32>
    %shift_right_arithmetic3A_2420 = arith.constant 7 : i32
    %shift_right_arithmetic3A_2421 = vector.broadcast %shift_right_arithmetic3A_2420 : i32 to vector<16xi32>
    %shift_right_arithmetic3A_2422 = arith.shrsi %and3A_2419, %shift_right_arithmetic3A_2421 : vector<16xi32>
    %shift_right_arithmetic3A_2423 = arith.constant 3 : i32
    %shift_right_arithmetic3A_2424 = vector.broadcast %shift_right_arithmetic3A_2423 : i32 to vector<16xi32>
    %shift_right_arithmetic3A_2425 = arith.shrsi %and3A_2419, %shift_right_arithmetic3A_2424 : vector<16xi32>
    %and3A_2426 = arith.constant 15 : i32
    %and3A_2427 = vector.broadcast %and3A_2426 : i32 to vector<16xi32>
    %and3A_2428 = arith.andi %shift_right_arithmetic3A_2425, %and3A_2427 : vector<16xi32>
    %and3A_2429 = arith.constant 7 : i32
    %and3A_2430 = vector.broadcast %and3A_2429 : i32 to vector<16xi32>
    %and3A_2431 = arith.andi %and3A_2419, %and3A_2430 : vector<16xi32>
    %shift_left3A_2432 = arith.constant 3 : i32
    %shift_left3A_2433 = vector.broadcast %shift_left3A_2432 : i32 to vector<16xi32>
    %shift_left3A_2434 = arith.shli %shift_right_arithmetic3A_2422, %shift_left3A_2433 : vector<16xi32>
    %or3A_2435 = arith.ori %shift_left3A_2434, %and3A_2431 : vector<16xi32>
    %mul3A_2436 = arith.constant 52 : i32
    %mul3A_2437 = vector.broadcast %mul3A_2436 : i32 to vector<16xi32>
    %mul3A_2438 = arith.muli %sub3A_2416, %mul3A_2437 : vector<16xi32>
    %shift_right_arithmetic3A_2439 = arith.constant 8 : i32
    %shift_right_arithmetic3A_2440 = vector.broadcast %shift_right_arithmetic3A_2439 : i32 to vector<16xi32>
    %shift_right_arithmetic3A_2441 = arith.shrsi %mul3A_2438, %shift_right_arithmetic3A_2440 : vector<16xi32>
    %mul3A_2442 = arith.constant 5 : i32
    %mul3A_2443 = vector.broadcast %mul3A_2442 : i32 to vector<16xi32>
    %mul3A_2444 = arith.muli %shift_right_arithmetic3A_2441, %mul3A_2443 : vector<16xi32>
    %sub3A_2445 = arith.subi %sub3A_2416, %mul3A_2444 : vector<16xi32>
    %shift_left3A_2446 = arith.constant 1 : i32
    %shift_left3A_2447 = vector.broadcast %shift_left3A_2446 : i32 to vector<16xi32>
    %shift_left3A_2448 = arith.shli %or3A_2435, %shift_left3A_2447 : vector<16xi32>
    %or3A_2449 = arith.ori %shift_left3A_2448, %shift_right_arithmetic3A_2441 : vector<16xi32>
    %gather3A_2450 = tpu.vector_load_idx %arg5[%or3A_2449] : memref<256xi32, #tpu.memory_space<vmem>>[vector<16xi32>], vector<16xi32>,
    %mul3A_2451 = arith.constant 5 : i32
    %mul3A_2452 = vector.broadcast %mul3A_2451 : i32 to vector<16xi32>
    %mul3A_2453 = arith.muli %shift_right_arithmetic3A_2412, %mul3A_2452 : vector<16xi32>
    %add3A_2454 = arith.addi %mul3A_2453, %sub3A_2445 : vector<16xi32>
    %shift_left3A_2455 = arith.constant 10 : i32
    %shift_left3A_2456 = vector.broadcast %shift_left3A_2455 : i32 to vector<16xi32>
    %shift_left3A_2457 = arith.shli %add3A_2454, %shift_left3A_2456 : vector<16xi32>
    %shift_right_arithmetic3A_2458 = arith.constant 3 : i32
    %shift_right_arithmetic3A_2459 = vector.broadcast %shift_right_arithmetic3A_2458 : i32 to vector<16xi32>
    %shift_right_arithmetic3A_2460 = arith.shrsi %gather3A_2450, %shift_right_arithmetic3A_2459 : vector<16xi32>
    %shift_left3A_2461 = arith.constant 7 : i32
    %shift_left3A_2462 = vector.broadcast %shift_left3A_2461 : i32 to vector<16xi32>
    %shift_left3A_2463 = arith.shli %shift_right_arithmetic3A_2460, %shift_left3A_2462 : vector<16xi32>
    %or3A_2464 = arith.ori %shift_left3A_2457, %shift_left3A_2463 : vector<16xi32>
    %shift_left3A_2465 = arith.constant 3 : i32
    %shift_left3A_2466 = vector.broadcast %shift_left3A_2465 : i32 to vector<16xi32>
    %shift_left3A_2467 = arith.shli %and3A_2428, %shift_left3A_2466 : vector<16xi32>
    %or3A_2468 = arith.ori %or3A_2464, %shift_left3A_2467 : vector<16xi32>
    %and3A_2469 = arith.constant 7 : i32
    %and3A_2470 = vector.broadcast %and3A_2469 : i32 to vector<16xi32>
    %and3A_2471 = arith.andi %gather3A_2450, %and3A_2470 : vector<16xi32>
    %or3A_2472 = arith.ori %or3A_2468, %and3A_2471 : vector<16xi32>
    %swap3A_2473 = arith.constant 3 : i32
    %swap3A_2474 = arith.index_cast %swap3A_2473 : i32 to index
    %swap3A_2475 = arith.constant 96 : index
    %swap3A_2476 = tpu.vector_load %arg6[%swap3A_2474, %swap3A_2475] {strides = array<i32>} : memref<60x128xi32, #tpu.memory_space<vmem>>, vector<16xi32>,
    tpu.vector_store %arg6[%swap3A_2474, %swap3A_2475], %or3A_2472 {strides = array<i32>} : memref<60x128xi32, #tpu.memory_space<vmem>>, vector<16xi32>,
    %add3A_2477 = arith.constant 384 : i32
    %add3A_2478 = arith.addi %mul3A_2, %add3A_2477 : i32
    %add3A_2479 = arith.constant 112 : i32
    %add3A_2480 = arith.addi %add3A_2478, %add3A_2479 : i32
    %add3A_2481 = vector.broadcast %add3A_2480 : i32 to vector<16xi32>
    %add3A_2482 = arith.addi %add3A_2481, %iota3A : vector<16xi32>
    %shift_right_arithmetic3A_2483 = arith.constant 11 : i32
    %shift_right_arithmetic3A_2484 = vector.broadcast %shift_right_arithmetic3A_2483 : i32 to vector<16xi32>
    %shift_right_arithmetic3A_2485 = arith.shrsi %add3A_2482, %shift_right_arithmetic3A_2484 : vector<16xi32>
    %mul3A_2486 = arith.constant 205 : i32
    %mul3A_2487 = vector.broadcast %mul3A_2486 : i32 to vector<16xi32>
    %mul3A_2488 = arith.muli %shift_right_arithmetic3A_2485, %mul3A_2487 : vector<16xi32>
    %shift_right_arithmetic3A_2489 = arith.constant 11 : i32
    %shift_right_arithmetic3A_2490 = vector.broadcast %shift_right_arithmetic3A_2489 : i32 to vector<16xi32>
    %shift_right_arithmetic3A_2491 = arith.shrsi %mul3A_2488, %shift_right_arithmetic3A_2490 : vector<16xi32>
    %mul3A_2492 = arith.constant 10 : i32
    %mul3A_2493 = vector.broadcast %mul3A_2492 : i32 to vector<16xi32>
    %mul3A_2494 = arith.muli %shift_right_arithmetic3A_2491, %mul3A_2493 : vector<16xi32>
    %sub3A_2495 = arith.subi %shift_right_arithmetic3A_2485, %mul3A_2494 : vector<16xi32>
    %and3A_2496 = arith.constant 2047 : i32
    %and3A_2497 = vector.broadcast %and3A_2496 : i32 to vector<16xi32>
    %and3A_2498 = arith.andi %add3A_2482, %and3A_2497 : vector<16xi32>
    %shift_right_arithmetic3A_2499 = arith.constant 7 : i32
    %shift_right_arithmetic3A_2500 = vector.broadcast %shift_right_arithmetic3A_2499 : i32 to vector<16xi32>
    %shift_right_arithmetic3A_2501 = arith.shrsi %and3A_2498, %shift_right_arithmetic3A_2500 : vector<16xi32>
    %shift_right_arithmetic3A_2502 = arith.constant 3 : i32
    %shift_right_arithmetic3A_2503 = vector.broadcast %shift_right_arithmetic3A_2502 : i32 to vector<16xi32>
    %shift_right_arithmetic3A_2504 = arith.shrsi %and3A_2498, %shift_right_arithmetic3A_2503 : vector<16xi32>
    %and3A_2505 = arith.constant 15 : i32
    %and3A_2506 = vector.broadcast %and3A_2505 : i32 to vector<16xi32>
    %and3A_2507 = arith.andi %shift_right_arithmetic3A_2504, %and3A_2506 : vector<16xi32>
    %and3A_2508 = arith.constant 7 : i32
    %and3A_2509 = vector.broadcast %and3A_2508 : i32 to vector<16xi32>
    %and3A_2510 = arith.andi %and3A_2498, %and3A_2509 : vector<16xi32>
    %shift_left3A_2511 = arith.constant 3 : i32
    %shift_left3A_2512 = vector.broadcast %shift_left3A_2511 : i32 to vector<16xi32>
    %shift_left3A_2513 = arith.shli %shift_right_arithmetic3A_2501, %shift_left3A_2512 : vector<16xi32>
    %or3A_2514 = arith.ori %shift_left3A_2513, %and3A_2510 : vector<16xi32>
    %mul3A_2515 = arith.constant 52 : i32
    %mul3A_2516 = vector.broadcast %mul3A_2515 : i32 to vector<16xi32>
    %mul3A_2517 = arith.muli %sub3A_2495, %mul3A_2516 : vector<16xi32>
    %shift_right_arithmetic3A_2518 = arith.constant 8 : i32
    %shift_right_arithmetic3A_2519 = vector.broadcast %shift_right_arithmetic3A_2518 : i32 to vector<16xi32>
    %shift_right_arithmetic3A_2520 = arith.shrsi %mul3A_2517, %shift_right_arithmetic3A_2519 : vector<16xi32>
    %mul3A_2521 = arith.constant 5 : i32
    %mul3A_2522 = vector.broadcast %mul3A_2521 : i32 to vector<16xi32>
    %mul3A_2523 = arith.muli %shift_right_arithmetic3A_2520, %mul3A_2522 : vector<16xi32>
    %sub3A_2524 = arith.subi %sub3A_2495, %mul3A_2523 : vector<16xi32>
    %shift_left3A_2525 = arith.constant 1 : i32
    %shift_left3A_2526 = vector.broadcast %shift_left3A_2525 : i32 to vector<16xi32>
    %shift_left3A_2527 = arith.shli %or3A_2514, %shift_left3A_2526 : vector<16xi32>
    %or3A_2528 = arith.ori %shift_left3A_2527, %shift_right_arithmetic3A_2520 : vector<16xi32>
    %gather3A_2529 = tpu.vector_load_idx %arg5[%or3A_2528] : memref<256xi32, #tpu.memory_space<vmem>>[vector<16xi32>], vector<16xi32>,
    %mul3A_2530 = arith.constant 5 : i32
    %mul3A_2531 = vector.broadcast %mul3A_2530 : i32 to vector<16xi32>
    %mul3A_2532 = arith.muli %shift_right_arithmetic3A_2491, %mul3A_2531 : vector<16xi32>
    %add3A_2533 = arith.addi %mul3A_2532, %sub3A_2524 : vector<16xi32>
    %shift_left3A_2534 = arith.constant 10 : i32
    %shift_left3A_2535 = vector.broadcast %shift_left3A_2534 : i32 to vector<16xi32>
    %shift_left3A_2536 = arith.shli %add3A_2533, %shift_left3A_2535 : vector<16xi32>
    %shift_right_arithmetic3A_2537 = arith.constant 3 : i32
    %shift_right_arithmetic3A_2538 = vector.broadcast %shift_right_arithmetic3A_2537 : i32 to vector<16xi32>
    %shift_right_arithmetic3A_2539 = arith.shrsi %gather3A_2529, %shift_right_arithmetic3A_2538 : vector<16xi32>
    %shift_left3A_2540 = arith.constant 7 : i32
    %shift_left3A_2541 = vector.broadcast %shift_left3A_2540 : i32 to vector<16xi32>
    %shift_left3A_2542 = arith.shli %shift_right_arithmetic3A_2539, %shift_left3A_2541 : vector<16xi32>
    %or3A_2543 = arith.ori %shift_left3A_2536, %shift_left3A_2542 : vector<16xi32>
    %shift_left3A_2544 = arith.constant 3 : i32
    %shift_left3A_2545 = vector.broadcast %shift_left3A_2544 : i32 to vector<16xi32>
    %shift_left3A_2546 = arith.shli %and3A_2507, %shift_left3A_2545 : vector<16xi32>
    %or3A_2547 = arith.ori %or3A_2543, %shift_left3A_2546 : vector<16xi32>
    %and3A_2548 = arith.constant 7 : i32
    %and3A_2549 = vector.broadcast %and3A_2548 : i32 to vector<16xi32>
    %and3A_2550 = arith.andi %gather3A_2529, %and3A_2549 : vector<16xi32>
    %or3A_2551 = arith.ori %or3A_2547, %and3A_2550 : vector<16xi32>
    %swap3A_2552 = arith.constant 3 : i32
    %swap3A_2553 = arith.index_cast %swap3A_2552 : i32 to index
    %swap3A_2554 = arith.constant 112 : index
    %swap3A_2555 = tpu.vector_load %arg6[%swap3A_2553, %swap3A_2554] {strides = array<i32>} : memref<60x128xi32, #tpu.memory_space<vmem>>, vector<16xi32>,
    tpu.vector_store %arg6[%swap3A_2553, %swap3A_2554], %or3A_2551 {strides = array<i32>} : memref<60x128xi32, #tpu.memory_space<vmem>>, vector<16xi32>,
    %dma_start3A_2556 = arith.constant 3 : i32
    %dma_start3A_2557 = arith.constant 0 : i32
    %dma_start3A_2558 = tpu.memref_slice %arg6[%dma_start3A_2556, %dma_start3A_2557] : memref<60x128xi32, #tpu.memory_space<vmem>> -> memref<1x128xi32, #tpu.memory_space<vmem>>
    %dma_start3A_2559 = tpu.memref_squeeze %dma_start3A_2558 : memref<1x128xi32, #tpu.memory_space<vmem>> -> memref<128xi32, #tpu.memory_space<vmem>>
    %dma_start3A_2560 = arith.constant 0 : i32
    %dma_start3A_2561 = arith.constant 0 : i32
    %dma_start3A_2562 = tpu.memref_slice %arg2[%dma_start3A_2560, %dma_start3A_2561] : memref<61440x128xf32, #tpu.memory_space<hbm>> -> memref<61440x128xf32, #tpu.memory_space<hbm>>
    tpu.enqueue_indirect_dma source(%dma_start3A_2562 : memref<61440x128xf32, #tpu.memory_space<hbm>>) target(%arg10 : memref<128x128xf32, #tpu.memory_space<vmem>>) offsets(%dma_start3A_2559 : memref<128xi32, #tpu.memory_space<vmem>>) semaphore(%arg14 : memref<!tpu.dma_semaphore, #tpu.memory_space<semaphore_mem>>)
    %dma_wait3A_2563 = arith.constant 0 : i32
    %dma_wait3A_2564 = arith.constant 0 : i32
    %dma_wait3A_2565 = tpu.memref_slice %arg6[%dma_wait3A_2563, %dma_wait3A_2564] : memref<60x128xi32, #tpu.memory_space<vmem>> -> memref<1x128xi32, #tpu.memory_space<vmem>>
    %dma_wait3A_2566 = tpu.memref_squeeze %dma_wait3A_2565 : memref<1x128xi32, #tpu.memory_space<vmem>> -> memref<128xi32, #tpu.memory_space<vmem>>
    %dma_wait3A_2567 = arith.constant 0 : i32
    %dma_wait3A_2568 = arith.constant 0 : i32
    %dma_wait3A_2569 = tpu.memref_slice %arg2[%dma_wait3A_2567, %dma_wait3A_2568] : memref<61440x128xf32, #tpu.memory_space<hbm>> -> memref<61440x128xf32, #tpu.memory_space<hbm>>
    tpu.wait_indirect_dma semaphore(%arg12 : memref<!tpu.dma_semaphore, #tpu.memory_space<semaphore_mem>>) src(%dma_wait3A_2569 : memref<61440x128xf32, #tpu.memory_space<hbm>>) dst(%arg8 : memref<128x128xf32, #tpu.memory_space<vmem>>)
    %add3A_2570 = arith.constant 128 : i32
    %add3A_2571 = arith.addi %mul3A_2, %add3A_2570 : i32
    %dma_start3A_2572 = arith.constant 0 : i32
    %dma_start3A_2573 = tpu.memref_slice %arg4[%add3A_2571, %dma_start3A_2572] : memref<245760x128xf32, #tpu.memory_space<hbm>> -> memref<128x128xf32, #tpu.memory_space<hbm>>
    %dma_start3A_2574 = arith.constant 0 : i32
    %dma_start3A_2575 = tpu.memref_slice %arg4[%add3A_2571, %dma_start3A_2574] : memref<245760x128xf32, #tpu.memory_space<hbm>> -> memref<128x128xf32, #tpu.memory_space<hbm>>
    tpu.enqueue_dma source(%arg8 : memref<128x128xf32, #tpu.memory_space<vmem>>) target(%dma_start3A_2575 : memref<128x128xf32, #tpu.memory_space<hbm>>) target_semaphore(%arg16 : memref<!tpu.dma_semaphore, #tpu.memory_space<semaphore_mem>>)
    %scan3A = arith.constant 0 : i32
    %scan3A_2576 = arith.constant 14 : i32
    %scan3A_2577 = arith.addi %scan3A, %scan3A_2576 : i32
    %scan3A_2578 = arith.constant 1 : i32
    scf.for %scan3A_2622 = %scan3A to %scan3A_2577 step %scan3A_2578  : i32 {
      %mul3A_2623 = arith.constant 4 : i32
      %mul3A_2624 = arith.muli %scan3A_2622, %mul3A_2623 : i32
      %add3A_2625 = arith.constant 2 : i32
      %add3A_2626 = arith.addi %mul3A_2624, %add3A_2625 : i32
      %add3A_2627 = arith.constant 0 : i32
      %add3A_2628 = arith.addi %add3A_2626, %add3A_2627 : i32
      %dma_wait3A_2629 = arith.constant 0 : i32
      %dma_wait3A_2630 = tpu.memref_slice %arg4[%mul3A_2, %dma_wait3A_2629] : memref<245760x128xf32, #tpu.memory_space<hbm>> -> memref<128x128xf32, #tpu.memory_space<hbm>>
      %dma_wait3A_2631 = arith.constant 0 : i32
      %dma_wait3A_2632 = tpu.memref_slice %arg4[%mul3A_2, %dma_wait3A_2631] : memref<245760x128xf32, #tpu.memory_space<hbm>> -> memref<128x128xf32, #tpu.memory_space<hbm>>
      tpu.wait_dma2 semaphore(%arg15 : memref<!tpu.dma_semaphore, #tpu.memory_space<semaphore_mem>>) src(%arg7 : memref<128x128xf32, #tpu.memory_space<vmem>>) dst(%dma_wait3A_2632 : memref<128x128xf32, #tpu.memory_space<hbm>>)
      %add3A_2633 = arith.constant 2 : i32
      %add3A_2634 = arith.addi %add3A_2628, %add3A_2633 : i32
      %mul3A_2635 = arith.constant 128 : i32
      %mul3A_2636 = arith.muli %add3A_2634, %mul3A_2635 : i32
      %add3A_2637 = arith.addi %mul3A_2, %mul3A_2636 : i32
      %add3A_2638 = arith.constant 0 : i32
      %add3A_2639 = arith.addi %add3A_2637, %add3A_2638 : i32
      %add3A_2640 = vector.broadcast %add3A_2639 : i32 to vector<16xi32>
      %add3A_2641 = arith.addi %add3A_2640, %iota3A : vector<16xi32>
      %shift_right_arithmetic3A_2642 = arith.constant 11 : i32
      %shift_right_arithmetic3A_2643 = vector.broadcast %shift_right_arithmetic3A_2642 : i32 to vector<16xi32>
      %shift_right_arithmetic3A_2644 = arith.shrsi %add3A_2641, %shift_right_arithmetic3A_2643 : vector<16xi32>
      %mul3A_2645 = arith.constant 205 : i32
      %mul3A_2646 = vector.broadcast %mul3A_2645 : i32 to vector<16xi32>
      %mul3A_2647 = arith.muli %shift_right_arithmetic3A_2644, %mul3A_2646 : vector<16xi32>
      %shift_right_arithmetic3A_2648 = arith.constant 11 : i32
      %shift_right_arithmetic3A_2649 = vector.broadcast %shift_right_arithmetic3A_2648 : i32 to vector<16xi32>
      %shift_right_arithmetic3A_2650 = arith.shrsi %mul3A_2647, %shift_right_arithmetic3A_2649 : vector<16xi32>
      %mul3A_2651 = arith.constant 10 : i32
      %mul3A_2652 = vector.broadcast %mul3A_2651 : i32 to vector<16xi32>
      %mul3A_2653 = arith.muli %shift_right_arithmetic3A_2650, %mul3A_2652 : vector<16xi32>
      %sub3A_2654 = arith.subi %shift_right_arithmetic3A_2644, %mul3A_2653 : vector<16xi32>
      %and3A_2655 = arith.constant 2047 : i32
      %and3A_2656 = vector.broadcast %and3A_2655 : i32 to vector<16xi32>
      %and3A_2657 = arith.andi %add3A_2641, %and3A_2656 : vector<16xi32>
      %shift_right_arithmetic3A_2658 = arith.constant 7 : i32
      %shift_right_arithmetic3A_2659 = vector.broadcast %shift_right_arithmetic3A_2658 : i32 to vector<16xi32>
      %shift_right_arithmetic3A_2660 = arith.shrsi %and3A_2657, %shift_right_arithmetic3A_2659 : vector<16xi32>
      %shift_right_arithmetic3A_2661 = arith.constant 3 : i32
      %shift_right_arithmetic3A_2662 = vector.broadcast %shift_right_arithmetic3A_2661 : i32 to vector<16xi32>
      %shift_right_arithmetic3A_2663 = arith.shrsi %and3A_2657, %shift_right_arithmetic3A_2662 : vector<16xi32>
      %and3A_2664 = arith.constant 15 : i32
      %and3A_2665 = vector.broadcast %and3A_2664 : i32 to vector<16xi32>
      %and3A_2666 = arith.andi %shift_right_arithmetic3A_2663, %and3A_2665 : vector<16xi32>
      %and3A_2667 = arith.constant 7 : i32
      %and3A_2668 = vector.broadcast %and3A_2667 : i32 to vector<16xi32>
      %and3A_2669 = arith.andi %and3A_2657, %and3A_2668 : vector<16xi32>
      %shift_left3A_2670 = arith.constant 3 : i32
      %shift_left3A_2671 = vector.broadcast %shift_left3A_2670 : i32 to vector<16xi32>
      %shift_left3A_2672 = arith.shli %shift_right_arithmetic3A_2660, %shift_left3A_2671 : vector<16xi32>
      %or3A_2673 = arith.ori %shift_left3A_2672, %and3A_2669 : vector<16xi32>
      %mul3A_2674 = arith.constant 52 : i32
      %mul3A_2675 = vector.broadcast %mul3A_2674 : i32 to vector<16xi32>
      %mul3A_2676 = arith.muli %sub3A_2654, %mul3A_2675 : vector<16xi32>
      %shift_right_arithmetic3A_2677 = arith.constant 8 : i32
      %shift_right_arithmetic3A_2678 = vector.broadcast %shift_right_arithmetic3A_2677 : i32 to vector<16xi32>
      %shift_right_arithmetic3A_2679 = arith.shrsi %mul3A_2676, %shift_right_arithmetic3A_2678 : vector<16xi32>
      %mul3A_2680 = arith.constant 5 : i32
      %mul3A_2681 = vector.broadcast %mul3A_2680 : i32 to vector<16xi32>
      %mul3A_2682 = arith.muli %shift_right_arithmetic3A_2679, %mul3A_2681 : vector<16xi32>
      %sub3A_2683 = arith.subi %sub3A_2654, %mul3A_2682 : vector<16xi32>
      %shift_left3A_2684 = arith.constant 1 : i32
      %shift_left3A_2685 = vector.broadcast %shift_left3A_2684 : i32 to vector<16xi32>
      %shift_left3A_2686 = arith.shli %or3A_2673, %shift_left3A_2685 : vector<16xi32>
      %or3A_2687 = arith.ori %shift_left3A_2686, %shift_right_arithmetic3A_2679 : vector<16xi32>
      %gather3A_2688 = tpu.vector_load_idx %arg5[%or3A_2687] : memref<256xi32, #tpu.memory_space<vmem>>[vector<16xi32>], vector<16xi32>,
      %mul3A_2689 = arith.constant 5 : i32
      %mul3A_2690 = vector.broadcast %mul3A_2689 : i32 to vector<16xi32>
      %mul3A_2691 = arith.muli %shift_right_arithmetic3A_2650, %mul3A_2690 : vector<16xi32>
      %add3A_2692 = arith.addi %mul3A_2691, %sub3A_2683 : vector<16xi32>
      %shift_left3A_2693 = arith.constant 10 : i32
      %shift_left3A_2694 = vector.broadcast %shift_left3A_2693 : i32 to vector<16xi32>
      %shift_left3A_2695 = arith.shli %add3A_2692, %shift_left3A_2694 : vector<16xi32>
      %shift_right_arithmetic3A_2696 = arith.constant 3 : i32
      %shift_right_arithmetic3A_2697 = vector.broadcast %shift_right_arithmetic3A_2696 : i32 to vector<16xi32>
      %shift_right_arithmetic3A_2698 = arith.shrsi %gather3A_2688, %shift_right_arithmetic3A_2697 : vector<16xi32>
      %shift_left3A_2699 = arith.constant 7 : i32
      %shift_left3A_2700 = vector.broadcast %shift_left3A_2699 : i32 to vector<16xi32>
      %shift_left3A_2701 = arith.shli %shift_right_arithmetic3A_2698, %shift_left3A_2700 : vector<16xi32>
      %or3A_2702 = arith.ori %shift_left3A_2695, %shift_left3A_2701 : vector<16xi32>
      %shift_left3A_2703 = arith.constant 3 : i32
      %shift_left3A_2704 = vector.broadcast %shift_left3A_2703 : i32 to vector<16xi32>
      %shift_left3A_2705 = arith.shli %and3A_2666, %shift_left3A_2704 : vector<16xi32>
      %or3A_2706 = arith.ori %or3A_2702, %shift_left3A_2705 : vector<16xi32>
      %and3A_2707 = arith.constant 7 : i32
      %and3A_2708 = vector.broadcast %and3A_2707 : i32 to vector<16xi32>
      %and3A_2709 = arith.andi %gather3A_2688, %and3A_2708 : vector<16xi32>
      %or3A_2710 = arith.ori %or3A_2706, %and3A_2709 : vector<16xi32>
      %swap3A_2711 = arith.index_cast %add3A_2634 : i32 to index
      %swap3A_2712 = arith.constant 0 : index
      %swap3A_2713 = tpu.vector_load %arg6[%swap3A_2711, %swap3A_2712] {strides = array<i32>} : memref<60x128xi32, #tpu.memory_space<vmem>>, vector<16xi32>,
      tpu.vector_store %arg6[%swap3A_2711, %swap3A_2712], %or3A_2710 {strides = array<i32>} : memref<60x128xi32, #tpu.memory_space<vmem>>, vector<16xi32>,
      %mul3A_2714 = arith.constant 128 : i32
      %mul3A_2715 = arith.muli %add3A_2634, %mul3A_2714 : i32
      %add3A_2716 = arith.addi %mul3A_2, %mul3A_2715 : i32
      %add3A_2717 = arith.constant 16 : i32
      %add3A_2718 = arith.addi %add3A_2716, %add3A_2717 : i32
      %add3A_2719 = vector.broadcast %add3A_2718 : i32 to vector<16xi32>
      %add3A_2720 = arith.addi %add3A_2719, %iota3A : vector<16xi32>
      %shift_right_arithmetic3A_2721 = arith.constant 11 : i32
      %shift_right_arithmetic3A_2722 = vector.broadcast %shift_right_arithmetic3A_2721 : i32 to vector<16xi32>
      %shift_right_arithmetic3A_2723 = arith.shrsi %add3A_2720, %shift_right_arithmetic3A_2722 : vector<16xi32>
      %mul3A_2724 = arith.constant 205 : i32
      %mul3A_2725 = vector.broadcast %mul3A_2724 : i32 to vector<16xi32>
      %mul3A_2726 = arith.muli %shift_right_arithmetic3A_2723, %mul3A_2725 : vector<16xi32>
      %shift_right_arithmetic3A_2727 = arith.constant 11 : i32
      %shift_right_arithmetic3A_2728 = vector.broadcast %shift_right_arithmetic3A_2727 : i32 to vector<16xi32>
      %shift_right_arithmetic3A_2729 = arith.shrsi %mul3A_2726, %shift_right_arithmetic3A_2728 : vector<16xi32>
      %mul3A_2730 = arith.constant 10 : i32
      %mul3A_2731 = vector.broadcast %mul3A_2730 : i32 to vector<16xi32>
      %mul3A_2732 = arith.muli %shift_right_arithmetic3A_2729, %mul3A_2731 : vector<16xi32>
      %sub3A_2733 = arith.subi %shift_right_arithmetic3A_2723, %mul3A_2732 : vector<16xi32>
      %and3A_2734 = arith.constant 2047 : i32
      %and3A_2735 = vector.broadcast %and3A_2734 : i32 to vector<16xi32>
      %and3A_2736 = arith.andi %add3A_2720, %and3A_2735 : vector<16xi32>
      %shift_right_arithmetic3A_2737 = arith.constant 7 : i32
      %shift_right_arithmetic3A_2738 = vector.broadcast %shift_right_arithmetic3A_2737 : i32 to vector<16xi32>
      %shift_right_arithmetic3A_2739 = arith.shrsi %and3A_2736, %shift_right_arithmetic3A_2738 : vector<16xi32>
      %shift_right_arithmetic3A_2740 = arith.constant 3 : i32
      %shift_right_arithmetic3A_2741 = vector.broadcast %shift_right_arithmetic3A_2740 : i32 to vector<16xi32>
      %shift_right_arithmetic3A_2742 = arith.shrsi %and3A_2736, %shift_right_arithmetic3A_2741 : vector<16xi32>
      %and3A_2743 = arith.constant 15 : i32
      %and3A_2744 = vector.broadcast %and3A_2743 : i32 to vector<16xi32>
      %and3A_2745 = arith.andi %shift_right_arithmetic3A_2742, %and3A_2744 : vector<16xi32>
      %and3A_2746 = arith.constant 7 : i32
      %and3A_2747 = vector.broadcast %and3A_2746 : i32 to vector<16xi32>
      %and3A_2748 = arith.andi %and3A_2736, %and3A_2747 : vector<16xi32>
      %shift_left3A_2749 = arith.constant 3 : i32
      %shift_left3A_2750 = vector.broadcast %shift_left3A_2749 : i32 to vector<16xi32>
      %shift_left3A_2751 = arith.shli %shift_right_arithmetic3A_2739, %shift_left3A_2750 : vector<16xi32>
      %or3A_2752 = arith.ori %shift_left3A_2751, %and3A_2748 : vector<16xi32>
      %mul3A_2753 = arith.constant 52 : i32
      %mul3A_2754 = vector.broadcast %mul3A_2753 : i32 to vector<16xi32>
      %mul3A_2755 = arith.muli %sub3A_2733, %mul3A_2754 : vector<16xi32>
      %shift_right_arithmetic3A_2756 = arith.constant 8 : i32
      %shift_right_arithmetic3A_2757 = vector.broadcast %shift_right_arithmetic3A_2756 : i32 to vector<16xi32>
      %shift_right_arithmetic3A_2758 = arith.shrsi %mul3A_2755, %shift_right_arithmetic3A_2757 : vector<16xi32>
      %mul3A_2759 = arith.constant 5 : i32
      %mul3A_2760 = vector.broadcast %mul3A_2759 : i32 to vector<16xi32>
      %mul3A_2761 = arith.muli %shift_right_arithmetic3A_2758, %mul3A_2760 : vector<16xi32>
      %sub3A_2762 = arith.subi %sub3A_2733, %mul3A_2761 : vector<16xi32>
      %shift_left3A_2763 = arith.constant 1 : i32
      %shift_left3A_2764 = vector.broadcast %shift_left3A_2763 : i32 to vector<16xi32>
      %shift_left3A_2765 = arith.shli %or3A_2752, %shift_left3A_2764 : vector<16xi32>
      %or3A_2766 = arith.ori %shift_left3A_2765, %shift_right_arithmetic3A_2758 : vector<16xi32>
      %gather3A_2767 = tpu.vector_load_idx %arg5[%or3A_2766] : memref<256xi32, #tpu.memory_space<vmem>>[vector<16xi32>], vector<16xi32>,
      %mul3A_2768 = arith.constant 5 : i32
      %mul3A_2769 = vector.broadcast %mul3A_2768 : i32 to vector<16xi32>
      %mul3A_2770 = arith.muli %shift_right_arithmetic3A_2729, %mul3A_2769 : vector<16xi32>
      %add3A_2771 = arith.addi %mul3A_2770, %sub3A_2762 : vector<16xi32>
      %shift_left3A_2772 = arith.constant 10 : i32
      %shift_left3A_2773 = vector.broadcast %shift_left3A_2772 : i32 to vector<16xi32>
      %shift_left3A_2774 = arith.shli %add3A_2771, %shift_left3A_2773 : vector<16xi32>
      %shift_right_arithmetic3A_2775 = arith.constant 3 : i32
      %shift_right_arithmetic3A_2776 = vector.broadcast %shift_right_arithmetic3A_2775 : i32 to vector<16xi32>
      %shift_right_arithmetic3A_2777 = arith.shrsi %gather3A_2767, %shift_right_arithmetic3A_2776 : vector<16xi32>
      %shift_left3A_2778 = arith.constant 7 : i32
      %shift_left3A_2779 = vector.broadcast %shift_left3A_2778 : i32 to vector<16xi32>
      %shift_left3A_2780 = arith.shli %shift_right_arithmetic3A_2777, %shift_left3A_2779 : vector<16xi32>
      %or3A_2781 = arith.ori %shift_left3A_2774, %shift_left3A_2780 : vector<16xi32>
      %shift_left3A_2782 = arith.constant 3 : i32
      %shift_left3A_2783 = vector.broadcast %shift_left3A_2782 : i32 to vector<16xi32>
      %shift_left3A_2784 = arith.shli %and3A_2745, %shift_left3A_2783 : vector<16xi32>
      %or3A_2785 = arith.ori %or3A_2781, %shift_left3A_2784 : vector<16xi32>
      %and3A_2786 = arith.constant 7 : i32
      %and3A_2787 = vector.broadcast %and3A_2786 : i32 to vector<16xi32>
      %and3A_2788 = arith.andi %gather3A_2767, %and3A_2787 : vector<16xi32>
      %or3A_2789 = arith.ori %or3A_2785, %and3A_2788 : vector<16xi32>
      %swap3A_2790 = arith.index_cast %add3A_2634 : i32 to index
      %swap3A_2791 = arith.constant 16 : index
      %swap3A_2792 = tpu.vector_load %arg6[%swap3A_2790, %swap3A_2791] {strides = array<i32>} : memref<60x128xi32, #tpu.memory_space<vmem>>, vector<16xi32>,
      tpu.vector_store %arg6[%swap3A_2790, %swap3A_2791], %or3A_2789 {strides = array<i32>} : memref<60x128xi32, #tpu.memory_space<vmem>>, vector<16xi32>,
      %mul3A_2793 = arith.constant 128 : i32
      %mul3A_2794 = arith.muli %add3A_2634, %mul3A_2793 : i32
      %add3A_2795 = arith.addi %mul3A_2, %mul3A_2794 : i32
      %add3A_2796 = arith.constant 32 : i32
      %add3A_2797 = arith.addi %add3A_2795, %add3A_2796 : i32
      %add3A_2798 = vector.broadcast %add3A_2797 : i32 to vector<16xi32>
      %add3A_2799 = arith.addi %add3A_2798, %iota3A : vector<16xi32>
      %shift_right_arithmetic3A_2800 = arith.constant 11 : i32
      %shift_right_arithmetic3A_2801 = vector.broadcast %shift_right_arithmetic3A_2800 : i32 to vector<16xi32>
      %shift_right_arithmetic3A_2802 = arith.shrsi %add3A_2799, %shift_right_arithmetic3A_2801 : vector<16xi32>
      %mul3A_2803 = arith.constant 205 : i32
      %mul3A_2804 = vector.broadcast %mul3A_2803 : i32 to vector<16xi32>
      %mul3A_2805 = arith.muli %shift_right_arithmetic3A_2802, %mul3A_2804 : vector<16xi32>
      %shift_right_arithmetic3A_2806 = arith.constant 11 : i32
      %shift_right_arithmetic3A_2807 = vector.broadcast %shift_right_arithmetic3A_2806 : i32 to vector<16xi32>
      %shift_right_arithmetic3A_2808 = arith.shrsi %mul3A_2805, %shift_right_arithmetic3A_2807 : vector<16xi32>
      %mul3A_2809 = arith.constant 10 : i32
      %mul3A_2810 = vector.broadcast %mul3A_2809 : i32 to vector<16xi32>
      %mul3A_2811 = arith.muli %shift_right_arithmetic3A_2808, %mul3A_2810 : vector<16xi32>
      %sub3A_2812 = arith.subi %shift_right_arithmetic3A_2802, %mul3A_2811 : vector<16xi32>
      %and3A_2813 = arith.constant 2047 : i32
      %and3A_2814 = vector.broadcast %and3A_2813 : i32 to vector<16xi32>
      %and3A_2815 = arith.andi %add3A_2799, %and3A_2814 : vector<16xi32>
      %shift_right_arithmetic3A_2816 = arith.constant 7 : i32
      %shift_right_arithmetic3A_2817 = vector.broadcast %shift_right_arithmetic3A_2816 : i32 to vector<16xi32>
      %shift_right_arithmetic3A_2818 = arith.shrsi %and3A_2815, %shift_right_arithmetic3A_2817 : vector<16xi32>
      %shift_right_arithmetic3A_2819 = arith.constant 3 : i32
      %shift_right_arithmetic3A_2820 = vector.broadcast %shift_right_arithmetic3A_2819 : i32 to vector<16xi32>
      %shift_right_arithmetic3A_2821 = arith.shrsi %and3A_2815, %shift_right_arithmetic3A_2820 : vector<16xi32>
      %and3A_2822 = arith.constant 15 : i32
      %and3A_2823 = vector.broadcast %and3A_2822 : i32 to vector<16xi32>
      %and3A_2824 = arith.andi %shift_right_arithmetic3A_2821, %and3A_2823 : vector<16xi32>
      %and3A_2825 = arith.constant 7 : i32
      %and3A_2826 = vector.broadcast %and3A_2825 : i32 to vector<16xi32>
      %and3A_2827 = arith.andi %and3A_2815, %and3A_2826 : vector<16xi32>
      %shift_left3A_2828 = arith.constant 3 : i32
      %shift_left3A_2829 = vector.broadcast %shift_left3A_2828 : i32 to vector<16xi32>
      %shift_left3A_2830 = arith.shli %shift_right_arithmetic3A_2818, %shift_left3A_2829 : vector<16xi32>
      %or3A_2831 = arith.ori %shift_left3A_2830, %and3A_2827 : vector<16xi32>
      %mul3A_2832 = arith.constant 52 : i32
      %mul3A_2833 = vector.broadcast %mul3A_2832 : i32 to vector<16xi32>
      %mul3A_2834 = arith.muli %sub3A_2812, %mul3A_2833 : vector<16xi32>
      %shift_right_arithmetic3A_2835 = arith.constant 8 : i32
      %shift_right_arithmetic3A_2836 = vector.broadcast %shift_right_arithmetic3A_2835 : i32 to vector<16xi32>
      %shift_right_arithmetic3A_2837 = arith.shrsi %mul3A_2834, %shift_right_arithmetic3A_2836 : vector<16xi32>
      %mul3A_2838 = arith.constant 5 : i32
      %mul3A_2839 = vector.broadcast %mul3A_2838 : i32 to vector<16xi32>
      %mul3A_2840 = arith.muli %shift_right_arithmetic3A_2837, %mul3A_2839 : vector<16xi32>
      %sub3A_2841 = arith.subi %sub3A_2812, %mul3A_2840 : vector<16xi32>
      %shift_left3A_2842 = arith.constant 1 : i32
      %shift_left3A_2843 = vector.broadcast %shift_left3A_2842 : i32 to vector<16xi32>
      %shift_left3A_2844 = arith.shli %or3A_2831, %shift_left3A_2843 : vector<16xi32>
      %or3A_2845 = arith.ori %shift_left3A_2844, %shift_right_arithmetic3A_2837 : vector<16xi32>
      %gather3A_2846 = tpu.vector_load_idx %arg5[%or3A_2845] : memref<256xi32, #tpu.memory_space<vmem>>[vector<16xi32>], vector<16xi32>,
      %mul3A_2847 = arith.constant 5 : i32
      %mul3A_2848 = vector.broadcast %mul3A_2847 : i32 to vector<16xi32>
      %mul3A_2849 = arith.muli %shift_right_arithmetic3A_2808, %mul3A_2848 : vector<16xi32>
      %add3A_2850 = arith.addi %mul3A_2849, %sub3A_2841 : vector<16xi32>
      %shift_left3A_2851 = arith.constant 10 : i32
      %shift_left3A_2852 = vector.broadcast %shift_left3A_2851 : i32 to vector<16xi32>
      %shift_left3A_2853 = arith.shli %add3A_2850, %shift_left3A_2852 : vector<16xi32>
      %shift_right_arithmetic3A_2854 = arith.constant 3 : i32
      %shift_right_arithmetic3A_2855 = vector.broadcast %shift_right_arithmetic3A_2854 : i32 to vector<16xi32>
      %shift_right_arithmetic3A_2856 = arith.shrsi %gather3A_2846, %shift_right_arithmetic3A_2855 : vector<16xi32>
      %shift_left3A_2857 = arith.constant 7 : i32
      %shift_left3A_2858 = vector.broadcast %shift_left3A_2857 : i32 to vector<16xi32>
      %shift_left3A_2859 = arith.shli %shift_right_arithmetic3A_2856, %shift_left3A_2858 : vector<16xi32>
      %or3A_2860 = arith.ori %shift_left3A_2853, %shift_left3A_2859 : vector<16xi32>
      %shift_left3A_2861 = arith.constant 3 : i32
      %shift_left3A_2862 = vector.broadcast %shift_left3A_2861 : i32 to vector<16xi32>
      %shift_left3A_2863 = arith.shli %and3A_2824, %shift_left3A_2862 : vector<16xi32>
      %or3A_2864 = arith.ori %or3A_2860, %shift_left3A_2863 : vector<16xi32>
      %and3A_2865 = arith.constant 7 : i32
      %and3A_2866 = vector.broadcast %and3A_2865 : i32 to vector<16xi32>
      %and3A_2867 = arith.andi %gather3A_2846, %and3A_2866 : vector<16xi32>
      %or3A_2868 = arith.ori %or3A_2864, %and3A_2867 : vector<16xi32>
      %swap3A_2869 = arith.index_cast %add3A_2634 : i32 to index
      %swap3A_2870 = arith.constant 32 : index
      %swap3A_2871 = tpu.vector_load %arg6[%swap3A_2869, %swap3A_2870] {strides = array<i32>} : memref<60x128xi32, #tpu.memory_space<vmem>>, vector<16xi32>,
      tpu.vector_store %arg6[%swap3A_2869, %swap3A_2870], %or3A_2868 {strides = array<i32>} : memref<60x128xi32, #tpu.memory_space<vmem>>, vector<16xi32>,
      %mul3A_2872 = arith.constant 128 : i32
      %mul3A_2873 = arith.muli %add3A_2634, %mul3A_2872 : i32
      %add3A_2874 = arith.addi %mul3A_2, %mul3A_2873 : i32
      %add3A_2875 = arith.constant 48 : i32
      %add3A_2876 = arith.addi %add3A_2874, %add3A_2875 : i32
      %add3A_2877 = vector.broadcast %add3A_2876 : i32 to vector<16xi32>
      %add3A_2878 = arith.addi %add3A_2877, %iota3A : vector<16xi32>
      %shift_right_arithmetic3A_2879 = arith.constant 11 : i32
      %shift_right_arithmetic3A_2880 = vector.broadcast %shift_right_arithmetic3A_2879 : i32 to vector<16xi32>
      %shift_right_arithmetic3A_2881 = arith.shrsi %add3A_2878, %shift_right_arithmetic3A_2880 : vector<16xi32>
      %mul3A_2882 = arith.constant 205 : i32
      %mul3A_2883 = vector.broadcast %mul3A_2882 : i32 to vector<16xi32>
      %mul3A_2884 = arith.muli %shift_right_arithmetic3A_2881, %mul3A_2883 : vector<16xi32>
      %shift_right_arithmetic3A_2885 = arith.constant 11 : i32
      %shift_right_arithmetic3A_2886 = vector.broadcast %shift_right_arithmetic3A_2885 : i32 to vector<16xi32>
      %shift_right_arithmetic3A_2887 = arith.shrsi %mul3A_2884, %shift_right_arithmetic3A_2886 : vector<16xi32>
      %mul3A_2888 = arith.constant 10 : i32
      %mul3A_2889 = vector.broadcast %mul3A_2888 : i32 to vector<16xi32>
      %mul3A_2890 = arith.muli %shift_right_arithmetic3A_2887, %mul3A_2889 : vector<16xi32>
      %sub3A_2891 = arith.subi %shift_right_arithmetic3A_2881, %mul3A_2890 : vector<16xi32>
      %and3A_2892 = arith.constant 2047 : i32
      %and3A_2893 = vector.broadcast %and3A_2892 : i32 to vector<16xi32>
      %and3A_2894 = arith.andi %add3A_2878, %and3A_2893 : vector<16xi32>
      %shift_right_arithmetic3A_2895 = arith.constant 7 : i32
      %shift_right_arithmetic3A_2896 = vector.broadcast %shift_right_arithmetic3A_2895 : i32 to vector<16xi32>
      %shift_right_arithmetic3A_2897 = arith.shrsi %and3A_2894, %shift_right_arithmetic3A_2896 : vector<16xi32>
      %shift_right_arithmetic3A_2898 = arith.constant 3 : i32
      %shift_right_arithmetic3A_2899 = vector.broadcast %shift_right_arithmetic3A_2898 : i32 to vector<16xi32>
      %shift_right_arithmetic3A_2900 = arith.shrsi %and3A_2894, %shift_right_arithmetic3A_2899 : vector<16xi32>
      %and3A_2901 = arith.constant 15 : i32
      %and3A_2902 = vector.broadcast %and3A_2901 : i32 to vector<16xi32>
      %and3A_2903 = arith.andi %shift_right_arithmetic3A_2900, %and3A_2902 : vector<16xi32>
      %and3A_2904 = arith.constant 7 : i32
      %and3A_2905 = vector.broadcast %and3A_2904 : i32 to vector<16xi32>
      %and3A_2906 = arith.andi %and3A_2894, %and3A_2905 : vector<16xi32>
      %shift_left3A_2907 = arith.constant 3 : i32
      %shift_left3A_2908 = vector.broadcast %shift_left3A_2907 : i32 to vector<16xi32>
      %shift_left3A_2909 = arith.shli %shift_right_arithmetic3A_2897, %shift_left3A_2908 : vector<16xi32>
      %or3A_2910 = arith.ori %shift_left3A_2909, %and3A_2906 : vector<16xi32>
      %mul3A_2911 = arith.constant 52 : i32
      %mul3A_2912 = vector.broadcast %mul3A_2911 : i32 to vector<16xi32>
      %mul3A_2913 = arith.muli %sub3A_2891, %mul3A_2912 : vector<16xi32>
      %shift_right_arithmetic3A_2914 = arith.constant 8 : i32
      %shift_right_arithmetic3A_2915 = vector.broadcast %shift_right_arithmetic3A_2914 : i32 to vector<16xi32>
      %shift_right_arithmetic3A_2916 = arith.shrsi %mul3A_2913, %shift_right_arithmetic3A_2915 : vector<16xi32>
      %mul3A_2917 = arith.constant 5 : i32
      %mul3A_2918 = vector.broadcast %mul3A_2917 : i32 to vector<16xi32>
      %mul3A_2919 = arith.muli %shift_right_arithmetic3A_2916, %mul3A_2918 : vector<16xi32>
      %sub3A_2920 = arith.subi %sub3A_2891, %mul3A_2919 : vector<16xi32>
      %shift_left3A_2921 = arith.constant 1 : i32
      %shift_left3A_2922 = vector.broadcast %shift_left3A_2921 : i32 to vector<16xi32>
      %shift_left3A_2923 = arith.shli %or3A_2910, %shift_left3A_2922 : vector<16xi32>
      %or3A_2924 = arith.ori %shift_left3A_2923, %shift_right_arithmetic3A_2916 : vector<16xi32>
      %gather3A_2925 = tpu.vector_load_idx %arg5[%or3A_2924] : memref<256xi32, #tpu.memory_space<vmem>>[vector<16xi32>], vector<16xi32>,
      %mul3A_2926 = arith.constant 5 : i32
      %mul3A_2927 = vector.broadcast %mul3A_2926 : i32 to vector<16xi32>
      %mul3A_2928 = arith.muli %shift_right_arithmetic3A_2887, %mul3A_2927 : vector<16xi32>
      %add3A_2929 = arith.addi %mul3A_2928, %sub3A_2920 : vector<16xi32>
      %shift_left3A_2930 = arith.constant 10 : i32
      %shift_left3A_2931 = vector.broadcast %shift_left3A_2930 : i32 to vector<16xi32>
      %shift_left3A_2932 = arith.shli %add3A_2929, %shift_left3A_2931 : vector<16xi32>
      %shift_right_arithmetic3A_2933 = arith.constant 3 : i32
      %shift_right_arithmetic3A_2934 = vector.broadcast %shift_right_arithmetic3A_2933 : i32 to vector<16xi32>
      %shift_right_arithmetic3A_2935 = arith.shrsi %gather3A_2925, %shift_right_arithmetic3A_2934 : vector<16xi32>
      %shift_left3A_2936 = arith.constant 7 : i32
      %shift_left3A_2937 = vector.broadcast %shift_left3A_2936 : i32 to vector<16xi32>
      %shift_left3A_2938 = arith.shli %shift_right_arithmetic3A_2935, %shift_left3A_2937 : vector<16xi32>
      %or3A_2939 = arith.ori %shift_left3A_2932, %shift_left3A_2938 : vector<16xi32>
      %shift_left3A_2940 = arith.constant 3 : i32
      %shift_left3A_2941 = vector.broadcast %shift_left3A_2940 : i32 to vector<16xi32>
      %shift_left3A_2942 = arith.shli %and3A_2903, %shift_left3A_2941 : vector<16xi32>
      %or3A_2943 = arith.ori %or3A_2939, %shift_left3A_2942 : vector<16xi32>
      %and3A_2944 = arith.constant 7 : i32
      %and3A_2945 = vector.broadcast %and3A_2944 : i32 to vector<16xi32>
      %and3A_2946 = arith.andi %gather3A_2925, %and3A_2945 : vector<16xi32>
      %or3A_2947 = arith.ori %or3A_2943, %and3A_2946 : vector<16xi32>
      %swap3A_2948 = arith.index_cast %add3A_2634 : i32 to index
      %swap3A_2949 = arith.constant 48 : index
      %swap3A_2950 = tpu.vector_load %arg6[%swap3A_2948, %swap3A_2949] {strides = array<i32>} : memref<60x128xi32, #tpu.memory_space<vmem>>, vector<16xi32>,
      tpu.vector_store %arg6[%swap3A_2948, %swap3A_2949], %or3A_2947 {strides = array<i32>} : memref<60x128xi32, #tpu.memory_space<vmem>>, vector<16xi32>,
      %mul3A_2951 = arith.constant 128 : i32
      %mul3A_2952 = arith.muli %add3A_2634, %mul3A_2951 : i32
      %add3A_2953 = arith.addi %mul3A_2, %mul3A_2952 : i32
      %add3A_2954 = arith.constant 64 : i32
      %add3A_2955 = arith.addi %add3A_2953, %add3A_2954 : i32
      %add3A_2956 = vector.broadcast %add3A_2955 : i32 to vector<16xi32>
      %add3A_2957 = arith.addi %add3A_2956, %iota3A : vector<16xi32>
      %shift_right_arithmetic3A_2958 = arith.constant 11 : i32
      %shift_right_arithmetic3A_2959 = vector.broadcast %shift_right_arithmetic3A_2958 : i32 to vector<16xi32>
      %shift_right_arithmetic3A_2960 = arith.shrsi %add3A_2957, %shift_right_arithmetic3A_2959 : vector<16xi32>
      %mul3A_2961 = arith.constant 205 : i32
      %mul3A_2962 = vector.broadcast %mul3A_2961 : i32 to vector<16xi32>
      %mul3A_2963 = arith.muli %shift_right_arithmetic3A_2960, %mul3A_2962 : vector<16xi32>
      %shift_right_arithmetic3A_2964 = arith.constant 11 : i32
      %shift_right_arithmetic3A_2965 = vector.broadcast %shift_right_arithmetic3A_2964 : i32 to vector<16xi32>
      %shift_right_arithmetic3A_2966 = arith.shrsi %mul3A_2963, %shift_right_arithmetic3A_2965 : vector<16xi32>
      %mul3A_2967 = arith.constant 10 : i32
      %mul3A_2968 = vector.broadcast %mul3A_2967 : i32 to vector<16xi32>
      %mul3A_2969 = arith.muli %shift_right_arithmetic3A_2966, %mul3A_2968 : vector<16xi32>
      %sub3A_2970 = arith.subi %shift_right_arithmetic3A_2960, %mul3A_2969 : vector<16xi32>
      %and3A_2971 = arith.constant 2047 : i32
      %and3A_2972 = vector.broadcast %and3A_2971 : i32 to vector<16xi32>
      %and3A_2973 = arith.andi %add3A_2957, %and3A_2972 : vector<16xi32>
      %shift_right_arithmetic3A_2974 = arith.constant 7 : i32
      %shift_right_arithmetic3A_2975 = vector.broadcast %shift_right_arithmetic3A_2974 : i32 to vector<16xi32>
      %shift_right_arithmetic3A_2976 = arith.shrsi %and3A_2973, %shift_right_arithmetic3A_2975 : vector<16xi32>
      %shift_right_arithmetic3A_2977 = arith.constant 3 : i32
      %shift_right_arithmetic3A_2978 = vector.broadcast %shift_right_arithmetic3A_2977 : i32 to vector<16xi32>
      %shift_right_arithmetic3A_2979 = arith.shrsi %and3A_2973, %shift_right_arithmetic3A_2978 : vector<16xi32>
      %and3A_2980 = arith.constant 15 : i32
      %and3A_2981 = vector.broadcast %and3A_2980 : i32 to vector<16xi32>
      %and3A_2982 = arith.andi %shift_right_arithmetic3A_2979, %and3A_2981 : vector<16xi32>
      %and3A_2983 = arith.constant 7 : i32
      %and3A_2984 = vector.broadcast %and3A_2983 : i32 to vector<16xi32>
      %and3A_2985 = arith.andi %and3A_2973, %and3A_2984 : vector<16xi32>
      %shift_left3A_2986 = arith.constant 3 : i32
      %shift_left3A_2987 = vector.broadcast %shift_left3A_2986 : i32 to vector<16xi32>
      %shift_left3A_2988 = arith.shli %shift_right_arithmetic3A_2976, %shift_left3A_2987 : vector<16xi32>
      %or3A_2989 = arith.ori %shift_left3A_2988, %and3A_2985 : vector<16xi32>
      %mul3A_2990 = arith.constant 52 : i32
      %mul3A_2991 = vector.broadcast %mul3A_2990 : i32 to vector<16xi32>
      %mul3A_2992 = arith.muli %sub3A_2970, %mul3A_2991 : vector<16xi32>
      %shift_right_arithmetic3A_2993 = arith.constant 8 : i32
      %shift_right_arithmetic3A_2994 = vector.broadcast %shift_right_arithmetic3A_2993 : i32 to vector<16xi32>
      %shift_right_arithmetic3A_2995 = arith.shrsi %mul3A_2992, %shift_right_arithmetic3A_2994 : vector<16xi32>
      %mul3A_2996 = arith.constant 5 : i32
      %mul3A_2997 = vector.broadcast %mul3A_2996 : i32 to vector<16xi32>
      %mul3A_2998 = arith.muli %shift_right_arithmetic3A_2995, %mul3A_2997 : vector<16xi32>
      %sub3A_2999 = arith.subi %sub3A_2970, %mul3A_2998 : vector<16xi32>
      %shift_left3A_3000 = arith.constant 1 : i32
      %shift_left3A_3001 = vector.broadcast %shift_left3A_3000 : i32 to vector<16xi32>
      %shift_left3A_3002 = arith.shli %or3A_2989, %shift_left3A_3001 : vector<16xi32>
      %or3A_3003 = arith.ori %shift_left3A_3002, %shift_right_arithmetic3A_2995 : vector<16xi32>
      %gather3A_3004 = tpu.vector_load_idx %arg5[%or3A_3003] : memref<256xi32, #tpu.memory_space<vmem>>[vector<16xi32>], vector<16xi32>,
      %mul3A_3005 = arith.constant 5 : i32
      %mul3A_3006 = vector.broadcast %mul3A_3005 : i32 to vector<16xi32>
      %mul3A_3007 = arith.muli %shift_right_arithmetic3A_2966, %mul3A_3006 : vector<16xi32>
      %add3A_3008 = arith.addi %mul3A_3007, %sub3A_2999 : vector<16xi32>
      %shift_left3A_3009 = arith.constant 10 : i32
      %shift_left3A_3010 = vector.broadcast %shift_left3A_3009 : i32 to vector<16xi32>
      %shift_left3A_3011 = arith.shli %add3A_3008, %shift_left3A_3010 : vector<16xi32>
      %shift_right_arithmetic3A_3012 = arith.constant 3 : i32
      %shift_right_arithmetic3A_3013 = vector.broadcast %shift_right_arithmetic3A_3012 : i32 to vector<16xi32>
      %shift_right_arithmetic3A_3014 = arith.shrsi %gather3A_3004, %shift_right_arithmetic3A_3013 : vector<16xi32>
      %shift_left3A_3015 = arith.constant 7 : i32
      %shift_left3A_3016 = vector.broadcast %shift_left3A_3015 : i32 to vector<16xi32>
      %shift_left3A_3017 = arith.shli %shift_right_arithmetic3A_3014, %shift_left3A_3016 : vector<16xi32>
      %or3A_3018 = arith.ori %shift_left3A_3011, %shift_left3A_3017 : vector<16xi32>
      %shift_left3A_3019 = arith.constant 3 : i32
      %shift_left3A_3020 = vector.broadcast %shift_left3A_3019 : i32 to vector<16xi32>
      %shift_left3A_3021 = arith.shli %and3A_2982, %shift_left3A_3020 : vector<16xi32>
      %or3A_3022 = arith.ori %or3A_3018, %shift_left3A_3021 : vector<16xi32>
      %and3A_3023 = arith.constant 7 : i32
      %and3A_3024 = vector.broadcast %and3A_3023 : i32 to vector<16xi32>
      %and3A_3025 = arith.andi %gather3A_3004, %and3A_3024 : vector<16xi32>
      %or3A_3026 = arith.ori %or3A_3022, %and3A_3025 : vector<16xi32>
      %swap3A_3027 = arith.index_cast %add3A_2634 : i32 to index
      %swap3A_3028 = arith.constant 64 : index
      %swap3A_3029 = tpu.vector_load %arg6[%swap3A_3027, %swap3A_3028] {strides = array<i32>} : memref<60x128xi32, #tpu.memory_space<vmem>>, vector<16xi32>,
      tpu.vector_store %arg6[%swap3A_3027, %swap3A_3028], %or3A_3026 {strides = array<i32>} : memref<60x128xi32, #tpu.memory_space<vmem>>, vector<16xi32>,
      %mul3A_3030 = arith.constant 128 : i32
      %mul3A_3031 = arith.muli %add3A_2634, %mul3A_3030 : i32
      %add3A_3032 = arith.addi %mul3A_2, %mul3A_3031 : i32
      %add3A_3033 = arith.constant 80 : i32
      %add3A_3034 = arith.addi %add3A_3032, %add3A_3033 : i32
      %add3A_3035 = vector.broadcast %add3A_3034 : i32 to vector<16xi32>
      %add3A_3036 = arith.addi %add3A_3035, %iota3A : vector<16xi32>
      %shift_right_arithmetic3A_3037 = arith.constant 11 : i32
      %shift_right_arithmetic3A_3038 = vector.broadcast %shift_right_arithmetic3A_3037 : i32 to vector<16xi32>
      %shift_right_arithmetic3A_3039 = arith.shrsi %add3A_3036, %shift_right_arithmetic3A_3038 : vector<16xi32>
      %mul3A_3040 = arith.constant 205 : i32
      %mul3A_3041 = vector.broadcast %mul3A_3040 : i32 to vector<16xi32>
      %mul3A_3042 = arith.muli %shift_right_arithmetic3A_3039, %mul3A_3041 : vector<16xi32>
      %shift_right_arithmetic3A_3043 = arith.constant 11 : i32
      %shift_right_arithmetic3A_3044 = vector.broadcast %shift_right_arithmetic3A_3043 : i32 to vector<16xi32>
      %shift_right_arithmetic3A_3045 = arith.shrsi %mul3A_3042, %shift_right_arithmetic3A_3044 : vector<16xi32>
      %mul3A_3046 = arith.constant 10 : i32
      %mul3A_3047 = vector.broadcast %mul3A_3046 : i32 to vector<16xi32>
      %mul3A_3048 = arith.muli %shift_right_arithmetic3A_3045, %mul3A_3047 : vector<16xi32>
      %sub3A_3049 = arith.subi %shift_right_arithmetic3A_3039, %mul3A_3048 : vector<16xi32>
      %and3A_3050 = arith.constant 2047 : i32
      %and3A_3051 = vector.broadcast %and3A_3050 : i32 to vector<16xi32>
      %and3A_3052 = arith.andi %add3A_3036, %and3A_3051 : vector<16xi32>
      %shift_right_arithmetic3A_3053 = arith.constant 7 : i32
      %shift_right_arithmetic3A_3054 = vector.broadcast %shift_right_arithmetic3A_3053 : i32 to vector<16xi32>
      %shift_right_arithmetic3A_3055 = arith.shrsi %and3A_3052, %shift_right_arithmetic3A_3054 : vector<16xi32>
      %shift_right_arithmetic3A_3056 = arith.constant 3 : i32
      %shift_right_arithmetic3A_3057 = vector.broadcast %shift_right_arithmetic3A_3056 : i32 to vector<16xi32>
      %shift_right_arithmetic3A_3058 = arith.shrsi %and3A_3052, %shift_right_arithmetic3A_3057 : vector<16xi32>
      %and3A_3059 = arith.constant 15 : i32
      %and3A_3060 = vector.broadcast %and3A_3059 : i32 to vector<16xi32>
      %and3A_3061 = arith.andi %shift_right_arithmetic3A_3058, %and3A_3060 : vector<16xi32>
      %and3A_3062 = arith.constant 7 : i32
      %and3A_3063 = vector.broadcast %and3A_3062 : i32 to vector<16xi32>
      %and3A_3064 = arith.andi %and3A_3052, %and3A_3063 : vector<16xi32>
      %shift_left3A_3065 = arith.constant 3 : i32
      %shift_left3A_3066 = vector.broadcast %shift_left3A_3065 : i32 to vector<16xi32>
      %shift_left3A_3067 = arith.shli %shift_right_arithmetic3A_3055, %shift_left3A_3066 : vector<16xi32>
      %or3A_3068 = arith.ori %shift_left3A_3067, %and3A_3064 : vector<16xi32>
      %mul3A_3069 = arith.constant 52 : i32
      %mul3A_3070 = vector.broadcast %mul3A_3069 : i32 to vector<16xi32>
      %mul3A_3071 = arith.muli %sub3A_3049, %mul3A_3070 : vector<16xi32>
      %shift_right_arithmetic3A_3072 = arith.constant 8 : i32
      %shift_right_arithmetic3A_3073 = vector.broadcast %shift_right_arithmetic3A_3072 : i32 to vector<16xi32>
      %shift_right_arithmetic3A_3074 = arith.shrsi %mul3A_3071, %shift_right_arithmetic3A_3073 : vector<16xi32>
      %mul3A_3075 = arith.constant 5 : i32
      %mul3A_3076 = vector.broadcast %mul3A_3075 : i32 to vector<16xi32>
      %mul3A_3077 = arith.muli %shift_right_arithmetic3A_3074, %mul3A_3076 : vector<16xi32>
      %sub3A_3078 = arith.subi %sub3A_3049, %mul3A_3077 : vector<16xi32>
      %shift_left3A_3079 = arith.constant 1 : i32
      %shift_left3A_3080 = vector.broadcast %shift_left3A_3079 : i32 to vector<16xi32>
      %shift_left3A_3081 = arith.shli %or3A_3068, %shift_left3A_3080 : vector<16xi32>
      %or3A_3082 = arith.ori %shift_left3A_3081, %shift_right_arithmetic3A_3074 : vector<16xi32>
      %gather3A_3083 = tpu.vector_load_idx %arg5[%or3A_3082] : memref<256xi32, #tpu.memory_space<vmem>>[vector<16xi32>], vector<16xi32>,
      %mul3A_3084 = arith.constant 5 : i32
      %mul3A_3085 = vector.broadcast %mul3A_3084 : i32 to vector<16xi32>
      %mul3A_3086 = arith.muli %shift_right_arithmetic3A_3045, %mul3A_3085 : vector<16xi32>
      %add3A_3087 = arith.addi %mul3A_3086, %sub3A_3078 : vector<16xi32>
      %shift_left3A_3088 = arith.constant 10 : i32
      %shift_left3A_3089 = vector.broadcast %shift_left3A_3088 : i32 to vector<16xi32>
      %shift_left3A_3090 = arith.shli %add3A_3087, %shift_left3A_3089 : vector<16xi32>
      %shift_right_arithmetic3A_3091 = arith.constant 3 : i32
      %shift_right_arithmetic3A_3092 = vector.broadcast %shift_right_arithmetic3A_3091 : i32 to vector<16xi32>
      %shift_right_arithmetic3A_3093 = arith.shrsi %gather3A_3083, %shift_right_arithmetic3A_3092 : vector<16xi32>
      %shift_left3A_3094 = arith.constant 7 : i32
      %shift_left3A_3095 = vector.broadcast %shift_left3A_3094 : i32 to vector<16xi32>
      %shift_left3A_3096 = arith.shli %shift_right_arithmetic3A_3093, %shift_left3A_3095 : vector<16xi32>
      %or3A_3097 = arith.ori %shift_left3A_3090, %shift_left3A_3096 : vector<16xi32>
      %shift_left3A_3098 = arith.constant 3 : i32
      %shift_left3A_3099 = vector.broadcast %shift_left3A_3098 : i32 to vector<16xi32>
      %shift_left3A_3100 = arith.shli %and3A_3061, %shift_left3A_3099 : vector<16xi32>
      %or3A_3101 = arith.ori %or3A_3097, %shift_left3A_3100 : vector<16xi32>
      %and3A_3102 = arith.constant 7 : i32
      %and3A_3103 = vector.broadcast %and3A_3102 : i32 to vector<16xi32>
      %and3A_3104 = arith.andi %gather3A_3083, %and3A_3103 : vector<16xi32>
      %or3A_3105 = arith.ori %or3A_3101, %and3A_3104 : vector<16xi32>
      %swap3A_3106 = arith.index_cast %add3A_2634 : i32 to index
      %swap3A_3107 = arith.constant 80 : index
      %swap3A_3108 = tpu.vector_load %arg6[%swap3A_3106, %swap3A_3107] {strides = array<i32>} : memref<60x128xi32, #tpu.memory_space<vmem>>, vector<16xi32>,
      tpu.vector_store %arg6[%swap3A_3106, %swap3A_3107], %or3A_3105 {strides = array<i32>} : memref<60x128xi32, #tpu.memory_space<vmem>>, vector<16xi32>,
      %mul3A_3109 = arith.constant 128 : i32
      %mul3A_3110 = arith.muli %add3A_2634, %mul3A_3109 : i32
      %add3A_3111 = arith.addi %mul3A_2, %mul3A_3110 : i32
      %add3A_3112 = arith.constant 96 : i32
      %add3A_3113 = arith.addi %add3A_3111, %add3A_3112 : i32
      %add3A_3114 = vector.broadcast %add3A_3113 : i32 to vector<16xi32>
      %add3A_3115 = arith.addi %add3A_3114, %iota3A : vector<16xi32>
      %shift_right_arithmetic3A_3116 = arith.constant 11 : i32
      %shift_right_arithmetic3A_3117 = vector.broadcast %shift_right_arithmetic3A_3116 : i32 to vector<16xi32>
      %shift_right_arithmetic3A_3118 = arith.shrsi %add3A_3115, %shift_right_arithmetic3A_3117 : vector<16xi32>
      %mul3A_3119 = arith.constant 205 : i32
      %mul3A_3120 = vector.broadcast %mul3A_3119 : i32 to vector<16xi32>
      %mul3A_3121 = arith.muli %shift_right_arithmetic3A_3118, %mul3A_3120 : vector<16xi32>
      %shift_right_arithmetic3A_3122 = arith.constant 11 : i32
      %shift_right_arithmetic3A_3123 = vector.broadcast %shift_right_arithmetic3A_3122 : i32 to vector<16xi32>
      %shift_right_arithmetic3A_3124 = arith.shrsi %mul3A_3121, %shift_right_arithmetic3A_3123 : vector<16xi32>
      %mul3A_3125 = arith.constant 10 : i32
      %mul3A_3126 = vector.broadcast %mul3A_3125 : i32 to vector<16xi32>
      %mul3A_3127 = arith.muli %shift_right_arithmetic3A_3124, %mul3A_3126 : vector<16xi32>
      %sub3A_3128 = arith.subi %shift_right_arithmetic3A_3118, %mul3A_3127 : vector<16xi32>
      %and3A_3129 = arith.constant 2047 : i32
      %and3A_3130 = vector.broadcast %and3A_3129 : i32 to vector<16xi32>
      %and3A_3131 = arith.andi %add3A_3115, %and3A_3130 : vector<16xi32>
      %shift_right_arithmetic3A_3132 = arith.constant 7 : i32
      %shift_right_arithmetic3A_3133 = vector.broadcast %shift_right_arithmetic3A_3132 : i32 to vector<16xi32>
      %shift_right_arithmetic3A_3134 = arith.shrsi %and3A_3131, %shift_right_arithmetic3A_3133 : vector<16xi32>
      %shift_right_arithmetic3A_3135 = arith.constant 3 : i32
      %shift_right_arithmetic3A_3136 = vector.broadcast %shift_right_arithmetic3A_3135 : i32 to vector<16xi32>
      %shift_right_arithmetic3A_3137 = arith.shrsi %and3A_3131, %shift_right_arithmetic3A_3136 : vector<16xi32>
      %and3A_3138 = arith.constant 15 : i32
      %and3A_3139 = vector.broadcast %and3A_3138 : i32 to vector<16xi32>
      %and3A_3140 = arith.andi %shift_right_arithmetic3A_3137, %and3A_3139 : vector<16xi32>
      %and3A_3141 = arith.constant 7 : i32
      %and3A_3142 = vector.broadcast %and3A_3141 : i32 to vector<16xi32>
      %and3A_3143 = arith.andi %and3A_3131, %and3A_3142 : vector<16xi32>
      %shift_left3A_3144 = arith.constant 3 : i32
      %shift_left3A_3145 = vector.broadcast %shift_left3A_3144 : i32 to vector<16xi32>
      %shift_left3A_3146 = arith.shli %shift_right_arithmetic3A_3134, %shift_left3A_3145 : vector<16xi32>
      %or3A_3147 = arith.ori %shift_left3A_3146, %and3A_3143 : vector<16xi32>
      %mul3A_3148 = arith.constant 52 : i32
      %mul3A_3149 = vector.broadcast %mul3A_3148 : i32 to vector<16xi32>
      %mul3A_3150 = arith.muli %sub3A_3128, %mul3A_3149 : vector<16xi32>
      %shift_right_arithmetic3A_3151 = arith.constant 8 : i32
      %shift_right_arithmetic3A_3152 = vector.broadcast %shift_right_arithmetic3A_3151 : i32 to vector<16xi32>
      %shift_right_arithmetic3A_3153 = arith.shrsi %mul3A_3150, %shift_right_arithmetic3A_3152 : vector<16xi32>
      %mul3A_3154 = arith.constant 5 : i32
      %mul3A_3155 = vector.broadcast %mul3A_3154 : i32 to vector<16xi32>
      %mul3A_3156 = arith.muli %shift_right_arithmetic3A_3153, %mul3A_3155 : vector<16xi32>
      %sub3A_3157 = arith.subi %sub3A_3128, %mul3A_3156 : vector<16xi32>
      %shift_left3A_3158 = arith.constant 1 : i32
      %shift_left3A_3159 = vector.broadcast %shift_left3A_3158 : i32 to vector<16xi32>
      %shift_left3A_3160 = arith.shli %or3A_3147, %shift_left3A_3159 : vector<16xi32>
      %or3A_3161 = arith.ori %shift_left3A_3160, %shift_right_arithmetic3A_3153 : vector<16xi32>
      %gather3A_3162 = tpu.vector_load_idx %arg5[%or3A_3161] : memref<256xi32, #tpu.memory_space<vmem>>[vector<16xi32>], vector<16xi32>,
      %mul3A_3163 = arith.constant 5 : i32
      %mul3A_3164 = vector.broadcast %mul3A_3163 : i32 to vector<16xi32>
      %mul3A_3165 = arith.muli %shift_right_arithmetic3A_3124, %mul3A_3164 : vector<16xi32>
      %add3A_3166 = arith.addi %mul3A_3165, %sub3A_3157 : vector<16xi32>
      %shift_left3A_3167 = arith.constant 10 : i32
      %shift_left3A_3168 = vector.broadcast %shift_left3A_3167 : i32 to vector<16xi32>
      %shift_left3A_3169 = arith.shli %add3A_3166, %shift_left3A_3168 : vector<16xi32>
      %shift_right_arithmetic3A_3170 = arith.constant 3 : i32
      %shift_right_arithmetic3A_3171 = vector.broadcast %shift_right_arithmetic3A_3170 : i32 to vector<16xi32>
      %shift_right_arithmetic3A_3172 = arith.shrsi %gather3A_3162, %shift_right_arithmetic3A_3171 : vector<16xi32>
      %shift_left3A_3173 = arith.constant 7 : i32
      %shift_left3A_3174 = vector.broadcast %shift_left3A_3173 : i32 to vector<16xi32>
      %shift_left3A_3175 = arith.shli %shift_right_arithmetic3A_3172, %shift_left3A_3174 : vector<16xi32>
      %or3A_3176 = arith.ori %shift_left3A_3169, %shift_left3A_3175 : vector<16xi32>
      %shift_left3A_3177 = arith.constant 3 : i32
      %shift_left3A_3178 = vector.broadcast %shift_left3A_3177 : i32 to vector<16xi32>
      %shift_left3A_3179 = arith.shli %and3A_3140, %shift_left3A_3178 : vector<16xi32>
      %or3A_3180 = arith.ori %or3A_3176, %shift_left3A_3179 : vector<16xi32>
      %and3A_3181 = arith.constant 7 : i32
      %and3A_3182 = vector.broadcast %and3A_3181 : i32 to vector<16xi32>
      %and3A_3183 = arith.andi %gather3A_3162, %and3A_3182 : vector<16xi32>
      %or3A_3184 = arith.ori %or3A_3180, %and3A_3183 : vector<16xi32>
      %swap3A_3185 = arith.index_cast %add3A_2634 : i32 to index
      %swap3A_3186 = arith.constant 96 : index
      %swap3A_3187 = tpu.vector_load %arg6[%swap3A_3185, %swap3A_3186] {strides = array<i32>} : memref<60x128xi32, #tpu.memory_space<vmem>>, vector<16xi32>,
      tpu.vector_store %arg6[%swap3A_3185, %swap3A_3186], %or3A_3184 {strides = array<i32>} : memref<60x128xi32, #tpu.memory_space<vmem>>, vector<16xi32>,
      %mul3A_3188 = arith.constant 128 : i32
      %mul3A_3189 = arith.muli %add3A_2634, %mul3A_3188 : i32
      %add3A_3190 = arith.addi %mul3A_2, %mul3A_3189 : i32
      %add3A_3191 = arith.constant 112 : i32
      %add3A_3192 = arith.addi %add3A_3190, %add3A_3191 : i32
      %add3A_3193 = vector.broadcast %add3A_3192 : i32 to vector<16xi32>
      %add3A_3194 = arith.addi %add3A_3193, %iota3A : vector<16xi32>
      %shift_right_arithmetic3A_3195 = arith.constant 11 : i32
      %shift_right_arithmetic3A_3196 = vector.broadcast %shift_right_arithmetic3A_3195 : i32 to vector<16xi32>
      %shift_right_arithmetic3A_3197 = arith.shrsi %add3A_3194, %shift_right_arithmetic3A_3196 : vector<16xi32>
      %mul3A_3198 = arith.constant 205 : i32
      %mul3A_3199 = vector.broadcast %mul3A_3198 : i32 to vector<16xi32>
      %mul3A_3200 = arith.muli %shift_right_arithmetic3A_3197, %mul3A_3199 : vector<16xi32>
      %shift_right_arithmetic3A_3201 = arith.constant 11 : i32
      %shift_right_arithmetic3A_3202 = vector.broadcast %shift_right_arithmetic3A_3201 : i32 to vector<16xi32>
      %shift_right_arithmetic3A_3203 = arith.shrsi %mul3A_3200, %shift_right_arithmetic3A_3202 : vector<16xi32>
      %mul3A_3204 = arith.constant 10 : i32
      %mul3A_3205 = vector.broadcast %mul3A_3204 : i32 to vector<16xi32>
      %mul3A_3206 = arith.muli %shift_right_arithmetic3A_3203, %mul3A_3205 : vector<16xi32>
      %sub3A_3207 = arith.subi %shift_right_arithmetic3A_3197, %mul3A_3206 : vector<16xi32>
      %and3A_3208 = arith.constant 2047 : i32
      %and3A_3209 = vector.broadcast %and3A_3208 : i32 to vector<16xi32>
      %and3A_3210 = arith.andi %add3A_3194, %and3A_3209 : vector<16xi32>
      %shift_right_arithmetic3A_3211 = arith.constant 7 : i32
      %shift_right_arithmetic3A_3212 = vector.broadcast %shift_right_arithmetic3A_3211 : i32 to vector<16xi32>
      %shift_right_arithmetic3A_3213 = arith.shrsi %and3A_3210, %shift_right_arithmetic3A_3212 : vector<16xi32>
      %shift_right_arithmetic3A_3214 = arith.constant 3 : i32
      %shift_right_arithmetic3A_3215 = vector.broadcast %shift_right_arithmetic3A_3214 : i32 to vector<16xi32>
      %shift_right_arithmetic3A_3216 = arith.shrsi %and3A_3210, %shift_right_arithmetic3A_3215 : vector<16xi32>
      %and3A_3217 = arith.constant 15 : i32
      %and3A_3218 = vector.broadcast %and3A_3217 : i32 to vector<16xi32>
      %and3A_3219 = arith.andi %shift_right_arithmetic3A_3216, %and3A_3218 : vector<16xi32>
      %and3A_3220 = arith.constant 7 : i32
      %and3A_3221 = vector.broadcast %and3A_3220 : i32 to vector<16xi32>
      %and3A_3222 = arith.andi %and3A_3210, %and3A_3221 : vector<16xi32>
      %shift_left3A_3223 = arith.constant 3 : i32
      %shift_left3A_3224 = vector.broadcast %shift_left3A_3223 : i32 to vector<16xi32>
      %shift_left3A_3225 = arith.shli %shift_right_arithmetic3A_3213, %shift_left3A_3224 : vector<16xi32>
      %or3A_3226 = arith.ori %shift_left3A_3225, %and3A_3222 : vector<16xi32>
      %mul3A_3227 = arith.constant 52 : i32
      %mul3A_3228 = vector.broadcast %mul3A_3227 : i32 to vector<16xi32>
      %mul3A_3229 = arith.muli %sub3A_3207, %mul3A_3228 : vector<16xi32>
      %shift_right_arithmetic3A_3230 = arith.constant 8 : i32
      %shift_right_arithmetic3A_3231 = vector.broadcast %shift_right_arithmetic3A_3230 : i32 to vector<16xi32>
      %shift_right_arithmetic3A_3232 = arith.shrsi %mul3A_3229, %shift_right_arithmetic3A_3231 : vector<16xi32>
      %mul3A_3233 = arith.constant 5 : i32
      %mul3A_3234 = vector.broadcast %mul3A_3233 : i32 to vector<16xi32>
      %mul3A_3235 = arith.muli %shift_right_arithmetic3A_3232, %mul3A_3234 : vector<16xi32>
      %sub3A_3236 = arith.subi %sub3A_3207, %mul3A_3235 : vector<16xi32>
      %shift_left3A_3237 = arith.constant 1 : i32
      %shift_left3A_3238 = vector.broadcast %shift_left3A_3237 : i32 to vector<16xi32>
      %shift_left3A_3239 = arith.shli %or3A_3226, %shift_left3A_3238 : vector<16xi32>
      %or3A_3240 = arith.ori %shift_left3A_3239, %shift_right_arithmetic3A_3232 : vector<16xi32>
      %gather3A_3241 = tpu.vector_load_idx %arg5[%or3A_3240] : memref<256xi32, #tpu.memory_space<vmem>>[vector<16xi32>], vector<16xi32>,
      %mul3A_3242 = arith.constant 5 : i32
      %mul3A_3243 = vector.broadcast %mul3A_3242 : i32 to vector<16xi32>
      %mul3A_3244 = arith.muli %shift_right_arithmetic3A_3203, %mul3A_3243 : vector<16xi32>
      %add3A_3245 = arith.addi %mul3A_3244, %sub3A_3236 : vector<16xi32>
      %shift_left3A_3246 = arith.constant 10 : i32
      %shift_left3A_3247 = vector.broadcast %shift_left3A_3246 : i32 to vector<16xi32>
      %shift_left3A_3248 = arith.shli %add3A_3245, %shift_left3A_3247 : vector<16xi32>
      %shift_right_arithmetic3A_3249 = arith.constant 3 : i32
      %shift_right_arithmetic3A_3250 = vector.broadcast %shift_right_arithmetic3A_3249 : i32 to vector<16xi32>
      %shift_right_arithmetic3A_3251 = arith.shrsi %gather3A_3241, %shift_right_arithmetic3A_3250 : vector<16xi32>
      %shift_left3A_3252 = arith.constant 7 : i32
      %shift_left3A_3253 = vector.broadcast %shift_left3A_3252 : i32 to vector<16xi32>
      %shift_left3A_3254 = arith.shli %shift_right_arithmetic3A_3251, %shift_left3A_3253 : vector<16xi32>
      %or3A_3255 = arith.ori %shift_left3A_3248, %shift_left3A_3254 : vector<16xi32>
      %shift_left3A_3256 = arith.constant 3 : i32
      %shift_left3A_3257 = vector.broadcast %shift_left3A_3256 : i32 to vector<16xi32>
      %shift_left3A_3258 = arith.shli %and3A_3219, %shift_left3A_3257 : vector<16xi32>
      %or3A_3259 = arith.ori %or3A_3255, %shift_left3A_3258 : vector<16xi32>
      %and3A_3260 = arith.constant 7 : i32
      %and3A_3261 = vector.broadcast %and3A_3260 : i32 to vector<16xi32>
      %and3A_3262 = arith.andi %gather3A_3241, %and3A_3261 : vector<16xi32>
      %or3A_3263 = arith.ori %or3A_3259, %and3A_3262 : vector<16xi32>
      %swap3A_3264 = arith.index_cast %add3A_2634 : i32 to index
      %swap3A_3265 = arith.constant 112 : index
      %swap3A_3266 = tpu.vector_load %arg6[%swap3A_3264, %swap3A_3265] {strides = array<i32>} : memref<60x128xi32, #tpu.memory_space<vmem>>, vector<16xi32>,
      tpu.vector_store %arg6[%swap3A_3264, %swap3A_3265], %or3A_3263 {strides = array<i32>} : memref<60x128xi32, #tpu.memory_space<vmem>>, vector<16xi32>,
      %add3A_3267 = arith.constant 2 : i32
      %add3A_3268 = arith.addi %add3A_2628, %add3A_3267 : i32
      %dma_start3A_3269 = arith.constant 0 : i32
      %dma_start3A_3270 = tpu.memref_slice %arg6[%add3A_3268, %dma_start3A_3269] : memref<60x128xi32, #tpu.memory_space<vmem>> -> memref<1x128xi32, #tpu.memory_space<vmem>>
      %dma_start3A_3271 = tpu.memref_squeeze %dma_start3A_3270 : memref<1x128xi32, #tpu.memory_space<vmem>> -> memref<128xi32, #tpu.memory_space<vmem>>
      %dma_start3A_3272 = arith.constant 0 : i32
      %dma_start3A_3273 = arith.constant 0 : i32
      %dma_start3A_3274 = tpu.memref_slice %arg2[%dma_start3A_3272, %dma_start3A_3273] : memref<61440x128xf32, #tpu.memory_space<hbm>> -> memref<61440x128xf32, #tpu.memory_space<hbm>>
      tpu.enqueue_indirect_dma source(%dma_start3A_3274 : memref<61440x128xf32, #tpu.memory_space<hbm>>) target(%arg7 : memref<128x128xf32, #tpu.memory_space<vmem>>) offsets(%dma_start3A_3271 : memref<128xi32, #tpu.memory_space<vmem>>) semaphore(%arg11 : memref<!tpu.dma_semaphore, #tpu.memory_space<semaphore_mem>>)
      %dma_wait3A_3275 = arith.constant 0 : i32
      %dma_wait3A_3276 = arith.constant 0 : i32
      %dma_wait3A_3277 = tpu.memref_slice %arg6[%dma_wait3A_3275, %dma_wait3A_3276] : memref<60x128xi32, #tpu.memory_space<vmem>> -> memref<1x128xi32, #tpu.memory_space<vmem>>
      %dma_wait3A_3278 = tpu.memref_squeeze %dma_wait3A_3277 : memref<1x128xi32, #tpu.memory_space<vmem>> -> memref<128xi32, #tpu.memory_space<vmem>>
      %dma_wait3A_3279 = arith.constant 0 : i32
      %dma_wait3A_3280 = arith.constant 0 : i32
      %dma_wait3A_3281 = tpu.memref_slice %arg2[%dma_wait3A_3279, %dma_wait3A_3280] : memref<61440x128xf32, #tpu.memory_space<hbm>> -> memref<61440x128xf32, #tpu.memory_space<hbm>>
      tpu.wait_indirect_dma semaphore(%arg13 : memref<!tpu.dma_semaphore, #tpu.memory_space<semaphore_mem>>) src(%dma_wait3A_3281 : memref<61440x128xf32, #tpu.memory_space<hbm>>) dst(%arg9 : memref<128x128xf32, #tpu.memory_space<vmem>>)
      %mul3A_3282 = arith.constant 128 : i32
      %mul3A_3283 = arith.muli %add3A_2628, %mul3A_3282 : i32
      %add3A_3284 = arith.addi %mul3A_2, %mul3A_3283 : i32
      %dma_start3A_3285 = arith.constant 0 : i32
      %dma_start3A_3286 = tpu.memref_slice %arg4[%add3A_3284, %dma_start3A_3285] : memref<245760x128xf32, #tpu.memory_space<hbm>> -> memref<128x128xf32, #tpu.memory_space<hbm>>
      %dma_start3A_3287 = arith.constant 0 : i32
      %dma_start3A_3288 = tpu.memref_slice %arg4[%add3A_3284, %dma_start3A_3287] : memref<245760x128xf32, #tpu.memory_space<hbm>> -> memref<128x128xf32, #tpu.memory_space<hbm>>
      tpu.enqueue_dma source(%arg9 : memref<128x128xf32, #tpu.memory_space<vmem>>) target(%dma_start3A_3288 : memref<128x128xf32, #tpu.memory_space<hbm>>) target_semaphore(%arg17 : memref<!tpu.dma_semaphore, #tpu.memory_space<semaphore_mem>>)
      %mul3A_3289 = arith.constant 4 : i32
      %mul3A_3290 = arith.muli %scan3A_2622, %mul3A_3289 : i32
      %add3A_3291 = arith.constant 2 : i32
      %add3A_3292 = arith.addi %mul3A_3290, %add3A_3291 : i32
      %add3A_3293 = arith.constant 1 : i32
      %add3A_3294 = arith.addi %add3A_3292, %add3A_3293 : i32
      %dma_wait3A_3295 = arith.constant 0 : i32
      %dma_wait3A_3296 = tpu.memref_slice %arg4[%mul3A_2, %dma_wait3A_3295] : memref<245760x128xf32, #tpu.memory_space<hbm>> -> memref<128x128xf32, #tpu.memory_space<hbm>>
      %dma_wait3A_3297 = arith.constant 0 : i32
      %dma_wait3A_3298 = tpu.memref_slice %arg4[%mul3A_2, %dma_wait3A_3297] : memref<245760x128xf32, #tpu.memory_space<hbm>> -> memref<128x128xf32, #tpu.memory_space<hbm>>
      tpu.wait_dma2 semaphore(%arg16 : memref<!tpu.dma_semaphore, #tpu.memory_space<semaphore_mem>>) src(%arg8 : memref<128x128xf32, #tpu.memory_space<vmem>>) dst(%dma_wait3A_3298 : memref<128x128xf32, #tpu.memory_space<hbm>>)
      %add3A_3299 = arith.constant 2 : i32
      %add3A_3300 = arith.addi %add3A_3294, %add3A_3299 : i32
      %mul3A_3301 = arith.constant 128 : i32
      %mul3A_3302 = arith.muli %add3A_3300, %mul3A_3301 : i32
      %add3A_3303 = arith.addi %mul3A_2, %mul3A_3302 : i32
      %add3A_3304 = arith.constant 0 : i32
      %add3A_3305 = arith.addi %add3A_3303, %add3A_3304 : i32
      %add3A_3306 = vector.broadcast %add3A_3305 : i32 to vector<16xi32>
      %add3A_3307 = arith.addi %add3A_3306, %iota3A : vector<16xi32>
      %shift_right_arithmetic3A_3308 = arith.constant 11 : i32
      %shift_right_arithmetic3A_3309 = vector.broadcast %shift_right_arithmetic3A_3308 : i32 to vector<16xi32>
      %shift_right_arithmetic3A_3310 = arith.shrsi %add3A_3307, %shift_right_arithmetic3A_3309 : vector<16xi32>
      %mul3A_3311 = arith.constant 205 : i32
      %mul3A_3312 = vector.broadcast %mul3A_3311 : i32 to vector<16xi32>
      %mul3A_3313 = arith.muli %shift_right_arithmetic3A_3310, %mul3A_3312 : vector<16xi32>
      %shift_right_arithmetic3A_3314 = arith.constant 11 : i32
      %shift_right_arithmetic3A_3315 = vector.broadcast %shift_right_arithmetic3A_3314 : i32 to vector<16xi32>
      %shift_right_arithmetic3A_3316 = arith.shrsi %mul3A_3313, %shift_right_arithmetic3A_3315 : vector<16xi32>
      %mul3A_3317 = arith.constant 10 : i32
      %mul3A_3318 = vector.broadcast %mul3A_3317 : i32 to vector<16xi32>
      %mul3A_3319 = arith.muli %shift_right_arithmetic3A_3316, %mul3A_3318 : vector<16xi32>
      %sub3A_3320 = arith.subi %shift_right_arithmetic3A_3310, %mul3A_3319 : vector<16xi32>
      %and3A_3321 = arith.constant 2047 : i32
      %and3A_3322 = vector.broadcast %and3A_3321 : i32 to vector<16xi32>
      %and3A_3323 = arith.andi %add3A_3307, %and3A_3322 : vector<16xi32>
      %shift_right_arithmetic3A_3324 = arith.constant 7 : i32
      %shift_right_arithmetic3A_3325 = vector.broadcast %shift_right_arithmetic3A_3324 : i32 to vector<16xi32>
      %shift_right_arithmetic3A_3326 = arith.shrsi %and3A_3323, %shift_right_arithmetic3A_3325 : vector<16xi32>
      %shift_right_arithmetic3A_3327 = arith.constant 3 : i32
      %shift_right_arithmetic3A_3328 = vector.broadcast %shift_right_arithmetic3A_3327 : i32 to vector<16xi32>
      %shift_right_arithmetic3A_3329 = arith.shrsi %and3A_3323, %shift_right_arithmetic3A_3328 : vector<16xi32>
      %and3A_3330 = arith.constant 15 : i32
      %and3A_3331 = vector.broadcast %and3A_3330 : i32 to vector<16xi32>
      %and3A_3332 = arith.andi %shift_right_arithmetic3A_3329, %and3A_3331 : vector<16xi32>
      %and3A_3333 = arith.constant 7 : i32
      %and3A_3334 = vector.broadcast %and3A_3333 : i32 to vector<16xi32>
      %and3A_3335 = arith.andi %and3A_3323, %and3A_3334 : vector<16xi32>
      %shift_left3A_3336 = arith.constant 3 : i32
      %shift_left3A_3337 = vector.broadcast %shift_left3A_3336 : i32 to vector<16xi32>
      %shift_left3A_3338 = arith.shli %shift_right_arithmetic3A_3326, %shift_left3A_3337 : vector<16xi32>
      %or3A_3339 = arith.ori %shift_left3A_3338, %and3A_3335 : vector<16xi32>
      %mul3A_3340 = arith.constant 52 : i32
      %mul3A_3341 = vector.broadcast %mul3A_3340 : i32 to vector<16xi32>
      %mul3A_3342 = arith.muli %sub3A_3320, %mul3A_3341 : vector<16xi32>
      %shift_right_arithmetic3A_3343 = arith.constant 8 : i32
      %shift_right_arithmetic3A_3344 = vector.broadcast %shift_right_arithmetic3A_3343 : i32 to vector<16xi32>
      %shift_right_arithmetic3A_3345 = arith.shrsi %mul3A_3342, %shift_right_arithmetic3A_3344 : vector<16xi32>
      %mul3A_3346 = arith.constant 5 : i32
      %mul3A_3347 = vector.broadcast %mul3A_3346 : i32 to vector<16xi32>
      %mul3A_3348 = arith.muli %shift_right_arithmetic3A_3345, %mul3A_3347 : vector<16xi32>
      %sub3A_3349 = arith.subi %sub3A_3320, %mul3A_3348 : vector<16xi32>
      %shift_left3A_3350 = arith.constant 1 : i32
      %shift_left3A_3351 = vector.broadcast %shift_left3A_3350 : i32 to vector<16xi32>
      %shift_left3A_3352 = arith.shli %or3A_3339, %shift_left3A_3351 : vector<16xi32>
      %or3A_3353 = arith.ori %shift_left3A_3352, %shift_right_arithmetic3A_3345 : vector<16xi32>
      %gather3A_3354 = tpu.vector_load_idx %arg5[%or3A_3353] : memref<256xi32, #tpu.memory_space<vmem>>[vector<16xi32>], vector<16xi32>,
      %mul3A_3355 = arith.constant 5 : i32
      %mul3A_3356 = vector.broadcast %mul3A_3355 : i32 to vector<16xi32>
      %mul3A_3357 = arith.muli %shift_right_arithmetic3A_3316, %mul3A_3356 : vector<16xi32>
      %add3A_3358 = arith.addi %mul3A_3357, %sub3A_3349 : vector<16xi32>
      %shift_left3A_3359 = arith.constant 10 : i32
      %shift_left3A_3360 = vector.broadcast %shift_left3A_3359 : i32 to vector<16xi32>
      %shift_left3A_3361 = arith.shli %add3A_3358, %shift_left3A_3360 : vector<16xi32>
      %shift_right_arithmetic3A_3362 = arith.constant 3 : i32
      %shift_right_arithmetic3A_3363 = vector.broadcast %shift_right_arithmetic3A_3362 : i32 to vector<16xi32>
      %shift_right_arithmetic3A_3364 = arith.shrsi %gather3A_3354, %shift_right_arithmetic3A_3363 : vector<16xi32>
      %shift_left3A_3365 = arith.constant 7 : i32
      %shift_left3A_3366 = vector.broadcast %shift_left3A_3365 : i32 to vector<16xi32>
      %shift_left3A_3367 = arith.shli %shift_right_arithmetic3A_3364, %shift_left3A_3366 : vector<16xi32>
      %or3A_3368 = arith.ori %shift_left3A_3361, %shift_left3A_3367 : vector<16xi32>
      %shift_left3A_3369 = arith.constant 3 : i32
      %shift_left3A_3370 = vector.broadcast %shift_left3A_3369 : i32 to vector<16xi32>
      %shift_left3A_3371 = arith.shli %and3A_3332, %shift_left3A_3370 : vector<16xi32>
      %or3A_3372 = arith.ori %or3A_3368, %shift_left3A_3371 : vector<16xi32>
      %and3A_3373 = arith.constant 7 : i32
      %and3A_3374 = vector.broadcast %and3A_3373 : i32 to vector<16xi32>
      %and3A_3375 = arith.andi %gather3A_3354, %and3A_3374 : vector<16xi32>
      %or3A_3376 = arith.ori %or3A_3372, %and3A_3375 : vector<16xi32>
      %swap3A_3377 = arith.index_cast %add3A_3300 : i32 to index
      %swap3A_3378 = arith.constant 0 : index
      %swap3A_3379 = tpu.vector_load %arg6[%swap3A_3377, %swap3A_3378] {strides = array<i32>} : memref<60x128xi32, #tpu.memory_space<vmem>>, vector<16xi32>,
      tpu.vector_store %arg6[%swap3A_3377, %swap3A_3378], %or3A_3376 {strides = array<i32>} : memref<60x128xi32, #tpu.memory_space<vmem>>, vector<16xi32>,
      %mul3A_3380 = arith.constant 128 : i32
      %mul3A_3381 = arith.muli %add3A_3300, %mul3A_3380 : i32
      %add3A_3382 = arith.addi %mul3A_2, %mul3A_3381 : i32
      %add3A_3383 = arith.constant 16 : i32
      %add3A_3384 = arith.addi %add3A_3382, %add3A_3383 : i32
      %add3A_3385 = vector.broadcast %add3A_3384 : i32 to vector<16xi32>
      %add3A_3386 = arith.addi %add3A_3385, %iota3A : vector<16xi32>
      %shift_right_arithmetic3A_3387 = arith.constant 11 : i32
      %shift_right_arithmetic3A_3388 = vector.broadcast %shift_right_arithmetic3A_3387 : i32 to vector<16xi32>
      %shift_right_arithmetic3A_3389 = arith.shrsi %add3A_3386, %shift_right_arithmetic3A_3388 : vector<16xi32>
      %mul3A_3390 = arith.constant 205 : i32
      %mul3A_3391 = vector.broadcast %mul3A_3390 : i32 to vector<16xi32>
      %mul3A_3392 = arith.muli %shift_right_arithmetic3A_3389, %mul3A_3391 : vector<16xi32>
      %shift_right_arithmetic3A_3393 = arith.constant 11 : i32
      %shift_right_arithmetic3A_3394 = vector.broadcast %shift_right_arithmetic3A_3393 : i32 to vector<16xi32>
      %shift_right_arithmetic3A_3395 = arith.shrsi %mul3A_3392, %shift_right_arithmetic3A_3394 : vector<16xi32>
      %mul3A_3396 = arith.constant 10 : i32
      %mul3A_3397 = vector.broadcast %mul3A_3396 : i32 to vector<16xi32>
      %mul3A_3398 = arith.muli %shift_right_arithmetic3A_3395, %mul3A_3397 : vector<16xi32>
      %sub3A_3399 = arith.subi %shift_right_arithmetic3A_3389, %mul3A_3398 : vector<16xi32>
      %and3A_3400 = arith.constant 2047 : i32
      %and3A_3401 = vector.broadcast %and3A_3400 : i32 to vector<16xi32>
      %and3A_3402 = arith.andi %add3A_3386, %and3A_3401 : vector<16xi32>
      %shift_right_arithmetic3A_3403 = arith.constant 7 : i32
      %shift_right_arithmetic3A_3404 = vector.broadcast %shift_right_arithmetic3A_3403 : i32 to vector<16xi32>
      %shift_right_arithmetic3A_3405 = arith.shrsi %and3A_3402, %shift_right_arithmetic3A_3404 : vector<16xi32>
      %shift_right_arithmetic3A_3406 = arith.constant 3 : i32
      %shift_right_arithmetic3A_3407 = vector.broadcast %shift_right_arithmetic3A_3406 : i32 to vector<16xi32>
      %shift_right_arithmetic3A_3408 = arith.shrsi %and3A_3402, %shift_right_arithmetic3A_3407 : vector<16xi32>
      %and3A_3409 = arith.constant 15 : i32
      %and3A_3410 = vector.broadcast %and3A_3409 : i32 to vector<16xi32>
      %and3A_3411 = arith.andi %shift_right_arithmetic3A_3408, %and3A_3410 : vector<16xi32>
      %and3A_3412 = arith.constant 7 : i32
      %and3A_3413 = vector.broadcast %and3A_3412 : i32 to vector<16xi32>
      %and3A_3414 = arith.andi %and3A_3402, %and3A_3413 : vector<16xi32>
      %shift_left3A_3415 = arith.constant 3 : i32
      %shift_left3A_3416 = vector.broadcast %shift_left3A_3415 : i32 to vector<16xi32>
      %shift_left3A_3417 = arith.shli %shift_right_arithmetic3A_3405, %shift_left3A_3416 : vector<16xi32>
      %or3A_3418 = arith.ori %shift_left3A_3417, %and3A_3414 : vector<16xi32>
      %mul3A_3419 = arith.constant 52 : i32
      %mul3A_3420 = vector.broadcast %mul3A_3419 : i32 to vector<16xi32>
      %mul3A_3421 = arith.muli %sub3A_3399, %mul3A_3420 : vector<16xi32>
      %shift_right_arithmetic3A_3422 = arith.constant 8 : i32
      %shift_right_arithmetic3A_3423 = vector.broadcast %shift_right_arithmetic3A_3422 : i32 to vector<16xi32>
      %shift_right_arithmetic3A_3424 = arith.shrsi %mul3A_3421, %shift_right_arithmetic3A_3423 : vector<16xi32>
      %mul3A_3425 = arith.constant 5 : i32
      %mul3A_3426 = vector.broadcast %mul3A_3425 : i32 to vector<16xi32>
      %mul3A_3427 = arith.muli %shift_right_arithmetic3A_3424, %mul3A_3426 : vector<16xi32>
      %sub3A_3428 = arith.subi %sub3A_3399, %mul3A_3427 : vector<16xi32>
      %shift_left3A_3429 = arith.constant 1 : i32
      %shift_left3A_3430 = vector.broadcast %shift_left3A_3429 : i32 to vector<16xi32>
      %shift_left3A_3431 = arith.shli %or3A_3418, %shift_left3A_3430 : vector<16xi32>
      %or3A_3432 = arith.ori %shift_left3A_3431, %shift_right_arithmetic3A_3424 : vector<16xi32>
      %gather3A_3433 = tpu.vector_load_idx %arg5[%or3A_3432] : memref<256xi32, #tpu.memory_space<vmem>>[vector<16xi32>], vector<16xi32>,
      %mul3A_3434 = arith.constant 5 : i32
      %mul3A_3435 = vector.broadcast %mul3A_3434 : i32 to vector<16xi32>
      %mul3A_3436 = arith.muli %shift_right_arithmetic3A_3395, %mul3A_3435 : vector<16xi32>
      %add3A_3437 = arith.addi %mul3A_3436, %sub3A_3428 : vector<16xi32>
      %shift_left3A_3438 = arith.constant 10 : i32
      %shift_left3A_3439 = vector.broadcast %shift_left3A_3438 : i32 to vector<16xi32>
      %shift_left3A_3440 = arith.shli %add3A_3437, %shift_left3A_3439 : vector<16xi32>
      %shift_right_arithmetic3A_3441 = arith.constant 3 : i32
      %shift_right_arithmetic3A_3442 = vector.broadcast %shift_right_arithmetic3A_3441 : i32 to vector<16xi32>
      %shift_right_arithmetic3A_3443 = arith.shrsi %gather3A_3433, %shift_right_arithmetic3A_3442 : vector<16xi32>
      %shift_left3A_3444 = arith.constant 7 : i32
      %shift_left3A_3445 = vector.broadcast %shift_left3A_3444 : i32 to vector<16xi32>
      %shift_left3A_3446 = arith.shli %shift_right_arithmetic3A_3443, %shift_left3A_3445 : vector<16xi32>
      %or3A_3447 = arith.ori %shift_left3A_3440, %shift_left3A_3446 : vector<16xi32>
      %shift_left3A_3448 = arith.constant 3 : i32
      %shift_left3A_3449 = vector.broadcast %shift_left3A_3448 : i32 to vector<16xi32>
      %shift_left3A_3450 = arith.shli %and3A_3411, %shift_left3A_3449 : vector<16xi32>
      %or3A_3451 = arith.ori %or3A_3447, %shift_left3A_3450 : vector<16xi32>
      %and3A_3452 = arith.constant 7 : i32
      %and3A_3453 = vector.broadcast %and3A_3452 : i32 to vector<16xi32>
      %and3A_3454 = arith.andi %gather3A_3433, %and3A_3453 : vector<16xi32>
      %or3A_3455 = arith.ori %or3A_3451, %and3A_3454 : vector<16xi32>
      %swap3A_3456 = arith.index_cast %add3A_3300 : i32 to index
      %swap3A_3457 = arith.constant 16 : index
      %swap3A_3458 = tpu.vector_load %arg6[%swap3A_3456, %swap3A_3457] {strides = array<i32>} : memref<60x128xi32, #tpu.memory_space<vmem>>, vector<16xi32>,
      tpu.vector_store %arg6[%swap3A_3456, %swap3A_3457], %or3A_3455 {strides = array<i32>} : memref<60x128xi32, #tpu.memory_space<vmem>>, vector<16xi32>,
      %mul3A_3459 = arith.constant 128 : i32
      %mul3A_3460 = arith.muli %add3A_3300, %mul3A_3459 : i32
      %add3A_3461 = arith.addi %mul3A_2, %mul3A_3460 : i32
      %add3A_3462 = arith.constant 32 : i32
      %add3A_3463 = arith.addi %add3A_3461, %add3A_3462 : i32
      %add3A_3464 = vector.broadcast %add3A_3463 : i32 to vector<16xi32>
      %add3A_3465 = arith.addi %add3A_3464, %iota3A : vector<16xi32>
      %shift_right_arithmetic3A_3466 = arith.constant 11 : i32
      %shift_right_arithmetic3A_3467 = vector.broadcast %shift_right_arithmetic3A_3466 : i32 to vector<16xi32>
      %shift_right_arithmetic3A_3468 = arith.shrsi %add3A_3465, %shift_right_arithmetic3A_3467 : vector<16xi32>
      %mul3A_3469 = arith.constant 205 : i32
      %mul3A_3470 = vector.broadcast %mul3A_3469 : i32 to vector<16xi32>
      %mul3A_3471 = arith.muli %shift_right_arithmetic3A_3468, %mul3A_3470 : vector<16xi32>
      %shift_right_arithmetic3A_3472 = arith.constant 11 : i32
      %shift_right_arithmetic3A_3473 = vector.broadcast %shift_right_arithmetic3A_3472 : i32 to vector<16xi32>
      %shift_right_arithmetic3A_3474 = arith.shrsi %mul3A_3471, %shift_right_arithmetic3A_3473 : vector<16xi32>
      %mul3A_3475 = arith.constant 10 : i32
      %mul3A_3476 = vector.broadcast %mul3A_3475 : i32 to vector<16xi32>
      %mul3A_3477 = arith.muli %shift_right_arithmetic3A_3474, %mul3A_3476 : vector<16xi32>
      %sub3A_3478 = arith.subi %shift_right_arithmetic3A_3468, %mul3A_3477 : vector<16xi32>
      %and3A_3479 = arith.constant 2047 : i32
      %and3A_3480 = vector.broadcast %and3A_3479 : i32 to vector<16xi32>
      %and3A_3481 = arith.andi %add3A_3465, %and3A_3480 : vector<16xi32>
      %shift_right_arithmetic3A_3482 = arith.constant 7 : i32
      %shift_right_arithmetic3A_3483 = vector.broadcast %shift_right_arithmetic3A_3482 : i32 to vector<16xi32>
      %shift_right_arithmetic3A_3484 = arith.shrsi %and3A_3481, %shift_right_arithmetic3A_3483 : vector<16xi32>
      %shift_right_arithmetic3A_3485 = arith.constant 3 : i32
      %shift_right_arithmetic3A_3486 = vector.broadcast %shift_right_arithmetic3A_3485 : i32 to vector<16xi32>
      %shift_right_arithmetic3A_3487 = arith.shrsi %and3A_3481, %shift_right_arithmetic3A_3486 : vector<16xi32>
      %and3A_3488 = arith.constant 15 : i32
      %and3A_3489 = vector.broadcast %and3A_3488 : i32 to vector<16xi32>
      %and3A_3490 = arith.andi %shift_right_arithmetic3A_3487, %and3A_3489 : vector<16xi32>
      %and3A_3491 = arith.constant 7 : i32
      %and3A_3492 = vector.broadcast %and3A_3491 : i32 to vector<16xi32>
      %and3A_3493 = arith.andi %and3A_3481, %and3A_3492 : vector<16xi32>
      %shift_left3A_3494 = arith.constant 3 : i32
      %shift_left3A_3495 = vector.broadcast %shift_left3A_3494 : i32 to vector<16xi32>
      %shift_left3A_3496 = arith.shli %shift_right_arithmetic3A_3484, %shift_left3A_3495 : vector<16xi32>
      %or3A_3497 = arith.ori %shift_left3A_3496, %and3A_3493 : vector<16xi32>
      %mul3A_3498 = arith.constant 52 : i32
      %mul3A_3499 = vector.broadcast %mul3A_3498 : i32 to vector<16xi32>
      %mul3A_3500 = arith.muli %sub3A_3478, %mul3A_3499 : vector<16xi32>
      %shift_right_arithmetic3A_3501 = arith.constant 8 : i32
      %shift_right_arithmetic3A_3502 = vector.broadcast %shift_right_arithmetic3A_3501 : i32 to vector<16xi32>
      %shift_right_arithmetic3A_3503 = arith.shrsi %mul3A_3500, %shift_right_arithmetic3A_3502 : vector<16xi32>
      %mul3A_3504 = arith.constant 5 : i32
      %mul3A_3505 = vector.broadcast %mul3A_3504 : i32 to vector<16xi32>
      %mul3A_3506 = arith.muli %shift_right_arithmetic3A_3503, %mul3A_3505 : vector<16xi32>
      %sub3A_3507 = arith.subi %sub3A_3478, %mul3A_3506 : vector<16xi32>
      %shift_left3A_3508 = arith.constant 1 : i32
      %shift_left3A_3509 = vector.broadcast %shift_left3A_3508 : i32 to vector<16xi32>
      %shift_left3A_3510 = arith.shli %or3A_3497, %shift_left3A_3509 : vector<16xi32>
      %or3A_3511 = arith.ori %shift_left3A_3510, %shift_right_arithmetic3A_3503 : vector<16xi32>
      %gather3A_3512 = tpu.vector_load_idx %arg5[%or3A_3511] : memref<256xi32, #tpu.memory_space<vmem>>[vector<16xi32>], vector<16xi32>,
      %mul3A_3513 = arith.constant 5 : i32
      %mul3A_3514 = vector.broadcast %mul3A_3513 : i32 to vector<16xi32>
      %mul3A_3515 = arith.muli %shift_right_arithmetic3A_3474, %mul3A_3514 : vector<16xi32>
      %add3A_3516 = arith.addi %mul3A_3515, %sub3A_3507 : vector<16xi32>
      %shift_left3A_3517 = arith.constant 10 : i32
      %shift_left3A_3518 = vector.broadcast %shift_left3A_3517 : i32 to vector<16xi32>
      %shift_left3A_3519 = arith.shli %add3A_3516, %shift_left3A_3518 : vector<16xi32>
      %shift_right_arithmetic3A_3520 = arith.constant 3 : i32
      %shift_right_arithmetic3A_3521 = vector.broadcast %shift_right_arithmetic3A_3520 : i32 to vector<16xi32>
      %shift_right_arithmetic3A_3522 = arith.shrsi %gather3A_3512, %shift_right_arithmetic3A_3521 : vector<16xi32>
      %shift_left3A_3523 = arith.constant 7 : i32
      %shift_left3A_3524 = vector.broadcast %shift_left3A_3523 : i32 to vector<16xi32>
      %shift_left3A_3525 = arith.shli %shift_right_arithmetic3A_3522, %shift_left3A_3524 : vector<16xi32>
      %or3A_3526 = arith.ori %shift_left3A_3519, %shift_left3A_3525 : vector<16xi32>
      %shift_left3A_3527 = arith.constant 3 : i32
      %shift_left3A_3528 = vector.broadcast %shift_left3A_3527 : i32 to vector<16xi32>
      %shift_left3A_3529 = arith.shli %and3A_3490, %shift_left3A_3528 : vector<16xi32>
      %or3A_3530 = arith.ori %or3A_3526, %shift_left3A_3529 : vector<16xi32>
      %and3A_3531 = arith.constant 7 : i32
      %and3A_3532 = vector.broadcast %and3A_3531 : i32 to vector<16xi32>
      %and3A_3533 = arith.andi %gather3A_3512, %and3A_3532 : vector<16xi32>
      %or3A_3534 = arith.ori %or3A_3530, %and3A_3533 : vector<16xi32>
      %swap3A_3535 = arith.index_cast %add3A_3300 : i32 to index
      %swap3A_3536 = arith.constant 32 : index
      %swap3A_3537 = tpu.vector_load %arg6[%swap3A_3535, %swap3A_3536] {strides = array<i32>} : memref<60x128xi32, #tpu.memory_space<vmem>>, vector<16xi32>,
      tpu.vector_store %arg6[%swap3A_3535, %swap3A_3536], %or3A_3534 {strides = array<i32>} : memref<60x128xi32, #tpu.memory_space<vmem>>, vector<16xi32>,
      %mul3A_3538 = arith.constant 128 : i32
      %mul3A_3539 = arith.muli %add3A_3300, %mul3A_3538 : i32
      %add3A_3540 = arith.addi %mul3A_2, %mul3A_3539 : i32
      %add3A_3541 = arith.constant 48 : i32
      %add3A_3542 = arith.addi %add3A_3540, %add3A_3541 : i32
      %add3A_3543 = vector.broadcast %add3A_3542 : i32 to vector<16xi32>
      %add3A_3544 = arith.addi %add3A_3543, %iota3A : vector<16xi32>
      %shift_right_arithmetic3A_3545 = arith.constant 11 : i32
      %shift_right_arithmetic3A_3546 = vector.broadcast %shift_right_arithmetic3A_3545 : i32 to vector<16xi32>
      %shift_right_arithmetic3A_3547 = arith.shrsi %add3A_3544, %shift_right_arithmetic3A_3546 : vector<16xi32>
      %mul3A_3548 = arith.constant 205 : i32
      %mul3A_3549 = vector.broadcast %mul3A_3548 : i32 to vector<16xi32>
      %mul3A_3550 = arith.muli %shift_right_arithmetic3A_3547, %mul3A_3549 : vector<16xi32>
      %shift_right_arithmetic3A_3551 = arith.constant 11 : i32
      %shift_right_arithmetic3A_3552 = vector.broadcast %shift_right_arithmetic3A_3551 : i32 to vector<16xi32>
      %shift_right_arithmetic3A_3553 = arith.shrsi %mul3A_3550, %shift_right_arithmetic3A_3552 : vector<16xi32>
      %mul3A_3554 = arith.constant 10 : i32
      %mul3A_3555 = vector.broadcast %mul3A_3554 : i32 to vector<16xi32>
      %mul3A_3556 = arith.muli %shift_right_arithmetic3A_3553, %mul3A_3555 : vector<16xi32>
      %sub3A_3557 = arith.subi %shift_right_arithmetic3A_3547, %mul3A_3556 : vector<16xi32>
      %and3A_3558 = arith.constant 2047 : i32
      %and3A_3559 = vector.broadcast %and3A_3558 : i32 to vector<16xi32>
      %and3A_3560 = arith.andi %add3A_3544, %and3A_3559 : vector<16xi32>
      %shift_right_arithmetic3A_3561 = arith.constant 7 : i32
      %shift_right_arithmetic3A_3562 = vector.broadcast %shift_right_arithmetic3A_3561 : i32 to vector<16xi32>
      %shift_right_arithmetic3A_3563 = arith.shrsi %and3A_3560, %shift_right_arithmetic3A_3562 : vector<16xi32>
      %shift_right_arithmetic3A_3564 = arith.constant 3 : i32
      %shift_right_arithmetic3A_3565 = vector.broadcast %shift_right_arithmetic3A_3564 : i32 to vector<16xi32>
      %shift_right_arithmetic3A_3566 = arith.shrsi %and3A_3560, %shift_right_arithmetic3A_3565 : vector<16xi32>
      %and3A_3567 = arith.constant 15 : i32
      %and3A_3568 = vector.broadcast %and3A_3567 : i32 to vector<16xi32>
      %and3A_3569 = arith.andi %shift_right_arithmetic3A_3566, %and3A_3568 : vector<16xi32>
      %and3A_3570 = arith.constant 7 : i32
      %and3A_3571 = vector.broadcast %and3A_3570 : i32 to vector<16xi32>
      %and3A_3572 = arith.andi %and3A_3560, %and3A_3571 : vector<16xi32>
      %shift_left3A_3573 = arith.constant 3 : i32
      %shift_left3A_3574 = vector.broadcast %shift_left3A_3573 : i32 to vector<16xi32>
      %shift_left3A_3575 = arith.shli %shift_right_arithmetic3A_3563, %shift_left3A_3574 : vector<16xi32>
      %or3A_3576 = arith.ori %shift_left3A_3575, %and3A_3572 : vector<16xi32>
      %mul3A_3577 = arith.constant 52 : i32
      %mul3A_3578 = vector.broadcast %mul3A_3577 : i32 to vector<16xi32>
      %mul3A_3579 = arith.muli %sub3A_3557, %mul3A_3578 : vector<16xi32>
      %shift_right_arithmetic3A_3580 = arith.constant 8 : i32
      %shift_right_arithmetic3A_3581 = vector.broadcast %shift_right_arithmetic3A_3580 : i32 to vector<16xi32>
      %shift_right_arithmetic3A_3582 = arith.shrsi %mul3A_3579, %shift_right_arithmetic3A_3581 : vector<16xi32>
      %mul3A_3583 = arith.constant 5 : i32
      %mul3A_3584 = vector.broadcast %mul3A_3583 : i32 to vector<16xi32>
      %mul3A_3585 = arith.muli %shift_right_arithmetic3A_3582, %mul3A_3584 : vector<16xi32>
      %sub3A_3586 = arith.subi %sub3A_3557, %mul3A_3585 : vector<16xi32>
      %shift_left3A_3587 = arith.constant 1 : i32
      %shift_left3A_3588 = vector.broadcast %shift_left3A_3587 : i32 to vector<16xi32>
      %shift_left3A_3589 = arith.shli %or3A_3576, %shift_left3A_3588 : vector<16xi32>
      %or3A_3590 = arith.ori %shift_left3A_3589, %shift_right_arithmetic3A_3582 : vector<16xi32>
      %gather3A_3591 = tpu.vector_load_idx %arg5[%or3A_3590] : memref<256xi32, #tpu.memory_space<vmem>>[vector<16xi32>], vector<16xi32>,
      %mul3A_3592 = arith.constant 5 : i32
      %mul3A_3593 = vector.broadcast %mul3A_3592 : i32 to vector<16xi32>
      %mul3A_3594 = arith.muli %shift_right_arithmetic3A_3553, %mul3A_3593 : vector<16xi32>
      %add3A_3595 = arith.addi %mul3A_3594, %sub3A_3586 : vector<16xi32>
      %shift_left3A_3596 = arith.constant 10 : i32
      %shift_left3A_3597 = vector.broadcast %shift_left3A_3596 : i32 to vector<16xi32>
      %shift_left3A_3598 = arith.shli %add3A_3595, %shift_left3A_3597 : vector<16xi32>
      %shift_right_arithmetic3A_3599 = arith.constant 3 : i32
      %shift_right_arithmetic3A_3600 = vector.broadcast %shift_right_arithmetic3A_3599 : i32 to vector<16xi32>
      %shift_right_arithmetic3A_3601 = arith.shrsi %gather3A_3591, %shift_right_arithmetic3A_3600 : vector<16xi32>
      %shift_left3A_3602 = arith.constant 7 : i32
      %shift_left3A_3603 = vector.broadcast %shift_left3A_3602 : i32 to vector<16xi32>
      %shift_left3A_3604 = arith.shli %shift_right_arithmetic3A_3601, %shift_left3A_3603 : vector<16xi32>
      %or3A_3605 = arith.ori %shift_left3A_3598, %shift_left3A_3604 : vector<16xi32>
      %shift_left3A_3606 = arith.constant 3 : i32
      %shift_left3A_3607 = vector.broadcast %shift_left3A_3606 : i32 to vector<16xi32>
      %shift_left3A_3608 = arith.shli %and3A_3569, %shift_left3A_3607 : vector<16xi32>
      %or3A_3609 = arith.ori %or3A_3605, %shift_left3A_3608 : vector<16xi32>
      %and3A_3610 = arith.constant 7 : i32
      %and3A_3611 = vector.broadcast %and3A_3610 : i32 to vector<16xi32>
      %and3A_3612 = arith.andi %gather3A_3591, %and3A_3611 : vector<16xi32>
      %or3A_3613 = arith.ori %or3A_3609, %and3A_3612 : vector<16xi32>
      %swap3A_3614 = arith.index_cast %add3A_3300 : i32 to index
      %swap3A_3615 = arith.constant 48 : index
      %swap3A_3616 = tpu.vector_load %arg6[%swap3A_3614, %swap3A_3615] {strides = array<i32>} : memref<60x128xi32, #tpu.memory_space<vmem>>, vector<16xi32>,
      tpu.vector_store %arg6[%swap3A_3614, %swap3A_3615], %or3A_3613 {strides = array<i32>} : memref<60x128xi32, #tpu.memory_space<vmem>>, vector<16xi32>,
      %mul3A_3617 = arith.constant 128 : i32
      %mul3A_3618 = arith.muli %add3A_3300, %mul3A_3617 : i32
      %add3A_3619 = arith.addi %mul3A_2, %mul3A_3618 : i32
      %add3A_3620 = arith.constant 64 : i32
      %add3A_3621 = arith.addi %add3A_3619, %add3A_3620 : i32
      %add3A_3622 = vector.broadcast %add3A_3621 : i32 to vector<16xi32>
      %add3A_3623 = arith.addi %add3A_3622, %iota3A : vector<16xi32>
      %shift_right_arithmetic3A_3624 = arith.constant 11 : i32
      %shift_right_arithmetic3A_3625 = vector.broadcast %shift_right_arithmetic3A_3624 : i32 to vector<16xi32>
      %shift_right_arithmetic3A_3626 = arith.shrsi %add3A_3623, %shift_right_arithmetic3A_3625 : vector<16xi32>
      %mul3A_3627 = arith.constant 205 : i32
      %mul3A_3628 = vector.broadcast %mul3A_3627 : i32 to vector<16xi32>
      %mul3A_3629 = arith.muli %shift_right_arithmetic3A_3626, %mul3A_3628 : vector<16xi32>
      %shift_right_arithmetic3A_3630 = arith.constant 11 : i32
      %shift_right_arithmetic3A_3631 = vector.broadcast %shift_right_arithmetic3A_3630 : i32 to vector<16xi32>
      %shift_right_arithmetic3A_3632 = arith.shrsi %mul3A_3629, %shift_right_arithmetic3A_3631 : vector<16xi32>
      %mul3A_3633 = arith.constant 10 : i32
      %mul3A_3634 = vector.broadcast %mul3A_3633 : i32 to vector<16xi32>
      %mul3A_3635 = arith.muli %shift_right_arithmetic3A_3632, %mul3A_3634 : vector<16xi32>
      %sub3A_3636 = arith.subi %shift_right_arithmetic3A_3626, %mul3A_3635 : vector<16xi32>
      %and3A_3637 = arith.constant 2047 : i32
      %and3A_3638 = vector.broadcast %and3A_3637 : i32 to vector<16xi32>
      %and3A_3639 = arith.andi %add3A_3623, %and3A_3638 : vector<16xi32>
      %shift_right_arithmetic3A_3640 = arith.constant 7 : i32
      %shift_right_arithmetic3A_3641 = vector.broadcast %shift_right_arithmetic3A_3640 : i32 to vector<16xi32>
      %shift_right_arithmetic3A_3642 = arith.shrsi %and3A_3639, %shift_right_arithmetic3A_3641 : vector<16xi32>
      %shift_right_arithmetic3A_3643 = arith.constant 3 : i32
      %shift_right_arithmetic3A_3644 = vector.broadcast %shift_right_arithmetic3A_3643 : i32 to vector<16xi32>
      %shift_right_arithmetic3A_3645 = arith.shrsi %and3A_3639, %shift_right_arithmetic3A_3644 : vector<16xi32>
      %and3A_3646 = arith.constant 15 : i32
      %and3A_3647 = vector.broadcast %and3A_3646 : i32 to vector<16xi32>
      %and3A_3648 = arith.andi %shift_right_arithmetic3A_3645, %and3A_3647 : vector<16xi32>
      %and3A_3649 = arith.constant 7 : i32
      %and3A_3650 = vector.broadcast %and3A_3649 : i32 to vector<16xi32>
      %and3A_3651 = arith.andi %and3A_3639, %and3A_3650 : vector<16xi32>
      %shift_left3A_3652 = arith.constant 3 : i32
      %shift_left3A_3653 = vector.broadcast %shift_left3A_3652 : i32 to vector<16xi32>
      %shift_left3A_3654 = arith.shli %shift_right_arithmetic3A_3642, %shift_left3A_3653 : vector<16xi32>
      %or3A_3655 = arith.ori %shift_left3A_3654, %and3A_3651 : vector<16xi32>
      %mul3A_3656 = arith.constant 52 : i32
      %mul3A_3657 = vector.broadcast %mul3A_3656 : i32 to vector<16xi32>
      %mul3A_3658 = arith.muli %sub3A_3636, %mul3A_3657 : vector<16xi32>
      %shift_right_arithmetic3A_3659 = arith.constant 8 : i32
      %shift_right_arithmetic3A_3660 = vector.broadcast %shift_right_arithmetic3A_3659 : i32 to vector<16xi32>
      %shift_right_arithmetic3A_3661 = arith.shrsi %mul3A_3658, %shift_right_arithmetic3A_3660 : vector<16xi32>
      %mul3A_3662 = arith.constant 5 : i32
      %mul3A_3663 = vector.broadcast %mul3A_3662 : i32 to vector<16xi32>
      %mul3A_3664 = arith.muli %shift_right_arithmetic3A_3661, %mul3A_3663 : vector<16xi32>
      %sub3A_3665 = arith.subi %sub3A_3636, %mul3A_3664 : vector<16xi32>
      %shift_left3A_3666 = arith.constant 1 : i32
      %shift_left3A_3667 = vector.broadcast %shift_left3A_3666 : i32 to vector<16xi32>
      %shift_left3A_3668 = arith.shli %or3A_3655, %shift_left3A_3667 : vector<16xi32>
      %or3A_3669 = arith.ori %shift_left3A_3668, %shift_right_arithmetic3A_3661 : vector<16xi32>
      %gather3A_3670 = tpu.vector_load_idx %arg5[%or3A_3669] : memref<256xi32, #tpu.memory_space<vmem>>[vector<16xi32>], vector<16xi32>,
      %mul3A_3671 = arith.constant 5 : i32
      %mul3A_3672 = vector.broadcast %mul3A_3671 : i32 to vector<16xi32>
      %mul3A_3673 = arith.muli %shift_right_arithmetic3A_3632, %mul3A_3672 : vector<16xi32>
      %add3A_3674 = arith.addi %mul3A_3673, %sub3A_3665 : vector<16xi32>
      %shift_left3A_3675 = arith.constant 10 : i32
      %shift_left3A_3676 = vector.broadcast %shift_left3A_3675 : i32 to vector<16xi32>
      %shift_left3A_3677 = arith.shli %add3A_3674, %shift_left3A_3676 : vector<16xi32>
      %shift_right_arithmetic3A_3678 = arith.constant 3 : i32
      %shift_right_arithmetic3A_3679 = vector.broadcast %shift_right_arithmetic3A_3678 : i32 to vector<16xi32>
      %shift_right_arithmetic3A_3680 = arith.shrsi %gather3A_3670, %shift_right_arithmetic3A_3679 : vector<16xi32>
      %shift_left3A_3681 = arith.constant 7 : i32
      %shift_left3A_3682 = vector.broadcast %shift_left3A_3681 : i32 to vector<16xi32>
      %shift_left3A_3683 = arith.shli %shift_right_arithmetic3A_3680, %shift_left3A_3682 : vector<16xi32>
      %or3A_3684 = arith.ori %shift_left3A_3677, %shift_left3A_3683 : vector<16xi32>
      %shift_left3A_3685 = arith.constant 3 : i32
      %shift_left3A_3686 = vector.broadcast %shift_left3A_3685 : i32 to vector<16xi32>
      %shift_left3A_3687 = arith.shli %and3A_3648, %shift_left3A_3686 : vector<16xi32>
      %or3A_3688 = arith.ori %or3A_3684, %shift_left3A_3687 : vector<16xi32>
      %and3A_3689 = arith.constant 7 : i32
      %and3A_3690 = vector.broadcast %and3A_3689 : i32 to vector<16xi32>
      %and3A_3691 = arith.andi %gather3A_3670, %and3A_3690 : vector<16xi32>
      %or3A_3692 = arith.ori %or3A_3688, %and3A_3691 : vector<16xi32>
      %swap3A_3693 = arith.index_cast %add3A_3300 : i32 to index
      %swap3A_3694 = arith.constant 64 : index
      %swap3A_3695 = tpu.vector_load %arg6[%swap3A_3693, %swap3A_3694] {strides = array<i32>} : memref<60x128xi32, #tpu.memory_space<vmem>>, vector<16xi32>,
      tpu.vector_store %arg6[%swap3A_3693, %swap3A_3694], %or3A_3692 {strides = array<i32>} : memref<60x128xi32, #tpu.memory_space<vmem>>, vector<16xi32>,
      %mul3A_3696 = arith.constant 128 : i32
      %mul3A_3697 = arith.muli %add3A_3300, %mul3A_3696 : i32
      %add3A_3698 = arith.addi %mul3A_2, %mul3A_3697 : i32
      %add3A_3699 = arith.constant 80 : i32
      %add3A_3700 = arith.addi %add3A_3698, %add3A_3699 : i32
      %add3A_3701 = vector.broadcast %add3A_3700 : i32 to vector<16xi32>
      %add3A_3702 = arith.addi %add3A_3701, %iota3A : vector<16xi32>
      %shift_right_arithmetic3A_3703 = arith.constant 11 : i32
      %shift_right_arithmetic3A_3704 = vector.broadcast %shift_right_arithmetic3A_3703 : i32 to vector<16xi32>
      %shift_right_arithmetic3A_3705 = arith.shrsi %add3A_3702, %shift_right_arithmetic3A_3704 : vector<16xi32>
      %mul3A_3706 = arith.constant 205 : i32
      %mul3A_3707 = vector.broadcast %mul3A_3706 : i32 to vector<16xi32>
      %mul3A_3708 = arith.muli %shift_right_arithmetic3A_3705, %mul3A_3707 : vector<16xi32>
      %shift_right_arithmetic3A_3709 = arith.constant 11 : i32
      %shift_right_arithmetic3A_3710 = vector.broadcast %shift_right_arithmetic3A_3709 : i32 to vector<16xi32>
      %shift_right_arithmetic3A_3711 = arith.shrsi %mul3A_3708, %shift_right_arithmetic3A_3710 : vector<16xi32>
      %mul3A_3712 = arith.constant 10 : i32
      %mul3A_3713 = vector.broadcast %mul3A_3712 : i32 to vector<16xi32>
      %mul3A_3714 = arith.muli %shift_right_arithmetic3A_3711, %mul3A_3713 : vector<16xi32>
      %sub3A_3715 = arith.subi %shift_right_arithmetic3A_3705, %mul3A_3714 : vector<16xi32>
      %and3A_3716 = arith.constant 2047 : i32
      %and3A_3717 = vector.broadcast %and3A_3716 : i32 to vector<16xi32>
      %and3A_3718 = arith.andi %add3A_3702, %and3A_3717 : vector<16xi32>
      %shift_right_arithmetic3A_3719 = arith.constant 7 : i32
      %shift_right_arithmetic3A_3720 = vector.broadcast %shift_right_arithmetic3A_3719 : i32 to vector<16xi32>
      %shift_right_arithmetic3A_3721 = arith.shrsi %and3A_3718, %shift_right_arithmetic3A_3720 : vector<16xi32>
      %shift_right_arithmetic3A_3722 = arith.constant 3 : i32
      %shift_right_arithmetic3A_3723 = vector.broadcast %shift_right_arithmetic3A_3722 : i32 to vector<16xi32>
      %shift_right_arithmetic3A_3724 = arith.shrsi %and3A_3718, %shift_right_arithmetic3A_3723 : vector<16xi32>
      %and3A_3725 = arith.constant 15 : i32
      %and3A_3726 = vector.broadcast %and3A_3725 : i32 to vector<16xi32>
      %and3A_3727 = arith.andi %shift_right_arithmetic3A_3724, %and3A_3726 : vector<16xi32>
      %and3A_3728 = arith.constant 7 : i32
      %and3A_3729 = vector.broadcast %and3A_3728 : i32 to vector<16xi32>
      %and3A_3730 = arith.andi %and3A_3718, %and3A_3729 : vector<16xi32>
      %shift_left3A_3731 = arith.constant 3 : i32
      %shift_left3A_3732 = vector.broadcast %shift_left3A_3731 : i32 to vector<16xi32>
      %shift_left3A_3733 = arith.shli %shift_right_arithmetic3A_3721, %shift_left3A_3732 : vector<16xi32>
      %or3A_3734 = arith.ori %shift_left3A_3733, %and3A_3730 : vector<16xi32>
      %mul3A_3735 = arith.constant 52 : i32
      %mul3A_3736 = vector.broadcast %mul3A_3735 : i32 to vector<16xi32>
      %mul3A_3737 = arith.muli %sub3A_3715, %mul3A_3736 : vector<16xi32>
      %shift_right_arithmetic3A_3738 = arith.constant 8 : i32
      %shift_right_arithmetic3A_3739 = vector.broadcast %shift_right_arithmetic3A_3738 : i32 to vector<16xi32>
      %shift_right_arithmetic3A_3740 = arith.shrsi %mul3A_3737, %shift_right_arithmetic3A_3739 : vector<16xi32>
      %mul3A_3741 = arith.constant 5 : i32
      %mul3A_3742 = vector.broadcast %mul3A_3741 : i32 to vector<16xi32>
      %mul3A_3743 = arith.muli %shift_right_arithmetic3A_3740, %mul3A_3742 : vector<16xi32>
      %sub3A_3744 = arith.subi %sub3A_3715, %mul3A_3743 : vector<16xi32>
      %shift_left3A_3745 = arith.constant 1 : i32
      %shift_left3A_3746 = vector.broadcast %shift_left3A_3745 : i32 to vector<16xi32>
      %shift_left3A_3747 = arith.shli %or3A_3734, %shift_left3A_3746 : vector<16xi32>
      %or3A_3748 = arith.ori %shift_left3A_3747, %shift_right_arithmetic3A_3740 : vector<16xi32>
      %gather3A_3749 = tpu.vector_load_idx %arg5[%or3A_3748] : memref<256xi32, #tpu.memory_space<vmem>>[vector<16xi32>], vector<16xi32>,
      %mul3A_3750 = arith.constant 5 : i32
      %mul3A_3751 = vector.broadcast %mul3A_3750 : i32 to vector<16xi32>
      %mul3A_3752 = arith.muli %shift_right_arithmetic3A_3711, %mul3A_3751 : vector<16xi32>
      %add3A_3753 = arith.addi %mul3A_3752, %sub3A_3744 : vector<16xi32>
      %shift_left3A_3754 = arith.constant 10 : i32
      %shift_left3A_3755 = vector.broadcast %shift_left3A_3754 : i32 to vector<16xi32>
      %shift_left3A_3756 = arith.shli %add3A_3753, %shift_left3A_3755 : vector<16xi32>
      %shift_right_arithmetic3A_3757 = arith.constant 3 : i32
      %shift_right_arithmetic3A_3758 = vector.broadcast %shift_right_arithmetic3A_3757 : i32 to vector<16xi32>
      %shift_right_arithmetic3A_3759 = arith.shrsi %gather3A_3749, %shift_right_arithmetic3A_3758 : vector<16xi32>
      %shift_left3A_3760 = arith.constant 7 : i32
      %shift_left3A_3761 = vector.broadcast %shift_left3A_3760 : i32 to vector<16xi32>
      %shift_left3A_3762 = arith.shli %shift_right_arithmetic3A_3759, %shift_left3A_3761 : vector<16xi32>
      %or3A_3763 = arith.ori %shift_left3A_3756, %shift_left3A_3762 : vector<16xi32>
      %shift_left3A_3764 = arith.constant 3 : i32
      %shift_left3A_3765 = vector.broadcast %shift_left3A_3764 : i32 to vector<16xi32>
      %shift_left3A_3766 = arith.shli %and3A_3727, %shift_left3A_3765 : vector<16xi32>
      %or3A_3767 = arith.ori %or3A_3763, %shift_left3A_3766 : vector<16xi32>
      %and3A_3768 = arith.constant 7 : i32
      %and3A_3769 = vector.broadcast %and3A_3768 : i32 to vector<16xi32>
      %and3A_3770 = arith.andi %gather3A_3749, %and3A_3769 : vector<16xi32>
      %or3A_3771 = arith.ori %or3A_3767, %and3A_3770 : vector<16xi32>
      %swap3A_3772 = arith.index_cast %add3A_3300 : i32 to index
      %swap3A_3773 = arith.constant 80 : index
      %swap3A_3774 = tpu.vector_load %arg6[%swap3A_3772, %swap3A_3773] {strides = array<i32>} : memref<60x128xi32, #tpu.memory_space<vmem>>, vector<16xi32>,
      tpu.vector_store %arg6[%swap3A_3772, %swap3A_3773], %or3A_3771 {strides = array<i32>} : memref<60x128xi32, #tpu.memory_space<vmem>>, vector<16xi32>,
      %mul3A_3775 = arith.constant 128 : i32
      %mul3A_3776 = arith.muli %add3A_3300, %mul3A_3775 : i32
      %add3A_3777 = arith.addi %mul3A_2, %mul3A_3776 : i32
      %add3A_3778 = arith.constant 96 : i32
      %add3A_3779 = arith.addi %add3A_3777, %add3A_3778 : i32
      %add3A_3780 = vector.broadcast %add3A_3779 : i32 to vector<16xi32>
      %add3A_3781 = arith.addi %add3A_3780, %iota3A : vector<16xi32>
      %shift_right_arithmetic3A_3782 = arith.constant 11 : i32
      %shift_right_arithmetic3A_3783 = vector.broadcast %shift_right_arithmetic3A_3782 : i32 to vector<16xi32>
      %shift_right_arithmetic3A_3784 = arith.shrsi %add3A_3781, %shift_right_arithmetic3A_3783 : vector<16xi32>
      %mul3A_3785 = arith.constant 205 : i32
      %mul3A_3786 = vector.broadcast %mul3A_3785 : i32 to vector<16xi32>
      %mul3A_3787 = arith.muli %shift_right_arithmetic3A_3784, %mul3A_3786 : vector<16xi32>
      %shift_right_arithmetic3A_3788 = arith.constant 11 : i32
      %shift_right_arithmetic3A_3789 = vector.broadcast %shift_right_arithmetic3A_3788 : i32 to vector<16xi32>
      %shift_right_arithmetic3A_3790 = arith.shrsi %mul3A_3787, %shift_right_arithmetic3A_3789 : vector<16xi32>
      %mul3A_3791 = arith.constant 10 : i32
      %mul3A_3792 = vector.broadcast %mul3A_3791 : i32 to vector<16xi32>
      %mul3A_3793 = arith.muli %shift_right_arithmetic3A_3790, %mul3A_3792 : vector<16xi32>
      %sub3A_3794 = arith.subi %shift_right_arithmetic3A_3784, %mul3A_3793 : vector<16xi32>
      %and3A_3795 = arith.constant 2047 : i32
      %and3A_3796 = vector.broadcast %and3A_3795 : i32 to vector<16xi32>
      %and3A_3797 = arith.andi %add3A_3781, %and3A_3796 : vector<16xi32>
      %shift_right_arithmetic3A_3798 = arith.constant 7 : i32
      %shift_right_arithmetic3A_3799 = vector.broadcast %shift_right_arithmetic3A_3798 : i32 to vector<16xi32>
      %shift_right_arithmetic3A_3800 = arith.shrsi %and3A_3797, %shift_right_arithmetic3A_3799 : vector<16xi32>
      %shift_right_arithmetic3A_3801 = arith.constant 3 : i32
      %shift_right_arithmetic3A_3802 = vector.broadcast %shift_right_arithmetic3A_3801 : i32 to vector<16xi32>
      %shift_right_arithmetic3A_3803 = arith.shrsi %and3A_3797, %shift_right_arithmetic3A_3802 : vector<16xi32>
      %and3A_3804 = arith.constant 15 : i32
      %and3A_3805 = vector.broadcast %and3A_3804 : i32 to vector<16xi32>
      %and3A_3806 = arith.andi %shift_right_arithmetic3A_3803, %and3A_3805 : vector<16xi32>
      %and3A_3807 = arith.constant 7 : i32
      %and3A_3808 = vector.broadcast %and3A_3807 : i32 to vector<16xi32>
      %and3A_3809 = arith.andi %and3A_3797, %and3A_3808 : vector<16xi32>
      %shift_left3A_3810 = arith.constant 3 : i32
      %shift_left3A_3811 = vector.broadcast %shift_left3A_3810 : i32 to vector<16xi32>
      %shift_left3A_3812 = arith.shli %shift_right_arithmetic3A_3800, %shift_left3A_3811 : vector<16xi32>
      %or3A_3813 = arith.ori %shift_left3A_3812, %and3A_3809 : vector<16xi32>
      %mul3A_3814 = arith.constant 52 : i32
      %mul3A_3815 = vector.broadcast %mul3A_3814 : i32 to vector<16xi32>
      %mul3A_3816 = arith.muli %sub3A_3794, %mul3A_3815 : vector<16xi32>
      %shift_right_arithmetic3A_3817 = arith.constant 8 : i32
      %shift_right_arithmetic3A_3818 = vector.broadcast %shift_right_arithmetic3A_3817 : i32 to vector<16xi32>
      %shift_right_arithmetic3A_3819 = arith.shrsi %mul3A_3816, %shift_right_arithmetic3A_3818 : vector<16xi32>
      %mul3A_3820 = arith.constant 5 : i32
      %mul3A_3821 = vector.broadcast %mul3A_3820 : i32 to vector<16xi32>
      %mul3A_3822 = arith.muli %shift_right_arithmetic3A_3819, %mul3A_3821 : vector<16xi32>
      %sub3A_3823 = arith.subi %sub3A_3794, %mul3A_3822 : vector<16xi32>
      %shift_left3A_3824 = arith.constant 1 : i32
      %shift_left3A_3825 = vector.broadcast %shift_left3A_3824 : i32 to vector<16xi32>
      %shift_left3A_3826 = arith.shli %or3A_3813, %shift_left3A_3825 : vector<16xi32>
      %or3A_3827 = arith.ori %shift_left3A_3826, %shift_right_arithmetic3A_3819 : vector<16xi32>
      %gather3A_3828 = tpu.vector_load_idx %arg5[%or3A_3827] : memref<256xi32, #tpu.memory_space<vmem>>[vector<16xi32>], vector<16xi32>,
      %mul3A_3829 = arith.constant 5 : i32
      %mul3A_3830 = vector.broadcast %mul3A_3829 : i32 to vector<16xi32>
      %mul3A_3831 = arith.muli %shift_right_arithmetic3A_3790, %mul3A_3830 : vector<16xi32>
      %add3A_3832 = arith.addi %mul3A_3831, %sub3A_3823 : vector<16xi32>
      %shift_left3A_3833 = arith.constant 10 : i32
      %shift_left3A_3834 = vector.broadcast %shift_left3A_3833 : i32 to vector<16xi32>
      %shift_left3A_3835 = arith.shli %add3A_3832, %shift_left3A_3834 : vector<16xi32>
      %shift_right_arithmetic3A_3836 = arith.constant 3 : i32
      %shift_right_arithmetic3A_3837 = vector.broadcast %shift_right_arithmetic3A_3836 : i32 to vector<16xi32>
      %shift_right_arithmetic3A_3838 = arith.shrsi %gather3A_3828, %shift_right_arithmetic3A_3837 : vector<16xi32>
      %shift_left3A_3839 = arith.constant 7 : i32
      %shift_left3A_3840 = vector.broadcast %shift_left3A_3839 : i32 to vector<16xi32>
      %shift_left3A_3841 = arith.shli %shift_right_arithmetic3A_3838, %shift_left3A_3840 : vector<16xi32>
      %or3A_3842 = arith.ori %shift_left3A_3835, %shift_left3A_3841 : vector<16xi32>
      %shift_left3A_3843 = arith.constant 3 : i32
      %shift_left3A_3844 = vector.broadcast %shift_left3A_3843 : i32 to vector<16xi32>
      %shift_left3A_3845 = arith.shli %and3A_3806, %shift_left3A_3844 : vector<16xi32>
      %or3A_3846 = arith.ori %or3A_3842, %shift_left3A_3845 : vector<16xi32>
      %and3A_3847 = arith.constant 7 : i32
      %and3A_3848 = vector.broadcast %and3A_3847 : i32 to vector<16xi32>
      %and3A_3849 = arith.andi %gather3A_3828, %and3A_3848 : vector<16xi32>
      %or3A_3850 = arith.ori %or3A_3846, %and3A_3849 : vector<16xi32>
      %swap3A_3851 = arith.index_cast %add3A_3300 : i32 to index
      %swap3A_3852 = arith.constant 96 : index
      %swap3A_3853 = tpu.vector_load %arg6[%swap3A_3851, %swap3A_3852] {strides = array<i32>} : memref<60x128xi32, #tpu.memory_space<vmem>>, vector<16xi32>,
      tpu.vector_store %arg6[%swap3A_3851, %swap3A_3852], %or3A_3850 {strides = array<i32>} : memref<60x128xi32, #tpu.memory_space<vmem>>, vector<16xi32>,
      %mul3A_3854 = arith.constant 128 : i32
      %mul3A_3855 = arith.muli %add3A_3300, %mul3A_3854 : i32
      %add3A_3856 = arith.addi %mul3A_2, %mul3A_3855 : i32
      %add3A_3857 = arith.constant 112 : i32
      %add3A_3858 = arith.addi %add3A_3856, %add3A_3857 : i32
      %add3A_3859 = vector.broadcast %add3A_3858 : i32 to vector<16xi32>
      %add3A_3860 = arith.addi %add3A_3859, %iota3A : vector<16xi32>
      %shift_right_arithmetic3A_3861 = arith.constant 11 : i32
      %shift_right_arithmetic3A_3862 = vector.broadcast %shift_right_arithmetic3A_3861 : i32 to vector<16xi32>
      %shift_right_arithmetic3A_3863 = arith.shrsi %add3A_3860, %shift_right_arithmetic3A_3862 : vector<16xi32>
      %mul3A_3864 = arith.constant 205 : i32
      %mul3A_3865 = vector.broadcast %mul3A_3864 : i32 to vector<16xi32>
      %mul3A_3866 = arith.muli %shift_right_arithmetic3A_3863, %mul3A_3865 : vector<16xi32>
      %shift_right_arithmetic3A_3867 = arith.constant 11 : i32
      %shift_right_arithmetic3A_3868 = vector.broadcast %shift_right_arithmetic3A_3867 : i32 to vector<16xi32>
      %shift_right_arithmetic3A_3869 = arith.shrsi %mul3A_3866, %shift_right_arithmetic3A_3868 : vector<16xi32>
      %mul3A_3870 = arith.constant 10 : i32
      %mul3A_3871 = vector.broadcast %mul3A_3870 : i32 to vector<16xi32>
      %mul3A_3872 = arith.muli %shift_right_arithmetic3A_3869, %mul3A_3871 : vector<16xi32>
      %sub3A_3873 = arith.subi %shift_right_arithmetic3A_3863, %mul3A_3872 : vector<16xi32>
      %and3A_3874 = arith.constant 2047 : i32
      %and3A_3875 = vector.broadcast %and3A_3874 : i32 to vector<16xi32>
      %and3A_3876 = arith.andi %add3A_3860, %and3A_3875 : vector<16xi32>
      %shift_right_arithmetic3A_3877 = arith.constant 7 : i32
      %shift_right_arithmetic3A_3878 = vector.broadcast %shift_right_arithmetic3A_3877 : i32 to vector<16xi32>
      %shift_right_arithmetic3A_3879 = arith.shrsi %and3A_3876, %shift_right_arithmetic3A_3878 : vector<16xi32>
      %shift_right_arithmetic3A_3880 = arith.constant 3 : i32
      %shift_right_arithmetic3A_3881 = vector.broadcast %shift_right_arithmetic3A_3880 : i32 to vector<16xi32>
      %shift_right_arithmetic3A_3882 = arith.shrsi %and3A_3876, %shift_right_arithmetic3A_3881 : vector<16xi32>
      %and3A_3883 = arith.constant 15 : i32
      %and3A_3884 = vector.broadcast %and3A_3883 : i32 to vector<16xi32>
      %and3A_3885 = arith.andi %shift_right_arithmetic3A_3882, %and3A_3884 : vector<16xi32>
      %and3A_3886 = arith.constant 7 : i32
      %and3A_3887 = vector.broadcast %and3A_3886 : i32 to vector<16xi32>
      %and3A_3888 = arith.andi %and3A_3876, %and3A_3887 : vector<16xi32>
      %shift_left3A_3889 = arith.constant 3 : i32
      %shift_left3A_3890 = vector.broadcast %shift_left3A_3889 : i32 to vector<16xi32>
      %shift_left3A_3891 = arith.shli %shift_right_arithmetic3A_3879, %shift_left3A_3890 : vector<16xi32>
      %or3A_3892 = arith.ori %shift_left3A_3891, %and3A_3888 : vector<16xi32>
      %mul3A_3893 = arith.constant 52 : i32
      %mul3A_3894 = vector.broadcast %mul3A_3893 : i32 to vector<16xi32>
      %mul3A_3895 = arith.muli %sub3A_3873, %mul3A_3894 : vector<16xi32>
      %shift_right_arithmetic3A_3896 = arith.constant 8 : i32
      %shift_right_arithmetic3A_3897 = vector.broadcast %shift_right_arithmetic3A_3896 : i32 to vector<16xi32>
      %shift_right_arithmetic3A_3898 = arith.shrsi %mul3A_3895, %shift_right_arithmetic3A_3897 : vector<16xi32>
      %mul3A_3899 = arith.constant 5 : i32
      %mul3A_3900 = vector.broadcast %mul3A_3899 : i32 to vector<16xi32>
      %mul3A_3901 = arith.muli %shift_right_arithmetic3A_3898, %mul3A_3900 : vector<16xi32>
      %sub3A_3902 = arith.subi %sub3A_3873, %mul3A_3901 : vector<16xi32>
      %shift_left3A_3903 = arith.constant 1 : i32
      %shift_left3A_3904 = vector.broadcast %shift_left3A_3903 : i32 to vector<16xi32>
      %shift_left3A_3905 = arith.shli %or3A_3892, %shift_left3A_3904 : vector<16xi32>
      %or3A_3906 = arith.ori %shift_left3A_3905, %shift_right_arithmetic3A_3898 : vector<16xi32>
      %gather3A_3907 = tpu.vector_load_idx %arg5[%or3A_3906] : memref<256xi32, #tpu.memory_space<vmem>>[vector<16xi32>], vector<16xi32>,
      %mul3A_3908 = arith.constant 5 : i32
      %mul3A_3909 = vector.broadcast %mul3A_3908 : i32 to vector<16xi32>
      %mul3A_3910 = arith.muli %shift_right_arithmetic3A_3869, %mul3A_3909 : vector<16xi32>
      %add3A_3911 = arith.addi %mul3A_3910, %sub3A_3902 : vector<16xi32>
      %shift_left3A_3912 = arith.constant 10 : i32
      %shift_left3A_3913 = vector.broadcast %shift_left3A_3912 : i32 to vector<16xi32>
      %shift_left3A_3914 = arith.shli %add3A_3911, %shift_left3A_3913 : vector<16xi32>
      %shift_right_arithmetic3A_3915 = arith.constant 3 : i32
      %shift_right_arithmetic3A_3916 = vector.broadcast %shift_right_arithmetic3A_3915 : i32 to vector<16xi32>
      %shift_right_arithmetic3A_3917 = arith.shrsi %gather3A_3907, %shift_right_arithmetic3A_3916 : vector<16xi32>
      %shift_left3A_3918 = arith.constant 7 : i32
      %shift_left3A_3919 = vector.broadcast %shift_left3A_3918 : i32 to vector<16xi32>
      %shift_left3A_3920 = arith.shli %shift_right_arithmetic3A_3917, %shift_left3A_3919 : vector<16xi32>
      %or3A_3921 = arith.ori %shift_left3A_3914, %shift_left3A_3920 : vector<16xi32>
      %shift_left3A_3922 = arith.constant 3 : i32
      %shift_left3A_3923 = vector.broadcast %shift_left3A_3922 : i32 to vector<16xi32>
      %shift_left3A_3924 = arith.shli %and3A_3885, %shift_left3A_3923 : vector<16xi32>
      %or3A_3925 = arith.ori %or3A_3921, %shift_left3A_3924 : vector<16xi32>
      %and3A_3926 = arith.constant 7 : i32
      %and3A_3927 = vector.broadcast %and3A_3926 : i32 to vector<16xi32>
      %and3A_3928 = arith.andi %gather3A_3907, %and3A_3927 : vector<16xi32>
      %or3A_3929 = arith.ori %or3A_3925, %and3A_3928 : vector<16xi32>
      %swap3A_3930 = arith.index_cast %add3A_3300 : i32 to index
      %swap3A_3931 = arith.constant 112 : index
      %swap3A_3932 = tpu.vector_load %arg6[%swap3A_3930, %swap3A_3931] {strides = array<i32>} : memref<60x128xi32, #tpu.memory_space<vmem>>, vector<16xi32>,
      tpu.vector_store %arg6[%swap3A_3930, %swap3A_3931], %or3A_3929 {strides = array<i32>} : memref<60x128xi32, #tpu.memory_space<vmem>>, vector<16xi32>,
      %add3A_3933 = arith.constant 2 : i32
      %add3A_3934 = arith.addi %add3A_3294, %add3A_3933 : i32
      %dma_start3A_3935 = arith.constant 0 : i32
      %dma_start3A_3936 = tpu.memref_slice %arg6[%add3A_3934, %dma_start3A_3935] : memref<60x128xi32, #tpu.memory_space<vmem>> -> memref<1x128xi32, #tpu.memory_space<vmem>>
      %dma_start3A_3937 = tpu.memref_squeeze %dma_start3A_3936 : memref<1x128xi32, #tpu.memory_space<vmem>> -> memref<128xi32, #tpu.memory_space<vmem>>
      %dma_start3A_3938 = arith.constant 0 : i32
      %dma_start3A_3939 = arith.constant 0 : i32
      %dma_start3A_3940 = tpu.memref_slice %arg2[%dma_start3A_3938, %dma_start3A_3939] : memref<61440x128xf32, #tpu.memory_space<hbm>> -> memref<61440x128xf32, #tpu.memory_space<hbm>>
      tpu.enqueue_indirect_dma source(%dma_start3A_3940 : memref<61440x128xf32, #tpu.memory_space<hbm>>) target(%arg8 : memref<128x128xf32, #tpu.memory_space<vmem>>) offsets(%dma_start3A_3937 : memref<128xi32, #tpu.memory_space<vmem>>) semaphore(%arg12 : memref<!tpu.dma_semaphore, #tpu.memory_space<semaphore_mem>>)
      %dma_wait3A_3941 = arith.constant 0 : i32
      %dma_wait3A_3942 = arith.constant 0 : i32
      %dma_wait3A_3943 = tpu.memref_slice %arg6[%dma_wait3A_3941, %dma_wait3A_3942] : memref<60x128xi32, #tpu.memory_space<vmem>> -> memref<1x128xi32, #tpu.memory_space<vmem>>
      %dma_wait3A_3944 = tpu.memref_squeeze %dma_wait3A_3943 : memref<1x128xi32, #tpu.memory_space<vmem>> -> memref<128xi32, #tpu.memory_space<vmem>>
      %dma_wait3A_3945 = arith.constant 0 : i32
      %dma_wait3A_3946 = arith.constant 0 : i32
      %dma_wait3A_3947 = tpu.memref_slice %arg2[%dma_wait3A_3945, %dma_wait3A_3946] : memref<61440x128xf32, #tpu.memory_space<hbm>> -> memref<61440x128xf32, #tpu.memory_space<hbm>>
      tpu.wait_indirect_dma semaphore(%arg14 : memref<!tpu.dma_semaphore, #tpu.memory_space<semaphore_mem>>) src(%dma_wait3A_3947 : memref<61440x128xf32, #tpu.memory_space<hbm>>) dst(%arg10 : memref<128x128xf32, #tpu.memory_space<vmem>>)
      %mul3A_3948 = arith.constant 128 : i32
      %mul3A_3949 = arith.muli %add3A_3294, %mul3A_3948 : i32
      %add3A_3950 = arith.addi %mul3A_2, %mul3A_3949 : i32
      %dma_start3A_3951 = arith.constant 0 : i32
      %dma_start3A_3952 = tpu.memref_slice %arg4[%add3A_3950, %dma_start3A_3951] : memref<245760x128xf32, #tpu.memory_space<hbm>> -> memref<128x128xf32, #tpu.memory_space<hbm>>
      %dma_start3A_3953 = arith.constant 0 : i32
      %dma_start3A_3954 = tpu.memref_slice %arg4[%add3A_3950, %dma_start3A_3953] : memref<245760x128xf32, #tpu.memory_space<hbm>> -> memref<128x128xf32, #tpu.memory_space<hbm>>
      tpu.enqueue_dma source(%arg10 : memref<128x128xf32, #tpu.memory_space<vmem>>) target(%dma_start3A_3954 : memref<128x128xf32, #tpu.memory_space<hbm>>) target_semaphore(%arg18 : memref<!tpu.dma_semaphore, #tpu.memory_space<semaphore_mem>>)
      %mul3A_3955 = arith.constant 4 : i32
      %mul3A_3956 = arith.muli %scan3A_2622, %mul3A_3955 : i32
      %add3A_3957 = arith.constant 2 : i32
      %add3A_3958 = arith.addi %mul3A_3956, %add3A_3957 : i32
      %add3A_3959 = arith.constant 2 : i32
      %add3A_3960 = arith.addi %add3A_3958, %add3A_3959 : i32
      %dma_wait3A_3961 = arith.constant 0 : i32
      %dma_wait3A_3962 = tpu.memref_slice %arg4[%mul3A_2, %dma_wait3A_3961] : memref<245760x128xf32, #tpu.memory_space<hbm>> -> memref<128x128xf32, #tpu.memory_space<hbm>>
      %dma_wait3A_3963 = arith.constant 0 : i32
      %dma_wait3A_3964 = tpu.memref_slice %arg4[%mul3A_2, %dma_wait3A_3963] : memref<245760x128xf32, #tpu.memory_space<hbm>> -> memref<128x128xf32, #tpu.memory_space<hbm>>
      tpu.wait_dma2 semaphore(%arg17 : memref<!tpu.dma_semaphore, #tpu.memory_space<semaphore_mem>>) src(%arg9 : memref<128x128xf32, #tpu.memory_space<vmem>>) dst(%dma_wait3A_3964 : memref<128x128xf32, #tpu.memory_space<hbm>>)
      %add3A_3965 = arith.constant 2 : i32
      %add3A_3966 = arith.addi %add3A_3960, %add3A_3965 : i32
      %mul3A_3967 = arith.constant 128 : i32
      %mul3A_3968 = arith.muli %add3A_3966, %mul3A_3967 : i32
      %add3A_3969 = arith.addi %mul3A_2, %mul3A_3968 : i32
      %add3A_3970 = arith.constant 0 : i32
      %add3A_3971 = arith.addi %add3A_3969, %add3A_3970 : i32
      %add3A_3972 = vector.broadcast %add3A_3971 : i32 to vector<16xi32>
      %add3A_3973 = arith.addi %add3A_3972, %iota3A : vector<16xi32>
      %shift_right_arithmetic3A_3974 = arith.constant 11 : i32
      %shift_right_arithmetic3A_3975 = vector.broadcast %shift_right_arithmetic3A_3974 : i32 to vector<16xi32>
      %shift_right_arithmetic3A_3976 = arith.shrsi %add3A_3973, %shift_right_arithmetic3A_3975 : vector<16xi32>
      %mul3A_3977 = arith.constant 205 : i32
      %mul3A_3978 = vector.broadcast %mul3A_3977 : i32 to vector<16xi32>
      %mul3A_3979 = arith.muli %shift_right_arithmetic3A_3976, %mul3A_3978 : vector<16xi32>
      %shift_right_arithmetic3A_3980 = arith.constant 11 : i32
      %shift_right_arithmetic3A_3981 = vector.broadcast %shift_right_arithmetic3A_3980 : i32 to vector<16xi32>
      %shift_right_arithmetic3A_3982 = arith.shrsi %mul3A_3979, %shift_right_arithmetic3A_3981 : vector<16xi32>
      %mul3A_3983 = arith.constant 10 : i32
      %mul3A_3984 = vector.broadcast %mul3A_3983 : i32 to vector<16xi32>
      %mul3A_3985 = arith.muli %shift_right_arithmetic3A_3982, %mul3A_3984 : vector<16xi32>
      %sub3A_3986 = arith.subi %shift_right_arithmetic3A_3976, %mul3A_3985 : vector<16xi32>
      %and3A_3987 = arith.constant 2047 : i32
      %and3A_3988 = vector.broadcast %and3A_3987 : i32 to vector<16xi32>
      %and3A_3989 = arith.andi %add3A_3973, %and3A_3988 : vector<16xi32>
      %shift_right_arithmetic3A_3990 = arith.constant 7 : i32
      %shift_right_arithmetic3A_3991 = vector.broadcast %shift_right_arithmetic3A_3990 : i32 to vector<16xi32>
      %shift_right_arithmetic3A_3992 = arith.shrsi %and3A_3989, %shift_right_arithmetic3A_3991 : vector<16xi32>
      %shift_right_arithmetic3A_3993 = arith.constant 3 : i32
      %shift_right_arithmetic3A_3994 = vector.broadcast %shift_right_arithmetic3A_3993 : i32 to vector<16xi32>
      %shift_right_arithmetic3A_3995 = arith.shrsi %and3A_3989, %shift_right_arithmetic3A_3994 : vector<16xi32>
      %and3A_3996 = arith.constant 15 : i32
      %and3A_3997 = vector.broadcast %and3A_3996 : i32 to vector<16xi32>
      %and3A_3998 = arith.andi %shift_right_arithmetic3A_3995, %and3A_3997 : vector<16xi32>
      %and3A_3999 = arith.constant 7 : i32
      %and3A_4000 = vector.broadcast %and3A_3999 : i32 to vector<16xi32>
      %and3A_4001 = arith.andi %and3A_3989, %and3A_4000 : vector<16xi32>
      %shift_left3A_4002 = arith.constant 3 : i32
      %shift_left3A_4003 = vector.broadcast %shift_left3A_4002 : i32 to vector<16xi32>
      %shift_left3A_4004 = arith.shli %shift_right_arithmetic3A_3992, %shift_left3A_4003 : vector<16xi32>
      %or3A_4005 = arith.ori %shift_left3A_4004, %and3A_4001 : vector<16xi32>
      %mul3A_4006 = arith.constant 52 : i32
      %mul3A_4007 = vector.broadcast %mul3A_4006 : i32 to vector<16xi32>
      %mul3A_4008 = arith.muli %sub3A_3986, %mul3A_4007 : vector<16xi32>
      %shift_right_arithmetic3A_4009 = arith.constant 8 : i32
      %shift_right_arithmetic3A_4010 = vector.broadcast %shift_right_arithmetic3A_4009 : i32 to vector<16xi32>
      %shift_right_arithmetic3A_4011 = arith.shrsi %mul3A_4008, %shift_right_arithmetic3A_4010 : vector<16xi32>
      %mul3A_4012 = arith.constant 5 : i32
      %mul3A_4013 = vector.broadcast %mul3A_4012 : i32 to vector<16xi32>
      %mul3A_4014 = arith.muli %shift_right_arithmetic3A_4011, %mul3A_4013 : vector<16xi32>
      %sub3A_4015 = arith.subi %sub3A_3986, %mul3A_4014 : vector<16xi32>
      %shift_left3A_4016 = arith.constant 1 : i32
      %shift_left3A_4017 = vector.broadcast %shift_left3A_4016 : i32 to vector<16xi32>
      %shift_left3A_4018 = arith.shli %or3A_4005, %shift_left3A_4017 : vector<16xi32>
      %or3A_4019 = arith.ori %shift_left3A_4018, %shift_right_arithmetic3A_4011 : vector<16xi32>
      %gather3A_4020 = tpu.vector_load_idx %arg5[%or3A_4019] : memref<256xi32, #tpu.memory_space<vmem>>[vector<16xi32>], vector<16xi32>,
      %mul3A_4021 = arith.constant 5 : i32
      %mul3A_4022 = vector.broadcast %mul3A_4021 : i32 to vector<16xi32>
      %mul3A_4023 = arith.muli %shift_right_arithmetic3A_3982, %mul3A_4022 : vector<16xi32>
      %add3A_4024 = arith.addi %mul3A_4023, %sub3A_4015 : vector<16xi32>
      %shift_left3A_4025 = arith.constant 10 : i32
      %shift_left3A_4026 = vector.broadcast %shift_left3A_4025 : i32 to vector<16xi32>
      %shift_left3A_4027 = arith.shli %add3A_4024, %shift_left3A_4026 : vector<16xi32>
      %shift_right_arithmetic3A_4028 = arith.constant 3 : i32
      %shift_right_arithmetic3A_4029 = vector.broadcast %shift_right_arithmetic3A_4028 : i32 to vector<16xi32>
      %shift_right_arithmetic3A_4030 = arith.shrsi %gather3A_4020, %shift_right_arithmetic3A_4029 : vector<16xi32>
      %shift_left3A_4031 = arith.constant 7 : i32
      %shift_left3A_4032 = vector.broadcast %shift_left3A_4031 : i32 to vector<16xi32>
      %shift_left3A_4033 = arith.shli %shift_right_arithmetic3A_4030, %shift_left3A_4032 : vector<16xi32>
      %or3A_4034 = arith.ori %shift_left3A_4027, %shift_left3A_4033 : vector<16xi32>
      %shift_left3A_4035 = arith.constant 3 : i32
      %shift_left3A_4036 = vector.broadcast %shift_left3A_4035 : i32 to vector<16xi32>
      %shift_left3A_4037 = arith.shli %and3A_3998, %shift_left3A_4036 : vector<16xi32>
      %or3A_4038 = arith.ori %or3A_4034, %shift_left3A_4037 : vector<16xi32>
      %and3A_4039 = arith.constant 7 : i32
      %and3A_4040 = vector.broadcast %and3A_4039 : i32 to vector<16xi32>
      %and3A_4041 = arith.andi %gather3A_4020, %and3A_4040 : vector<16xi32>
      %or3A_4042 = arith.ori %or3A_4038, %and3A_4041 : vector<16xi32>
      %swap3A_4043 = arith.index_cast %add3A_3966 : i32 to index
      %swap3A_4044 = arith.constant 0 : index
      %swap3A_4045 = tpu.vector_load %arg6[%swap3A_4043, %swap3A_4044] {strides = array<i32>} : memref<60x128xi32, #tpu.memory_space<vmem>>, vector<16xi32>,
      tpu.vector_store %arg6[%swap3A_4043, %swap3A_4044], %or3A_4042 {strides = array<i32>} : memref<60x128xi32, #tpu.memory_space<vmem>>, vector<16xi32>,
      %mul3A_4046 = arith.constant 128 : i32
      %mul3A_4047 = arith.muli %add3A_3966, %mul3A_4046 : i32
      %add3A_4048 = arith.addi %mul3A_2, %mul3A_4047 : i32
      %add3A_4049 = arith.constant 16 : i32
      %add3A_4050 = arith.addi %add3A_4048, %add3A_4049 : i32
      %add3A_4051 = vector.broadcast %add3A_4050 : i32 to vector<16xi32>
      %add3A_4052 = arith.addi %add3A_4051, %iota3A : vector<16xi32>
      %shift_right_arithmetic3A_4053 = arith.constant 11 : i32
      %shift_right_arithmetic3A_4054 = vector.broadcast %shift_right_arithmetic3A_4053 : i32 to vector<16xi32>
      %shift_right_arithmetic3A_4055 = arith.shrsi %add3A_4052, %shift_right_arithmetic3A_4054 : vector<16xi32>
      %mul3A_4056 = arith.constant 205 : i32
      %mul3A_4057 = vector.broadcast %mul3A_4056 : i32 to vector<16xi32>
      %mul3A_4058 = arith.muli %shift_right_arithmetic3A_4055, %mul3A_4057 : vector<16xi32>
      %shift_right_arithmetic3A_4059 = arith.constant 11 : i32
      %shift_right_arithmetic3A_4060 = vector.broadcast %shift_right_arithmetic3A_4059 : i32 to vector<16xi32>
      %shift_right_arithmetic3A_4061 = arith.shrsi %mul3A_4058, %shift_right_arithmetic3A_4060 : vector<16xi32>
      %mul3A_4062 = arith.constant 10 : i32
      %mul3A_4063 = vector.broadcast %mul3A_4062 : i32 to vector<16xi32>
      %mul3A_4064 = arith.muli %shift_right_arithmetic3A_4061, %mul3A_4063 : vector<16xi32>
      %sub3A_4065 = arith.subi %shift_right_arithmetic3A_4055, %mul3A_4064 : vector<16xi32>
      %and3A_4066 = arith.constant 2047 : i32
      %and3A_4067 = vector.broadcast %and3A_4066 : i32 to vector<16xi32>
      %and3A_4068 = arith.andi %add3A_4052, %and3A_4067 : vector<16xi32>
      %shift_right_arithmetic3A_4069 = arith.constant 7 : i32
      %shift_right_arithmetic3A_4070 = vector.broadcast %shift_right_arithmetic3A_4069 : i32 to vector<16xi32>
      %shift_right_arithmetic3A_4071 = arith.shrsi %and3A_4068, %shift_right_arithmetic3A_4070 : vector<16xi32>
      %shift_right_arithmetic3A_4072 = arith.constant 3 : i32
      %shift_right_arithmetic3A_4073 = vector.broadcast %shift_right_arithmetic3A_4072 : i32 to vector<16xi32>
      %shift_right_arithmetic3A_4074 = arith.shrsi %and3A_4068, %shift_right_arithmetic3A_4073 : vector<16xi32>
      %and3A_4075 = arith.constant 15 : i32
      %and3A_4076 = vector.broadcast %and3A_4075 : i32 to vector<16xi32>
      %and3A_4077 = arith.andi %shift_right_arithmetic3A_4074, %and3A_4076 : vector<16xi32>
      %and3A_4078 = arith.constant 7 : i32
      %and3A_4079 = vector.broadcast %and3A_4078 : i32 to vector<16xi32>
      %and3A_4080 = arith.andi %and3A_4068, %and3A_4079 : vector<16xi32>
      %shift_left3A_4081 = arith.constant 3 : i32
      %shift_left3A_4082 = vector.broadcast %shift_left3A_4081 : i32 to vector<16xi32>
      %shift_left3A_4083 = arith.shli %shift_right_arithmetic3A_4071, %shift_left3A_4082 : vector<16xi32>
      %or3A_4084 = arith.ori %shift_left3A_4083, %and3A_4080 : vector<16xi32>
      %mul3A_4085 = arith.constant 52 : i32
      %mul3A_4086 = vector.broadcast %mul3A_4085 : i32 to vector<16xi32>
      %mul3A_4087 = arith.muli %sub3A_4065, %mul3A_4086 : vector<16xi32>
      %shift_right_arithmetic3A_4088 = arith.constant 8 : i32
      %shift_right_arithmetic3A_4089 = vector.broadcast %shift_right_arithmetic3A_4088 : i32 to vector<16xi32>
      %shift_right_arithmetic3A_4090 = arith.shrsi %mul3A_4087, %shift_right_arithmetic3A_4089 : vector<16xi32>
      %mul3A_4091 = arith.constant 5 : i32
      %mul3A_4092 = vector.broadcast %mul3A_4091 : i32 to vector<16xi32>
      %mul3A_4093 = arith.muli %shift_right_arithmetic3A_4090, %mul3A_4092 : vector<16xi32>
      %sub3A_4094 = arith.subi %sub3A_4065, %mul3A_4093 : vector<16xi32>
      %shift_left3A_4095 = arith.constant 1 : i32
      %shift_left3A_4096 = vector.broadcast %shift_left3A_4095 : i32 to vector<16xi32>
      %shift_left3A_4097 = arith.shli %or3A_4084, %shift_left3A_4096 : vector<16xi32>
      %or3A_4098 = arith.ori %shift_left3A_4097, %shift_right_arithmetic3A_4090 : vector<16xi32>
      %gather3A_4099 = tpu.vector_load_idx %arg5[%or3A_4098] : memref<256xi32, #tpu.memory_space<vmem>>[vector<16xi32>], vector<16xi32>,
      %mul3A_4100 = arith.constant 5 : i32
      %mul3A_4101 = vector.broadcast %mul3A_4100 : i32 to vector<16xi32>
      %mul3A_4102 = arith.muli %shift_right_arithmetic3A_4061, %mul3A_4101 : vector<16xi32>
      %add3A_4103 = arith.addi %mul3A_4102, %sub3A_4094 : vector<16xi32>
      %shift_left3A_4104 = arith.constant 10 : i32
      %shift_left3A_4105 = vector.broadcast %shift_left3A_4104 : i32 to vector<16xi32>
      %shift_left3A_4106 = arith.shli %add3A_4103, %shift_left3A_4105 : vector<16xi32>
      %shift_right_arithmetic3A_4107 = arith.constant 3 : i32
      %shift_right_arithmetic3A_4108 = vector.broadcast %shift_right_arithmetic3A_4107 : i32 to vector<16xi32>
      %shift_right_arithmetic3A_4109 = arith.shrsi %gather3A_4099, %shift_right_arithmetic3A_4108 : vector<16xi32>
      %shift_left3A_4110 = arith.constant 7 : i32
      %shift_left3A_4111 = vector.broadcast %shift_left3A_4110 : i32 to vector<16xi32>
      %shift_left3A_4112 = arith.shli %shift_right_arithmetic3A_4109, %shift_left3A_4111 : vector<16xi32>
      %or3A_4113 = arith.ori %shift_left3A_4106, %shift_left3A_4112 : vector<16xi32>
      %shift_left3A_4114 = arith.constant 3 : i32
      %shift_left3A_4115 = vector.broadcast %shift_left3A_4114 : i32 to vector<16xi32>
      %shift_left3A_4116 = arith.shli %and3A_4077, %shift_left3A_4115 : vector<16xi32>
      %or3A_4117 = arith.ori %or3A_4113, %shift_left3A_4116 : vector<16xi32>
      %and3A_4118 = arith.constant 7 : i32
      %and3A_4119 = vector.broadcast %and3A_4118 : i32 to vector<16xi32>
      %and3A_4120 = arith.andi %gather3A_4099, %and3A_4119 : vector<16xi32>
      %or3A_4121 = arith.ori %or3A_4117, %and3A_4120 : vector<16xi32>
      %swap3A_4122 = arith.index_cast %add3A_3966 : i32 to index
      %swap3A_4123 = arith.constant 16 : index
      %swap3A_4124 = tpu.vector_load %arg6[%swap3A_4122, %swap3A_4123] {strides = array<i32>} : memref<60x128xi32, #tpu.memory_space<vmem>>, vector<16xi32>,
      tpu.vector_store %arg6[%swap3A_4122, %swap3A_4123], %or3A_4121 {strides = array<i32>} : memref<60x128xi32, #tpu.memory_space<vmem>>, vector<16xi32>,
      %mul3A_4125 = arith.constant 128 : i32
      %mul3A_4126 = arith.muli %add3A_3966, %mul3A_4125 : i32
      %add3A_4127 = arith.addi %mul3A_2, %mul3A_4126 : i32
      %add3A_4128 = arith.constant 32 : i32
      %add3A_4129 = arith.addi %add3A_4127, %add3A_4128 : i32
      %add3A_4130 = vector.broadcast %add3A_4129 : i32 to vector<16xi32>
      %add3A_4131 = arith.addi %add3A_4130, %iota3A : vector<16xi32>
      %shift_right_arithmetic3A_4132 = arith.constant 11 : i32
      %shift_right_arithmetic3A_4133 = vector.broadcast %shift_right_arithmetic3A_4132 : i32 to vector<16xi32>
      %shift_right_arithmetic3A_4134 = arith.shrsi %add3A_4131, %shift_right_arithmetic3A_4133 : vector<16xi32>
      %mul3A_4135 = arith.constant 205 : i32
      %mul3A_4136 = vector.broadcast %mul3A_4135 : i32 to vector<16xi32>
      %mul3A_4137 = arith.muli %shift_right_arithmetic3A_4134, %mul3A_4136 : vector<16xi32>
      %shift_right_arithmetic3A_4138 = arith.constant 11 : i32
      %shift_right_arithmetic3A_4139 = vector.broadcast %shift_right_arithmetic3A_4138 : i32 to vector<16xi32>
      %shift_right_arithmetic3A_4140 = arith.shrsi %mul3A_4137, %shift_right_arithmetic3A_4139 : vector<16xi32>
      %mul3A_4141 = arith.constant 10 : i32
      %mul3A_4142 = vector.broadcast %mul3A_4141 : i32 to vector<16xi32>
      %mul3A_4143 = arith.muli %shift_right_arithmetic3A_4140, %mul3A_4142 : vector<16xi32>
      %sub3A_4144 = arith.subi %shift_right_arithmetic3A_4134, %mul3A_4143 : vector<16xi32>
      %and3A_4145 = arith.constant 2047 : i32
      %and3A_4146 = vector.broadcast %and3A_4145 : i32 to vector<16xi32>
      %and3A_4147 = arith.andi %add3A_4131, %and3A_4146 : vector<16xi32>
      %shift_right_arithmetic3A_4148 = arith.constant 7 : i32
      %shift_right_arithmetic3A_4149 = vector.broadcast %shift_right_arithmetic3A_4148 : i32 to vector<16xi32>
      %shift_right_arithmetic3A_4150 = arith.shrsi %and3A_4147, %shift_right_arithmetic3A_4149 : vector<16xi32>
      %shift_right_arithmetic3A_4151 = arith.constant 3 : i32
      %shift_right_arithmetic3A_4152 = vector.broadcast %shift_right_arithmetic3A_4151 : i32 to vector<16xi32>
      %shift_right_arithmetic3A_4153 = arith.shrsi %and3A_4147, %shift_right_arithmetic3A_4152 : vector<16xi32>
      %and3A_4154 = arith.constant 15 : i32
      %and3A_4155 = vector.broadcast %and3A_4154 : i32 to vector<16xi32>
      %and3A_4156 = arith.andi %shift_right_arithmetic3A_4153, %and3A_4155 : vector<16xi32>
      %and3A_4157 = arith.constant 7 : i32
      %and3A_4158 = vector.broadcast %and3A_4157 : i32 to vector<16xi32>
      %and3A_4159 = arith.andi %and3A_4147, %and3A_4158 : vector<16xi32>
      %shift_left3A_4160 = arith.constant 3 : i32
      %shift_left3A_4161 = vector.broadcast %shift_left3A_4160 : i32 to vector<16xi32>
      %shift_left3A_4162 = arith.shli %shift_right_arithmetic3A_4150, %shift_left3A_4161 : vector<16xi32>
      %or3A_4163 = arith.ori %shift_left3A_4162, %and3A_4159 : vector<16xi32>
      %mul3A_4164 = arith.constant 52 : i32
      %mul3A_4165 = vector.broadcast %mul3A_4164 : i32 to vector<16xi32>
      %mul3A_4166 = arith.muli %sub3A_4144, %mul3A_4165 : vector<16xi32>
      %shift_right_arithmetic3A_4167 = arith.constant 8 : i32
      %shift_right_arithmetic3A_4168 = vector.broadcast %shift_right_arithmetic3A_4167 : i32 to vector<16xi32>
      %shift_right_arithmetic3A_4169 = arith.shrsi %mul3A_4166, %shift_right_arithmetic3A_4168 : vector<16xi32>
      %mul3A_4170 = arith.constant 5 : i32
      %mul3A_4171 = vector.broadcast %mul3A_4170 : i32 to vector<16xi32>
      %mul3A_4172 = arith.muli %shift_right_arithmetic3A_4169, %mul3A_4171 : vector<16xi32>
      %sub3A_4173 = arith.subi %sub3A_4144, %mul3A_4172 : vector<16xi32>
      %shift_left3A_4174 = arith.constant 1 : i32
      %shift_left3A_4175 = vector.broadcast %shift_left3A_4174 : i32 to vector<16xi32>
      %shift_left3A_4176 = arith.shli %or3A_4163, %shift_left3A_4175 : vector<16xi32>
      %or3A_4177 = arith.ori %shift_left3A_4176, %shift_right_arithmetic3A_4169 : vector<16xi32>
      %gather3A_4178 = tpu.vector_load_idx %arg5[%or3A_4177] : memref<256xi32, #tpu.memory_space<vmem>>[vector<16xi32>], vector<16xi32>,
      %mul3A_4179 = arith.constant 5 : i32
      %mul3A_4180 = vector.broadcast %mul3A_4179 : i32 to vector<16xi32>
      %mul3A_4181 = arith.muli %shift_right_arithmetic3A_4140, %mul3A_4180 : vector<16xi32>
      %add3A_4182 = arith.addi %mul3A_4181, %sub3A_4173 : vector<16xi32>
      %shift_left3A_4183 = arith.constant 10 : i32
      %shift_left3A_4184 = vector.broadcast %shift_left3A_4183 : i32 to vector<16xi32>
      %shift_left3A_4185 = arith.shli %add3A_4182, %shift_left3A_4184 : vector<16xi32>
      %shift_right_arithmetic3A_4186 = arith.constant 3 : i32
      %shift_right_arithmetic3A_4187 = vector.broadcast %shift_right_arithmetic3A_4186 : i32 to vector<16xi32>
      %shift_right_arithmetic3A_4188 = arith.shrsi %gather3A_4178, %shift_right_arithmetic3A_4187 : vector<16xi32>
      %shift_left3A_4189 = arith.constant 7 : i32
      %shift_left3A_4190 = vector.broadcast %shift_left3A_4189 : i32 to vector<16xi32>
      %shift_left3A_4191 = arith.shli %shift_right_arithmetic3A_4188, %shift_left3A_4190 : vector<16xi32>
      %or3A_4192 = arith.ori %shift_left3A_4185, %shift_left3A_4191 : vector<16xi32>
      %shift_left3A_4193 = arith.constant 3 : i32
      %shift_left3A_4194 = vector.broadcast %shift_left3A_4193 : i32 to vector<16xi32>
      %shift_left3A_4195 = arith.shli %and3A_4156, %shift_left3A_4194 : vector<16xi32>
      %or3A_4196 = arith.ori %or3A_4192, %shift_left3A_4195 : vector<16xi32>
      %and3A_4197 = arith.constant 7 : i32
      %and3A_4198 = vector.broadcast %and3A_4197 : i32 to vector<16xi32>
      %and3A_4199 = arith.andi %gather3A_4178, %and3A_4198 : vector<16xi32>
      %or3A_4200 = arith.ori %or3A_4196, %and3A_4199 : vector<16xi32>
      %swap3A_4201 = arith.index_cast %add3A_3966 : i32 to index
      %swap3A_4202 = arith.constant 32 : index
      %swap3A_4203 = tpu.vector_load %arg6[%swap3A_4201, %swap3A_4202] {strides = array<i32>} : memref<60x128xi32, #tpu.memory_space<vmem>>, vector<16xi32>,
      tpu.vector_store %arg6[%swap3A_4201, %swap3A_4202], %or3A_4200 {strides = array<i32>} : memref<60x128xi32, #tpu.memory_space<vmem>>, vector<16xi32>,
      %mul3A_4204 = arith.constant 128 : i32
      %mul3A_4205 = arith.muli %add3A_3966, %mul3A_4204 : i32
      %add3A_4206 = arith.addi %mul3A_2, %mul3A_4205 : i32
      %add3A_4207 = arith.constant 48 : i32
      %add3A_4208 = arith.addi %add3A_4206, %add3A_4207 : i32
      %add3A_4209 = vector.broadcast %add3A_4208 : i32 to vector<16xi32>
      %add3A_4210 = arith.addi %add3A_4209, %iota3A : vector<16xi32>
      %shift_right_arithmetic3A_4211 = arith.constant 11 : i32
      %shift_right_arithmetic3A_4212 = vector.broadcast %shift_right_arithmetic3A_4211 : i32 to vector<16xi32>
      %shift_right_arithmetic3A_4213 = arith.shrsi %add3A_4210, %shift_right_arithmetic3A_4212 : vector<16xi32>
      %mul3A_4214 = arith.constant 205 : i32
      %mul3A_4215 = vector.broadcast %mul3A_4214 : i32 to vector<16xi32>
      %mul3A_4216 = arith.muli %shift_right_arithmetic3A_4213, %mul3A_4215 : vector<16xi32>
      %shift_right_arithmetic3A_4217 = arith.constant 11 : i32
      %shift_right_arithmetic3A_4218 = vector.broadcast %shift_right_arithmetic3A_4217 : i32 to vector<16xi32>
      %shift_right_arithmetic3A_4219 = arith.shrsi %mul3A_4216, %shift_right_arithmetic3A_4218 : vector<16xi32>
      %mul3A_4220 = arith.constant 10 : i32
      %mul3A_4221 = vector.broadcast %mul3A_4220 : i32 to vector<16xi32>
      %mul3A_4222 = arith.muli %shift_right_arithmetic3A_4219, %mul3A_4221 : vector<16xi32>
      %sub3A_4223 = arith.subi %shift_right_arithmetic3A_4213, %mul3A_4222 : vector<16xi32>
      %and3A_4224 = arith.constant 2047 : i32
      %and3A_4225 = vector.broadcast %and3A_4224 : i32 to vector<16xi32>
      %and3A_4226 = arith.andi %add3A_4210, %and3A_4225 : vector<16xi32>
      %shift_right_arithmetic3A_4227 = arith.constant 7 : i32
      %shift_right_arithmetic3A_4228 = vector.broadcast %shift_right_arithmetic3A_4227 : i32 to vector<16xi32>
      %shift_right_arithmetic3A_4229 = arith.shrsi %and3A_4226, %shift_right_arithmetic3A_4228 : vector<16xi32>
      %shift_right_arithmetic3A_4230 = arith.constant 3 : i32
      %shift_right_arithmetic3A_4231 = vector.broadcast %shift_right_arithmetic3A_4230 : i32 to vector<16xi32>
      %shift_right_arithmetic3A_4232 = arith.shrsi %and3A_4226, %shift_right_arithmetic3A_4231 : vector<16xi32>
      %and3A_4233 = arith.constant 15 : i32
      %and3A_4234 = vector.broadcast %and3A_4233 : i32 to vector<16xi32>
      %and3A_4235 = arith.andi %shift_right_arithmetic3A_4232, %and3A_4234 : vector<16xi32>
      %and3A_4236 = arith.constant 7 : i32
      %and3A_4237 = vector.broadcast %and3A_4236 : i32 to vector<16xi32>
      %and3A_4238 = arith.andi %and3A_4226, %and3A_4237 : vector<16xi32>
      %shift_left3A_4239 = arith.constant 3 : i32
      %shift_left3A_4240 = vector.broadcast %shift_left3A_4239 : i32 to vector<16xi32>
      %shift_left3A_4241 = arith.shli %shift_right_arithmetic3A_4229, %shift_left3A_4240 : vector<16xi32>
      %or3A_4242 = arith.ori %shift_left3A_4241, %and3A_4238 : vector<16xi32>
      %mul3A_4243 = arith.constant 52 : i32
      %mul3A_4244 = vector.broadcast %mul3A_4243 : i32 to vector<16xi32>
      %mul3A_4245 = arith.muli %sub3A_4223, %mul3A_4244 : vector<16xi32>
      %shift_right_arithmetic3A_4246 = arith.constant 8 : i32
      %shift_right_arithmetic3A_4247 = vector.broadcast %shift_right_arithmetic3A_4246 : i32 to vector<16xi32>
      %shift_right_arithmetic3A_4248 = arith.shrsi %mul3A_4245, %shift_right_arithmetic3A_4247 : vector<16xi32>
      %mul3A_4249 = arith.constant 5 : i32
      %mul3A_4250 = vector.broadcast %mul3A_4249 : i32 to vector<16xi32>
      %mul3A_4251 = arith.muli %shift_right_arithmetic3A_4248, %mul3A_4250 : vector<16xi32>
      %sub3A_4252 = arith.subi %sub3A_4223, %mul3A_4251 : vector<16xi32>
      %shift_left3A_4253 = arith.constant 1 : i32
      %shift_left3A_4254 = vector.broadcast %shift_left3A_4253 : i32 to vector<16xi32>
      %shift_left3A_4255 = arith.shli %or3A_4242, %shift_left3A_4254 : vector<16xi32>
      %or3A_4256 = arith.ori %shift_left3A_4255, %shift_right_arithmetic3A_4248 : vector<16xi32>
      %gather3A_4257 = tpu.vector_load_idx %arg5[%or3A_4256] : memref<256xi32, #tpu.memory_space<vmem>>[vector<16xi32>], vector<16xi32>,
      %mul3A_4258 = arith.constant 5 : i32
      %mul3A_4259 = vector.broadcast %mul3A_4258 : i32 to vector<16xi32>
      %mul3A_4260 = arith.muli %shift_right_arithmetic3A_4219, %mul3A_4259 : vector<16xi32>
      %add3A_4261 = arith.addi %mul3A_4260, %sub3A_4252 : vector<16xi32>
      %shift_left3A_4262 = arith.constant 10 : i32
      %shift_left3A_4263 = vector.broadcast %shift_left3A_4262 : i32 to vector<16xi32>
      %shift_left3A_4264 = arith.shli %add3A_4261, %shift_left3A_4263 : vector<16xi32>
      %shift_right_arithmetic3A_4265 = arith.constant 3 : i32
      %shift_right_arithmetic3A_4266 = vector.broadcast %shift_right_arithmetic3A_4265 : i32 to vector<16xi32>
      %shift_right_arithmetic3A_4267 = arith.shrsi %gather3A_4257, %shift_right_arithmetic3A_4266 : vector<16xi32>
      %shift_left3A_4268 = arith.constant 7 : i32
      %shift_left3A_4269 = vector.broadcast %shift_left3A_4268 : i32 to vector<16xi32>
      %shift_left3A_4270 = arith.shli %shift_right_arithmetic3A_4267, %shift_left3A_4269 : vector<16xi32>
      %or3A_4271 = arith.ori %shift_left3A_4264, %shift_left3A_4270 : vector<16xi32>
      %shift_left3A_4272 = arith.constant 3 : i32
      %shift_left3A_4273 = vector.broadcast %shift_left3A_4272 : i32 to vector<16xi32>
      %shift_left3A_4274 = arith.shli %and3A_4235, %shift_left3A_4273 : vector<16xi32>
      %or3A_4275 = arith.ori %or3A_4271, %shift_left3A_4274 : vector<16xi32>
      %and3A_4276 = arith.constant 7 : i32
      %and3A_4277 = vector.broadcast %and3A_4276 : i32 to vector<16xi32>
      %and3A_4278 = arith.andi %gather3A_4257, %and3A_4277 : vector<16xi32>
      %or3A_4279 = arith.ori %or3A_4275, %and3A_4278 : vector<16xi32>
      %swap3A_4280 = arith.index_cast %add3A_3966 : i32 to index
      %swap3A_4281 = arith.constant 48 : index
      %swap3A_4282 = tpu.vector_load %arg6[%swap3A_4280, %swap3A_4281] {strides = array<i32>} : memref<60x128xi32, #tpu.memory_space<vmem>>, vector<16xi32>,
      tpu.vector_store %arg6[%swap3A_4280, %swap3A_4281], %or3A_4279 {strides = array<i32>} : memref<60x128xi32, #tpu.memory_space<vmem>>, vector<16xi32>,
      %mul3A_4283 = arith.constant 128 : i32
      %mul3A_4284 = arith.muli %add3A_3966, %mul3A_4283 : i32
      %add3A_4285 = arith.addi %mul3A_2, %mul3A_4284 : i32
      %add3A_4286 = arith.constant 64 : i32
      %add3A_4287 = arith.addi %add3A_4285, %add3A_4286 : i32
      %add3A_4288 = vector.broadcast %add3A_4287 : i32 to vector<16xi32>
      %add3A_4289 = arith.addi %add3A_4288, %iota3A : vector<16xi32>
      %shift_right_arithmetic3A_4290 = arith.constant 11 : i32
      %shift_right_arithmetic3A_4291 = vector.broadcast %shift_right_arithmetic3A_4290 : i32 to vector<16xi32>
      %shift_right_arithmetic3A_4292 = arith.shrsi %add3A_4289, %shift_right_arithmetic3A_4291 : vector<16xi32>
      %mul3A_4293 = arith.constant 205 : i32
      %mul3A_4294 = vector.broadcast %mul3A_4293 : i32 to vector<16xi32>
      %mul3A_4295 = arith.muli %shift_right_arithmetic3A_4292, %mul3A_4294 : vector<16xi32>
      %shift_right_arithmetic3A_4296 = arith.constant 11 : i32
      %shift_right_arithmetic3A_4297 = vector.broadcast %shift_right_arithmetic3A_4296 : i32 to vector<16xi32>
      %shift_right_arithmetic3A_4298 = arith.shrsi %mul3A_4295, %shift_right_arithmetic3A_4297 : vector<16xi32>
      %mul3A_4299 = arith.constant 10 : i32
      %mul3A_4300 = vector.broadcast %mul3A_4299 : i32 to vector<16xi32>
      %mul3A_4301 = arith.muli %shift_right_arithmetic3A_4298, %mul3A_4300 : vector<16xi32>
      %sub3A_4302 = arith.subi %shift_right_arithmetic3A_4292, %mul3A_4301 : vector<16xi32>
      %and3A_4303 = arith.constant 2047 : i32
      %and3A_4304 = vector.broadcast %and3A_4303 : i32 to vector<16xi32>
      %and3A_4305 = arith.andi %add3A_4289, %and3A_4304 : vector<16xi32>
      %shift_right_arithmetic3A_4306 = arith.constant 7 : i32
      %shift_right_arithmetic3A_4307 = vector.broadcast %shift_right_arithmetic3A_4306 : i32 to vector<16xi32>
      %shift_right_arithmetic3A_4308 = arith.shrsi %and3A_4305, %shift_right_arithmetic3A_4307 : vector<16xi32>
      %shift_right_arithmetic3A_4309 = arith.constant 3 : i32
      %shift_right_arithmetic3A_4310 = vector.broadcast %shift_right_arithmetic3A_4309 : i32 to vector<16xi32>
      %shift_right_arithmetic3A_4311 = arith.shrsi %and3A_4305, %shift_right_arithmetic3A_4310 : vector<16xi32>
      %and3A_4312 = arith.constant 15 : i32
      %and3A_4313 = vector.broadcast %and3A_4312 : i32 to vector<16xi32>
      %and3A_4314 = arith.andi %shift_right_arithmetic3A_4311, %and3A_4313 : vector<16xi32>
      %and3A_4315 = arith.constant 7 : i32
      %and3A_4316 = vector.broadcast %and3A_4315 : i32 to vector<16xi32>
      %and3A_4317 = arith.andi %and3A_4305, %and3A_4316 : vector<16xi32>
      %shift_left3A_4318 = arith.constant 3 : i32
      %shift_left3A_4319 = vector.broadcast %shift_left3A_4318 : i32 to vector<16xi32>
      %shift_left3A_4320 = arith.shli %shift_right_arithmetic3A_4308, %shift_left3A_4319 : vector<16xi32>
      %or3A_4321 = arith.ori %shift_left3A_4320, %and3A_4317 : vector<16xi32>
      %mul3A_4322 = arith.constant 52 : i32
      %mul3A_4323 = vector.broadcast %mul3A_4322 : i32 to vector<16xi32>
      %mul3A_4324 = arith.muli %sub3A_4302, %mul3A_4323 : vector<16xi32>
      %shift_right_arithmetic3A_4325 = arith.constant 8 : i32
      %shift_right_arithmetic3A_4326 = vector.broadcast %shift_right_arithmetic3A_4325 : i32 to vector<16xi32>
      %shift_right_arithmetic3A_4327 = arith.shrsi %mul3A_4324, %shift_right_arithmetic3A_4326 : vector<16xi32>
      %mul3A_4328 = arith.constant 5 : i32
      %mul3A_4329 = vector.broadcast %mul3A_4328 : i32 to vector<16xi32>
      %mul3A_4330 = arith.muli %shift_right_arithmetic3A_4327, %mul3A_4329 : vector<16xi32>
      %sub3A_4331 = arith.subi %sub3A_4302, %mul3A_4330 : vector<16xi32>
      %shift_left3A_4332 = arith.constant 1 : i32
      %shift_left3A_4333 = vector.broadcast %shift_left3A_4332 : i32 to vector<16xi32>
      %shift_left3A_4334 = arith.shli %or3A_4321, %shift_left3A_4333 : vector<16xi32>
      %or3A_4335 = arith.ori %shift_left3A_4334, %shift_right_arithmetic3A_4327 : vector<16xi32>
      %gather3A_4336 = tpu.vector_load_idx %arg5[%or3A_4335] : memref<256xi32, #tpu.memory_space<vmem>>[vector<16xi32>], vector<16xi32>,
      %mul3A_4337 = arith.constant 5 : i32
      %mul3A_4338 = vector.broadcast %mul3A_4337 : i32 to vector<16xi32>
      %mul3A_4339 = arith.muli %shift_right_arithmetic3A_4298, %mul3A_4338 : vector<16xi32>
      %add3A_4340 = arith.addi %mul3A_4339, %sub3A_4331 : vector<16xi32>
      %shift_left3A_4341 = arith.constant 10 : i32
      %shift_left3A_4342 = vector.broadcast %shift_left3A_4341 : i32 to vector<16xi32>
      %shift_left3A_4343 = arith.shli %add3A_4340, %shift_left3A_4342 : vector<16xi32>
      %shift_right_arithmetic3A_4344 = arith.constant 3 : i32
      %shift_right_arithmetic3A_4345 = vector.broadcast %shift_right_arithmetic3A_4344 : i32 to vector<16xi32>
      %shift_right_arithmetic3A_4346 = arith.shrsi %gather3A_4336, %shift_right_arithmetic3A_4345 : vector<16xi32>
      %shift_left3A_4347 = arith.constant 7 : i32
      %shift_left3A_4348 = vector.broadcast %shift_left3A_4347 : i32 to vector<16xi32>
      %shift_left3A_4349 = arith.shli %shift_right_arithmetic3A_4346, %shift_left3A_4348 : vector<16xi32>
      %or3A_4350 = arith.ori %shift_left3A_4343, %shift_left3A_4349 : vector<16xi32>
      %shift_left3A_4351 = arith.constant 3 : i32
      %shift_left3A_4352 = vector.broadcast %shift_left3A_4351 : i32 to vector<16xi32>
      %shift_left3A_4353 = arith.shli %and3A_4314, %shift_left3A_4352 : vector<16xi32>
      %or3A_4354 = arith.ori %or3A_4350, %shift_left3A_4353 : vector<16xi32>
      %and3A_4355 = arith.constant 7 : i32
      %and3A_4356 = vector.broadcast %and3A_4355 : i32 to vector<16xi32>
      %and3A_4357 = arith.andi %gather3A_4336, %and3A_4356 : vector<16xi32>
      %or3A_4358 = arith.ori %or3A_4354, %and3A_4357 : vector<16xi32>
      %swap3A_4359 = arith.index_cast %add3A_3966 : i32 to index
      %swap3A_4360 = arith.constant 64 : index
      %swap3A_4361 = tpu.vector_load %arg6[%swap3A_4359, %swap3A_4360] {strides = array<i32>} : memref<60x128xi32, #tpu.memory_space<vmem>>, vector<16xi32>,
      tpu.vector_store %arg6[%swap3A_4359, %swap3A_4360], %or3A_4358 {strides = array<i32>} : memref<60x128xi32, #tpu.memory_space<vmem>>, vector<16xi32>,
      %mul3A_4362 = arith.constant 128 : i32
      %mul3A_4363 = arith.muli %add3A_3966, %mul3A_4362 : i32
      %add3A_4364 = arith.addi %mul3A_2, %mul3A_4363 : i32
      %add3A_4365 = arith.constant 80 : i32
      %add3A_4366 = arith.addi %add3A_4364, %add3A_4365 : i32
      %add3A_4367 = vector.broadcast %add3A_4366 : i32 to vector<16xi32>
      %add3A_4368 = arith.addi %add3A_4367, %iota3A : vector<16xi32>
      %shift_right_arithmetic3A_4369 = arith.constant 11 : i32
      %shift_right_arithmetic3A_4370 = vector.broadcast %shift_right_arithmetic3A_4369 : i32 to vector<16xi32>
      %shift_right_arithmetic3A_4371 = arith.shrsi %add3A_4368, %shift_right_arithmetic3A_4370 : vector<16xi32>
      %mul3A_4372 = arith.constant 205 : i32
      %mul3A_4373 = vector.broadcast %mul3A_4372 : i32 to vector<16xi32>
      %mul3A_4374 = arith.muli %shift_right_arithmetic3A_4371, %mul3A_4373 : vector<16xi32>
      %shift_right_arithmetic3A_4375 = arith.constant 11 : i32
      %shift_right_arithmetic3A_4376 = vector.broadcast %shift_right_arithmetic3A_4375 : i32 to vector<16xi32>
      %shift_right_arithmetic3A_4377 = arith.shrsi %mul3A_4374, %shift_right_arithmetic3A_4376 : vector<16xi32>
      %mul3A_4378 = arith.constant 10 : i32
      %mul3A_4379 = vector.broadcast %mul3A_4378 : i32 to vector<16xi32>
      %mul3A_4380 = arith.muli %shift_right_arithmetic3A_4377, %mul3A_4379 : vector<16xi32>
      %sub3A_4381 = arith.subi %shift_right_arithmetic3A_4371, %mul3A_4380 : vector<16xi32>
      %and3A_4382 = arith.constant 2047 : i32
      %and3A_4383 = vector.broadcast %and3A_4382 : i32 to vector<16xi32>
      %and3A_4384 = arith.andi %add3A_4368, %and3A_4383 : vector<16xi32>
      %shift_right_arithmetic3A_4385 = arith.constant 7 : i32
      %shift_right_arithmetic3A_4386 = vector.broadcast %shift_right_arithmetic3A_4385 : i32 to vector<16xi32>
      %shift_right_arithmetic3A_4387 = arith.shrsi %and3A_4384, %shift_right_arithmetic3A_4386 : vector<16xi32>
      %shift_right_arithmetic3A_4388 = arith.constant 3 : i32
      %shift_right_arithmetic3A_4389 = vector.broadcast %shift_right_arithmetic3A_4388 : i32 to vector<16xi32>
      %shift_right_arithmetic3A_4390 = arith.shrsi %and3A_4384, %shift_right_arithmetic3A_4389 : vector<16xi32>
      %and3A_4391 = arith.constant 15 : i32
      %and3A_4392 = vector.broadcast %and3A_4391 : i32 to vector<16xi32>
      %and3A_4393 = arith.andi %shift_right_arithmetic3A_4390, %and3A_4392 : vector<16xi32>
      %and3A_4394 = arith.constant 7 : i32
      %and3A_4395 = vector.broadcast %and3A_4394 : i32 to vector<16xi32>
      %and3A_4396 = arith.andi %and3A_4384, %and3A_4395 : vector<16xi32>
      %shift_left3A_4397 = arith.constant 3 : i32
      %shift_left3A_4398 = vector.broadcast %shift_left3A_4397 : i32 to vector<16xi32>
      %shift_left3A_4399 = arith.shli %shift_right_arithmetic3A_4387, %shift_left3A_4398 : vector<16xi32>
      %or3A_4400 = arith.ori %shift_left3A_4399, %and3A_4396 : vector<16xi32>
      %mul3A_4401 = arith.constant 52 : i32
      %mul3A_4402 = vector.broadcast %mul3A_4401 : i32 to vector<16xi32>
      %mul3A_4403 = arith.muli %sub3A_4381, %mul3A_4402 : vector<16xi32>
      %shift_right_arithmetic3A_4404 = arith.constant 8 : i32
      %shift_right_arithmetic3A_4405 = vector.broadcast %shift_right_arithmetic3A_4404 : i32 to vector<16xi32>
      %shift_right_arithmetic3A_4406 = arith.shrsi %mul3A_4403, %shift_right_arithmetic3A_4405 : vector<16xi32>
      %mul3A_4407 = arith.constant 5 : i32
      %mul3A_4408 = vector.broadcast %mul3A_4407 : i32 to vector<16xi32>
      %mul3A_4409 = arith.muli %shift_right_arithmetic3A_4406, %mul3A_4408 : vector<16xi32>
      %sub3A_4410 = arith.subi %sub3A_4381, %mul3A_4409 : vector<16xi32>
      %shift_left3A_4411 = arith.constant 1 : i32
      %shift_left3A_4412 = vector.broadcast %shift_left3A_4411 : i32 to vector<16xi32>
      %shift_left3A_4413 = arith.shli %or3A_4400, %shift_left3A_4412 : vector<16xi32>
      %or3A_4414 = arith.ori %shift_left3A_4413, %shift_right_arithmetic3A_4406 : vector<16xi32>
      %gather3A_4415 = tpu.vector_load_idx %arg5[%or3A_4414] : memref<256xi32, #tpu.memory_space<vmem>>[vector<16xi32>], vector<16xi32>,
      %mul3A_4416 = arith.constant 5 : i32
      %mul3A_4417 = vector.broadcast %mul3A_4416 : i32 to vector<16xi32>
      %mul3A_4418 = arith.muli %shift_right_arithmetic3A_4377, %mul3A_4417 : vector<16xi32>
      %add3A_4419 = arith.addi %mul3A_4418, %sub3A_4410 : vector<16xi32>
      %shift_left3A_4420 = arith.constant 10 : i32
      %shift_left3A_4421 = vector.broadcast %shift_left3A_4420 : i32 to vector<16xi32>
      %shift_left3A_4422 = arith.shli %add3A_4419, %shift_left3A_4421 : vector<16xi32>
      %shift_right_arithmetic3A_4423 = arith.constant 3 : i32
      %shift_right_arithmetic3A_4424 = vector.broadcast %shift_right_arithmetic3A_4423 : i32 to vector<16xi32>
      %shift_right_arithmetic3A_4425 = arith.shrsi %gather3A_4415, %shift_right_arithmetic3A_4424 : vector<16xi32>
      %shift_left3A_4426 = arith.constant 7 : i32
      %shift_left3A_4427 = vector.broadcast %shift_left3A_4426 : i32 to vector<16xi32>
      %shift_left3A_4428 = arith.shli %shift_right_arithmetic3A_4425, %shift_left3A_4427 : vector<16xi32>
      %or3A_4429 = arith.ori %shift_left3A_4422, %shift_left3A_4428 : vector<16xi32>
      %shift_left3A_4430 = arith.constant 3 : i32
      %shift_left3A_4431 = vector.broadcast %shift_left3A_4430 : i32 to vector<16xi32>
      %shift_left3A_4432 = arith.shli %and3A_4393, %shift_left3A_4431 : vector<16xi32>
      %or3A_4433 = arith.ori %or3A_4429, %shift_left3A_4432 : vector<16xi32>
      %and3A_4434 = arith.constant 7 : i32
      %and3A_4435 = vector.broadcast %and3A_4434 : i32 to vector<16xi32>
      %and3A_4436 = arith.andi %gather3A_4415, %and3A_4435 : vector<16xi32>
      %or3A_4437 = arith.ori %or3A_4433, %and3A_4436 : vector<16xi32>
      %swap3A_4438 = arith.index_cast %add3A_3966 : i32 to index
      %swap3A_4439 = arith.constant 80 : index
      %swap3A_4440 = tpu.vector_load %arg6[%swap3A_4438, %swap3A_4439] {strides = array<i32>} : memref<60x128xi32, #tpu.memory_space<vmem>>, vector<16xi32>,
      tpu.vector_store %arg6[%swap3A_4438, %swap3A_4439], %or3A_4437 {strides = array<i32>} : memref<60x128xi32, #tpu.memory_space<vmem>>, vector<16xi32>,
      %mul3A_4441 = arith.constant 128 : i32
      %mul3A_4442 = arith.muli %add3A_3966, %mul3A_4441 : i32
      %add3A_4443 = arith.addi %mul3A_2, %mul3A_4442 : i32
      %add3A_4444 = arith.constant 96 : i32
      %add3A_4445 = arith.addi %add3A_4443, %add3A_4444 : i32
      %add3A_4446 = vector.broadcast %add3A_4445 : i32 to vector<16xi32>
      %add3A_4447 = arith.addi %add3A_4446, %iota3A : vector<16xi32>
      %shift_right_arithmetic3A_4448 = arith.constant 11 : i32
      %shift_right_arithmetic3A_4449 = vector.broadcast %shift_right_arithmetic3A_4448 : i32 to vector<16xi32>
      %shift_right_arithmetic3A_4450 = arith.shrsi %add3A_4447, %shift_right_arithmetic3A_4449 : vector<16xi32>
      %mul3A_4451 = arith.constant 205 : i32
      %mul3A_4452 = vector.broadcast %mul3A_4451 : i32 to vector<16xi32>
      %mul3A_4453 = arith.muli %shift_right_arithmetic3A_4450, %mul3A_4452 : vector<16xi32>
      %shift_right_arithmetic3A_4454 = arith.constant 11 : i32
      %shift_right_arithmetic3A_4455 = vector.broadcast %shift_right_arithmetic3A_4454 : i32 to vector<16xi32>
      %shift_right_arithmetic3A_4456 = arith.shrsi %mul3A_4453, %shift_right_arithmetic3A_4455 : vector<16xi32>
      %mul3A_4457 = arith.constant 10 : i32
      %mul3A_4458 = vector.broadcast %mul3A_4457 : i32 to vector<16xi32>
      %mul3A_4459 = arith.muli %shift_right_arithmetic3A_4456, %mul3A_4458 : vector<16xi32>
      %sub3A_4460 = arith.subi %shift_right_arithmetic3A_4450, %mul3A_4459 : vector<16xi32>
      %and3A_4461 = arith.constant 2047 : i32
      %and3A_4462 = vector.broadcast %and3A_4461 : i32 to vector<16xi32>
      %and3A_4463 = arith.andi %add3A_4447, %and3A_4462 : vector<16xi32>
      %shift_right_arithmetic3A_4464 = arith.constant 7 : i32
      %shift_right_arithmetic3A_4465 = vector.broadcast %shift_right_arithmetic3A_4464 : i32 to vector<16xi32>
      %shift_right_arithmetic3A_4466 = arith.shrsi %and3A_4463, %shift_right_arithmetic3A_4465 : vector<16xi32>
      %shift_right_arithmetic3A_4467 = arith.constant 3 : i32
      %shift_right_arithmetic3A_4468 = vector.broadcast %shift_right_arithmetic3A_4467 : i32 to vector<16xi32>
      %shift_right_arithmetic3A_4469 = arith.shrsi %and3A_4463, %shift_right_arithmetic3A_4468 : vector<16xi32>
      %and3A_4470 = arith.constant 15 : i32
      %and3A_4471 = vector.broadcast %and3A_4470 : i32 to vector<16xi32>
      %and3A_4472 = arith.andi %shift_right_arithmetic3A_4469, %and3A_4471 : vector<16xi32>
      %and3A_4473 = arith.constant 7 : i32
      %and3A_4474 = vector.broadcast %and3A_4473 : i32 to vector<16xi32>
      %and3A_4475 = arith.andi %and3A_4463, %and3A_4474 : vector<16xi32>
      %shift_left3A_4476 = arith.constant 3 : i32
      %shift_left3A_4477 = vector.broadcast %shift_left3A_4476 : i32 to vector<16xi32>
      %shift_left3A_4478 = arith.shli %shift_right_arithmetic3A_4466, %shift_left3A_4477 : vector<16xi32>
      %or3A_4479 = arith.ori %shift_left3A_4478, %and3A_4475 : vector<16xi32>
      %mul3A_4480 = arith.constant 52 : i32
      %mul3A_4481 = vector.broadcast %mul3A_4480 : i32 to vector<16xi32>
      %mul3A_4482 = arith.muli %sub3A_4460, %mul3A_4481 : vector<16xi32>
      %shift_right_arithmetic3A_4483 = arith.constant 8 : i32
      %shift_right_arithmetic3A_4484 = vector.broadcast %shift_right_arithmetic3A_4483 : i32 to vector<16xi32>
      %shift_right_arithmetic3A_4485 = arith.shrsi %mul3A_4482, %shift_right_arithmetic3A_4484 : vector<16xi32>
      %mul3A_4486 = arith.constant 5 : i32
      %mul3A_4487 = vector.broadcast %mul3A_4486 : i32 to vector<16xi32>
      %mul3A_4488 = arith.muli %shift_right_arithmetic3A_4485, %mul3A_4487 : vector<16xi32>
      %sub3A_4489 = arith.subi %sub3A_4460, %mul3A_4488 : vector<16xi32>
      %shift_left3A_4490 = arith.constant 1 : i32
      %shift_left3A_4491 = vector.broadcast %shift_left3A_4490 : i32 to vector<16xi32>
      %shift_left3A_4492 = arith.shli %or3A_4479, %shift_left3A_4491 : vector<16xi32>
      %or3A_4493 = arith.ori %shift_left3A_4492, %shift_right_arithmetic3A_4485 : vector<16xi32>
      %gather3A_4494 = tpu.vector_load_idx %arg5[%or3A_4493] : memref<256xi32, #tpu.memory_space<vmem>>[vector<16xi32>], vector<16xi32>,
      %mul3A_4495 = arith.constant 5 : i32
      %mul3A_4496 = vector.broadcast %mul3A_4495 : i32 to vector<16xi32>
      %mul3A_4497 = arith.muli %shift_right_arithmetic3A_4456, %mul3A_4496 : vector<16xi32>
      %add3A_4498 = arith.addi %mul3A_4497, %sub3A_4489 : vector<16xi32>
      %shift_left3A_4499 = arith.constant 10 : i32
      %shift_left3A_4500 = vector.broadcast %shift_left3A_4499 : i32 to vector<16xi32>
      %shift_left3A_4501 = arith.shli %add3A_4498, %shift_left3A_4500 : vector<16xi32>
      %shift_right_arithmetic3A_4502 = arith.constant 3 : i32
      %shift_right_arithmetic3A_4503 = vector.broadcast %shift_right_arithmetic3A_4502 : i32 to vector<16xi32>
      %shift_right_arithmetic3A_4504 = arith.shrsi %gather3A_4494, %shift_right_arithmetic3A_4503 : vector<16xi32>
      %shift_left3A_4505 = arith.constant 7 : i32
      %shift_left3A_4506 = vector.broadcast %shift_left3A_4505 : i32 to vector<16xi32>
      %shift_left3A_4507 = arith.shli %shift_right_arithmetic3A_4504, %shift_left3A_4506 : vector<16xi32>
      %or3A_4508 = arith.ori %shift_left3A_4501, %shift_left3A_4507 : vector<16xi32>
      %shift_left3A_4509 = arith.constant 3 : i32
      %shift_left3A_4510 = vector.broadcast %shift_left3A_4509 : i32 to vector<16xi32>
      %shift_left3A_4511 = arith.shli %and3A_4472, %shift_left3A_4510 : vector<16xi32>
      %or3A_4512 = arith.ori %or3A_4508, %shift_left3A_4511 : vector<16xi32>
      %and3A_4513 = arith.constant 7 : i32
      %and3A_4514 = vector.broadcast %and3A_4513 : i32 to vector<16xi32>
      %and3A_4515 = arith.andi %gather3A_4494, %and3A_4514 : vector<16xi32>
      %or3A_4516 = arith.ori %or3A_4512, %and3A_4515 : vector<16xi32>
      %swap3A_4517 = arith.index_cast %add3A_3966 : i32 to index
      %swap3A_4518 = arith.constant 96 : index
      %swap3A_4519 = tpu.vector_load %arg6[%swap3A_4517, %swap3A_4518] {strides = array<i32>} : memref<60x128xi32, #tpu.memory_space<vmem>>, vector<16xi32>,
      tpu.vector_store %arg6[%swap3A_4517, %swap3A_4518], %or3A_4516 {strides = array<i32>} : memref<60x128xi32, #tpu.memory_space<vmem>>, vector<16xi32>,
      %mul3A_4520 = arith.constant 128 : i32
      %mul3A_4521 = arith.muli %add3A_3966, %mul3A_4520 : i32
      %add3A_4522 = arith.addi %mul3A_2, %mul3A_4521 : i32
      %add3A_4523 = arith.constant 112 : i32
      %add3A_4524 = arith.addi %add3A_4522, %add3A_4523 : i32
      %add3A_4525 = vector.broadcast %add3A_4524 : i32 to vector<16xi32>
      %add3A_4526 = arith.addi %add3A_4525, %iota3A : vector<16xi32>
      %shift_right_arithmetic3A_4527 = arith.constant 11 : i32
      %shift_right_arithmetic3A_4528 = vector.broadcast %shift_right_arithmetic3A_4527 : i32 to vector<16xi32>
      %shift_right_arithmetic3A_4529 = arith.shrsi %add3A_4526, %shift_right_arithmetic3A_4528 : vector<16xi32>
      %mul3A_4530 = arith.constant 205 : i32
      %mul3A_4531 = vector.broadcast %mul3A_4530 : i32 to vector<16xi32>
      %mul3A_4532 = arith.muli %shift_right_arithmetic3A_4529, %mul3A_4531 : vector<16xi32>
      %shift_right_arithmetic3A_4533 = arith.constant 11 : i32
      %shift_right_arithmetic3A_4534 = vector.broadcast %shift_right_arithmetic3A_4533 : i32 to vector<16xi32>
      %shift_right_arithmetic3A_4535 = arith.shrsi %mul3A_4532, %shift_right_arithmetic3A_4534 : vector<16xi32>
      %mul3A_4536 = arith.constant 10 : i32
      %mul3A_4537 = vector.broadcast %mul3A_4536 : i32 to vector<16xi32>
      %mul3A_4538 = arith.muli %shift_right_arithmetic3A_4535, %mul3A_4537 : vector<16xi32>
      %sub3A_4539 = arith.subi %shift_right_arithmetic3A_4529, %mul3A_4538 : vector<16xi32>
      %and3A_4540 = arith.constant 2047 : i32
      %and3A_4541 = vector.broadcast %and3A_4540 : i32 to vector<16xi32>
      %and3A_4542 = arith.andi %add3A_4526, %and3A_4541 : vector<16xi32>
      %shift_right_arithmetic3A_4543 = arith.constant 7 : i32
      %shift_right_arithmetic3A_4544 = vector.broadcast %shift_right_arithmetic3A_4543 : i32 to vector<16xi32>
      %shift_right_arithmetic3A_4545 = arith.shrsi %and3A_4542, %shift_right_arithmetic3A_4544 : vector<16xi32>
      %shift_right_arithmetic3A_4546 = arith.constant 3 : i32
      %shift_right_arithmetic3A_4547 = vector.broadcast %shift_right_arithmetic3A_4546 : i32 to vector<16xi32>
      %shift_right_arithmetic3A_4548 = arith.shrsi %and3A_4542, %shift_right_arithmetic3A_4547 : vector<16xi32>
      %and3A_4549 = arith.constant 15 : i32
      %and3A_4550 = vector.broadcast %and3A_4549 : i32 to vector<16xi32>
      %and3A_4551 = arith.andi %shift_right_arithmetic3A_4548, %and3A_4550 : vector<16xi32>
      %and3A_4552 = arith.constant 7 : i32
      %and3A_4553 = vector.broadcast %and3A_4552 : i32 to vector<16xi32>
      %and3A_4554 = arith.andi %and3A_4542, %and3A_4553 : vector<16xi32>
      %shift_left3A_4555 = arith.constant 3 : i32
      %shift_left3A_4556 = vector.broadcast %shift_left3A_4555 : i32 to vector<16xi32>
      %shift_left3A_4557 = arith.shli %shift_right_arithmetic3A_4545, %shift_left3A_4556 : vector<16xi32>
      %or3A_4558 = arith.ori %shift_left3A_4557, %and3A_4554 : vector<16xi32>
      %mul3A_4559 = arith.constant 52 : i32
      %mul3A_4560 = vector.broadcast %mul3A_4559 : i32 to vector<16xi32>
      %mul3A_4561 = arith.muli %sub3A_4539, %mul3A_4560 : vector<16xi32>
      %shift_right_arithmetic3A_4562 = arith.constant 8 : i32
      %shift_right_arithmetic3A_4563 = vector.broadcast %shift_right_arithmetic3A_4562 : i32 to vector<16xi32>
      %shift_right_arithmetic3A_4564 = arith.shrsi %mul3A_4561, %shift_right_arithmetic3A_4563 : vector<16xi32>
      %mul3A_4565 = arith.constant 5 : i32
      %mul3A_4566 = vector.broadcast %mul3A_4565 : i32 to vector<16xi32>
      %mul3A_4567 = arith.muli %shift_right_arithmetic3A_4564, %mul3A_4566 : vector<16xi32>
      %sub3A_4568 = arith.subi %sub3A_4539, %mul3A_4567 : vector<16xi32>
      %shift_left3A_4569 = arith.constant 1 : i32
      %shift_left3A_4570 = vector.broadcast %shift_left3A_4569 : i32 to vector<16xi32>
      %shift_left3A_4571 = arith.shli %or3A_4558, %shift_left3A_4570 : vector<16xi32>
      %or3A_4572 = arith.ori %shift_left3A_4571, %shift_right_arithmetic3A_4564 : vector<16xi32>
      %gather3A_4573 = tpu.vector_load_idx %arg5[%or3A_4572] : memref<256xi32, #tpu.memory_space<vmem>>[vector<16xi32>], vector<16xi32>,
      %mul3A_4574 = arith.constant 5 : i32
      %mul3A_4575 = vector.broadcast %mul3A_4574 : i32 to vector<16xi32>
      %mul3A_4576 = arith.muli %shift_right_arithmetic3A_4535, %mul3A_4575 : vector<16xi32>
      %add3A_4577 = arith.addi %mul3A_4576, %sub3A_4568 : vector<16xi32>
      %shift_left3A_4578 = arith.constant 10 : i32
      %shift_left3A_4579 = vector.broadcast %shift_left3A_4578 : i32 to vector<16xi32>
      %shift_left3A_4580 = arith.shli %add3A_4577, %shift_left3A_4579 : vector<16xi32>
      %shift_right_arithmetic3A_4581 = arith.constant 3 : i32
      %shift_right_arithmetic3A_4582 = vector.broadcast %shift_right_arithmetic3A_4581 : i32 to vector<16xi32>
      %shift_right_arithmetic3A_4583 = arith.shrsi %gather3A_4573, %shift_right_arithmetic3A_4582 : vector<16xi32>
      %shift_left3A_4584 = arith.constant 7 : i32
      %shift_left3A_4585 = vector.broadcast %shift_left3A_4584 : i32 to vector<16xi32>
      %shift_left3A_4586 = arith.shli %shift_right_arithmetic3A_4583, %shift_left3A_4585 : vector<16xi32>
      %or3A_4587 = arith.ori %shift_left3A_4580, %shift_left3A_4586 : vector<16xi32>
      %shift_left3A_4588 = arith.constant 3 : i32
      %shift_left3A_4589 = vector.broadcast %shift_left3A_4588 : i32 to vector<16xi32>
      %shift_left3A_4590 = arith.shli %and3A_4551, %shift_left3A_4589 : vector<16xi32>
      %or3A_4591 = arith.ori %or3A_4587, %shift_left3A_4590 : vector<16xi32>
      %and3A_4592 = arith.constant 7 : i32
      %and3A_4593 = vector.broadcast %and3A_4592 : i32 to vector<16xi32>
      %and3A_4594 = arith.andi %gather3A_4573, %and3A_4593 : vector<16xi32>
      %or3A_4595 = arith.ori %or3A_4591, %and3A_4594 : vector<16xi32>
      %swap3A_4596 = arith.index_cast %add3A_3966 : i32 to index
      %swap3A_4597 = arith.constant 112 : index
      %swap3A_4598 = tpu.vector_load %arg6[%swap3A_4596, %swap3A_4597] {strides = array<i32>} : memref<60x128xi32, #tpu.memory_space<vmem>>, vector<16xi32>,
      tpu.vector_store %arg6[%swap3A_4596, %swap3A_4597], %or3A_4595 {strides = array<i32>} : memref<60x128xi32, #tpu.memory_space<vmem>>, vector<16xi32>,
      %add3A_4599 = arith.constant 2 : i32
      %add3A_4600 = arith.addi %add3A_3960, %add3A_4599 : i32
      %dma_start3A_4601 = arith.constant 0 : i32
      %dma_start3A_4602 = tpu.memref_slice %arg6[%add3A_4600, %dma_start3A_4601] : memref<60x128xi32, #tpu.memory_space<vmem>> -> memref<1x128xi32, #tpu.memory_space<vmem>>
      %dma_start3A_4603 = tpu.memref_squeeze %dma_start3A_4602 : memref<1x128xi32, #tpu.memory_space<vmem>> -> memref<128xi32, #tpu.memory_space<vmem>>
      %dma_start3A_4604 = arith.constant 0 : i32
      %dma_start3A_4605 = arith.constant 0 : i32
      %dma_start3A_4606 = tpu.memref_slice %arg2[%dma_start3A_4604, %dma_start3A_4605] : memref<61440x128xf32, #tpu.memory_space<hbm>> -> memref<61440x128xf32, #tpu.memory_space<hbm>>
      tpu.enqueue_indirect_dma source(%dma_start3A_4606 : memref<61440x128xf32, #tpu.memory_space<hbm>>) target(%arg9 : memref<128x128xf32, #tpu.memory_space<vmem>>) offsets(%dma_start3A_4603 : memref<128xi32, #tpu.memory_space<vmem>>) semaphore(%arg13 : memref<!tpu.dma_semaphore, #tpu.memory_space<semaphore_mem>>)
      %dma_wait3A_4607 = arith.constant 0 : i32
      %dma_wait3A_4608 = arith.constant 0 : i32
      %dma_wait3A_4609 = tpu.memref_slice %arg6[%dma_wait3A_4607, %dma_wait3A_4608] : memref<60x128xi32, #tpu.memory_space<vmem>> -> memref<1x128xi32, #tpu.memory_space<vmem>>
      %dma_wait3A_4610 = tpu.memref_squeeze %dma_wait3A_4609 : memref<1x128xi32, #tpu.memory_space<vmem>> -> memref<128xi32, #tpu.memory_space<vmem>>
      %dma_wait3A_4611 = arith.constant 0 : i32
      %dma_wait3A_4612 = arith.constant 0 : i32
      %dma_wait3A_4613 = tpu.memref_slice %arg2[%dma_wait3A_4611, %dma_wait3A_4612] : memref<61440x128xf32, #tpu.memory_space<hbm>> -> memref<61440x128xf32, #tpu.memory_space<hbm>>
      tpu.wait_indirect_dma semaphore(%arg11 : memref<!tpu.dma_semaphore, #tpu.memory_space<semaphore_mem>>) src(%dma_wait3A_4613 : memref<61440x128xf32, #tpu.memory_space<hbm>>) dst(%arg7 : memref<128x128xf32, #tpu.memory_space<vmem>>)
      %mul3A_4614 = arith.constant 128 : i32
      %mul3A_4615 = arith.muli %add3A_3960, %mul3A_4614 : i32
      %add3A_4616 = arith.addi %mul3A_2, %mul3A_4615 : i32
      %dma_start3A_4617 = arith.constant 0 : i32
      %dma_start3A_4618 = tpu.memref_slice %arg4[%add3A_4616, %dma_start3A_4617] : memref<245760x128xf32, #tpu.memory_space<hbm>> -> memref<128x128xf32, #tpu.memory_space<hbm>>
      %dma_start3A_4619 = arith.constant 0 : i32
      %dma_start3A_4620 = tpu.memref_slice %arg4[%add3A_4616, %dma_start3A_4619] : memref<245760x128xf32, #tpu.memory_space<hbm>> -> memref<128x128xf32, #tpu.memory_space<hbm>>
      tpu.enqueue_dma source(%arg7 : memref<128x128xf32, #tpu.memory_space<vmem>>) target(%dma_start3A_4620 : memref<128x128xf32, #tpu.memory_space<hbm>>) target_semaphore(%arg15 : memref<!tpu.dma_semaphore, #tpu.memory_space<semaphore_mem>>)
      %mul3A_4621 = arith.constant 4 : i32
      %mul3A_4622 = arith.muli %scan3A_2622, %mul3A_4621 : i32
      %add3A_4623 = arith.constant 2 : i32
      %add3A_4624 = arith.addi %mul3A_4622, %add3A_4623 : i32
      %add3A_4625 = arith.constant 3 : i32
      %add3A_4626 = arith.addi %add3A_4624, %add3A_4625 : i32
      %dma_wait3A_4627 = arith.constant 0 : i32
      %dma_wait3A_4628 = tpu.memref_slice %arg4[%mul3A_2, %dma_wait3A_4627] : memref<245760x128xf32, #tpu.memory_space<hbm>> -> memref<128x128xf32, #tpu.memory_space<hbm>>
      %dma_wait3A_4629 = arith.constant 0 : i32
      %dma_wait3A_4630 = tpu.memref_slice %arg4[%mul3A_2, %dma_wait3A_4629] : memref<245760x128xf32, #tpu.memory_space<hbm>> -> memref<128x128xf32, #tpu.memory_space<hbm>>
      tpu.wait_dma2 semaphore(%arg18 : memref<!tpu.dma_semaphore, #tpu.memory_space<semaphore_mem>>) src(%arg10 : memref<128x128xf32, #tpu.memory_space<vmem>>) dst(%dma_wait3A_4630 : memref<128x128xf32, #tpu.memory_space<hbm>>)
      %add3A_4631 = arith.constant 2 : i32
      %add3A_4632 = arith.addi %add3A_4626, %add3A_4631 : i32
      %mul3A_4633 = arith.constant 128 : i32
      %mul3A_4634 = arith.muli %add3A_4632, %mul3A_4633 : i32
      %add3A_4635 = arith.addi %mul3A_2, %mul3A_4634 : i32
      %add3A_4636 = arith.constant 0 : i32
      %add3A_4637 = arith.addi %add3A_4635, %add3A_4636 : i32
      %add3A_4638 = vector.broadcast %add3A_4637 : i32 to vector<16xi32>
      %add3A_4639 = arith.addi %add3A_4638, %iota3A : vector<16xi32>
      %shift_right_arithmetic3A_4640 = arith.constant 11 : i32
      %shift_right_arithmetic3A_4641 = vector.broadcast %shift_right_arithmetic3A_4640 : i32 to vector<16xi32>
      %shift_right_arithmetic3A_4642 = arith.shrsi %add3A_4639, %shift_right_arithmetic3A_4641 : vector<16xi32>
      %mul3A_4643 = arith.constant 205 : i32
      %mul3A_4644 = vector.broadcast %mul3A_4643 : i32 to vector<16xi32>
      %mul3A_4645 = arith.muli %shift_right_arithmetic3A_4642, %mul3A_4644 : vector<16xi32>
      %shift_right_arithmetic3A_4646 = arith.constant 11 : i32
      %shift_right_arithmetic3A_4647 = vector.broadcast %shift_right_arithmetic3A_4646 : i32 to vector<16xi32>
      %shift_right_arithmetic3A_4648 = arith.shrsi %mul3A_4645, %shift_right_arithmetic3A_4647 : vector<16xi32>
      %mul3A_4649 = arith.constant 10 : i32
      %mul3A_4650 = vector.broadcast %mul3A_4649 : i32 to vector<16xi32>
      %mul3A_4651 = arith.muli %shift_right_arithmetic3A_4648, %mul3A_4650 : vector<16xi32>
      %sub3A_4652 = arith.subi %shift_right_arithmetic3A_4642, %mul3A_4651 : vector<16xi32>
      %and3A_4653 = arith.constant 2047 : i32
      %and3A_4654 = vector.broadcast %and3A_4653 : i32 to vector<16xi32>
      %and3A_4655 = arith.andi %add3A_4639, %and3A_4654 : vector<16xi32>
      %shift_right_arithmetic3A_4656 = arith.constant 7 : i32
      %shift_right_arithmetic3A_4657 = vector.broadcast %shift_right_arithmetic3A_4656 : i32 to vector<16xi32>
      %shift_right_arithmetic3A_4658 = arith.shrsi %and3A_4655, %shift_right_arithmetic3A_4657 : vector<16xi32>
      %shift_right_arithmetic3A_4659 = arith.constant 3 : i32
      %shift_right_arithmetic3A_4660 = vector.broadcast %shift_right_arithmetic3A_4659 : i32 to vector<16xi32>
      %shift_right_arithmetic3A_4661 = arith.shrsi %and3A_4655, %shift_right_arithmetic3A_4660 : vector<16xi32>
      %and3A_4662 = arith.constant 15 : i32
      %and3A_4663 = vector.broadcast %and3A_4662 : i32 to vector<16xi32>
      %and3A_4664 = arith.andi %shift_right_arithmetic3A_4661, %and3A_4663 : vector<16xi32>
      %and3A_4665 = arith.constant 7 : i32
      %and3A_4666 = vector.broadcast %and3A_4665 : i32 to vector<16xi32>
      %and3A_4667 = arith.andi %and3A_4655, %and3A_4666 : vector<16xi32>
      %shift_left3A_4668 = arith.constant 3 : i32
      %shift_left3A_4669 = vector.broadcast %shift_left3A_4668 : i32 to vector<16xi32>
      %shift_left3A_4670 = arith.shli %shift_right_arithmetic3A_4658, %shift_left3A_4669 : vector<16xi32>
      %or3A_4671 = arith.ori %shift_left3A_4670, %and3A_4667 : vector<16xi32>
      %mul3A_4672 = arith.constant 52 : i32
      %mul3A_4673 = vector.broadcast %mul3A_4672 : i32 to vector<16xi32>
      %mul3A_4674 = arith.muli %sub3A_4652, %mul3A_4673 : vector<16xi32>
      %shift_right_arithmetic3A_4675 = arith.constant 8 : i32
      %shift_right_arithmetic3A_4676 = vector.broadcast %shift_right_arithmetic3A_4675 : i32 to vector<16xi32>
      %shift_right_arithmetic3A_4677 = arith.shrsi %mul3A_4674, %shift_right_arithmetic3A_4676 : vector<16xi32>
      %mul3A_4678 = arith.constant 5 : i32
      %mul3A_4679 = vector.broadcast %mul3A_4678 : i32 to vector<16xi32>
      %mul3A_4680 = arith.muli %shift_right_arithmetic3A_4677, %mul3A_4679 : vector<16xi32>
      %sub3A_4681 = arith.subi %sub3A_4652, %mul3A_4680 : vector<16xi32>
      %shift_left3A_4682 = arith.constant 1 : i32
      %shift_left3A_4683 = vector.broadcast %shift_left3A_4682 : i32 to vector<16xi32>
      %shift_left3A_4684 = arith.shli %or3A_4671, %shift_left3A_4683 : vector<16xi32>
      %or3A_4685 = arith.ori %shift_left3A_4684, %shift_right_arithmetic3A_4677 : vector<16xi32>
      %gather3A_4686 = tpu.vector_load_idx %arg5[%or3A_4685] : memref<256xi32, #tpu.memory_space<vmem>>[vector<16xi32>], vector<16xi32>,
      %mul3A_4687 = arith.constant 5 : i32
      %mul3A_4688 = vector.broadcast %mul3A_4687 : i32 to vector<16xi32>
      %mul3A_4689 = arith.muli %shift_right_arithmetic3A_4648, %mul3A_4688 : vector<16xi32>
      %add3A_4690 = arith.addi %mul3A_4689, %sub3A_4681 : vector<16xi32>
      %shift_left3A_4691 = arith.constant 10 : i32
      %shift_left3A_4692 = vector.broadcast %shift_left3A_4691 : i32 to vector<16xi32>
      %shift_left3A_4693 = arith.shli %add3A_4690, %shift_left3A_4692 : vector<16xi32>
      %shift_right_arithmetic3A_4694 = arith.constant 3 : i32
      %shift_right_arithmetic3A_4695 = vector.broadcast %shift_right_arithmetic3A_4694 : i32 to vector<16xi32>
      %shift_right_arithmetic3A_4696 = arith.shrsi %gather3A_4686, %shift_right_arithmetic3A_4695 : vector<16xi32>
      %shift_left3A_4697 = arith.constant 7 : i32
      %shift_left3A_4698 = vector.broadcast %shift_left3A_4697 : i32 to vector<16xi32>
      %shift_left3A_4699 = arith.shli %shift_right_arithmetic3A_4696, %shift_left3A_4698 : vector<16xi32>
      %or3A_4700 = arith.ori %shift_left3A_4693, %shift_left3A_4699 : vector<16xi32>
      %shift_left3A_4701 = arith.constant 3 : i32
      %shift_left3A_4702 = vector.broadcast %shift_left3A_4701 : i32 to vector<16xi32>
      %shift_left3A_4703 = arith.shli %and3A_4664, %shift_left3A_4702 : vector<16xi32>
      %or3A_4704 = arith.ori %or3A_4700, %shift_left3A_4703 : vector<16xi32>
      %and3A_4705 = arith.constant 7 : i32
      %and3A_4706 = vector.broadcast %and3A_4705 : i32 to vector<16xi32>
      %and3A_4707 = arith.andi %gather3A_4686, %and3A_4706 : vector<16xi32>
      %or3A_4708 = arith.ori %or3A_4704, %and3A_4707 : vector<16xi32>
      %swap3A_4709 = arith.index_cast %add3A_4632 : i32 to index
      %swap3A_4710 = arith.constant 0 : index
      %swap3A_4711 = tpu.vector_load %arg6[%swap3A_4709, %swap3A_4710] {strides = array<i32>} : memref<60x128xi32, #tpu.memory_space<vmem>>, vector<16xi32>,
      tpu.vector_store %arg6[%swap3A_4709, %swap3A_4710], %or3A_4708 {strides = array<i32>} : memref<60x128xi32, #tpu.memory_space<vmem>>, vector<16xi32>,
      %mul3A_4712 = arith.constant 128 : i32
      %mul3A_4713 = arith.muli %add3A_4632, %mul3A_4712 : i32
      %add3A_4714 = arith.addi %mul3A_2, %mul3A_4713 : i32
      %add3A_4715 = arith.constant 16 : i32
      %add3A_4716 = arith.addi %add3A_4714, %add3A_4715 : i32
      %add3A_4717 = vector.broadcast %add3A_4716 : i32 to vector<16xi32>
      %add3A_4718 = arith.addi %add3A_4717, %iota3A : vector<16xi32>
      %shift_right_arithmetic3A_4719 = arith.constant 11 : i32
      %shift_right_arithmetic3A_4720 = vector.broadcast %shift_right_arithmetic3A_4719 : i32 to vector<16xi32>
      %shift_right_arithmetic3A_4721 = arith.shrsi %add3A_4718, %shift_right_arithmetic3A_4720 : vector<16xi32>
      %mul3A_4722 = arith.constant 205 : i32
      %mul3A_4723 = vector.broadcast %mul3A_4722 : i32 to vector<16xi32>
      %mul3A_4724 = arith.muli %shift_right_arithmetic3A_4721, %mul3A_4723 : vector<16xi32>
      %shift_right_arithmetic3A_4725 = arith.constant 11 : i32
      %shift_right_arithmetic3A_4726 = vector.broadcast %shift_right_arithmetic3A_4725 : i32 to vector<16xi32>
      %shift_right_arithmetic3A_4727 = arith.shrsi %mul3A_4724, %shift_right_arithmetic3A_4726 : vector<16xi32>
      %mul3A_4728 = arith.constant 10 : i32
      %mul3A_4729 = vector.broadcast %mul3A_4728 : i32 to vector<16xi32>
      %mul3A_4730 = arith.muli %shift_right_arithmetic3A_4727, %mul3A_4729 : vector<16xi32>
      %sub3A_4731 = arith.subi %shift_right_arithmetic3A_4721, %mul3A_4730 : vector<16xi32>
      %and3A_4732 = arith.constant 2047 : i32
      %and3A_4733 = vector.broadcast %and3A_4732 : i32 to vector<16xi32>
      %and3A_4734 = arith.andi %add3A_4718, %and3A_4733 : vector<16xi32>
      %shift_right_arithmetic3A_4735 = arith.constant 7 : i32
      %shift_right_arithmetic3A_4736 = vector.broadcast %shift_right_arithmetic3A_4735 : i32 to vector<16xi32>
      %shift_right_arithmetic3A_4737 = arith.shrsi %and3A_4734, %shift_right_arithmetic3A_4736 : vector<16xi32>
      %shift_right_arithmetic3A_4738 = arith.constant 3 : i32
      %shift_right_arithmetic3A_4739 = vector.broadcast %shift_right_arithmetic3A_4738 : i32 to vector<16xi32>
      %shift_right_arithmetic3A_4740 = arith.shrsi %and3A_4734, %shift_right_arithmetic3A_4739 : vector<16xi32>
      %and3A_4741 = arith.constant 15 : i32
      %and3A_4742 = vector.broadcast %and3A_4741 : i32 to vector<16xi32>
      %and3A_4743 = arith.andi %shift_right_arithmetic3A_4740, %and3A_4742 : vector<16xi32>
      %and3A_4744 = arith.constant 7 : i32
      %and3A_4745 = vector.broadcast %and3A_4744 : i32 to vector<16xi32>
      %and3A_4746 = arith.andi %and3A_4734, %and3A_4745 : vector<16xi32>
      %shift_left3A_4747 = arith.constant 3 : i32
      %shift_left3A_4748 = vector.broadcast %shift_left3A_4747 : i32 to vector<16xi32>
      %shift_left3A_4749 = arith.shli %shift_right_arithmetic3A_4737, %shift_left3A_4748 : vector<16xi32>
      %or3A_4750 = arith.ori %shift_left3A_4749, %and3A_4746 : vector<16xi32>
      %mul3A_4751 = arith.constant 52 : i32
      %mul3A_4752 = vector.broadcast %mul3A_4751 : i32 to vector<16xi32>
      %mul3A_4753 = arith.muli %sub3A_4731, %mul3A_4752 : vector<16xi32>
      %shift_right_arithmetic3A_4754 = arith.constant 8 : i32
      %shift_right_arithmetic3A_4755 = vector.broadcast %shift_right_arithmetic3A_4754 : i32 to vector<16xi32>
      %shift_right_arithmetic3A_4756 = arith.shrsi %mul3A_4753, %shift_right_arithmetic3A_4755 : vector<16xi32>
      %mul3A_4757 = arith.constant 5 : i32
      %mul3A_4758 = vector.broadcast %mul3A_4757 : i32 to vector<16xi32>
      %mul3A_4759 = arith.muli %shift_right_arithmetic3A_4756, %mul3A_4758 : vector<16xi32>
      %sub3A_4760 = arith.subi %sub3A_4731, %mul3A_4759 : vector<16xi32>
      %shift_left3A_4761 = arith.constant 1 : i32
      %shift_left3A_4762 = vector.broadcast %shift_left3A_4761 : i32 to vector<16xi32>
      %shift_left3A_4763 = arith.shli %or3A_4750, %shift_left3A_4762 : vector<16xi32>
      %or3A_4764 = arith.ori %shift_left3A_4763, %shift_right_arithmetic3A_4756 : vector<16xi32>
      %gather3A_4765 = tpu.vector_load_idx %arg5[%or3A_4764] : memref<256xi32, #tpu.memory_space<vmem>>[vector<16xi32>], vector<16xi32>,
      %mul3A_4766 = arith.constant 5 : i32
      %mul3A_4767 = vector.broadcast %mul3A_4766 : i32 to vector<16xi32>
      %mul3A_4768 = arith.muli %shift_right_arithmetic3A_4727, %mul3A_4767 : vector<16xi32>
      %add3A_4769 = arith.addi %mul3A_4768, %sub3A_4760 : vector<16xi32>
      %shift_left3A_4770 = arith.constant 10 : i32
      %shift_left3A_4771 = vector.broadcast %shift_left3A_4770 : i32 to vector<16xi32>
      %shift_left3A_4772 = arith.shli %add3A_4769, %shift_left3A_4771 : vector<16xi32>
      %shift_right_arithmetic3A_4773 = arith.constant 3 : i32
      %shift_right_arithmetic3A_4774 = vector.broadcast %shift_right_arithmetic3A_4773 : i32 to vector<16xi32>
      %shift_right_arithmetic3A_4775 = arith.shrsi %gather3A_4765, %shift_right_arithmetic3A_4774 : vector<16xi32>
      %shift_left3A_4776 = arith.constant 7 : i32
      %shift_left3A_4777 = vector.broadcast %shift_left3A_4776 : i32 to vector<16xi32>
      %shift_left3A_4778 = arith.shli %shift_right_arithmetic3A_4775, %shift_left3A_4777 : vector<16xi32>
      %or3A_4779 = arith.ori %shift_left3A_4772, %shift_left3A_4778 : vector<16xi32>
      %shift_left3A_4780 = arith.constant 3 : i32
      %shift_left3A_4781 = vector.broadcast %shift_left3A_4780 : i32 to vector<16xi32>
      %shift_left3A_4782 = arith.shli %and3A_4743, %shift_left3A_4781 : vector<16xi32>
      %or3A_4783 = arith.ori %or3A_4779, %shift_left3A_4782 : vector<16xi32>
      %and3A_4784 = arith.constant 7 : i32
      %and3A_4785 = vector.broadcast %and3A_4784 : i32 to vector<16xi32>
      %and3A_4786 = arith.andi %gather3A_4765, %and3A_4785 : vector<16xi32>
      %or3A_4787 = arith.ori %or3A_4783, %and3A_4786 : vector<16xi32>
      %swap3A_4788 = arith.index_cast %add3A_4632 : i32 to index
      %swap3A_4789 = arith.constant 16 : index
      %swap3A_4790 = tpu.vector_load %arg6[%swap3A_4788, %swap3A_4789] {strides = array<i32>} : memref<60x128xi32, #tpu.memory_space<vmem>>, vector<16xi32>,
      tpu.vector_store %arg6[%swap3A_4788, %swap3A_4789], %or3A_4787 {strides = array<i32>} : memref<60x128xi32, #tpu.memory_space<vmem>>, vector<16xi32>,
      %mul3A_4791 = arith.constant 128 : i32
      %mul3A_4792 = arith.muli %add3A_4632, %mul3A_4791 : i32
      %add3A_4793 = arith.addi %mul3A_2, %mul3A_4792 : i32
      %add3A_4794 = arith.constant 32 : i32
      %add3A_4795 = arith.addi %add3A_4793, %add3A_4794 : i32
      %add3A_4796 = vector.broadcast %add3A_4795 : i32 to vector<16xi32>
      %add3A_4797 = arith.addi %add3A_4796, %iota3A : vector<16xi32>
      %shift_right_arithmetic3A_4798 = arith.constant 11 : i32
      %shift_right_arithmetic3A_4799 = vector.broadcast %shift_right_arithmetic3A_4798 : i32 to vector<16xi32>
      %shift_right_arithmetic3A_4800 = arith.shrsi %add3A_4797, %shift_right_arithmetic3A_4799 : vector<16xi32>
      %mul3A_4801 = arith.constant 205 : i32
      %mul3A_4802 = vector.broadcast %mul3A_4801 : i32 to vector<16xi32>
      %mul3A_4803 = arith.muli %shift_right_arithmetic3A_4800, %mul3A_4802 : vector<16xi32>
      %shift_right_arithmetic3A_4804 = arith.constant 11 : i32
      %shift_right_arithmetic3A_4805 = vector.broadcast %shift_right_arithmetic3A_4804 : i32 to vector<16xi32>
      %shift_right_arithmetic3A_4806 = arith.shrsi %mul3A_4803, %shift_right_arithmetic3A_4805 : vector<16xi32>
      %mul3A_4807 = arith.constant 10 : i32
      %mul3A_4808 = vector.broadcast %mul3A_4807 : i32 to vector<16xi32>
      %mul3A_4809 = arith.muli %shift_right_arithmetic3A_4806, %mul3A_4808 : vector<16xi32>
      %sub3A_4810 = arith.subi %shift_right_arithmetic3A_4800, %mul3A_4809 : vector<16xi32>
      %and3A_4811 = arith.constant 2047 : i32
      %and3A_4812 = vector.broadcast %and3A_4811 : i32 to vector<16xi32>
      %and3A_4813 = arith.andi %add3A_4797, %and3A_4812 : vector<16xi32>
      %shift_right_arithmetic3A_4814 = arith.constant 7 : i32
      %shift_right_arithmetic3A_4815 = vector.broadcast %shift_right_arithmetic3A_4814 : i32 to vector<16xi32>
      %shift_right_arithmetic3A_4816 = arith.shrsi %and3A_4813, %shift_right_arithmetic3A_4815 : vector<16xi32>
      %shift_right_arithmetic3A_4817 = arith.constant 3 : i32
      %shift_right_arithmetic3A_4818 = vector.broadcast %shift_right_arithmetic3A_4817 : i32 to vector<16xi32>
      %shift_right_arithmetic3A_4819 = arith.shrsi %and3A_4813, %shift_right_arithmetic3A_4818 : vector<16xi32>
      %and3A_4820 = arith.constant 15 : i32
      %and3A_4821 = vector.broadcast %and3A_4820 : i32 to vector<16xi32>
      %and3A_4822 = arith.andi %shift_right_arithmetic3A_4819, %and3A_4821 : vector<16xi32>
      %and3A_4823 = arith.constant 7 : i32
      %and3A_4824 = vector.broadcast %and3A_4823 : i32 to vector<16xi32>
      %and3A_4825 = arith.andi %and3A_4813, %and3A_4824 : vector<16xi32>
      %shift_left3A_4826 = arith.constant 3 : i32
      %shift_left3A_4827 = vector.broadcast %shift_left3A_4826 : i32 to vector<16xi32>
      %shift_left3A_4828 = arith.shli %shift_right_arithmetic3A_4816, %shift_left3A_4827 : vector<16xi32>
      %or3A_4829 = arith.ori %shift_left3A_4828, %and3A_4825 : vector<16xi32>
      %mul3A_4830 = arith.constant 52 : i32
      %mul3A_4831 = vector.broadcast %mul3A_4830 : i32 to vector<16xi32>
      %mul3A_4832 = arith.muli %sub3A_4810, %mul3A_4831 : vector<16xi32>
      %shift_right_arithmetic3A_4833 = arith.constant 8 : i32
      %shift_right_arithmetic3A_4834 = vector.broadcast %shift_right_arithmetic3A_4833 : i32 to vector<16xi32>
      %shift_right_arithmetic3A_4835 = arith.shrsi %mul3A_4832, %shift_right_arithmetic3A_4834 : vector<16xi32>
      %mul3A_4836 = arith.constant 5 : i32
      %mul3A_4837 = vector.broadcast %mul3A_4836 : i32 to vector<16xi32>
      %mul3A_4838 = arith.muli %shift_right_arithmetic3A_4835, %mul3A_4837 : vector<16xi32>
      %sub3A_4839 = arith.subi %sub3A_4810, %mul3A_4838 : vector<16xi32>
      %shift_left3A_4840 = arith.constant 1 : i32
      %shift_left3A_4841 = vector.broadcast %shift_left3A_4840 : i32 to vector<16xi32>
      %shift_left3A_4842 = arith.shli %or3A_4829, %shift_left3A_4841 : vector<16xi32>
      %or3A_4843 = arith.ori %shift_left3A_4842, %shift_right_arithmetic3A_4835 : vector<16xi32>
      %gather3A_4844 = tpu.vector_load_idx %arg5[%or3A_4843] : memref<256xi32, #tpu.memory_space<vmem>>[vector<16xi32>], vector<16xi32>,
      %mul3A_4845 = arith.constant 5 : i32
      %mul3A_4846 = vector.broadcast %mul3A_4845 : i32 to vector<16xi32>
      %mul3A_4847 = arith.muli %shift_right_arithmetic3A_4806, %mul3A_4846 : vector<16xi32>
      %add3A_4848 = arith.addi %mul3A_4847, %sub3A_4839 : vector<16xi32>
      %shift_left3A_4849 = arith.constant 10 : i32
      %shift_left3A_4850 = vector.broadcast %shift_left3A_4849 : i32 to vector<16xi32>
      %shift_left3A_4851 = arith.shli %add3A_4848, %shift_left3A_4850 : vector<16xi32>
      %shift_right_arithmetic3A_4852 = arith.constant 3 : i32
      %shift_right_arithmetic3A_4853 = vector.broadcast %shift_right_arithmetic3A_4852 : i32 to vector<16xi32>
      %shift_right_arithmetic3A_4854 = arith.shrsi %gather3A_4844, %shift_right_arithmetic3A_4853 : vector<16xi32>
      %shift_left3A_4855 = arith.constant 7 : i32
      %shift_left3A_4856 = vector.broadcast %shift_left3A_4855 : i32 to vector<16xi32>
      %shift_left3A_4857 = arith.shli %shift_right_arithmetic3A_4854, %shift_left3A_4856 : vector<16xi32>
      %or3A_4858 = arith.ori %shift_left3A_4851, %shift_left3A_4857 : vector<16xi32>
      %shift_left3A_4859 = arith.constant 3 : i32
      %shift_left3A_4860 = vector.broadcast %shift_left3A_4859 : i32 to vector<16xi32>
      %shift_left3A_4861 = arith.shli %and3A_4822, %shift_left3A_4860 : vector<16xi32>
      %or3A_4862 = arith.ori %or3A_4858, %shift_left3A_4861 : vector<16xi32>
      %and3A_4863 = arith.constant 7 : i32
      %and3A_4864 = vector.broadcast %and3A_4863 : i32 to vector<16xi32>
      %and3A_4865 = arith.andi %gather3A_4844, %and3A_4864 : vector<16xi32>
      %or3A_4866 = arith.ori %or3A_4862, %and3A_4865 : vector<16xi32>
      %swap3A_4867 = arith.index_cast %add3A_4632 : i32 to index
      %swap3A_4868 = arith.constant 32 : index
      %swap3A_4869 = tpu.vector_load %arg6[%swap3A_4867, %swap3A_4868] {strides = array<i32>} : memref<60x128xi32, #tpu.memory_space<vmem>>, vector<16xi32>,
      tpu.vector_store %arg6[%swap3A_4867, %swap3A_4868], %or3A_4866 {strides = array<i32>} : memref<60x128xi32, #tpu.memory_space<vmem>>, vector<16xi32>,
      %mul3A_4870 = arith.constant 128 : i32
      %mul3A_4871 = arith.muli %add3A_4632, %mul3A_4870 : i32
      %add3A_4872 = arith.addi %mul3A_2, %mul3A_4871 : i32
      %add3A_4873 = arith.constant 48 : i32
      %add3A_4874 = arith.addi %add3A_4872, %add3A_4873 : i32
      %add3A_4875 = vector.broadcast %add3A_4874 : i32 to vector<16xi32>
      %add3A_4876 = arith.addi %add3A_4875, %iota3A : vector<16xi32>
      %shift_right_arithmetic3A_4877 = arith.constant 11 : i32
      %shift_right_arithmetic3A_4878 = vector.broadcast %shift_right_arithmetic3A_4877 : i32 to vector<16xi32>
      %shift_right_arithmetic3A_4879 = arith.shrsi %add3A_4876, %shift_right_arithmetic3A_4878 : vector<16xi32>
      %mul3A_4880 = arith.constant 205 : i32
      %mul3A_4881 = vector.broadcast %mul3A_4880 : i32 to vector<16xi32>
      %mul3A_4882 = arith.muli %shift_right_arithmetic3A_4879, %mul3A_4881 : vector<16xi32>
      %shift_right_arithmetic3A_4883 = arith.constant 11 : i32
      %shift_right_arithmetic3A_4884 = vector.broadcast %shift_right_arithmetic3A_4883 : i32 to vector<16xi32>
      %shift_right_arithmetic3A_4885 = arith.shrsi %mul3A_4882, %shift_right_arithmetic3A_4884 : vector<16xi32>
      %mul3A_4886 = arith.constant 10 : i32
      %mul3A_4887 = vector.broadcast %mul3A_4886 : i32 to vector<16xi32>
      %mul3A_4888 = arith.muli %shift_right_arithmetic3A_4885, %mul3A_4887 : vector<16xi32>
      %sub3A_4889 = arith.subi %shift_right_arithmetic3A_4879, %mul3A_4888 : vector<16xi32>
      %and3A_4890 = arith.constant 2047 : i32
      %and3A_4891 = vector.broadcast %and3A_4890 : i32 to vector<16xi32>
      %and3A_4892 = arith.andi %add3A_4876, %and3A_4891 : vector<16xi32>
      %shift_right_arithmetic3A_4893 = arith.constant 7 : i32
      %shift_right_arithmetic3A_4894 = vector.broadcast %shift_right_arithmetic3A_4893 : i32 to vector<16xi32>
      %shift_right_arithmetic3A_4895 = arith.shrsi %and3A_4892, %shift_right_arithmetic3A_4894 : vector<16xi32>
      %shift_right_arithmetic3A_4896 = arith.constant 3 : i32
      %shift_right_arithmetic3A_4897 = vector.broadcast %shift_right_arithmetic3A_4896 : i32 to vector<16xi32>
      %shift_right_arithmetic3A_4898 = arith.shrsi %and3A_4892, %shift_right_arithmetic3A_4897 : vector<16xi32>
      %and3A_4899 = arith.constant 15 : i32
      %and3A_4900 = vector.broadcast %and3A_4899 : i32 to vector<16xi32>
      %and3A_4901 = arith.andi %shift_right_arithmetic3A_4898, %and3A_4900 : vector<16xi32>
      %and3A_4902 = arith.constant 7 : i32
      %and3A_4903 = vector.broadcast %and3A_4902 : i32 to vector<16xi32>
      %and3A_4904 = arith.andi %and3A_4892, %and3A_4903 : vector<16xi32>
      %shift_left3A_4905 = arith.constant 3 : i32
      %shift_left3A_4906 = vector.broadcast %shift_left3A_4905 : i32 to vector<16xi32>
      %shift_left3A_4907 = arith.shli %shift_right_arithmetic3A_4895, %shift_left3A_4906 : vector<16xi32>
      %or3A_4908 = arith.ori %shift_left3A_4907, %and3A_4904 : vector<16xi32>
      %mul3A_4909 = arith.constant 52 : i32
      %mul3A_4910 = vector.broadcast %mul3A_4909 : i32 to vector<16xi32>
      %mul3A_4911 = arith.muli %sub3A_4889, %mul3A_4910 : vector<16xi32>
      %shift_right_arithmetic3A_4912 = arith.constant 8 : i32
      %shift_right_arithmetic3A_4913 = vector.broadcast %shift_right_arithmetic3A_4912 : i32 to vector<16xi32>
      %shift_right_arithmetic3A_4914 = arith.shrsi %mul3A_4911, %shift_right_arithmetic3A_4913 : vector<16xi32>
      %mul3A_4915 = arith.constant 5 : i32
      %mul3A_4916 = vector.broadcast %mul3A_4915 : i32 to vector<16xi32>
      %mul3A_4917 = arith.muli %shift_right_arithmetic3A_4914, %mul3A_4916 : vector<16xi32>
      %sub3A_4918 = arith.subi %sub3A_4889, %mul3A_4917 : vector<16xi32>
      %shift_left3A_4919 = arith.constant 1 : i32
      %shift_left3A_4920 = vector.broadcast %shift_left3A_4919 : i32 to vector<16xi32>
      %shift_left3A_4921 = arith.shli %or3A_4908, %shift_left3A_4920 : vector<16xi32>
      %or3A_4922 = arith.ori %shift_left3A_4921, %shift_right_arithmetic3A_4914 : vector<16xi32>
      %gather3A_4923 = tpu.vector_load_idx %arg5[%or3A_4922] : memref<256xi32, #tpu.memory_space<vmem>>[vector<16xi32>], vector<16xi32>,
      %mul3A_4924 = arith.constant 5 : i32
      %mul3A_4925 = vector.broadcast %mul3A_4924 : i32 to vector<16xi32>
      %mul3A_4926 = arith.muli %shift_right_arithmetic3A_4885, %mul3A_4925 : vector<16xi32>
      %add3A_4927 = arith.addi %mul3A_4926, %sub3A_4918 : vector<16xi32>
      %shift_left3A_4928 = arith.constant 10 : i32
      %shift_left3A_4929 = vector.broadcast %shift_left3A_4928 : i32 to vector<16xi32>
      %shift_left3A_4930 = arith.shli %add3A_4927, %shift_left3A_4929 : vector<16xi32>
      %shift_right_arithmetic3A_4931 = arith.constant 3 : i32
      %shift_right_arithmetic3A_4932 = vector.broadcast %shift_right_arithmetic3A_4931 : i32 to vector<16xi32>
      %shift_right_arithmetic3A_4933 = arith.shrsi %gather3A_4923, %shift_right_arithmetic3A_4932 : vector<16xi32>
      %shift_left3A_4934 = arith.constant 7 : i32
      %shift_left3A_4935 = vector.broadcast %shift_left3A_4934 : i32 to vector<16xi32>
      %shift_left3A_4936 = arith.shli %shift_right_arithmetic3A_4933, %shift_left3A_4935 : vector<16xi32>
      %or3A_4937 = arith.ori %shift_left3A_4930, %shift_left3A_4936 : vector<16xi32>
      %shift_left3A_4938 = arith.constant 3 : i32
      %shift_left3A_4939 = vector.broadcast %shift_left3A_4938 : i32 to vector<16xi32>
      %shift_left3A_4940 = arith.shli %and3A_4901, %shift_left3A_4939 : vector<16xi32>
      %or3A_4941 = arith.ori %or3A_4937, %shift_left3A_4940 : vector<16xi32>
      %and3A_4942 = arith.constant 7 : i32
      %and3A_4943 = vector.broadcast %and3A_4942 : i32 to vector<16xi32>
      %and3A_4944 = arith.andi %gather3A_4923, %and3A_4943 : vector<16xi32>
      %or3A_4945 = arith.ori %or3A_4941, %and3A_4944 : vector<16xi32>
      %swap3A_4946 = arith.index_cast %add3A_4632 : i32 to index
      %swap3A_4947 = arith.constant 48 : index
      %swap3A_4948 = tpu.vector_load %arg6[%swap3A_4946, %swap3A_4947] {strides = array<i32>} : memref<60x128xi32, #tpu.memory_space<vmem>>, vector<16xi32>,
      tpu.vector_store %arg6[%swap3A_4946, %swap3A_4947], %or3A_4945 {strides = array<i32>} : memref<60x128xi32, #tpu.memory_space<vmem>>, vector<16xi32>,
      %mul3A_4949 = arith.constant 128 : i32
      %mul3A_4950 = arith.muli %add3A_4632, %mul3A_4949 : i32
      %add3A_4951 = arith.addi %mul3A_2, %mul3A_4950 : i32
      %add3A_4952 = arith.constant 64 : i32
      %add3A_4953 = arith.addi %add3A_4951, %add3A_4952 : i32
      %add3A_4954 = vector.broadcast %add3A_4953 : i32 to vector<16xi32>
      %add3A_4955 = arith.addi %add3A_4954, %iota3A : vector<16xi32>
      %shift_right_arithmetic3A_4956 = arith.constant 11 : i32
      %shift_right_arithmetic3A_4957 = vector.broadcast %shift_right_arithmetic3A_4956 : i32 to vector<16xi32>
      %shift_right_arithmetic3A_4958 = arith.shrsi %add3A_4955, %shift_right_arithmetic3A_4957 : vector<16xi32>
      %mul3A_4959 = arith.constant 205 : i32
      %mul3A_4960 = vector.broadcast %mul3A_4959 : i32 to vector<16xi32>
      %mul3A_4961 = arith.muli %shift_right_arithmetic3A_4958, %mul3A_4960 : vector<16xi32>
      %shift_right_arithmetic3A_4962 = arith.constant 11 : i32
      %shift_right_arithmetic3A_4963 = vector.broadcast %shift_right_arithmetic3A_4962 : i32 to vector<16xi32>
      %shift_right_arithmetic3A_4964 = arith.shrsi %mul3A_4961, %shift_right_arithmetic3A_4963 : vector<16xi32>
      %mul3A_4965 = arith.constant 10 : i32
      %mul3A_4966 = vector.broadcast %mul3A_4965 : i32 to vector<16xi32>
      %mul3A_4967 = arith.muli %shift_right_arithmetic3A_4964, %mul3A_4966 : vector<16xi32>
      %sub3A_4968 = arith.subi %shift_right_arithmetic3A_4958, %mul3A_4967 : vector<16xi32>
      %and3A_4969 = arith.constant 2047 : i32
      %and3A_4970 = vector.broadcast %and3A_4969 : i32 to vector<16xi32>
      %and3A_4971 = arith.andi %add3A_4955, %and3A_4970 : vector<16xi32>
      %shift_right_arithmetic3A_4972 = arith.constant 7 : i32
      %shift_right_arithmetic3A_4973 = vector.broadcast %shift_right_arithmetic3A_4972 : i32 to vector<16xi32>
      %shift_right_arithmetic3A_4974 = arith.shrsi %and3A_4971, %shift_right_arithmetic3A_4973 : vector<16xi32>
      %shift_right_arithmetic3A_4975 = arith.constant 3 : i32
      %shift_right_arithmetic3A_4976 = vector.broadcast %shift_right_arithmetic3A_4975 : i32 to vector<16xi32>
      %shift_right_arithmetic3A_4977 = arith.shrsi %and3A_4971, %shift_right_arithmetic3A_4976 : vector<16xi32>
      %and3A_4978 = arith.constant 15 : i32
      %and3A_4979 = vector.broadcast %and3A_4978 : i32 to vector<16xi32>
      %and3A_4980 = arith.andi %shift_right_arithmetic3A_4977, %and3A_4979 : vector<16xi32>
      %and3A_4981 = arith.constant 7 : i32
      %and3A_4982 = vector.broadcast %and3A_4981 : i32 to vector<16xi32>
      %and3A_4983 = arith.andi %and3A_4971, %and3A_4982 : vector<16xi32>
      %shift_left3A_4984 = arith.constant 3 : i32
      %shift_left3A_4985 = vector.broadcast %shift_left3A_4984 : i32 to vector<16xi32>
      %shift_left3A_4986 = arith.shli %shift_right_arithmetic3A_4974, %shift_left3A_4985 : vector<16xi32>
      %or3A_4987 = arith.ori %shift_left3A_4986, %and3A_4983 : vector<16xi32>
      %mul3A_4988 = arith.constant 52 : i32
      %mul3A_4989 = vector.broadcast %mul3A_4988 : i32 to vector<16xi32>
      %mul3A_4990 = arith.muli %sub3A_4968, %mul3A_4989 : vector<16xi32>
      %shift_right_arithmetic3A_4991 = arith.constant 8 : i32
      %shift_right_arithmetic3A_4992 = vector.broadcast %shift_right_arithmetic3A_4991 : i32 to vector<16xi32>
      %shift_right_arithmetic3A_4993 = arith.shrsi %mul3A_4990, %shift_right_arithmetic3A_4992 : vector<16xi32>
      %mul3A_4994 = arith.constant 5 : i32
      %mul3A_4995 = vector.broadcast %mul3A_4994 : i32 to vector<16xi32>
      %mul3A_4996 = arith.muli %shift_right_arithmetic3A_4993, %mul3A_4995 : vector<16xi32>
      %sub3A_4997 = arith.subi %sub3A_4968, %mul3A_4996 : vector<16xi32>
      %shift_left3A_4998 = arith.constant 1 : i32
      %shift_left3A_4999 = vector.broadcast %shift_left3A_4998 : i32 to vector<16xi32>
      %shift_left3A_5000 = arith.shli %or3A_4987, %shift_left3A_4999 : vector<16xi32>
      %or3A_5001 = arith.ori %shift_left3A_5000, %shift_right_arithmetic3A_4993 : vector<16xi32>
      %gather3A_5002 = tpu.vector_load_idx %arg5[%or3A_5001] : memref<256xi32, #tpu.memory_space<vmem>>[vector<16xi32>], vector<16xi32>,
      %mul3A_5003 = arith.constant 5 : i32
      %mul3A_5004 = vector.broadcast %mul3A_5003 : i32 to vector<16xi32>
      %mul3A_5005 = arith.muli %shift_right_arithmetic3A_4964, %mul3A_5004 : vector<16xi32>
      %add3A_5006 = arith.addi %mul3A_5005, %sub3A_4997 : vector<16xi32>
      %shift_left3A_5007 = arith.constant 10 : i32
      %shift_left3A_5008 = vector.broadcast %shift_left3A_5007 : i32 to vector<16xi32>
      %shift_left3A_5009 = arith.shli %add3A_5006, %shift_left3A_5008 : vector<16xi32>
      %shift_right_arithmetic3A_5010 = arith.constant 3 : i32
      %shift_right_arithmetic3A_5011 = vector.broadcast %shift_right_arithmetic3A_5010 : i32 to vector<16xi32>
      %shift_right_arithmetic3A_5012 = arith.shrsi %gather3A_5002, %shift_right_arithmetic3A_5011 : vector<16xi32>
      %shift_left3A_5013 = arith.constant 7 : i32
      %shift_left3A_5014 = vector.broadcast %shift_left3A_5013 : i32 to vector<16xi32>
      %shift_left3A_5015 = arith.shli %shift_right_arithmetic3A_5012, %shift_left3A_5014 : vector<16xi32>
      %or3A_5016 = arith.ori %shift_left3A_5009, %shift_left3A_5015 : vector<16xi32>
      %shift_left3A_5017 = arith.constant 3 : i32
      %shift_left3A_5018 = vector.broadcast %shift_left3A_5017 : i32 to vector<16xi32>
      %shift_left3A_5019 = arith.shli %and3A_4980, %shift_left3A_5018 : vector<16xi32>
      %or3A_5020 = arith.ori %or3A_5016, %shift_left3A_5019 : vector<16xi32>
      %and3A_5021 = arith.constant 7 : i32
      %and3A_5022 = vector.broadcast %and3A_5021 : i32 to vector<16xi32>
      %and3A_5023 = arith.andi %gather3A_5002, %and3A_5022 : vector<16xi32>
      %or3A_5024 = arith.ori %or3A_5020, %and3A_5023 : vector<16xi32>
      %swap3A_5025 = arith.index_cast %add3A_4632 : i32 to index
      %swap3A_5026 = arith.constant 64 : index
      %swap3A_5027 = tpu.vector_load %arg6[%swap3A_5025, %swap3A_5026] {strides = array<i32>} : memref<60x128xi32, #tpu.memory_space<vmem>>, vector<16xi32>,
      tpu.vector_store %arg6[%swap3A_5025, %swap3A_5026], %or3A_5024 {strides = array<i32>} : memref<60x128xi32, #tpu.memory_space<vmem>>, vector<16xi32>,
      %mul3A_5028 = arith.constant 128 : i32
      %mul3A_5029 = arith.muli %add3A_4632, %mul3A_5028 : i32
      %add3A_5030 = arith.addi %mul3A_2, %mul3A_5029 : i32
      %add3A_5031 = arith.constant 80 : i32
      %add3A_5032 = arith.addi %add3A_5030, %add3A_5031 : i32
      %add3A_5033 = vector.broadcast %add3A_5032 : i32 to vector<16xi32>
      %add3A_5034 = arith.addi %add3A_5033, %iota3A : vector<16xi32>
      %shift_right_arithmetic3A_5035 = arith.constant 11 : i32
      %shift_right_arithmetic3A_5036 = vector.broadcast %shift_right_arithmetic3A_5035 : i32 to vector<16xi32>
      %shift_right_arithmetic3A_5037 = arith.shrsi %add3A_5034, %shift_right_arithmetic3A_5036 : vector<16xi32>
      %mul3A_5038 = arith.constant 205 : i32
      %mul3A_5039 = vector.broadcast %mul3A_5038 : i32 to vector<16xi32>
      %mul3A_5040 = arith.muli %shift_right_arithmetic3A_5037, %mul3A_5039 : vector<16xi32>
      %shift_right_arithmetic3A_5041 = arith.constant 11 : i32
      %shift_right_arithmetic3A_5042 = vector.broadcast %shift_right_arithmetic3A_5041 : i32 to vector<16xi32>
      %shift_right_arithmetic3A_5043 = arith.shrsi %mul3A_5040, %shift_right_arithmetic3A_5042 : vector<16xi32>
      %mul3A_5044 = arith.constant 10 : i32
      %mul3A_5045 = vector.broadcast %mul3A_5044 : i32 to vector<16xi32>
      %mul3A_5046 = arith.muli %shift_right_arithmetic3A_5043, %mul3A_5045 : vector<16xi32>
      %sub3A_5047 = arith.subi %shift_right_arithmetic3A_5037, %mul3A_5046 : vector<16xi32>
      %and3A_5048 = arith.constant 2047 : i32
      %and3A_5049 = vector.broadcast %and3A_5048 : i32 to vector<16xi32>
      %and3A_5050 = arith.andi %add3A_5034, %and3A_5049 : vector<16xi32>
      %shift_right_arithmetic3A_5051 = arith.constant 7 : i32
      %shift_right_arithmetic3A_5052 = vector.broadcast %shift_right_arithmetic3A_5051 : i32 to vector<16xi32>
      %shift_right_arithmetic3A_5053 = arith.shrsi %and3A_5050, %shift_right_arithmetic3A_5052 : vector<16xi32>
      %shift_right_arithmetic3A_5054 = arith.constant 3 : i32
      %shift_right_arithmetic3A_5055 = vector.broadcast %shift_right_arithmetic3A_5054 : i32 to vector<16xi32>
      %shift_right_arithmetic3A_5056 = arith.shrsi %and3A_5050, %shift_right_arithmetic3A_5055 : vector<16xi32>
      %and3A_5057 = arith.constant 15 : i32
      %and3A_5058 = vector.broadcast %and3A_5057 : i32 to vector<16xi32>
      %and3A_5059 = arith.andi %shift_right_arithmetic3A_5056, %and3A_5058 : vector<16xi32>
      %and3A_5060 = arith.constant 7 : i32
      %and3A_5061 = vector.broadcast %and3A_5060 : i32 to vector<16xi32>
      %and3A_5062 = arith.andi %and3A_5050, %and3A_5061 : vector<16xi32>
      %shift_left3A_5063 = arith.constant 3 : i32
      %shift_left3A_5064 = vector.broadcast %shift_left3A_5063 : i32 to vector<16xi32>
      %shift_left3A_5065 = arith.shli %shift_right_arithmetic3A_5053, %shift_left3A_5064 : vector<16xi32>
      %or3A_5066 = arith.ori %shift_left3A_5065, %and3A_5062 : vector<16xi32>
      %mul3A_5067 = arith.constant 52 : i32
      %mul3A_5068 = vector.broadcast %mul3A_5067 : i32 to vector<16xi32>
      %mul3A_5069 = arith.muli %sub3A_5047, %mul3A_5068 : vector<16xi32>
      %shift_right_arithmetic3A_5070 = arith.constant 8 : i32
      %shift_right_arithmetic3A_5071 = vector.broadcast %shift_right_arithmetic3A_5070 : i32 to vector<16xi32>
      %shift_right_arithmetic3A_5072 = arith.shrsi %mul3A_5069, %shift_right_arithmetic3A_5071 : vector<16xi32>
      %mul3A_5073 = arith.constant 5 : i32
      %mul3A_5074 = vector.broadcast %mul3A_5073 : i32 to vector<16xi32>
      %mul3A_5075 = arith.muli %shift_right_arithmetic3A_5072, %mul3A_5074 : vector<16xi32>
      %sub3A_5076 = arith.subi %sub3A_5047, %mul3A_5075 : vector<16xi32>
      %shift_left3A_5077 = arith.constant 1 : i32
      %shift_left3A_5078 = vector.broadcast %shift_left3A_5077 : i32 to vector<16xi32>
      %shift_left3A_5079 = arith.shli %or3A_5066, %shift_left3A_5078 : vector<16xi32>
      %or3A_5080 = arith.ori %shift_left3A_5079, %shift_right_arithmetic3A_5072 : vector<16xi32>
      %gather3A_5081 = tpu.vector_load_idx %arg5[%or3A_5080] : memref<256xi32, #tpu.memory_space<vmem>>[vector<16xi32>], vector<16xi32>,
      %mul3A_5082 = arith.constant 5 : i32
      %mul3A_5083 = vector.broadcast %mul3A_5082 : i32 to vector<16xi32>
      %mul3A_5084 = arith.muli %shift_right_arithmetic3A_5043, %mul3A_5083 : vector<16xi32>
      %add3A_5085 = arith.addi %mul3A_5084, %sub3A_5076 : vector<16xi32>
      %shift_left3A_5086 = arith.constant 10 : i32
      %shift_left3A_5087 = vector.broadcast %shift_left3A_5086 : i32 to vector<16xi32>
      %shift_left3A_5088 = arith.shli %add3A_5085, %shift_left3A_5087 : vector<16xi32>
      %shift_right_arithmetic3A_5089 = arith.constant 3 : i32
      %shift_right_arithmetic3A_5090 = vector.broadcast %shift_right_arithmetic3A_5089 : i32 to vector<16xi32>
      %shift_right_arithmetic3A_5091 = arith.shrsi %gather3A_5081, %shift_right_arithmetic3A_5090 : vector<16xi32>
      %shift_left3A_5092 = arith.constant 7 : i32
      %shift_left3A_5093 = vector.broadcast %shift_left3A_5092 : i32 to vector<16xi32>
      %shift_left3A_5094 = arith.shli %shift_right_arithmetic3A_5091, %shift_left3A_5093 : vector<16xi32>
      %or3A_5095 = arith.ori %shift_left3A_5088, %shift_left3A_5094 : vector<16xi32>
      %shift_left3A_5096 = arith.constant 3 : i32
      %shift_left3A_5097 = vector.broadcast %shift_left3A_5096 : i32 to vector<16xi32>
      %shift_left3A_5098 = arith.shli %and3A_5059, %shift_left3A_5097 : vector<16xi32>
      %or3A_5099 = arith.ori %or3A_5095, %shift_left3A_5098 : vector<16xi32>
      %and3A_5100 = arith.constant 7 : i32
      %and3A_5101 = vector.broadcast %and3A_5100 : i32 to vector<16xi32>
      %and3A_5102 = arith.andi %gather3A_5081, %and3A_5101 : vector<16xi32>
      %or3A_5103 = arith.ori %or3A_5099, %and3A_5102 : vector<16xi32>
      %swap3A_5104 = arith.index_cast %add3A_4632 : i32 to index
      %swap3A_5105 = arith.constant 80 : index
      %swap3A_5106 = tpu.vector_load %arg6[%swap3A_5104, %swap3A_5105] {strides = array<i32>} : memref<60x128xi32, #tpu.memory_space<vmem>>, vector<16xi32>,
      tpu.vector_store %arg6[%swap3A_5104, %swap3A_5105], %or3A_5103 {strides = array<i32>} : memref<60x128xi32, #tpu.memory_space<vmem>>, vector<16xi32>,
      %mul3A_5107 = arith.constant 128 : i32
      %mul3A_5108 = arith.muli %add3A_4632, %mul3A_5107 : i32
      %add3A_5109 = arith.addi %mul3A_2, %mul3A_5108 : i32
      %add3A_5110 = arith.constant 96 : i32
      %add3A_5111 = arith.addi %add3A_5109, %add3A_5110 : i32
      %add3A_5112 = vector.broadcast %add3A_5111 : i32 to vector<16xi32>
      %add3A_5113 = arith.addi %add3A_5112, %iota3A : vector<16xi32>
      %shift_right_arithmetic3A_5114 = arith.constant 11 : i32
      %shift_right_arithmetic3A_5115 = vector.broadcast %shift_right_arithmetic3A_5114 : i32 to vector<16xi32>
      %shift_right_arithmetic3A_5116 = arith.shrsi %add3A_5113, %shift_right_arithmetic3A_5115 : vector<16xi32>
      %mul3A_5117 = arith.constant 205 : i32
      %mul3A_5118 = vector.broadcast %mul3A_5117 : i32 to vector<16xi32>
      %mul3A_5119 = arith.muli %shift_right_arithmetic3A_5116, %mul3A_5118 : vector<16xi32>
      %shift_right_arithmetic3A_5120 = arith.constant 11 : i32
      %shift_right_arithmetic3A_5121 = vector.broadcast %shift_right_arithmetic3A_5120 : i32 to vector<16xi32>
      %shift_right_arithmetic3A_5122 = arith.shrsi %mul3A_5119, %shift_right_arithmetic3A_5121 : vector<16xi32>
      %mul3A_5123 = arith.constant 10 : i32
      %mul3A_5124 = vector.broadcast %mul3A_5123 : i32 to vector<16xi32>
      %mul3A_5125 = arith.muli %shift_right_arithmetic3A_5122, %mul3A_5124 : vector<16xi32>
      %sub3A_5126 = arith.subi %shift_right_arithmetic3A_5116, %mul3A_5125 : vector<16xi32>
      %and3A_5127 = arith.constant 2047 : i32
      %and3A_5128 = vector.broadcast %and3A_5127 : i32 to vector<16xi32>
      %and3A_5129 = arith.andi %add3A_5113, %and3A_5128 : vector<16xi32>
      %shift_right_arithmetic3A_5130 = arith.constant 7 : i32
      %shift_right_arithmetic3A_5131 = vector.broadcast %shift_right_arithmetic3A_5130 : i32 to vector<16xi32>
      %shift_right_arithmetic3A_5132 = arith.shrsi %and3A_5129, %shift_right_arithmetic3A_5131 : vector<16xi32>
      %shift_right_arithmetic3A_5133 = arith.constant 3 : i32
      %shift_right_arithmetic3A_5134 = vector.broadcast %shift_right_arithmetic3A_5133 : i32 to vector<16xi32>
      %shift_right_arithmetic3A_5135 = arith.shrsi %and3A_5129, %shift_right_arithmetic3A_5134 : vector<16xi32>
      %and3A_5136 = arith.constant 15 : i32
      %and3A_5137 = vector.broadcast %and3A_5136 : i32 to vector<16xi32>
      %and3A_5138 = arith.andi %shift_right_arithmetic3A_5135, %and3A_5137 : vector<16xi32>
      %and3A_5139 = arith.constant 7 : i32
      %and3A_5140 = vector.broadcast %and3A_5139 : i32 to vector<16xi32>
      %and3A_5141 = arith.andi %and3A_5129, %and3A_5140 : vector<16xi32>
      %shift_left3A_5142 = arith.constant 3 : i32
      %shift_left3A_5143 = vector.broadcast %shift_left3A_5142 : i32 to vector<16xi32>
      %shift_left3A_5144 = arith.shli %shift_right_arithmetic3A_5132, %shift_left3A_5143 : vector<16xi32>
      %or3A_5145 = arith.ori %shift_left3A_5144, %and3A_5141 : vector<16xi32>
      %mul3A_5146 = arith.constant 52 : i32
      %mul3A_5147 = vector.broadcast %mul3A_5146 : i32 to vector<16xi32>
      %mul3A_5148 = arith.muli %sub3A_5126, %mul3A_5147 : vector<16xi32>
      %shift_right_arithmetic3A_5149 = arith.constant 8 : i32
      %shift_right_arithmetic3A_5150 = vector.broadcast %shift_right_arithmetic3A_5149 : i32 to vector<16xi32>
      %shift_right_arithmetic3A_5151 = arith.shrsi %mul3A_5148, %shift_right_arithmetic3A_5150 : vector<16xi32>
      %mul3A_5152 = arith.constant 5 : i32
      %mul3A_5153 = vector.broadcast %mul3A_5152 : i32 to vector<16xi32>
      %mul3A_5154 = arith.muli %shift_right_arithmetic3A_5151, %mul3A_5153 : vector<16xi32>
      %sub3A_5155 = arith.subi %sub3A_5126, %mul3A_5154 : vector<16xi32>
      %shift_left3A_5156 = arith.constant 1 : i32
      %shift_left3A_5157 = vector.broadcast %shift_left3A_5156 : i32 to vector<16xi32>
      %shift_left3A_5158 = arith.shli %or3A_5145, %shift_left3A_5157 : vector<16xi32>
      %or3A_5159 = arith.ori %shift_left3A_5158, %shift_right_arithmetic3A_5151 : vector<16xi32>
      %gather3A_5160 = tpu.vector_load_idx %arg5[%or3A_5159] : memref<256xi32, #tpu.memory_space<vmem>>[vector<16xi32>], vector<16xi32>,
      %mul3A_5161 = arith.constant 5 : i32
      %mul3A_5162 = vector.broadcast %mul3A_5161 : i32 to vector<16xi32>
      %mul3A_5163 = arith.muli %shift_right_arithmetic3A_5122, %mul3A_5162 : vector<16xi32>
      %add3A_5164 = arith.addi %mul3A_5163, %sub3A_5155 : vector<16xi32>
      %shift_left3A_5165 = arith.constant 10 : i32
      %shift_left3A_5166 = vector.broadcast %shift_left3A_5165 : i32 to vector<16xi32>
      %shift_left3A_5167 = arith.shli %add3A_5164, %shift_left3A_5166 : vector<16xi32>
      %shift_right_arithmetic3A_5168 = arith.constant 3 : i32
      %shift_right_arithmetic3A_5169 = vector.broadcast %shift_right_arithmetic3A_5168 : i32 to vector<16xi32>
      %shift_right_arithmetic3A_5170 = arith.shrsi %gather3A_5160, %shift_right_arithmetic3A_5169 : vector<16xi32>
      %shift_left3A_5171 = arith.constant 7 : i32
      %shift_left3A_5172 = vector.broadcast %shift_left3A_5171 : i32 to vector<16xi32>
      %shift_left3A_5173 = arith.shli %shift_right_arithmetic3A_5170, %shift_left3A_5172 : vector<16xi32>
      %or3A_5174 = arith.ori %shift_left3A_5167, %shift_left3A_5173 : vector<16xi32>
      %shift_left3A_5175 = arith.constant 3 : i32
      %shift_left3A_5176 = vector.broadcast %shift_left3A_5175 : i32 to vector<16xi32>
      %shift_left3A_5177 = arith.shli %and3A_5138, %shift_left3A_5176 : vector<16xi32>
      %or3A_5178 = arith.ori %or3A_5174, %shift_left3A_5177 : vector<16xi32>
      %and3A_5179 = arith.constant 7 : i32
      %and3A_5180 = vector.broadcast %and3A_5179 : i32 to vector<16xi32>
      %and3A_5181 = arith.andi %gather3A_5160, %and3A_5180 : vector<16xi32>
      %or3A_5182 = arith.ori %or3A_5178, %and3A_5181 : vector<16xi32>
      %swap3A_5183 = arith.index_cast %add3A_4632 : i32 to index
      %swap3A_5184 = arith.constant 96 : index
      %swap3A_5185 = tpu.vector_load %arg6[%swap3A_5183, %swap3A_5184] {strides = array<i32>} : memref<60x128xi32, #tpu.memory_space<vmem>>, vector<16xi32>,
      tpu.vector_store %arg6[%swap3A_5183, %swap3A_5184], %or3A_5182 {strides = array<i32>} : memref<60x128xi32, #tpu.memory_space<vmem>>, vector<16xi32>,
      %mul3A_5186 = arith.constant 128 : i32
      %mul3A_5187 = arith.muli %add3A_4632, %mul3A_5186 : i32
      %add3A_5188 = arith.addi %mul3A_2, %mul3A_5187 : i32
      %add3A_5189 = arith.constant 112 : i32
      %add3A_5190 = arith.addi %add3A_5188, %add3A_5189 : i32
      %add3A_5191 = vector.broadcast %add3A_5190 : i32 to vector<16xi32>
      %add3A_5192 = arith.addi %add3A_5191, %iota3A : vector<16xi32>
      %shift_right_arithmetic3A_5193 = arith.constant 11 : i32
      %shift_right_arithmetic3A_5194 = vector.broadcast %shift_right_arithmetic3A_5193 : i32 to vector<16xi32>
      %shift_right_arithmetic3A_5195 = arith.shrsi %add3A_5192, %shift_right_arithmetic3A_5194 : vector<16xi32>
      %mul3A_5196 = arith.constant 205 : i32
      %mul3A_5197 = vector.broadcast %mul3A_5196 : i32 to vector<16xi32>
      %mul3A_5198 = arith.muli %shift_right_arithmetic3A_5195, %mul3A_5197 : vector<16xi32>
      %shift_right_arithmetic3A_5199 = arith.constant 11 : i32
      %shift_right_arithmetic3A_5200 = vector.broadcast %shift_right_arithmetic3A_5199 : i32 to vector<16xi32>
      %shift_right_arithmetic3A_5201 = arith.shrsi %mul3A_5198, %shift_right_arithmetic3A_5200 : vector<16xi32>
      %mul3A_5202 = arith.constant 10 : i32
      %mul3A_5203 = vector.broadcast %mul3A_5202 : i32 to vector<16xi32>
      %mul3A_5204 = arith.muli %shift_right_arithmetic3A_5201, %mul3A_5203 : vector<16xi32>
      %sub3A_5205 = arith.subi %shift_right_arithmetic3A_5195, %mul3A_5204 : vector<16xi32>
      %and3A_5206 = arith.constant 2047 : i32
      %and3A_5207 = vector.broadcast %and3A_5206 : i32 to vector<16xi32>
      %and3A_5208 = arith.andi %add3A_5192, %and3A_5207 : vector<16xi32>
      %shift_right_arithmetic3A_5209 = arith.constant 7 : i32
      %shift_right_arithmetic3A_5210 = vector.broadcast %shift_right_arithmetic3A_5209 : i32 to vector<16xi32>
      %shift_right_arithmetic3A_5211 = arith.shrsi %and3A_5208, %shift_right_arithmetic3A_5210 : vector<16xi32>
      %shift_right_arithmetic3A_5212 = arith.constant 3 : i32
      %shift_right_arithmetic3A_5213 = vector.broadcast %shift_right_arithmetic3A_5212 : i32 to vector<16xi32>
      %shift_right_arithmetic3A_5214 = arith.shrsi %and3A_5208, %shift_right_arithmetic3A_5213 : vector<16xi32>
      %and3A_5215 = arith.constant 15 : i32
      %and3A_5216 = vector.broadcast %and3A_5215 : i32 to vector<16xi32>
      %and3A_5217 = arith.andi %shift_right_arithmetic3A_5214, %and3A_5216 : vector<16xi32>
      %and3A_5218 = arith.constant 7 : i32
      %and3A_5219 = vector.broadcast %and3A_5218 : i32 to vector<16xi32>
      %and3A_5220 = arith.andi %and3A_5208, %and3A_5219 : vector<16xi32>
      %shift_left3A_5221 = arith.constant 3 : i32
      %shift_left3A_5222 = vector.broadcast %shift_left3A_5221 : i32 to vector<16xi32>
      %shift_left3A_5223 = arith.shli %shift_right_arithmetic3A_5211, %shift_left3A_5222 : vector<16xi32>
      %or3A_5224 = arith.ori %shift_left3A_5223, %and3A_5220 : vector<16xi32>
      %mul3A_5225 = arith.constant 52 : i32
      %mul3A_5226 = vector.broadcast %mul3A_5225 : i32 to vector<16xi32>
      %mul3A_5227 = arith.muli %sub3A_5205, %mul3A_5226 : vector<16xi32>
      %shift_right_arithmetic3A_5228 = arith.constant 8 : i32
      %shift_right_arithmetic3A_5229 = vector.broadcast %shift_right_arithmetic3A_5228 : i32 to vector<16xi32>
      %shift_right_arithmetic3A_5230 = arith.shrsi %mul3A_5227, %shift_right_arithmetic3A_5229 : vector<16xi32>
      %mul3A_5231 = arith.constant 5 : i32
      %mul3A_5232 = vector.broadcast %mul3A_5231 : i32 to vector<16xi32>
      %mul3A_5233 = arith.muli %shift_right_arithmetic3A_5230, %mul3A_5232 : vector<16xi32>
      %sub3A_5234 = arith.subi %sub3A_5205, %mul3A_5233 : vector<16xi32>
      %shift_left3A_5235 = arith.constant 1 : i32
      %shift_left3A_5236 = vector.broadcast %shift_left3A_5235 : i32 to vector<16xi32>
      %shift_left3A_5237 = arith.shli %or3A_5224, %shift_left3A_5236 : vector<16xi32>
      %or3A_5238 = arith.ori %shift_left3A_5237, %shift_right_arithmetic3A_5230 : vector<16xi32>
      %gather3A_5239 = tpu.vector_load_idx %arg5[%or3A_5238] : memref<256xi32, #tpu.memory_space<vmem>>[vector<16xi32>], vector<16xi32>,
      %mul3A_5240 = arith.constant 5 : i32
      %mul3A_5241 = vector.broadcast %mul3A_5240 : i32 to vector<16xi32>
      %mul3A_5242 = arith.muli %shift_right_arithmetic3A_5201, %mul3A_5241 : vector<16xi32>
      %add3A_5243 = arith.addi %mul3A_5242, %sub3A_5234 : vector<16xi32>
      %shift_left3A_5244 = arith.constant 10 : i32
      %shift_left3A_5245 = vector.broadcast %shift_left3A_5244 : i32 to vector<16xi32>
      %shift_left3A_5246 = arith.shli %add3A_5243, %shift_left3A_5245 : vector<16xi32>
      %shift_right_arithmetic3A_5247 = arith.constant 3 : i32
      %shift_right_arithmetic3A_5248 = vector.broadcast %shift_right_arithmetic3A_5247 : i32 to vector<16xi32>
      %shift_right_arithmetic3A_5249 = arith.shrsi %gather3A_5239, %shift_right_arithmetic3A_5248 : vector<16xi32>
      %shift_left3A_5250 = arith.constant 7 : i32
      %shift_left3A_5251 = vector.broadcast %shift_left3A_5250 : i32 to vector<16xi32>
      %shift_left3A_5252 = arith.shli %shift_right_arithmetic3A_5249, %shift_left3A_5251 : vector<16xi32>
      %or3A_5253 = arith.ori %shift_left3A_5246, %shift_left3A_5252 : vector<16xi32>
      %shift_left3A_5254 = arith.constant 3 : i32
      %shift_left3A_5255 = vector.broadcast %shift_left3A_5254 : i32 to vector<16xi32>
      %shift_left3A_5256 = arith.shli %and3A_5217, %shift_left3A_5255 : vector<16xi32>
      %or3A_5257 = arith.ori %or3A_5253, %shift_left3A_5256 : vector<16xi32>
      %and3A_5258 = arith.constant 7 : i32
      %and3A_5259 = vector.broadcast %and3A_5258 : i32 to vector<16xi32>
      %and3A_5260 = arith.andi %gather3A_5239, %and3A_5259 : vector<16xi32>
      %or3A_5261 = arith.ori %or3A_5257, %and3A_5260 : vector<16xi32>
      %swap3A_5262 = arith.index_cast %add3A_4632 : i32 to index
      %swap3A_5263 = arith.constant 112 : index
      %swap3A_5264 = tpu.vector_load %arg6[%swap3A_5262, %swap3A_5263] {strides = array<i32>} : memref<60x128xi32, #tpu.memory_space<vmem>>, vector<16xi32>,
      tpu.vector_store %arg6[%swap3A_5262, %swap3A_5263], %or3A_5261 {strides = array<i32>} : memref<60x128xi32, #tpu.memory_space<vmem>>, vector<16xi32>,
      %add3A_5265 = arith.constant 2 : i32
      %add3A_5266 = arith.addi %add3A_4626, %add3A_5265 : i32
      %dma_start3A_5267 = arith.constant 0 : i32
      %dma_start3A_5268 = tpu.memref_slice %arg6[%add3A_5266, %dma_start3A_5267] : memref<60x128xi32, #tpu.memory_space<vmem>> -> memref<1x128xi32, #tpu.memory_space<vmem>>
      %dma_start3A_5269 = tpu.memref_squeeze %dma_start3A_5268 : memref<1x128xi32, #tpu.memory_space<vmem>> -> memref<128xi32, #tpu.memory_space<vmem>>
      %dma_start3A_5270 = arith.constant 0 : i32
      %dma_start3A_5271 = arith.constant 0 : i32
      %dma_start3A_5272 = tpu.memref_slice %arg2[%dma_start3A_5270, %dma_start3A_5271] : memref<61440x128xf32, #tpu.memory_space<hbm>> -> memref<61440x128xf32, #tpu.memory_space<hbm>>
      tpu.enqueue_indirect_dma source(%dma_start3A_5272 : memref<61440x128xf32, #tpu.memory_space<hbm>>) target(%arg10 : memref<128x128xf32, #tpu.memory_space<vmem>>) offsets(%dma_start3A_5269 : memref<128xi32, #tpu.memory_space<vmem>>) semaphore(%arg14 : memref<!tpu.dma_semaphore, #tpu.memory_space<semaphore_mem>>)
      %dma_wait3A_5273 = arith.constant 0 : i32
      %dma_wait3A_5274 = arith.constant 0 : i32
      %dma_wait3A_5275 = tpu.memref_slice %arg6[%dma_wait3A_5273, %dma_wait3A_5274] : memref<60x128xi32, #tpu.memory_space<vmem>> -> memref<1x128xi32, #tpu.memory_space<vmem>>
      %dma_wait3A_5276 = tpu.memref_squeeze %dma_wait3A_5275 : memref<1x128xi32, #tpu.memory_space<vmem>> -> memref<128xi32, #tpu.memory_space<vmem>>
      %dma_wait3A_5277 = arith.constant 0 : i32
      %dma_wait3A_5278 = arith.constant 0 : i32
      %dma_wait3A_5279 = tpu.memref_slice %arg2[%dma_wait3A_5277, %dma_wait3A_5278] : memref<61440x128xf32, #tpu.memory_space<hbm>> -> memref<61440x128xf32, #tpu.memory_space<hbm>>
      tpu.wait_indirect_dma semaphore(%arg12 : memref<!tpu.dma_semaphore, #tpu.memory_space<semaphore_mem>>) src(%dma_wait3A_5279 : memref<61440x128xf32, #tpu.memory_space<hbm>>) dst(%arg8 : memref<128x128xf32, #tpu.memory_space<vmem>>)
      %mul3A_5280 = arith.constant 128 : i32
      %mul3A_5281 = arith.muli %add3A_4626, %mul3A_5280 : i32
      %add3A_5282 = arith.addi %mul3A_2, %mul3A_5281 : i32
      %dma_start3A_5283 = arith.constant 0 : i32
      %dma_start3A_5284 = tpu.memref_slice %arg4[%add3A_5282, %dma_start3A_5283] : memref<245760x128xf32, #tpu.memory_space<hbm>> -> memref<128x128xf32, #tpu.memory_space<hbm>>
      %dma_start3A_5285 = arith.constant 0 : i32
      %dma_start3A_5286 = tpu.memref_slice %arg4[%add3A_5282, %dma_start3A_5285] : memref<245760x128xf32, #tpu.memory_space<hbm>> -> memref<128x128xf32, #tpu.memory_space<hbm>>
      tpu.enqueue_dma source(%arg8 : memref<128x128xf32, #tpu.memory_space<vmem>>) target(%dma_start3A_5286 : memref<128x128xf32, #tpu.memory_space<hbm>>) target_semaphore(%arg16 : memref<!tpu.dma_semaphore, #tpu.memory_space<semaphore_mem>>)
    }
    %scan3A_2579 = arith.constant 14 : i32
    %dma_wait3A_2580 = arith.constant 0 : i32
    %dma_wait3A_2581 = arith.constant 0 : i32
    %dma_wait3A_2582 = tpu.memref_slice %arg6[%dma_wait3A_2580, %dma_wait3A_2581] : memref<60x128xi32, #tpu.memory_space<vmem>> -> memref<1x128xi32, #tpu.memory_space<vmem>>
    %dma_wait3A_2583 = tpu.memref_squeeze %dma_wait3A_2582 : memref<1x128xi32, #tpu.memory_space<vmem>> -> memref<128xi32, #tpu.memory_space<vmem>>
    %dma_wait3A_2584 = arith.constant 0 : i32
    %dma_wait3A_2585 = arith.constant 0 : i32
    %dma_wait3A_2586 = tpu.memref_slice %arg2[%dma_wait3A_2584, %dma_wait3A_2585] : memref<61440x128xf32, #tpu.memory_space<hbm>> -> memref<61440x128xf32, #tpu.memory_space<hbm>>
    tpu.wait_indirect_dma semaphore(%arg13 : memref<!tpu.dma_semaphore, #tpu.memory_space<semaphore_mem>>) src(%dma_wait3A_2586 : memref<61440x128xf32, #tpu.memory_space<hbm>>) dst(%arg9 : memref<128x128xf32, #tpu.memory_space<vmem>>)
    %add3A_2587 = arith.constant 7424 : i32
    %add3A_2588 = arith.addi %mul3A_2, %add3A_2587 : i32
    %dma_start3A_2589 = arith.constant 0 : i32
    %dma_start3A_2590 = tpu.memref_slice %arg4[%add3A_2588, %dma_start3A_2589] : memref<245760x128xf32, #tpu.memory_space<hbm>> -> memref<128x128xf32, #tpu.memory_space<hbm>>
    %dma_start3A_2591 = arith.constant 0 : i32
    %dma_start3A_2592 = tpu.memref_slice %arg4[%add3A_2588, %dma_start3A_2591] : memref<245760x128xf32, #tpu.memory_space<hbm>> -> memref<128x128xf32, #tpu.memory_space<hbm>>
    tpu.enqueue_dma source(%arg9 : memref<128x128xf32, #tpu.memory_space<vmem>>) target(%dma_start3A_2592 : memref<128x128xf32, #tpu.memory_space<hbm>>) target_semaphore(%arg17 : memref<!tpu.dma_semaphore, #tpu.memory_space<semaphore_mem>>)
    %dma_wait3A_2593 = arith.constant 0 : i32
    %dma_wait3A_2594 = arith.constant 0 : i32
    %dma_wait3A_2595 = tpu.memref_slice %arg6[%dma_wait3A_2593, %dma_wait3A_2594] : memref<60x128xi32, #tpu.memory_space<vmem>> -> memref<1x128xi32, #tpu.memory_space<vmem>>
    %dma_wait3A_2596 = tpu.memref_squeeze %dma_wait3A_2595 : memref<1x128xi32, #tpu.memory_space<vmem>> -> memref<128xi32, #tpu.memory_space<vmem>>
    %dma_wait3A_2597 = arith.constant 0 : i32
    %dma_wait3A_2598 = arith.constant 0 : i32
    %dma_wait3A_2599 = tpu.memref_slice %arg2[%dma_wait3A_2597, %dma_wait3A_2598] : memref<61440x128xf32, #tpu.memory_space<hbm>> -> memref<61440x128xf32, #tpu.memory_space<hbm>>
    tpu.wait_indirect_dma semaphore(%arg14 : memref<!tpu.dma_semaphore, #tpu.memory_space<semaphore_mem>>) src(%dma_wait3A_2599 : memref<61440x128xf32, #tpu.memory_space<hbm>>) dst(%arg10 : memref<128x128xf32, #tpu.memory_space<vmem>>)
    %add3A_2600 = arith.constant 7552 : i32
    %add3A_2601 = arith.addi %mul3A_2, %add3A_2600 : i32
    %dma_start3A_2602 = arith.constant 0 : i32
    %dma_start3A_2603 = tpu.memref_slice %arg4[%add3A_2601, %dma_start3A_2602] : memref<245760x128xf32, #tpu.memory_space<hbm>> -> memref<128x128xf32, #tpu.memory_space<hbm>>
    %dma_start3A_2604 = arith.constant 0 : i32
    %dma_start3A_2605 = tpu.memref_slice %arg4[%add3A_2601, %dma_start3A_2604] : memref<245760x128xf32, #tpu.memory_space<hbm>> -> memref<128x128xf32, #tpu.memory_space<hbm>>
    tpu.enqueue_dma source(%arg10 : memref<128x128xf32, #tpu.memory_space<vmem>>) target(%dma_start3A_2605 : memref<128x128xf32, #tpu.memory_space<hbm>>) target_semaphore(%arg18 : memref<!tpu.dma_semaphore, #tpu.memory_space<semaphore_mem>>)
    %dma_wait3A_2606 = arith.constant 0 : i32
    %dma_wait3A_2607 = tpu.memref_slice %arg4[%mul3A_2, %dma_wait3A_2606] : memref<245760x128xf32, #tpu.memory_space<hbm>> -> memref<128x128xf32, #tpu.memory_space<hbm>>
    %dma_wait3A_2608 = arith.constant 0 : i32
    %dma_wait3A_2609 = tpu.memref_slice %arg4[%mul3A_2, %dma_wait3A_2608] : memref<245760x128xf32, #tpu.memory_space<hbm>> -> memref<128x128xf32, #tpu.memory_space<hbm>>
    tpu.wait_dma2 semaphore(%arg15 : memref<!tpu.dma_semaphore, #tpu.memory_space<semaphore_mem>>) src(%arg7 : memref<128x128xf32, #tpu.memory_space<vmem>>) dst(%dma_wait3A_2609 : memref<128x128xf32, #tpu.memory_space<hbm>>)
    %dma_wait3A_2610 = arith.constant 0 : i32
    %dma_wait3A_2611 = tpu.memref_slice %arg4[%mul3A_2, %dma_wait3A_2610] : memref<245760x128xf32, #tpu.memory_space<hbm>> -> memref<128x128xf32, #tpu.memory_space<hbm>>
    %dma_wait3A_2612 = arith.constant 0 : i32
    %dma_wait3A_2613 = tpu.memref_slice %arg4[%mul3A_2, %dma_wait3A_2612] : memref<245760x128xf32, #tpu.memory_space<hbm>> -> memref<128x128xf32, #tpu.memory_space<hbm>>
    tpu.wait_dma2 semaphore(%arg16 : memref<!tpu.dma_semaphore, #tpu.memory_space<semaphore_mem>>) src(%arg8 : memref<128x128xf32, #tpu.memory_space<vmem>>) dst(%dma_wait3A_2613 : memref<128x128xf32, #tpu.memory_space<hbm>>)
    %dma_wait3A_2614 = arith.constant 0 : i32
    %dma_wait3A_2615 = tpu.memref_slice %arg4[%mul3A_2, %dma_wait3A_2614] : memref<245760x128xf32, #tpu.memory_space<hbm>> -> memref<128x128xf32, #tpu.memory_space<hbm>>
    %dma_wait3A_2616 = arith.constant 0 : i32
    %dma_wait3A_2617 = tpu.memref_slice %arg4[%mul3A_2, %dma_wait3A_2616] : memref<245760x128xf32, #tpu.memory_space<hbm>> -> memref<128x128xf32, #tpu.memory_space<hbm>>
    tpu.wait_dma2 semaphore(%arg17 : memref<!tpu.dma_semaphore, #tpu.memory_space<semaphore_mem>>) src(%arg9 : memref<128x128xf32, #tpu.memory_space<vmem>>) dst(%dma_wait3A_2617 : memref<128x128xf32, #tpu.memory_space<hbm>>)
    %dma_wait3A_2618 = arith.constant 0 : i32
    %dma_wait3A_2619 = tpu.memref_slice %arg4[%mul3A_2, %dma_wait3A_2618] : memref<245760x128xf32, #tpu.memory_space<hbm>> -> memref<128x128xf32, #tpu.memory_space<hbm>>
    %dma_wait3A_2620 = arith.constant 0 : i32
    %dma_wait3A_2621 = tpu.memref_slice %arg4[%mul3A_2, %dma_wait3A_2620] : memref<245760x128xf32, #tpu.memory_space<hbm>> -> memref<128x128xf32, #tpu.memory_space<hbm>>
    tpu.wait_dma2 semaphore(%arg18 : memref<!tpu.dma_semaphore, #tpu.memory_space<semaphore_mem>>) src(%arg10 : memref<128x128xf32, #tpu.memory_space<vmem>>) dst(%dma_wait3A_2621 : memref<128x128xf32, #tpu.memory_space<hbm>>)
    return
  }
}

</mosaic_0001>

<sc_bundles>
// kernel: kernel.3.cloned.1.call-start
scs
__scs_entry_jumppad:
0x0: {  	(pc) =	sbr.rel $0x88, $3  }
0x1: {  	(tag) =	ssettag $0x0;
	lr =	simm.s32 $0x1  }
0x2: {  	[smem:$0x3F9F] =	sst lr;
	_ =	strace $0xD0000000  }
0x3: {  	_ = 	snop  }
0x4: {  	_ = 	snop  }
0x5: {  	_ = 	snop  }
0x6: {  	_ = 	snop  }
0x7: {  	_ = 	snop  }
__scs_overlays_trampoline_lowered:
0x8: {  	[smem:$0x3FAE] =	sst s0  }
0x9: {  	[smem:$0x3FAF] =	sst s1  }
0xa: {  	[smem:$0x3FB0] =	sst s2  }
0xb: {  	[smem:$0x3FB1] =	sst s3  }
0xc: {  	[smem:$0x3FB2] =	sst s4  }
0xd: {  	[smem:$0x3FB3] =	sst s5  }
0xe: {  	[smem:$0x3FB4] =	sst s6  }
0xf: {  	[smem:$0x3FB5] =	sst s7  }
0x10: {  	[smem:$0x3FB6] =	sst s8  }
0x11: {  	[smem:$0x3FB7] =	sst s9;
	s0 =	simm.s32 @!p0 $0x0  }
0x12: {  	s1 =	sld [smem:$0x3F9D];
	s0 =	simm.s32 @p0 $0x1  }
0x13: {  	[smem:$0x3FB8] =	sst s0;
	s0 =	simm.s32 @!p1 $0x0  }
0x14: {  	s2 =	sld [smem:$0x3F9C];
	s0 =	simm.s32 @p1 $0x1  }
0x15: {  	[smem:$0x3FB9] =	sst s0;
	s0 =	simm.s32 @!p2 $0x0  }
0x16: {  	s3 =	sld [smem:$0x3FDB];
	s0 =	simm.s32 @p2 $0x1  }
0x17: {  	s4 =	simm.s32 $0x1BF5;
	[smem:$0x3FBB] =	sst s0  }
0x18: {  	s0 =	sld [smem:$0x3F9E];
	_ =	swait.ge [sflag:s4], $0x0  }
0x19: {  	s7 =	sld [smem:$0x3F9F]  }
0x1a: {  	s8 =	sadd.s32 $0xFFFFE003, lr  }
0x1b: {  	s9 =	sadd.s32 $0xFFFFFEF7, lr;
	s5 =	simm.s32 $0xFFFFFFFF;
	p2 =	slt.u32 s8, $0xFFFFF086  }
0x1c: {  	p1 =	slt.u32 s9, $0xF7A;
	s5 =	simm.s32 @!p2 $0x0  }
0x1d: {  	s5 =	simm.s32 @p1 $0x1;
	p0 =	seq.s32 s7, s2  }
0x1e: {  	s7 =	smul.u32 @!p0 $0xF7A, s2;
	p2 =	seq.s32 @!p0 s5, $0x0  }
0x1f: {  	s9 =	smul.u32 $0xF7A, s1;
	s8 =	simm.s32 @!p0 $0x1BF5;
	p2 =	por !p2, p0  }
0x20: {  	[sflag:s8] =	ssyncset.s32 @!p0 $0xFFFFF086;
	s6 =	sadd.s32 @!p0 s3, s7;
	s7 =	simm.s32 @!p0 $0x108  }
0x21: {  	s3 =	sadd.s32 s3, s9;
	s6 =	sadd.s32 @!p0 $0x88, s6;
	s7 =	simm.s32 @p2 $0x1082  }
0x22: {  	[simem:s7], [sflag:s8] =	dma.local @!p0 [hbm:s6], $0xF7A  }
0x23: {  	s9 =	sor.u32 $0xD0000000, s2;
	s6 =	simm.s32 $0x108;
	_ =	swait.ge @!p0 [sflag:s8], $0x0  }
0x24: {  	s3 =	sadd.s32 $0x88, s3;
	s6 =	simm.s32 @!p1 $0x1082;
	[sflag:s4] =	ssyncset.s32 $0xFFFFF086  }
0x25: {  	[simem:s6], [sflag:s4] =	dma.local [hbm:s3], $0xF7A  }
0x26: {  	[smem:$0x3F9F] =	sst s1;
	(tag) =	ssettag s2;
	_ =	strace s9  }
0x27: {  	s1 =	sld [smem:$0x3FAF]  }
0x28: {  	s2 =	sld [smem:$0x3FB0]  }
0x29: {  	s4 =	sld [smem:$0x3FB2]  }
0x2a: {  	p0 =	seq.s32 s5, $0x0;
	s5 =	sld [smem:$0x3FB3]  }
0x2b: {  	s6 =	sld [smem:$0x3FB4]  }
0x2c: {  	s7 =	sld [smem:$0x3FB5]  }
0x2d: {  	s3 =	simm.s32 $0x108;
	s8 =	sld [smem:$0x3FB6]  }
0x2e: {  	s3 =	simm.s32 @!p0 $0x1082;
	s9 =	sld [smem:$0x3FB7]  }
0x2f: {  	lr =	sadd.s32 s0, s3;
	s0 =	sld [smem:$0x3FAE]  }
0x30: {  	s3 =	sld [smem:$0x3FB1]  }
0x31: {  	[smem:$0x3FBA] =	sst s10  }
0x32: {  	s10 =	sld [smem:$0x3FB8];
	_ =	sdelay $0x3  }
0x33: {  	p0 =	seq.s32 s10, $0x1;
	s10 =	sld [smem:$0x3FBA];
	_ =	sdelay $0x3  }
0x34: {  	[smem:$0x3FBA] =	sst s10  }
0x35: {  	s10 =	sld [smem:$0x3FB9];
	_ =	sdelay $0x3  }
0x36: {  	p1 =	seq.s32 s10, $0x1;
	s10 =	sld [smem:$0x3FBA];
	_ =	sdelay $0x3  }
0x37: {  	[smem:$0x3FBA] =	sst s10  }
0x38: {  	s10 =	sld [smem:$0x3FBB]  }
0x39: {  	_ = 	snop;
	(pc) =	sbr.ind lr, $3  }
0x3a: {  	_ = 	snop  }
0x3b: {  	_ = 	snop  }
0x3c: {  	p2 =	seq.s32 s10, $0x1;
	s10 =	sld [smem:$0x3FBA]  }
0x3d: {  	_ =	shalt  }
0x3e: {  	_ =	shalt  }
0x3f: {  	_ =	shalt  }
0x40: {  	_ =	shalt  }
0x41: {  	_ =	shalt  }
0x42: {  	_ =	shalt  }
0x43: {  	_ =	shalt  }
0x44: {  	_ =	shalt  }
0x45: {  	_ =	shalt  }
0x46: {  	_ =	shalt  }
0x47: {  	_ =	shalt  }
0x48: {  	_ =	shalt  }
0x49: {  	_ =	shalt  }
0x4a: {  	_ =	shalt  }
0x4b: {  	_ =	shalt  }
0x4c: {  	_ =	shalt  }
0x4d: {  	_ =	shalt  }
0x4e: {  	_ =	shalt  }
0x4f: {  	_ =	shalt  }
0x50: {  	_ =	shalt  }
0x51: {  	_ =	shalt  }
0x52: {  	_ =	shalt  }
0x53: {  	_ =	shalt  }
0x54: {  	_ =	shalt  }
0x55: {  	_ =	shalt  }
0x56: {  	_ =	shalt  }
0x57: {  	_ =	shalt  }
0x58: {  	_ =	shalt  }
0x59: {  	_ =	shalt  }
0x5a: {  	_ =	shalt  }
0x5b: {  	_ =	shalt  }
0x5c: {  	_ =	shalt  }
0x5d: {  	_ =	shalt  }
0x5e: {  	_ =	shalt  }
0x5f: {  	_ =	shalt  }
0x60: {  	_ =	shalt  }
0x61: {  	_ =	shalt  }
0x62: {  	_ =	shalt  }
0x63: {  	_ =	shalt  }
0x64: {  	_ =	shalt  }
0x65: {  	_ =	shalt  }
0x66: {  	_ =	shalt  }
0x67: {  	_ =	shalt  }
0x68: {  	_ =	shalt  }
0x69: {  	_ =	shalt  }
0x6a: {  	_ =	shalt  }
0x6b: {  	_ =	shalt  }
0x6c: {  	_ =	shalt  }
0x6d: {  	_ =	shalt  }
0x6e: {  	_ =	shalt  }
0x6f: {  	_ =	shalt  }
0x70: {  	_ =	shalt  }
0x71: {  	_ =	shalt  }
0x72: {  	_ =	shalt  }
0x73: {  	_ =	shalt  }
0x74: {  	_ =	shalt  }
0x75: {  	_ =	shalt  }
0x76: {  	_ =	shalt  }
0x77: {  	_ =	shalt  }
0x78: {  	_ =	shalt  }
0x79: {  	_ =	shalt  }
0x7a: {  	_ =	shalt  }
0x7b: {  	_ =	shalt  }
0x7c: {  	_ =	shalt  }
0x7d: {  	_ =	shalt  }
0x7e: {  	_ =	shalt  }
0x7f: {  	_ =	shalt  }
0x80: {  	_ =	shalt  }
0x81: {  	_ =	shalt  }
0x82: {  	_ =	shalt  }
0x83: {  	_ =	shalt  }
0x84: {  	_ =	shalt  }
0x85: {  	_ =	shalt  }
0x86: {  	_ =	shalt  }
0x87: {  	_ =	shalt  }
.Lfunc_end0:
.L_simem_size_0:
called_computation_lowered:
.L_overlay_start_0:
0x88: {  	s2 =	sld [smem:$0x3FD9]  }
0x89: {  	s3 =	sld [smem:$0x3FFE];
	_ =	sdelay $0x1  }
0x8a: {  	s1 =	srdreg.scid  }
0x8b: {  	s0 =	sand.u32 $0x1, s1  }
0x8c: {  	s17 =	sshll.u32 s0, $0xA;
	s2 =	sadd.s32 s3, s2  }
0x8d: {  	s2 =	sadd.s32 s2, s17  }
0x8e: {  	[smem:$0x3FC6] =	sst s2  }
0x8f: {  	_ = 	snop  }
0x90: {  	s2 =	sld [smem:$0x3FC8]  }
0x91: {  	s18 =	sld [smem:$0x3FD0];
	(tm) =	ssettm $0x1  }
0x92: {  	s4 =	sld [smem:$0x3FFB];
	_ =	sdelay $0x3  }
0x93: {  	_ =	strace s4  }
0x94: {  	s4 =	sld [smem:$0x3FFC];
	_ =	sdelay $0x3  }
0x95: {  	_ =	strace s4  }
0x96: {  	s4 =	sld [smem:$0x3FFD];
	_ =	sdelay $0x3  }
0x97: {  	_ =	strace s4  }
0x98: {  	_ =	strace $0x8FFFFFFF  }
0x99: {  	s19 =	sld [smem:$0x3FDB];
	_ =	sdelay $0x1  }
0x9a: {  	s5 =	simm.s32 $_scs_section_size  }
0x9b: {  	s6 =	simm.s32 $_size__tile_overlayer_lowered;
	s7 =	simm.s32 $_tile_overlayer_lowered  }
0x9c: {  	s22 =	simm.s32 $0x1BFF;
	s21 =	sshll.u32 s7, $0x1;
	s4 =	sadd.s32 s5, s19  }
0x9d: {  	s8 =	simm.s32 $0x0;
	s20 =	sshll.u32 s6, $0x1;
	s6 =	sadd.s32 s21, s4  }
0x9e: {  	[timem:s8], [sflag:s22] =	dma.local [hbm:s6], s20  }
0x9f: {  	_ =	swait.ge [sflag:s22], s20  }
0xa0: {  	s5 =	ssub.s32 $0x0, s20;
	[sflag:s22] =	ssyncset.done $0x0  }
0xa1: {  	[sflag:s22] =	ssyncadd.s32 s5;
	_ =	sdelay $0x1  }
0xa2: {  	s23 =	simm.s32 $0x1B8B  }
0xa3: {  	_ =	swait.ge [sflag:s23], $0x1  }
0xa4: {  	[sflag:s23] =	ssyncset.done $0x0  }
0xa5: {  	s25 =	simm.s32 $0x1B8E;
	s24 =	sld [smem:$0x3FFE];
	[sflag:s23] =	ssyncadd.s32 $0xFFFFFFFF  }
0xa6: {  	s26 =	simm.s32 $execute0_lowered;
	[smem:$0x3FD2] =	sst s25  }
0xa7: {  	s6 =	sshll.u32 s26, $0x1;
	_ =	strace $0x80000046;
	[dreg:$0x1] =	wrdreg $0xFFFFFFFF  }
0xa8: {  	s28 =	simm.s32 $_size_execute0_lowered;
	s4 =	sadd.s32 s4, s6;
	[dreg:$0x0] =	wrdreg $0x0  }
0xa9: {  	s6 =	sshll.u32 s28, $0x1;
	[dreg:$0x2] =	wrdreg s4  }
0xaa: {  	[dreg:$0x3] =	wrdreg s6  }
0xab: {  	[dreg:$0x4] =	wrdreg $0xC0  }
0xac: {  	_ =	task [dreg:s8], $0x5FFFF  }
0xad: {  	[dreg:$0x1] =	wrdreg $0xFFFFFFFF  }
0xae: {  	[dreg:$0x0] =	wrdreg $0x60  }
0xaf: {  	[dreg:$0x2] =	wrdreg s2  }
0xb0: {  	[dreg:$0x3] =	wrdreg s24  }
0xb1: {  	[dreg:$0x4] =	wrdreg s18  }
0xb2: {  	[dreg:$0x5] =	wrdreg $0x9  }
0xb3: {  	_ =	task.clear_ibuf [dreg:s8], $0x6FFFF;
	_ =	strace $0x90000046  }
0xb4: {  	s29 =	simm.s32 $0x9;
	_ =	strace $0x80000048  }
0xb5: {  	_ =	swait.ge [sflag:s29], $0x1  }
0xb6: {  	[sflag:s29] =	ssyncadd.s32 $0xFFFFFFFF  }
0xb7: {  	_ =	strace $0x90000048  }
0xb8: {  	_ =	sfence  }
0xb9: {  	s30 =	sld [smem:$0x0];
	_ =	sdelay $0x2  }
0xba: {  	s31 =	sshll.u32 s1, $0xD;
	s1 =	sshrl.u32 s1, $0x2  }
0xbb: {  	s3 =	sand.u32 $0x4000, s31;
	s1 =	sadd.s32 s1, s30  }
0xbc: {  	s0 =	sor.u32 s3, s0;
	s1 =	sshll.u32 s1, $0x11  }
0xbd: {  	s0 =	sor.u32 s1, s0  }
0xbe: {  	s0 =	sadd.s32 $0x8F2B, s0  }
0xbf: {  	[sflag:s0] =	ssyncadd.remote.s32 $0x1  }
0xc0: {  	_ =	sfence.sel $0xFFFF  }
0xc1: {  	[dreg:$0x0] =	wrdreg $0xFFFFFFFF;
	(pc) =	sbr.abs _section_cstart, $3  }
0xc2: {  	[dreg:$0x1] =	wrdreg $0xFFFFFFFF  }
0xc3: {  	_ =	task.clear_ibuf [dreg:s8], $0x2FFFF;
	_ =	strace $0x9FFFFFFF  }
0xc4: {  	(tm) =	ssettm $0x7FFFFFFF  }
0xc5: {  	_ =	shalt  }
tec
execute0_lowered:
.L_overlay_start_1:
0x0: {  	(tag) =	ssettag $0x1  }
0x1: {  	s0 =	srdreg.scid;
	s9 =	stileid.u32  }
0x2: {  	s0 =	sand.u32 $0x1, s0;
	s1 =	sshll.u32 s9, $0x1  }
0x3: {  	s4 =	sor.u32 s0, s1  }
0x4: {  	s1 =	smul.u32 $0x1E00, s4;
	_ =	sdelay $0x1  }
0x5: {  	v0 =	vmov s1;
	s2 =	sor.u32 $0x80, s1  }
0x6: {  	s3 =	sor.u32 $0x90, s1;
	s26 =	sor.u32 $0xE0, s1;
	s6 =	sor.u32 $0x100, s1;
	v1 =	vshrl.u32 v0, $0xB;
	v0 =	vshrl.u32 v0, $0x3;
	v8 =	vmov s2  }
0x7: {  	s7 =	sor.u32 $0x110, s1;
	s8 =	sor.u32 $0x120, s1;
	s11 =	sor.u32 $0x140, s1;
	v10 =	vmov s3;
	v25 =	vmov s26;
	v37 =	vmov s6  }
0x8: {  	s16 =	sor.u32 $0x190, s1;
	v40 =	vmov s7;
	v41 =	vmov s8;
	v51 =	vmov s11  }
0x9: {  	v62 =	vmov s16;
	v2 =	vmul.u32 $0xCD, v1;
	v4 =	vand.u32 $0xC0, v0  }
0xa: {  	v0 =	vlaneseq.u32;
	v7 =	vshrl.u32 v8, $0xB;
	v12 =	vshrl.u32 v10, $0xB  }
0xb: {  	v15 =	vshrl.u32 v8, $0x3;
	v44 =	vshrl.u32 v10, $0x3;
	v6 =	vmul.u32 $0xCD, v7  }
0xc: {  	v39 =	vshrl.u32 v40, $0xB;
	v13 =	vmul.u32 $0xCD, v12;
	v2 =	vshrl.u32 v2, $0xB  }
0xd: {  	v15 =	vand.u32 $0xD0, v15;
	v3 =	vmul.u32 $0xFFFFFFF6, v2;
	v9 =	vshrl.u32 v6, $0xB  }
0xe: {  	v2 =	vmul.u32 $0x5, v2;
	v13 =	vshrl.u32 v13, $0xB;
	v11 =	vmul.u32 $0xFFFFFFF6, v9  }
0xf: {  	v16 =	vmul.u32 $0xFFFFFFF6, v13;
	v9 =	vmul.u32 $0x5, v9;
	v3 =	vadd.s32 v1, v3  }
0x10: {  	v13 =	vmul.u32 $0x5, v13;
	v1 =	vmul.u32 $0x34, v3;
	v2 =	vadd.s32 v2, v3  }
0x11: {  	s22 =	sor.u32 $0xA0, s1;
	v3 =	vshrl.u32 v0, $0x3;
	v11 =	vadd.s32 v7, v11;
	v12 =	vadd.s32 v12, v16  }
0x12: {  	v16 =	vmov s22;
	v14 =	vmul.u32 $0x34, v11;
	v22 =	vmul.u32 $0x34, v12  }
0x13: {  	v23 =	vshrl.u32 v16, $0xB;
	v9 =	vadd.s32 v9, v11;
	v12 =	vadd.s32 v13, v12  }
0x14: {  	v5 =	vshra.s32 v1, $0x8;
	v1 =	vand.u32 $0x7, v0;
	v43 =	vmul.u32 $0xCD, v23  }
0x15: {  	v4 =	vor.u32 v5, v4;
	v1 =	vmul.u32 $0x2, v1;
	v14 =	vshra.s32 v14, $0x8  }
0x16: {  	s23 =	sor.u32 $0xB0, s1;
	v5 =	vmul.u32 $0x3FFFFB, v5;
	v45 =	vshra.s32 v22, $0x8;
	v21 =	vmul.u32 $0x3FFFFB, v14  }
0x17: {  	v27 =	vor.u32 v14, v15;
	v11 =	vshrl.u32 v43, $0xB;
	v14 =	vmov s23  }
0x18: {  	v15 =	vmul.u32 $0x3FFFFB, v45;
	v43 =	vshrl.u32 v41, $0xB;
	v5 =	vadd.s32 v5, v2  }
0x19: {  	v2 =	vmul.u32 $0x8, v3;
	v3 =	vor.u32 v1, v4;
	v22 =	vshrl.u32 v14, $0xB  }
0x1a: {  	v14 =	vshrl.u32 v14, $0x3;
	v27 =	vor.u32 v1, v27;
	v26 =	vshll.u32 v5, $0xA  }
0x1b: {  	v28 =	vadd.s32 v21, v9;
	v21 =	vmul.u32 $0xFFFFFFF6, v11;
	v9 =	vand.u32 $0xD0, v44  }
0x1c: {  	v13 =	vmul.u32 $0xCD, v22;
	v46 =	vadd.s32 v15, v12;
	v15 =	vshrl.u32 v16, $0x3  }
0x1d: {  	v11 =	vmul.u32 $0x5, v11;
	v14 =	vand.u32 $0xD0, v14;
	v44 =	vmul.u32 $0xCD, v43  }
0x1e: {  	v4 =	vor.u32 v2, v26;
	v17 =	vor.u32 $0x10, v2;
	v18 =	vor.u32 $0x20, v2  }
0x1f: {  	v19 =	vor.u32 $0x30, v2;
	v20 =	vor.u32 $0x40, v2;
	v29 =	vor.u32 v45, v9  }
0x20: {  	v9 =	vshll.u32 v46, $0xA;
	v15 =	vand.u32 $0xD0, v15;
	v28 =	vshll.u32 v28, $0xA  }
0x21: {  	[tilespmem:$0x1FF80] =	vst v4;
	v4 =	vor.u32 v17, v26;
	v47 =	vadd.s32 v23, v21;
	v13 =	vshrl.u32 v13, $0xB  }
0x22: {  	v28 =	vor.u32 v2, v28;
	v29 =	vor.u32 v1, v29;
	[tilespmem:$0x1FF90] =	vst v4;
	v4 =	vor.u32 v18, v26  }
0x23: {  	v12 =	vmul.u32 $0x34, v47;
	v16 =	vmul.u32 $0xFFFFFFF6, v13;
	[tilespmem:$0x1FFA0] =	vst v4;
	v4 =	vor.u32 v19, v26  }
0x24: {  	s24 =	sor.u32 $0xC0, s1;
	v10 =	vadd.s32 v11, v47;
	v13 =	vmul.u32 $0x5, v13;
	[tilespmem:$0x1FFB0] =	vst v4;
	v4 =	vor.u32 v20, v26  }
0x25: {  	v12 =	vshra.s32 v12, $0x8;
	v16 =	vadd.s32 v22, v16;
	v22 =	vmov s24  }
0x26: {  	[tilespmem:$0x1FFC0] =	vst v4;
	v4 =	vor.u32 v17, v9;
	v21 =	vmul.u32 $0x3FFFFB, v12;
	v48 =	vmul.u32 $0x34, v16  }
0x27: {  	s17 =	sor.u32 $0x1A0, s1;
	v23 =	vshrl.u32 v22, $0xB;
	v30 =	vor.u32 v12, v15;
	v13 =	vadd.s32 v13, v16  }
0x28: {  	v22 =	vshrl.u32 v22, $0x3;
	v9 =	vmov s17;
	v12 =	vmul.u32 $0xCD, v23  }
0x29: {  	s14 =	sor.u32 $0x170, s1;
	v30 =	vor.u32 v1, v30;
	v10 =	vadd.s32 v21, v10;
	v11 =	vshra.s32 v48, $0x8  }
0x2a: {  	v48 =	vmov s14;
	v10 =	vshll.u32 v10, $0xA;
	v15 =	vmul.u32 $0x3FFFFB, v11  }
0x2b: {  	s25 =	sor.u32 $0xD0, s1;
	[tilespmem:$0x1FFD0] =	vst v4;
	v12 =	vshrl.u32 v12, $0xB;
	v31 =	vor.u32 v11, v14;
	v4 =	vor.u32 v18, v10  }
0x2c: {  	v16 =	vmul.u32 $0xFFFFFFF6, v12;
	v13 =	vadd.s32 v15, v13;
	v15 =	vmov s25  }
0x2d: {  	v12 =	vmul.u32 $0x5, v12;
	v10 =	vshrl.u32 v9, $0xB;
	v21 =	vshrl.u32 v15, $0xB  }
0x2e: {  	v31 =	vor.u32 v1, v31;
	v16 =	vadd.s32 v23, v16;
	v24 =	vmul.u32 $0xCD, v21  }
0x2f: {  	v11 =	vmul.u32 $0xCD, v10;
	v13 =	vshll.u32 v13, $0xA;
	v23 =	vmul.u32 $0x34, v16  }
0x30: {  	[tilespmem:$0x1FFE0] =	vst v4;
	v4 =	vor.u32 v19, v13;
	v13 =	vand.u32 $0xD0, v22;
	v22 =	vshrl.u32 v24, $0xB  }
0x31: {  	v15 =	vshrl.u32 v15, $0x3;
	v14 =	vshra.s32 v23, $0x8;
	v24 =	vmul.u32 $0xFFFFFFF6, v22  }
0x32: {  	v12 =	vadd.s32 v12, v16;
	v15 =	vand.u32 $0xD0, v15;
	v23 =	vmul.u32 $0x3FFFFB, v14  }
0x33: {  	v32 =	vor.u32 v14, v13;
	v13 =	vshrl.u32 v25, $0xB;
	v14 =	vadd.s32 v21, v24  }
0x34: {  	s5 =	sor.u32 $0xF0, s1;
	[tilespmem:$0x1FFF0] =	vst v4;
	v4 =	vor.u32 $0x70, v2;
	v16 =	vmul.u32 $0xCD, v13;
	v21 =	vmul.u32 $0x34, v14  }
0x35: {  	v32 =	vor.u32 v1, v32;
	v12 =	vadd.s32 v23, v12;
	v24 =	vmov s5  }
0x36: {  	v12 =	vshll.u32 v12, $0xA;
	v16 =	vshrl.u32 v16, $0xB;
	v21 =	vshra.s32 v21, $0x8  }
0x37: {  	v12 =	vor.u32 v20, v12;
	v23 =	vmul.u32 $0xFFFFFFF6, v16;
	v33 =	vor.u32 v21, v15  }
0x38: {  	v15 =	vmul.u32 $0x5, v22;
	v22 =	vshrl.u32 v24, $0xB;
	v21 =	vmul.u32 $0x3FFFFB, v21  }
0x39: {  	v13 =	vadd.s32 v13, v23;
	v23 =	vmul.u32 $0xCD, v22;
	v33 =	vor.u32 v1, v33  }
0x3a: {  	v14 =	vadd.s32 v15, v14;
	v15 =	vshrl.u32 v25, $0x3;
	v25 =	vmul.u32 $0x34, v13  }
0x3b: {  	v21 =	vadd.s32 v21, v14;
	v14 =	vand.u32 $0xD0, v15;
	v15 =	vshrl.u32 v23, $0xB  }
0x3c: {  	v23 =	vshra.s32 v25, $0x8;
	v25 =	vmul.u32 $0xFFFFFFF6, v15;
	v15 =	vmul.u32 $0x5, v15  }
0x3d: {  	v21 =	vshll.u32 v21, $0xA;
	v34 =	vor.u32 v23, v14;
	v14 =	vmul.u32 $0x5, v16  }
0x3e: {  	v16 =	vshrl.u32 v37, $0xB;
	v23 =	vmul.u32 $0x3FFFFB, v23;
	v22 =	vadd.s32 v22, v25  }
0x3f: {  	v25 =	vmul.u32 $0xCD, v16;
	v34 =	vor.u32 v1, v34;
	v13 =	vadd.s32 v14, v13  }
0x40: {  	v14 =	vshrl.u32 v24, $0x3;
	v24 =	vmul.u32 $0x34, v22;
	v15 =	vadd.s32 v15, v22  }
0x41: {  	v14 =	vand.u32 $0xD0, v14;
	v25 =	vshrl.u32 v25, $0xB;
	v35 =	vadd.s32 v23, v13  }
0x42: {  	v13 =	vmul.u32 $0xCD, v39;
	v23 =	vshrl.u32 v37, $0x3;
	v24 =	vshra.s32 v24, $0x8  }
0x43: {  	v38 =	vmul.u32 $0xFFFFFFF6, v25;
	v22 =	vand.u32 $0xE0, v23;
	v25 =	vmul.u32 $0x5, v25  }
0x44: {  	v35 =	vshll.u32 v35, $0xA;
	v36 =	vor.u32 v24, v14;
	v13 =	vshrl.u32 v13, $0xB  }
0x45: {  	v14 =	vmul.u32 $0x3FFFFB, v24;
	v16 =	vadd.s32 v16, v38;
	v23 =	vmul.u32 $0xFFFFFFF6, v13  }
0x46: {  	v13 =	vmul.u32 $0x5, v13;
	v36 =	vor.u32 v1, v36;
	v24 =	vmul.u32 $0x34, v16  }
0x47: {  	v16 =	vadd.s32 v25, v16;
	v37 =	vadd.s32 v14, v15;
	v14 =	vshrl.u32 v40, $0x3  }
0x48: {  	v23 =	vadd.s32 v39, v23;
	v14 =	vand.u32 $0xE0, v14;
	v37 =	vshll.u32 v37, $0xA  }
0x49: {  	s10 =	sor.u32 $0x130, s1;
	v24 =	vshra.s32 v24, $0x8;
	v25 =	vmul.u32 $0x34, v23;
	v13 =	vadd.s32 v13, v23  }
0x4a: {  	v42 =	vmul.u32 $0x3FFFFB, v24;
	v38 =	vor.u32 v24, v22;
	v24 =	vmov s10  }
0x4b: {  	v37 =	vor.u32 v4, v37;
	v15 =	vshra.s32 v25, $0x8;
	v49 =	vshrl.u32 v24, $0xB  }
0x4c: {  	v24 =	vshrl.u32 v24, $0x3;
	v38 =	vor.u32 v1, v38;
	v39 =	vadd.s32 v42, v16  }
0x4d: {  	v16 =	vshrl.u32 v44, $0xB;
	v25 =	vmul.u32 $0x3FFFFB, v15;
	v23 =	vmul.u32 $0xCD, v49  }
0x4e: {  	v40 =	vor.u32 v15, v14;
	v15 =	vshrl.u32 v41, $0x3;
	v24 =	vand.u32 $0xE0, v24  }
0x4f: {  	v22 =	vmul.u32 $0xFFFFFFF6, v16;
	v16 =	vmul.u32 $0x5, v16;
	v15 =	vand.u32 $0xE0, v15  }
0x50: {  	v39 =	vshll.u32 v39, $0xA;
	v40 =	vor.u32 v1, v40;
	v13 =	vadd.s32 v25, v13  }
0x51: {  	v23 =	vshrl.u32 v23, $0xB;
	v39 =	vor.u32 v2, v39;
	v22 =	vadd.s32 v43, v22  }
0x52: {  	v13 =	vshll.u32 v13, $0xA;
	v25 =	vmul.u32 $0xFFFFFFF6, v23;
	v43 =	vshrl.u32 v51, $0x3  }
0x53: {  	v14 =	vmul.u32 $0x34, v22;
	v16 =	vadd.s32 v16, v22;
	v13 =	vor.u32 v17, v13  }
0x54: {  	s15 =	sor.u32 $0x180, s1;
	v43 =	vand.u32 $0xE0, v43;
	v22 =	vadd.s32 v49, v25;
	v25 =	vshrl.u32 v51, $0xB  }
0x55: {  	v51 =	vmov s15;
	v14 =	vshra.s32 v14, $0x8;
	v42 =	vmul.u32 $0x34, v22  }
0x56: {  	v52 =	vmul.u32 $0xCD, v25;
	v60 =	vshrl.u32 v51, $0xB;
	v50 =	vmul.u32 $0x3FFFFB, v14  }
0x57: {  	v7 =	vshrl.u32 v51, $0x3;
	v41 =	vor.u32 v14, v15;
	v15 =	vshra.s32 v42, $0x8  }
0x58: {  	v41 =	vor.u32 v1, v41;
	v16 =	vadd.s32 v50, v16;
	v42 =	vmul.u32 $0x3FFFFB, v15  }
0x59: {  	v14 =	vshll.u32 v16, $0xA;
	v16 =	vmul.u32 $0x5, v23;
	v23 =	vshrl.u32 v52, $0xB  }
0x5a: {  	s12 =	sor.u32 $0x150, s1;
	v50 =	vshrl.u32 v48, $0xB;
	v44 =	vmul.u32 $0xFFFFFFF6, v23;
	v14 =	vor.u32 v18, v14  }
0x5b: {  	v23 =	vmul.u32 $0x5, v23;
	v16 =	vadd.s32 v16, v22;
	v22 =	vmov s12  }
0x5c: {  	v16 =	vadd.s32 v42, v16;
	v25 =	vadd.s32 v25, v44;
	v53 =	vshrl.u32 v22, $0xB  }
0x5d: {  	v42 =	vor.u32 v15, v24;
	v22 =	vshrl.u32 v22, $0x3;
	v16 =	vshll.u32 v16, $0xA  }
0x5e: {  	s13 =	sor.u32 $0x160, s1;
	v45 =	vmul.u32 $0x34, v25;
	v46 =	vmul.u32 $0xCD, v53;
	v23 =	vadd.s32 v23, v25  }
0x5f: {  	v25 =	vmov s13;
	v22 =	vand.u32 $0xE0, v22;
	v42 =	vor.u32 v1, v42  }
0x60: {  	v15 =	vor.u32 v19, v16;
	v55 =	vshrl.u32 v25, $0xB;
	v25 =	vshrl.u32 v25, $0x3  }
0x61: {  	v16 =	vshra.s32 v45, $0x8;
	v24 =	vshrl.u32 v46, $0xB;
	v47 =	vmul.u32 $0xCD, v55  }
0x62: {  	v45 =	vmul.u32 $0x3FFFFB, v16;
	v46 =	vmul.u32 $0xFFFFFFF6, v24;
	v43 =	vor.u32 v16, v43  }
0x63: {  	v24 =	vmul.u32 $0x5, v24;
	v47 =	vshrl.u32 v47, $0xB;
	v43 =	vor.u32 v1, v43  }
0x64: {  	v23 =	vadd.s32 v45, v23;
	v54 =	vadd.s32 v53, v46;
	v49 =	vmul.u32 $0xFFFFFFF6, v47  }
0x65: {  	v58 =	vmul.u32 $0x5, v47;
	v53 =	vmul.u32 $0xCD, v60;
	v44 =	vmul.u32 $0x34, v54  }
0x66: {  	v16 =	vshll.u32 v23, $0xA;
	v24 =	vadd.s32 v24, v54;
	v54 =	vshrl.u32 v62, $0xB  }
0x67: {  	v16 =	vor.u32 v20, v16;
	v56 =	vadd.s32 v55, v49;
	v23 =	vshra.s32 v44, $0x8  }
0x68: {  	v61 =	vshrl.u32 v53, $0xB;
	v44 =	vor.u32 v23, v22;
	v22 =	vmul.u32 $0xCD, v50  }
0x69: {  	v49 =	vand.u32 $0xF0, v7;
	v46 =	vmul.u32 $0x34, v56;
	v23 =	vmul.u32 $0x3FFFFB, v23  }
0x6a: {  	v6 =	vmul.u32 $0xFFFFFFF6, v61;
	v44 =	vor.u32 v1, v44;
	v57 =	vshrl.u32 v22, $0xB  }
0x6b: {  	v22 =	vadd.s32 v23, v24;
	v23 =	vand.u32 $0xE0, v25;
	v24 =	vmul.u32 $0xFFFFFFF6, v57  }
0x6c: {  	v25 =	vshra.s32 v46, $0x8;
	v46 =	vadd.s32 v58, v56;
	v56 =	vmul.u32 $0xCD, v54  }
0x6d: {  	v59 =	vmul.u32 $0x3FFFFB, v25;
	v45 =	vor.u32 v25, v23;
	v24 =	vadd.s32 v50, v24  }
0x6e: {  	v23 =	vshrl.u32 v48, $0x3;
	v63 =	vmul.u32 $0x5, v57;
	v52 =	vmul.u32 $0x34, v24  }
0x6f: {  	v22 =	vshll.u32 v22, $0xA;
	v23 =	vand.u32 $0xE0, v23;
	v46 =	vadd.s32 v59, v46  }
0x70: {  	v45 =	vor.u32 v1, v45;
	v46 =	vshll.u32 v46, $0xA;
	v25 =	vshra.s32 v52, $0x8  }
0x71: {  	v52 =	vmul.u32 $0x5, v61;
	v61 =	vshrl.u32 v62, $0x3;
	v62 =	vshrl.u32 v11, $0xB  }
0x72: {  	v55 =	vmul.u32 $0x3FFFFB, v25;
	v47 =	vor.u32 v25, v23;
	v23 =	vadd.s32 v63, v24  }
0x73: {  	s18 =	sor.u32 $0x1B0, s1;
	s20 =	sor.u32 $0x1D0, s1;
	v24 =	vadd.s32 v60, v6;
	v25 =	vshrl.u32 v56, $0xB;
	v57 =	vmul.u32 $0xFFFFFFF6, v62  }
0x74: {  	v6 =	vmov s18;
	v53 =	vmul.u32 $0x5, v62;
	v62 =	vmov s20  }
0x75: {  	v8 =	vmul.u32 $0xFFFFFFF6, v25;
	v25 =	vmul.u32 $0x5, v25;
	v7 =	vshrl.u32 v6, $0xB  }
0x76: {  	v47 =	vor.u32 v1, v47;
	v48 =	vadd.s32 v55, v23;
	v23 =	vmul.u32 $0x34, v24  }
0x77: {  	s19 =	sor.u32 $0x1C0, s1;
	v24 =	vadd.s32 v52, v24;
	v63 =	vadd.s32 v10, v57;
	v54 =	vadd.s32 v54, v8  }
0x78: {  	v8 =	vmov s19;
	v53 =	vadd.s32 v53, v63;
	v48 =	vshll.u32 v48, $0xA  }
0x79: {  	v23 =	vshra.s32 v23, $0x8;
	v60 =	vmul.u32 $0x34, v54;
	v25 =	vadd.s32 v25, v54  }
0x7a: {  	v59 =	vshrl.u32 v8, $0xB;
	v55 =	vshrl.u32 v8, $0x3;
	v48 =	vor.u32 v4, v48  }
0x7b: {  	v49 =	vor.u32 v23, v49;
	v23 =	vmul.u32 $0x3FFFFB, v23;
	v55 =	vand.u32 $0xF0, v55  }
0x7c: {  	v56 =	vshra.s32 v60, $0x8;
	v60 =	vmul.u32 $0xCD, v59;
	v49 =	vor.u32 v1, v49  }
0x7d: {  	v50 =	vadd.s32 v23, v24;
	v23 =	vand.u32 $0xF0, v61;
	v24 =	vmul.u32 $0x3FFFFB, v56  }
0x7e: {  	v51 =	vor.u32 v56, v23;
	v11 =	vshrl.u32 v60, $0xB;
	v50 =	vshll.u32 v50, $0xA  }
0x7f: {  	v24 =	vadd.s32 v24, v25;
	v25 =	vmul.u32 $0x34, v63;
	v60 =	vmul.u32 $0xFFFFFFF6, v11  }
0x80: {  	v63 =	vshrl.u32 v62, $0xB;
	v56 =	vmul.u32 $0x5, v11;
	v50 =	vor.u32 v2, v50  }
0x81: {  	v51 =	vor.u32 v1, v51;
	v23 =	vshll.u32 v24, $0xA;
	v24 =	vmul.u32 $0xCD, v7  }
0x82: {  	v17 =	vor.u32 v17, v23;
	v23 =	vshrl.u32 v9, $0x3;
	v25 =	vshra.s32 v25, $0x8  }
0x83: {  	s21 =	sor.u32 $0x1E0, s1;
	s1 =	sor.u32 $0x1F0, s1;
	v54 =	vadd.s32 v59, v60;
	v24 =	vshrl.u32 v24, $0xB;
	v9 =	vmul.u32 $0x3FFFFB, v25  }
0x84: {  	v59 =	vmov s1;
	v23 =	vand.u32 $0xF0, v23;
	v58 =	vmul.u32 $0xFFFFFFF6, v24  }
0x85: {  	v52 =	vor.u32 v25, v23;
	v24 =	vmul.u32 $0x5, v24;
	v23 =	vadd.s32 v9, v53  }
0x86: {  	v52 =	vor.u32 v1, v52;
	v25 =	vadd.s32 v7, v58;
	v23 =	vshll.u32 v23, $0xA  }
0x87: {  	v7 =	vshrl.u32 v59, $0xB;
	v10 =	vmul.u32 $0x34, v25;
	v18 =	vor.u32 v18, v23  }
0x88: {  	v23 =	vshrl.u32 v6, $0x3;
	v24 =	vadd.s32 v24, v25;
	v25 =	vmul.u32 $0x34, v54  }
0x89: {  	v59 =	vshrl.u32 v59, $0x3;
	v54 =	vadd.s32 v56, v54;
	v23 =	vand.u32 $0xF0, v23  }
0x8a: {  	v53 =	vshra.s32 v10, $0x8;
	v25 =	vshra.s32 v25, $0x8;
	v10 =	vmov s21  }
0x8b: {  	v61 =	vmul.u32 $0x3FFFFB, v53;
	v53 =	vor.u32 v53, v23;
	v11 =	vshrl.u32 v10, $0xB  }
0x8c: {  	v8 =	vmul.u32 $0x3FFFFB, v25;
	v5 =	vor.u32 v25, v55;
	v6 =	vmul.u32 $0xCD, v11  }
0x8d: {  	v53 =	vor.u32 v1, v53;
	v23 =	vadd.s32 v61, v24;
	v24 =	vmul.u32 $0xCD, v63  }
0x8e: {  	v61 =	vmul.u32 $0xCD, v7;
	v23 =	vshll.u32 v23, $0xA;
	v58 =	vshrl.u32 v6, $0xB  }
0x8f: {  	v24 =	vshrl.u32 v24, $0xB;
	v19 =	vor.u32 v19, v23;
	v23 =	vadd.s32 v8, v54  }
0x90: {  	v61 =	vshrl.u32 v61, $0xB;
	v54 =	vshrl.u32 v10, $0x3;
	v9 =	vmul.u32 $0xFFFFFFF6, v24  }
0x91: {  	s28 =	simm.s32 $0x5;
	v23 =	vshll.u32 v23, $0xA;
	v24 =	vmul.u32 $0x5, v24;
	v8 =	vmul.u32 $0xFFFFFFF6, v61  }
0x92: {  	s29 =	simm.s32 $0x3;
	s30 =	simm.s32 $0x6;
	s9 =	smul.u32 $0x3C00, s9;
	v54 =	vand.u32 $0xF0, v54;
	v20 =	vor.u32 v20, v23;
	v25 =	vadd.s32 v63, v9  }
0x93: {  	s31 =	simm.s32 $0x4;
	s7 =	rddreg [dreg:$0x2];
	s6 =	smul.u32 $0x1E000, s4;
	v63 =	vshrl.u32 v62, $0x3;
	v62 =	vmul.u32 $0xFFFFFFF6, v58;
	v23 =	vmul.u32 $0x34, v25  }
0x94: {  	s3 =	simm.s32 $0x0;
	s4 =	smul.u32 $0xF0000, s4;
	s8 =	ssub.s32 $0x2, s0;
	v56 =	vadd.s32 v7, v8;
	v58 =	vmul.u32 $0x5, v58;
	v7 =	vmul.u32 $0x5, v61  }
0x95: {  	s0 =	smul.u32 $0x1E00, s0;
	s2 =	sshll.u32 s2, $0x4;
	s16 =	simm.s32 $0x80;
	v57 =	vand.u32 $0xF0, v63;
	v24 =	vadd.s32 v24, v25;
	v23 =	vshra.s32 v23, $0x8  }
0x96: {  	[smem:$0x7FF] =	sst s3;
	s6 =	sadd.s32 s7, s6;
	s4 =	sshrl.u32 s4, $0x3;
	v25 =	vor.u32 $0x50, v2;
	v55 =	vor.u32 v23, v57;
	v23 =	vmul.u32 $0x3FFFFB, v23  }
0x97: {  	s23 =	sadd.s32 s7, s2;
	s2 =	simm.s32 $0x7;
	s24 =	sadd.s32 s7, s4;
	v10 =	vmul.u32 $0x34, v56;
	v21 =	vor.u32 v25, v21;
	v22 =	vor.u32 v25, v22  }
0x98: {  	s4 =	sadd.s32 $0x1D000, s24;
	s17 =	simm.s32 $0x0;
	s5 =	rddreg [dreg:$0x1];
	v56 =	vadd.s32 v7, v56;
	v23 =	vadd.s32 v23, v24;
	v24 =	vadd.s32 v11, v62  }
0x99: {  	s5 =	sadd.s32 $0x400, s5;
	s10 =	sshrl.u32 s8, $0x1;
	s1 =	rddreg [dreg:$0x0];
	v55 =	vor.u32 v1, v55;
	v62 =	vor.u32 $0x60, v2;
	v9 =	vmul.u32 $0x34, v24  }
0x9a: {  	s22 =	ssub.s32 s8, s10;
	_ =	strace $0x80000047;
	[dreg:$0x4] =	wrdreg s5;
	v24 =	vadd.s32 v58, v24;
	v23 =	vshll.u32 v23, $0xA;
	v58 =	vshra.s32 v10, $0x8  }
0x9b: {  	s10 =	smax.u32 s22, $0x1;
	s22 =	simm.s32 $0x9F00;
	[dreg:$0x5] =	wrdreg s6;
	v35 =	vor.u32 v62, v35;
	v46 =	vor.u32 v62, v46;
	v10 =	vand.u32 $0xF0, v59  }
0x9c: {  	s15 =	simm.s32 $0x9;
	s18 =	simm.s32 $0x1F00;
	[dreg:$0x6] =	wrdreg s23;
	v23 =	vor.u32 v25, v23;
	v60 =	vshra.s32 v9, $0x8;
	v9 =	vmul.u32 $0x3FFFFB, v58  }
0x9d: {  	s20 =	simm.s32 $0x5F00;
	s6 =	sadd.s32 s0, s9;
	[dreg:$0x7] =	wrdreg s4;
	v58 =	vor.u32 v58, v10;
	v11 =	vor.u32 v60, v54;
	v6 =	vmul.u32 $0x3FFFFB, v60  }
0x9e: {  	s0 =	sadd.s32 $0x1D800, s24;
	s23 =	simm.s32 $0x1;
	s25 =	sshll.u32 s6, $0x4;
	v54 =	vor.u32 v1, v5;
	v58 =	vor.u32 v1, v58;
	v60 =	vadd.s32 v9, v56  }
0x9f: {  	[dreg:$0x8] =	wrdreg s0;
	s0 =	simm.s32 $0x8;
	s26 =	sadd.s32 s7, s25;
	v56 =	vor.u32 v1, v11;
	v8 =	vadd.s32 v6, v24;
	v24 =	vor.u32 v25, v26  }
0xa0: {  	s25 =	simm.s32 $0xDF00;
	s5 =	sadd.s32 $0x1800, s26;
	s4 =	sadd.s32 $0x1000, s26;
	v25 =	vor.u32 v62, v26;
	v60 =	vshll.u32 v60, $0xA;
	v11 =	vshll.u32 v8, $0xA  }
0xa1: {  	s24 =	sadd.s32 $0x2800, s26;
	s21 =	sadd.s32 $0x2000, s26;
	s26 =	simm.s32 $0x2;
	v26 =	vor.u32 v4, v26;
	v59 =	vor.u32 v4, v60;
	v57 =	vor.u32 v62, v11  }
.LBB2_1:
0xa2: {  	s7 =	rddreg [dreg:$0x4]  }
0xa3: {  	[tilespmem:s3], [sflag:$0x9] =	stream.linear.gather [hbm4b:s7+s3], $0x100, $0x38;
	[tilespmem:$0x11F00] =	vst v63  }
0xa4: {  	_ =	swait.ge [sflag:s15], $0x100  }
0xa5: {  	[sflag:s15] =	ssyncset.done $0x0  }
0xa6: {  	[sflag:s15] =	ssyncadd.s32 $0xFFFFFF00  }
0xa7: {  	v4 =	vld.idx.msk [tilespmem:v3+s3+$0x0], $0xffff  }
0xa8: {  	v5 =	vld [tilespmem:$0x1FF80];
	_ =	sdelay $0x3  }
0xa9: {  	v60 =	vshll.u32 v4, $0x4;
	v4 =	vand.u32 $0x7, v4  }
0xaa: {  	v60 =	vand.u32 $0xFFFFFF80, v60;
	v4 =	vor.u32 v4, v5  }
0xab: {  	v4 =	vor.u32 v60, v4  }
0xac: {  	[tilespmem:$0x100] =	vst v4  }
0xad: {  	v4 =	vld.idx.msk [tilespmem:v3+s3+$0x0], $0xffff  }
0xae: {  	v5 =	vld [tilespmem:$0x1FF90];
	_ =	sdelay $0x3  }
0xaf: {  	v9 =	vshll.u32 v4, $0x4;
	v4 =	vand.u32 $0x7, v4  }
0xb0: {  	v60 =	vand.u32 $0xFFFFFF80, v9;
	v4 =	vor.u32 v4, v5  }
0xb1: {  	v4 =	vor.u32 v60, v4  }
0xb2: {  	[tilespmem:$0x110] =	vst v4  }
0xb3: {  	v4 =	vld.idx.msk [tilespmem:v3+s3+$0x0], $0xffff  }
0xb4: {  	v5 =	vld [tilespmem:$0x1FFA0];
	_ =	sdelay $0x3  }
0xb5: {  	v10 =	vshll.u32 v4, $0x4;
	v4 =	vand.u32 $0x7, v4  }
0xb6: {  	v60 =	vand.u32 $0xFFFFFF80, v10;
	v4 =	vor.u32 v4, v5  }
0xb7: {  	v4 =	vor.u32 v60, v4  }
0xb8: {  	[tilespmem:$0x120] =	vst v4  }
0xb9: {  	v4 =	vld.idx.msk [tilespmem:v3+s3+$0x0], $0xffff  }
0xba: {  	v5 =	vld [tilespmem:$0x1FFB0];
	_ =	sdelay $0x3  }
0xbb: {  	v11 =	vshll.u32 v4, $0x4;
	v4 =	vand.u32 $0x7, v4  }
0xbc: {  	v60 =	vand.u32 $0xFFFFFF80, v11;
	v4 =	vor.u32 v4, v5  }
0xbd: {  	v4 =	vor.u32 v60, v4  }
0xbe: {  	[tilespmem:$0x130] =	vst v4  }
0xbf: {  	v4 =	vld.idx.msk [tilespmem:v3+s3+$0x0], $0xffff  }
0xc0: {  	v5 =	vld [tilespmem:$0x1FFC0];
	_ =	sdelay $0x3  }
0xc1: {  	v8 =	vshll.u32 v4, $0x4;
	v4 =	vand.u32 $0x7, v4  }
0xc2: {  	v60 =	vand.u32 $0xFFFFFF80, v8;
	v4 =	vor.u32 v4, v5  }
0xc3: {  	v4 =	vor.u32 v60, v4  }
0xc4: {  	[tilespmem:$0x140] =	vst v4  }
0xc5: {  	v4 =	vld.idx.msk [tilespmem:v3+s3+$0x0], $0xffff;
	_ =	sdelay $0x4  }
0xc6: {  	v9 =	vshll.u32 v4, $0x4;
	v4 =	vand.u32 $0x7, v4  }
0xc7: {  	v60 =	vand.u32 $0xFFFFFF80, v9;
	v4 =	vor.u32 v4, v24  }
0xc8: {  	v4 =	vor.u32 v60, v4  }
0xc9: {  	[tilespmem:$0x150] =	vst v4  }
0xca: {  	v4 =	vld.idx.msk [tilespmem:v3+s3+$0x0], $0xffff;
	_ =	sdelay $0x4  }
0xcb: {  	v10 =	vshll.u32 v4, $0x4;
	v4 =	vand.u32 $0x7, v4  }
0xcc: {  	v60 =	vand.u32 $0xFFFFFF80, v10;
	v4 =	vor.u32 v4, v25  }
0xcd: {  	v4 =	vor.u32 v60, v4  }
0xce: {  	[tilespmem:$0x160] =	vst v4  }
0xcf: {  	v4 =	vld.idx.msk [tilespmem:v3+s3+$0x0], $0xffff;
	_ =	sdelay $0x4  }
0xd0: {  	v11 =	vshll.u32 v4, $0x4  }
0xd1: {  	v4 =	vand.u32 $0x7, v4;
	v60 =	vor.u32 v11, v26  }
0xd2: {  	v4 =	vor.u32 v4, v60  }
0xd3: {  	s9 =	simm.s32 $0x100;
	[tilespmem:$0x170] =	vst v4  }
0xd4: {  	[tilespmem:s18], [sflag:$0x1] =	stream.indirect.gather [hbm4b:s1+s16], $0x80, s9, s16, $0xb8;
	[tilespmem:$0x11F00] =	vst v63  }
0xd5: {  	v4 =	vld.idx.msk [tilespmem:v27+s3+$0x0], $0xffff;
	_ =	sdelay $0x4  }
0xd6: {  	v8 =	vshll.u32 v4, $0x4;
	v4 =	vand.u32 $0x7, v4  }
0xd7: {  	v60 =	vand.u32 $0xFFFFFF80, v8;
	v4 =	vor.u32 v4, v28  }
0xd8: {  	v4 =	vor.u32 v60, v4  }
0xd9: {  	[tilespmem:$0x180] =	vst v4  }
0xda: {  	v4 =	vld.idx.msk [tilespmem:v29+s3+$0x0], $0xffff  }
0xdb: {  	v5 =	vld [tilespmem:$0x1FFD0];
	_ =	sdelay $0x3  }
0xdc: {  	v9 =	vshll.u32 v4, $0x4;
	v4 =	vand.u32 $0x7, v4  }
0xdd: {  	v60 =	vand.u32 $0xFFFFFF80, v9;
	v4 =	vor.u32 v4, v5  }
0xde: {  	v4 =	vor.u32 v60, v4  }
0xdf: {  	[tilespmem:$0x190] =	vst v4  }
0xe0: {  	v4 =	vld.idx.msk [tilespmem:v30+s3+$0x0], $0xffff  }
0xe1: {  	v5 =	vld [tilespmem:$0x1FFE0];
	_ =	sdelay $0x3  }
0xe2: {  	v10 =	vshll.u32 v4, $0x4;
	v4 =	vand.u32 $0x7, v4  }
0xe3: {  	v60 =	vand.u32 $0xFFFFFF80, v10;
	v4 =	vor.u32 v4, v5  }
0xe4: {  	v4 =	vor.u32 v60, v4  }
0xe5: {  	[tilespmem:$0x1A0] =	vst v4  }
0xe6: {  	v4 =	vld.idx.msk [tilespmem:v31+s3+$0x0], $0xffff  }
0xe7: {  	v5 =	vld [tilespmem:$0x1FFF0];
	_ =	sdelay $0x3  }
0xe8: {  	v11 =	vshll.u32 v4, $0x4;
	v4 =	vand.u32 $0x7, v4  }
0xe9: {  	v60 =	vand.u32 $0xFFFFFF80, v11;
	v4 =	vor.u32 v4, v5  }
0xea: {  	v4 =	vor.u32 v60, v4  }
0xeb: {  	[tilespmem:$0x1B0] =	vst v4  }
0xec: {  	v4 =	vld.idx.msk [tilespmem:v32+s3+$0x0], $0xffff;
	_ =	sdelay $0x4  }
0xed: {  	v8 =	vshll.u32 v4, $0x4;
	v4 =	vand.u32 $0x7, v4  }
0xee: {  	v60 =	vand.u32 $0xFFFFFF80, v8;
	v4 =	vor.u32 v4, v12  }
0xef: {  	v4 =	vor.u32 v60, v4  }
0xf0: {  	[tilespmem:$0x1C0] =	vst v4  }
0xf1: {  	v4 =	vld.idx.msk [tilespmem:v33+s3+$0x0], $0xffff;
	_ =	sdelay $0x4  }
0xf2: {  	v9 =	vshll.u32 v4, $0x4;
	v4 =	vand.u32 $0x7, v4  }
0xf3: {  	v60 =	vand.u32 $0xFFFFFF80, v9;
	v4 =	vor.u32 v4, v21  }
0xf4: {  	v4 =	vor.u32 v60, v4  }
0xf5: {  	[tilespmem:$0x1D0] =	vst v4  }
0xf6: {  	v4 =	vld.idx.msk [tilespmem:v34+s3+$0x0], $0xffff;
	_ =	sdelay $0x4  }
0xf7: {  	v10 =	vshll.u32 v4, $0x4;
	v4 =	vand.u32 $0x7, v4  }
0xf8: {  	v60 =	vand.u32 $0xFFFFFF80, v10;
	v4 =	vor.u32 v4, v35  }
0xf9: {  	v4 =	vor.u32 v60, v4  }
0xfa: {  	[tilespmem:$0x1E0] =	vst v4  }
0xfb: {  	v4 =	vld.idx.msk [tilespmem:v36+s3+$0x0], $0xffff;
	_ =	sdelay $0x4  }
0xfc: {  	v11 =	vshll.u32 v4, $0x4  }
0xfd: {  	v4 =	vand.u32 $0x7, v4;
	v60 =	vor.u32 v11, v37  }
0xfe: {  	v4 =	vor.u32 v4, v60  }
0xff: {  	s11 =	simm.s32 $0x180;
	[tilespmem:$0x1F0] =	vst v4  }
0x100: {  	[tilespmem:s20], [sflag:$0x2] =	stream.indirect.gather [hbm4b:s1+s16], $0x80, s11, s16, $0xb8;
	[tilespmem:$0x11F00] =	vst v63  }
0x101: {  	v4 =	vld.idx.msk [tilespmem:v38+s3+$0x0], $0xffff;
	_ =	sdelay $0x4  }
0x102: {  	v8 =	vshll.u32 v4, $0x4;
	v4 =	vand.u32 $0x7, v4  }
0x103: {  	v60 =	vand.u32 $0xFFFFFF80, v8;
	v4 =	vor.u32 v4, v39  }
0x104: {  	v4 =	vor.u32 v60, v4  }
0x105: {  	[tilespmem:$0x200] =	vst v4  }
0x106: {  	v4 =	vld.idx.msk [tilespmem:v40+s3+$0x0], $0xffff;
	_ =	sdelay $0x4  }
0x107: {  	v9 =	vshll.u32 v4, $0x4;
	v4 =	vand.u32 $0x7, v4  }
0x108: {  	v60 =	vand.u32 $0xFFFFFF80, v9;
	v4 =	vor.u32 v4, v13  }
0x109: {  	v4 =	vor.u32 v60, v4  }
0x10a: {  	[tilespmem:$0x210] =	vst v4  }
0x10b: {  	v4 =	vld.idx.msk [tilespmem:v41+s3+$0x0], $0xffff;
	_ =	sdelay $0x4  }
0x10c: {  	v10 =	vshll.u32 v4, $0x4;
	v4 =	vand.u32 $0x7, v4  }
0x10d: {  	v60 =	vand.u32 $0xFFFFFF80, v10;
	v4 =	vor.u32 v4, v14  }
0x10e: {  	v4 =	vor.u32 v60, v4  }
0x10f: {  	[tilespmem:$0x220] =	vst v4  }
0x110: {  	v4 =	vld.idx.msk [tilespmem:v42+s3+$0x0], $0xffff;
	_ =	sdelay $0x4  }
0x111: {  	v11 =	vshll.u32 v4, $0x4;
	v4 =	vand.u32 $0x7, v4  }
0x112: {  	v60 =	vand.u32 $0xFFFFFF80, v11;
	v4 =	vor.u32 v4, v15  }
0x113: {  	v4 =	vor.u32 v60, v4  }
0x114: {  	[tilespmem:$0x230] =	vst v4  }
0x115: {  	v4 =	vld.idx.msk [tilespmem:v43+s3+$0x0], $0xffff;
	_ =	sdelay $0x4  }
0x116: {  	v8 =	vshll.u32 v4, $0x4;
	v4 =	vand.u32 $0x7, v4  }
0x117: {  	v60 =	vand.u32 $0xFFFFFF80, v8;
	v4 =	vor.u32 v4, v16  }
0x118: {  	v4 =	vor.u32 v60, v4  }
0x119: {  	[tilespmem:$0x240] =	vst v4  }
0x11a: {  	v4 =	vld.idx.msk [tilespmem:v44+s3+$0x0], $0xffff;
	_ =	sdelay $0x4  }
0x11b: {  	v9 =	vshll.u32 v4, $0x4;
	v4 =	vand.u32 $0x7, v4  }
0x11c: {  	v60 =	vand.u32 $0xFFFFFF80, v9;
	v4 =	vor.u32 v4, v22  }
0x11d: {  	v4 =	vor.u32 v60, v4  }
0x11e: {  	[tilespmem:$0x250] =	vst v4  }
0x11f: {  	v4 =	vld.idx.msk [tilespmem:v45+s3+$0x0], $0xffff;
	_ =	sdelay $0x4  }
0x120: {  	v10 =	vshll.u32 v4, $0x4;
	v4 =	vand.u32 $0x7, v4  }
0x121: {  	v60 =	vand.u32 $0xFFFFFF80, v10;
	v4 =	vor.u32 v4, v46  }
0x122: {  	v4 =	vor.u32 v60, v4  }
0x123: {  	[tilespmem:$0x260] =	vst v4  }
0x124: {  	v4 =	vld.idx.msk [tilespmem:v47+s3+$0x0], $0xffff;
	_ =	sdelay $0x4  }
0x125: {  	v11 =	vshll.u32 v4, $0x4  }
0x126: {  	v4 =	vand.u32 $0x7, v4;
	v60 =	vor.u32 v11, v48  }
0x127: {  	v4 =	vor.u32 v4, v60  }
0x128: {  	s12 =	simm.s32 $0x200;
	[tilespmem:$0x270] =	vst v4  }
0x129: {  	[tilespmem:s22], [sflag:$0x3] =	stream.indirect.gather [hbm4b:s1+s16], $0x80, s12, s16, $0xb8;
	[tilespmem:$0x11F00] =	vst v63  }
0x12a: {  	_ =	swait.ge [sflag:s23], $0x4000  }
0x12b: {  	[sflag:s23] =	ssyncset.done $0x0  }
0x12c: {  	s13 =	rddreg [dreg:$0x5];
	[sflag:s23] =	ssyncadd.s32 $0xFFFFC000  }
0x12d: {  	[hbm4b:s13+s3] =	stream.linear.scatter [tilespmem:s18], [sflag:$0x5], $0x4000, $0x38;
	[tilespmem:$0x11F00] =	vst v63  }
0x12e: {  	v4 =	vld.idx.msk [tilespmem:v49+s3+$0x0], $0xffff;
	_ =	sdelay $0x4  }
0x12f: {  	v8 =	vshll.u32 v4, $0x4;
	v4 =	vand.u32 $0x7, v4  }
0x130: {  	v60 =	vand.u32 $0xFFFFFF80, v8;
	v4 =	vor.u32 v4, v50  }
0x131: {  	v4 =	vor.u32 v60, v4  }
0x132: {  	[tilespmem:$0x280] =	vst v4  }
0x133: {  	v4 =	vld.idx.msk [tilespmem:v51+s3+$0x0], $0xffff;
	_ =	sdelay $0x4  }
0x134: {  	v9 =	vshll.u32 v4, $0x4;
	v4 =	vand.u32 $0x7, v4  }
0x135: {  	v60 =	vand.u32 $0xFFFFFF80, v9;
	v4 =	vor.u32 v4, v17  }
0x136: {  	v4 =	vor.u32 v60, v4  }
0x137: {  	[tilespmem:$0x290] =	vst v4  }
0x138: {  	v4 =	vld.idx.msk [tilespmem:v52+s3+$0x0], $0xffff;
	_ =	sdelay $0x4  }
0x139: {  	v10 =	vshll.u32 v4, $0x4;
	v4 =	vand.u32 $0x7, v4  }
0x13a: {  	v60 =	vand.u32 $0xFFFFFF80, v10;
	v4 =	vor.u32 v4, v18  }
0x13b: {  	v4 =	vor.u32 v60, v4  }
0x13c: {  	[tilespmem:$0x2A0] =	vst v4  }
0x13d: {  	v4 =	vld.idx.msk [tilespmem:v53+s3+$0x0], $0xffff;
	_ =	sdelay $0x4  }
0x13e: {  	v11 =	vshll.u32 v4, $0x4;
	v4 =	vand.u32 $0x7, v4  }
0x13f: {  	v60 =	vand.u32 $0xFFFFFF80, v11;
	v4 =	vor.u32 v4, v19  }
0x140: {  	v4 =	vor.u32 v60, v4  }
0x141: {  	[tilespmem:$0x2B0] =	vst v4  }
0x142: {  	v4 =	vld.idx.msk [tilespmem:v54+s3+$0x0], $0xffff;
	_ =	sdelay $0x4  }
0x143: {  	v8 =	vshll.u32 v4, $0x4;
	v4 =	vand.u32 $0x7, v4  }
0x144: {  	v60 =	vand.u32 $0xFFFFFF80, v8;
	v4 =	vor.u32 v4, v20  }
0x145: {  	v4 =	vor.u32 v60, v4  }
0x146: {  	[tilespmem:$0x2C0] =	vst v4  }
0x147: {  	v4 =	vld.idx.msk [tilespmem:v55+s3+$0x0], $0xffff;
	_ =	sdelay $0x4  }
0x148: {  	v9 =	vshll.u32 v4, $0x4;
	v4 =	vand.u32 $0x7, v4  }
0x149: {  	v60 =	vand.u32 $0xFFFFFF80, v9;
	v4 =	vor.u32 v4, v23  }
0x14a: {  	v4 =	vor.u32 v60, v4  }
0x14b: {  	[tilespmem:$0x2D0] =	vst v4  }
0x14c: {  	v4 =	vld.idx.msk [tilespmem:v56+s3+$0x0], $0xffff;
	_ =	sdelay $0x4  }
0x14d: {  	v10 =	vshll.u32 v4, $0x4;
	v4 =	vand.u32 $0x7, v4  }
0x14e: {  	v60 =	vand.u32 $0xFFFFFF80, v10;
	v4 =	vor.u32 v4, v57  }
0x14f: {  	v4 =	vor.u32 v60, v4  }
0x150: {  	[tilespmem:$0x2E0] =	vst v4  }
0x151: {  	v4 =	vld.idx.msk [tilespmem:v58+s3+$0x0], $0xffff;
	_ =	sdelay $0x4  }
0x152: {  	v11 =	vshll.u32 v4, $0x4  }
0x153: {  	v4 =	vand.u32 $0x7, v4;
	v60 =	vor.u32 v11, v59  }
0x154: {  	v4 =	vor.u32 v4, v60  }
0x155: {  	s14 =	simm.s32 $0x280;
	[tilespmem:$0x2F0] =	vst v4  }
0x156: {  	[tilespmem:s25], [sflag:$0x4] =	stream.indirect.gather [hbm4b:s1+s16], $0x80, s14, s16, $0xb8;
	[tilespmem:$0x11F00] =	vst v63  }
0x157: {  	_ =	swait.ge [sflag:s26], $0x4000  }
0x158: {  	s7 =	simm.s32 $0x0;
	s11 =	smov.u32 s5;
	[sflag:s26] =	ssyncset.done $0x0  }
0x159: {  	s12 =	smov.u32 s4;
	s19 =	rddreg [dreg:$0x6];
	[sflag:s26] =	ssyncadd.s32 $0xFFFFC000  }
0x15a: {  	[hbm4b:s19+s3] =	stream.linear.scatter [tilespmem:s20], [sflag:$0x6], $0x4000, $0x38;
	[tilespmem:$0x11F00] =	vst v63  }
0x15b: {  	s13 =	smov.u32 s24;
	s14 =	smov.u32 s21;
	s19 =	simm.s32 $0x300  }
.LBB2_2:
0x15c: {  	s8 =	sadd.s32 s7, s6  }
0x15d: {  	s9 =	sadd.s32 $0x200, s8  }
0x15e: {  	v4 =	vmov s9  }
0x15f: {  	v60 =	vshrl.u32 v4, $0xB  }
0x160: {  	v61 =	vmul.u32 $0xCD, v60;
	_ =	sdelay $0x1  }
0x161: {  	v61 =	vshrl.u32 v61, $0xB  }
0x162: {  	v62 =	vmul.u32 $0xFFFFFFF6, v61;
	_ =	sdelay $0x1  }
0x163: {  	v60 =	vadd.s32 v60, v62  }
0x164: {  	v62 =	vmul.u32 $0x34, v60  }
0x165: {  	s9 =	sadd.s32 $0x210, s8;
	v4 =	vshrl.u32 v4, $0x3  }
0x166: {  	v63 =	vmov s9;
	v4 =	vand.u32 $0xC0, v4;
	v62 =	vshra.s32 v62, $0x8  }
0x167: {  	v5 =	vshrl.u32 v63, $0xB;
	v4 =	vor.u32 v62, v4  }
0x168: {  	v6 =	vmul.u32 $0xCD, v5;
	v4 =	vor.u32 v1, v4;
	_ =	sdelay $0x1  }
0x169: {  	_ =	swait.ge [sflag:s28], $0x4000;
	v6 =	vshrl.u32 v6, $0xB  }
0x16a: {  	[sflag:s28] =	ssyncset.done $0x0;
	v61 =	vmul.u32 $0x5, v61;
	v9 =	vmul.u32 $0xFFFFFFF6, v6  }
0x16b: {  	[sflag:s28] =	ssyncadd.s32 $0xFFFFC000;
	v62 =	vmul.u32 $0x3FFFFB, v62  }
0x16c: {  	v10 =	vshrl.u32 v63, $0x4;
	v60 =	vadd.s32 v61, v60;
	v5 =	vadd.s32 v5, v9;
	v4 =	vld.idx.msk [tilespmem:v4+s3+$0x0], $0xffff  }
0x16d: {  	v7 =	vmul.u32 $0x34, v5;
	v60 =	vadd.s32 v62, v60;
	v62 =	vor.u32 s9, v0  }
0x16e: {  	v61 =	vand.u32 $0x60, v10;
	s9 =	sadd.s32 $0x220, s8;
	v63 =	vand.u32 $0x7, v62  }
0x16f: {  	v7 =	vshra.s32 v7, $0x8;
	v61 =	vor.u32 v63, v61;
	v63 =	vmov s9  }
0x170: {  	v60 =	vshll.u32 v60, $0xA;
	v61 =	vshll.u32 v61, $0x1;
	v9 =	vshrl.u32 v63, $0xB  }
0x171: {  	v61 =	vor.u32 v61, v7;
	v8 =	vshll.u32 v4, $0x4;
	v4 =	vand.u32 $0x7, v4  }
0x172: {  	v11 =	vmul.u32 $0xCD, v9;
	v8 =	vand.u32 $0xFFFFFF80, v8;
	v4 =	vor.u32 v4, v60  }
0x173: {  	v6 =	vmul.u32 $0x5, v6;
	v4 =	vor.u32 v8, v4  }
0x174: {  	v8 =	vshrl.u32 v11, $0xB;
	v4 =	vor.u32 v2, v4  }
0x175: {  	v7 =	vmul.u32 $0x3FFFFB, v7;
	[tilespmem:s19+$0x0] =	vst v4;
	v4 =	vadd.s32 v6, v5;
	v5 =	vmul.u32 $0xFFFFFFF6, v8  }
0x176: {  	v62 =	vand.u32 $0x78, v62;
	v6 =	vld.idx.msk [tilespmem:v61+s3+$0x0], $0xffff  }
0x177: {  	v4 =	vadd.s32 v7, v4;
	v7 =	vor.u32 s9, v0;
	v5 =	vadd.s32 v9, v5  }
0x178: {  	v9 =	vshrl.u32 v63, $0x4;
	v4 =	vshll.u32 v4, $0xA;
	v61 =	vmul.u32 $0x34, v5  }
0x179: {  	s9 =	sadd.s32 $0x230, s8;
	v60 =	vand.u32 $0x7, v7;
	v9 =	vand.u32 $0x60, v9;
	v4 =	vor.u32 v62, v4  }
0x17a: {  	v9 =	vor.u32 v60, v9;
	v60 =	vshra.s32 v61, $0x8;
	v61 =	vmov s9  }
0x17b: {  	v9 =	vshll.u32 v9, $0x1;
	v63 =	vshll.u32 v6, $0x4;
	v10 =	vshrl.u32 v61, $0xB  }
0x17c: {  	v9 =	vor.u32 v9, v60;
	v6 =	vand.u32 $0x7, v6;
	v62 =	vmul.u32 $0xCD, v10  }
0x17d: {  	v63 =	vand.u32 $0xFFFFFF80, v63;
	v4 =	vor.u32 v6, v4;
	v6 =	vmul.u32 $0x5, v8  }
0x17e: {  	v8 =	vmul.u32 $0x3FFFFB, v60;
	v4 =	vor.u32 v63, v4;
	v60 =	vshrl.u32 v62, $0xB  }
0x17f: {  	[tilespmem:s19+$0x10] =	vst v4;
	v4 =	vadd.s32 v6, v5;
	v5 =	vmul.u32 $0xFFFFFFF6, v60  }
0x180: {  	v63 =	vshrl.u32 v61, $0x4  }
0x181: {  	v4 =	vadd.s32 v8, v4;
	v8 =	vor.u32 s9, v0;
	v6 =	vld.idx.msk [tilespmem:v9+s3+$0x0], $0xffff;
	v5 =	vadd.s32 v10, v5  }
0x182: {  	v9 =	vand.u32 $0x60, v63;
	v10 =	vand.u32 $0x7, v8;
	v61 =	vmul.u32 $0x34, v5  }
0x183: {  	v7 =	vand.u32 $0x78, v7;
	s9 =	sadd.s32 $0x240, s8;
	v4 =	vshll.u32 v4, $0xA;
	v9 =	vor.u32 v10, v9  }
0x184: {  	v9 =	vshll.u32 v9, $0x1;
	v10 =	vshra.s32 v61, $0x8;
	v61 =	vmov s9  }
0x185: {  	v4 =	vor.u32 v7, v4;
	v9 =	vor.u32 v9, v10;
	v63 =	vshrl.u32 v61, $0xB  }
0x186: {  	v62 =	vshll.u32 v6, $0x4;
	v6 =	vand.u32 $0x7, v6;
	v7 =	vmul.u32 $0xCD, v63  }
0x187: {  	v60 =	vmul.u32 $0x5, v60;
	v62 =	vand.u32 $0xFFFFFF80, v62;
	v4 =	vor.u32 v6, v4  }
0x188: {  	v4 =	vor.u32 v62, v4;
	v7 =	vshrl.u32 v7, $0xB  }
0x189: {  	v10 =	vmul.u32 $0x3FFFFB, v10;
	[tilespmem:s19+$0x20] =	vst v4;
	v4 =	vadd.s32 v60, v5;
	v5 =	vmul.u32 $0xFFFFFFF6, v7  }
0x18a: {  	v8 =	vand.u32 $0x78, v8;
	v6 =	vld.idx.msk [tilespmem:v9+s3+$0x0], $0xffff  }
0x18b: {  	v4 =	vadd.s32 v10, v4;
	v10 =	vshrl.u32 v61, $0x4;
	v5 =	vadd.s32 v63, v5  }
0x18c: {  	v9 =	vor.u32 s9, v0;
	v4 =	vshll.u32 v4, $0xA;
	v61 =	vmul.u32 $0x34, v5  }
0x18d: {  	v10 =	vand.u32 $0x60, v10;
	s9 =	sadd.s32 $0x250, s8;
	v60 =	vand.u32 $0x7, v9;
	v4 =	vor.u32 v8, v4  }
0x18e: {  	v10 =	vor.u32 v60, v10;
	v60 =	vshra.s32 v61, $0x8;
	v61 =	vmov s9  }
0x18f: {  	v10 =	vshll.u32 v10, $0x1;
	v62 =	vshll.u32 v6, $0x4;
	v63 =	vshrl.u32 v61, $0xB  }
0x190: {  	v10 =	vor.u32 v10, v60;
	v6 =	vand.u32 $0x7, v6;
	v8 =	vmul.u32 $0xCD, v63  }
0x191: {  	v62 =	vand.u32 $0xFFFFFF80, v62;
	v4 =	vor.u32 v6, v4;
	v6 =	vmul.u32 $0x5, v7  }
0x192: {  	v4 =	vor.u32 v62, v4;
	v8 =	vshrl.u32 v8, $0xB  }
0x193: {  	v7 =	vor.u32 s9, v0;
	[tilespmem:s19+$0x30] =	vst v4;
	v4 =	vadd.s32 v6, v5;
	v5 =	vmul.u32 $0xFFFFFFF6, v8  }
0x194: {  	v62 =	vmul.u32 $0x3FFFFB, v60;
	v60 =	vand.u32 $0x7, v7  }
0x195: {  	v6 =	vand.u32 $0x78, v9;
	v9 =	vld.idx.msk [tilespmem:v10+s3+$0x0], $0xffff;
	v10 =	vshrl.u32 v61, $0x4;
	v5 =	vadd.s32 v63, v5  }
0x196: {  	s9 =	sadd.s32 $0x260, s8;
	v4 =	vadd.s32 v62, v4;
	v10 =	vand.u32 $0x60, v10;
	v61 =	vmul.u32 $0x34, v5  }
0x197: {  	v4 =	vshll.u32 v4, $0xA;
	v10 =	vor.u32 v60, v10;
	v60 =	vmov s9  }
0x198: {  	v10 =	vshll.u32 v10, $0x1;
	v62 =	vshrl.u32 v60, $0xB;
	v61 =	vshra.s32 v61, $0x8  }
0x199: {  	v4 =	vor.u32 v6, v4;
	v11 =	vmul.u32 $0xCD, v62;
	v10 =	vor.u32 v10, v61  }
0x19a: {  	v6 =	vmul.u32 $0x5, v8;
	v63 =	vshll.u32 v9, $0x4;
	v9 =	vand.u32 $0x7, v9  }
0x19b: {  	v63 =	vand.u32 $0xFFFFFF80, v63;
	v4 =	vor.u32 v9, v4;
	v8 =	vshrl.u32 v11, $0xB  }
0x19c: {  	v4 =	vor.u32 v63, v4;
	v63 =	vmul.u32 $0xFFFFFFF6, v8  }
0x19d: {  	v5 =	vadd.s32 v6, v5;
	v11 =	vshrl.u32 v60, $0x4;
	[tilespmem:s19+$0x40] =	vst v4;
	v4 =	vand.u32 $0x78, v7  }
0x19e: {  	v7 =	vmul.u32 $0x3FFFFB, v61;
	v9 =	vadd.s32 v62, v63;
	v6 =	vld.idx.msk [tilespmem:v10+s3+$0x0], $0xffff;
	v10 =	vor.u32 s9, v0  }
0x19f: {  	v11 =	vand.u32 $0x60, v11;
	v61 =	vmul.u32 $0x34, v9;
	s9 =	sadd.s32 $0x270, s8;
	v60 =	vand.u32 $0x7, v10  }
0x1a0: {  	v5 =	vadd.s32 v7, v5;
	v7 =	vor.u32 v60, v11;
	v11 =	vmov s9  }
0x1a1: {  	v60 =	vshra.s32 v61, $0x8;
	v7 =	vshll.u32 v7, $0x1;
	v61 =	vshrl.u32 v11, $0xB  }
0x1a2: {  	v5 =	vshll.u32 v5, $0xA;
	v7 =	vor.u32 v7, v60;
	v62 =	vmul.u32 $0xCD, v61  }
0x1a3: {  	v4 =	vor.u32 v4, v5;
	v63 =	vshll.u32 v6, $0x4;
	v6 =	vand.u32 $0x7, v6  }
0x1a4: {  	v5 =	vand.u32 $0xFFFFFF80, v63;
	v4 =	vor.u32 v6, v4;
	v6 =	vshrl.u32 v62, $0xB  }
0x1a5: {  	v4 =	vor.u32 v5, v4;
	v5 =	vmul.u32 $0xFFFFFFF6, v6  }
0x1a6: {  	v8 =	vmul.u32 $0x5, v8;
	v11 =	vshrl.u32 v11, $0x4;
	[tilespmem:s19+$0x50] =	vst v4  }
0x1a7: {  	v4 =	vmul.u32 $0x3FFFFB, v60;
	v60 =	vor.u32 s9, v0;
	v7 =	vld.idx.msk [tilespmem:v7+s3+$0x0], $0xffff;
	v5 =	vadd.s32 v61, v5  }
0x1a8: {  	v11 =	vand.u32 $0x60, v11;
	v61 =	vand.u32 $0x7, v60;
	v62 =	vmul.u32 $0x34, v5  }
0x1a9: {  	v8 =	vadd.s32 v8, v9;
	v61 =	vor.u32 v61, v11  }
0x1aa: {  	v4 =	vadd.s32 v4, v8;
	v9 =	vshll.u32 v61, $0x1;
	v62 =	vshra.s32 v62, $0x8  }
0x1ab: {  	v10 =	vand.u32 $0x78, v10;
	v4 =	vshll.u32 v4, $0xA;
	v9 =	vor.u32 v9, v62  }
0x1ac: {  	v4 =	vor.u32 v10, v4;
	v63 =	vshll.u32 v7, $0x4;
	v7 =	vand.u32 $0x7, v7  }
0x1ad: {  	v61 =	vand.u32 $0xFFFFFF80, v63;
	v4 =	vor.u32 v7, v4  }
0x1ae: {  	v4 =	vor.u32 v61, v4  }
0x1af: {  	s9 =	sadd.s32 $0x280, s8;
	[tilespmem:s19+$0x60] =	vst v4  }
0x1b0: {  	v6 =	vmul.u32 $0x5, v6;
	v7 =	vmov s9;
	v4 =	vld.idx.msk [tilespmem:v9+s3+$0x0], $0xffff  }
0x1b1: {  	v8 =	vmul.u32 $0x3FFFFB, v62;
	v9 =	vshrl.u32 v7, $0xB  }
0x1b2: {  	v5 =	vadd.s32 v6, v5;
	v62 =	vmul.u32 $0xCD, v9  }
0x1b3: {  	v5 =	vadd.s32 v8, v5  }
0x1b4: {  	v63 =	vand.u32 $0x78, v60;
	v5 =	vshll.u32 v5, $0xA;
	v6 =	vshrl.u32 v62, $0xB  }
0x1b5: {  	v5 =	vor.u32 v63, v5;
	v61 =	vmul.u32 $0xFFFFFFF6, v6;
	v60 =	vshll.u32 v4, $0x4  }
0x1b6: {  	v4 =	vand.u32 $0x7, v4;
	v5 =	vor.u32 v60, v5  }
0x1b7: {  	v4 =	vor.u32 v4, v5;
	v5 =	vadd.s32 v9, v61  }
0x1b8: {  	s9 =	sadd.s32 $0x290, s8;
	[tilespmem:s19+$0x70] =	vst v4;
	v4 =	vmul.u32 $0x34, v5  }
0x1b9: {  	v7 =	vshrl.u32 v7, $0x3;
	v62 =	vmov s9;
	[tilespmem:s18], [sflag:$0x1] =	stream.indirect.gather [hbm4b:s1+s16], $0x80, s19, s16, $0xb8;
	[tilespmem:$0x11F00] =	vst v63  }
0x1ba: {  	v7 =	vand.u32 $0xD0, v7;
	v63 =	vshrl.u32 v62, $0xB;
	_ =	swait.ge [sflag:s29], $0x4000;
	v4 =	vshra.s32 v4, $0x8  }
0x1bb: {  	v60 =	vmul.u32 $0xCD, v63;
	[sflag:s29] =	ssyncset.done $0x0;
	v7 =	vor.u32 v4, v7  }
0x1bc: {  	[sflag:s29] =	ssyncadd.s32 $0xFFFFC000;
	v7 =	vor.u32 v1, v7  }
0x1bd: {  	v10 =	vshrl.u32 v60, $0xB;
	[hbm4b:s12+s3] =	stream.linear.scatter [tilespmem:s22], [sflag:$0x7], $0x4000, $0x38;
	[tilespmem:$0x11F00] =	vst v63  }
0x1be: {  	v6 =	vmul.u32 $0x5, v6;
	v61 =	vmul.u32 $0xFFFFFFF6, v10;
	_ =	swait.ge [sflag:s30], $0x4000  }
0x1bf: {  	v4 =	vmul.u32 $0x3FFFFB, v4;
	[sflag:s30] =	ssyncset.done $0x0  }
0x1c0: {  	v8 =	vshrl.u32 v62, $0x4;
	v5 =	vadd.s32 v6, v5;
	v6 =	vadd.s32 v63, v61;
	[sflag:s30] =	ssyncadd.s32 $0xFFFFC000  }
0x1c1: {  	v11 =	vmul.u32 $0x34, v6;
	v4 =	vadd.s32 v4, v5;
	v5 =	vor.u32 s9, v0;
	v7 =	vld.idx.msk [tilespmem:v7+s3+$0x0], $0xffff  }
0x1c2: {  	v8 =	vand.u32 $0x68, v8;
	s9 =	sadd.s32 $0x2A0, s8;
	v9 =	vand.u32 $0x7, v5  }
0x1c3: {  	v8 =	vor.u32 v9, v8;
	v9 =	vshra.s32 v11, $0x8;
	v11 =	vmov s9  }
0x1c4: {  	v61 =	vshrl.u32 v11, $0xB  }
0x1c5: {  	v4 =	vshll.u32 v4, $0xA;
	v8 =	vshll.u32 v8, $0x1;
	v62 =	vmul.u32 $0xCD, v61  }
0x1c6: {  	v8 =	vor.u32 v8, v9;
	v60 =	vshll.u32 v7, $0x4;
	v7 =	vand.u32 $0x7, v7  }
0x1c7: {  	v60 =	vand.u32 $0xFFFFFF80, v60;
	v4 =	vor.u32 v7, v4;
	v7 =	vshrl.u32 v62, $0xB  }
0x1c8: {  	v10 =	vmul.u32 $0x5, v10;
	v4 =	vor.u32 v60, v4;
	v63 =	vmul.u32 $0xFFFFFFF6, v7  }
0x1c9: {  	v9 =	vmul.u32 $0x3FFFFB, v9;
	v60 =	vshrl.u32 v11, $0x4;
	v4 =	vor.u32 v2, v4  }
0x1ca: {  	[tilespmem:s19+$0x80] =	vst v4;
	v4 =	vadd.s32 v10, v6;
	v6 =	vadd.s32 v61, v63;
	v10 =	vand.u32 $0x68, v60  }
0x1cb: {  	v8 =	vld.idx.msk [tilespmem:v8+s3+$0x0], $0xffff;
	v4 =	vadd.s32 v9, v4;
	v9 =	vor.u32 s9, v0;
	v60 =	vmul.u32 $0x34, v6  }
0x1cc: {  	v5 =	vand.u32 $0x78, v5;
	s9 =	sadd.s32 $0x2B0, s8;
	v11 =	vand.u32 $0x7, v9  }
0x1cd: {  	v10 =	vor.u32 v11, v10;
	v11 =	vshra.s32 v60, $0x8;
	v60 =	vmov s9  }
0x1ce: {  	v4 =	vshll.u32 v4, $0xA;
	v10 =	vshll.u32 v10, $0x1;
	v62 =	vshrl.u32 v60, $0xB  }
0x1cf: {  	v4 =	vor.u32 v5, v4;
	v10 =	vor.u32 v10, v11;
	v5 =	vmul.u32 $0xCD, v62  }
0x1d0: {  	v61 =	vshll.u32 v8, $0x4;
	v8 =	vand.u32 $0x7, v8  }
0x1d1: {  	v61 =	vand.u32 $0xFFFFFF80, v61;
	v4 =	vor.u32 v8, v4;
	v5 =	vshrl.u32 v5, $0xB  }
0x1d2: {  	v7 =	vmul.u32 $0x5, v7;
	v4 =	vor.u32 v61, v4;
	v63 =	vmul.u32 $0xFFFFFFF6, v5  }
0x1d3: {  	v60 =	vshrl.u32 v60, $0x4;
	v8 =	vor.u32 s9, v0;
	v61 =	vmul.u32 $0x3FFFFB, v11;
	[tilespmem:s19+$0x90] =	vst v4  }
0x1d4: {  	v11 =	vand.u32 $0x7, v8;
	v4 =	vadd.s32 v7, v6;
	v7 =	vld.idx.msk [tilespmem:v10+s3+$0x0], $0xffff;
	v6 =	vadd.s32 v62, v63  }
0x1d5: {  	v4 =	vadd.s32 v61, v4;
	v10 =	vand.u32 $0x68, v60;
	v60 =	vmul.u32 $0x34, v6  }
0x1d6: {  	v9 =	vand.u32 $0x78, v9;
	s9 =	sadd.s32 $0x2C0, s8;
	v4 =	vshll.u32 v4, $0xA;
	v10 =	vor.u32 v11, v10  }
0x1d7: {  	v10 =	vshll.u32 v10, $0x1;
	v11 =	vshra.s32 v60, $0x8;
	v60 =	vmov s9  }
0x1d8: {  	v4 =	vor.u32 v9, v4;
	v10 =	vor.u32 v10, v11;
	v62 =	vshrl.u32 v60, $0xB  }
0x1d9: {  	v61 =	vshll.u32 v7, $0x4;
	v7 =	vand.u32 $0x7, v7;
	v9 =	vmul.u32 $0xCD, v62  }
0x1da: {  	v5 =	vmul.u32 $0x5, v5;
	v61 =	vand.u32 $0xFFFFFF80, v61;
	v4 =	vor.u32 v7, v4  }
0x1db: {  	v4 =	vor.u32 v61, v4;
	v9 =	vshrl.u32 v9, $0xB  }
0x1dc: {  	v61 =	vmul.u32 $0x3FFFFB, v11;
	[tilespmem:s19+$0xA0] =	vst v4;
	v4 =	vadd.s32 v5, v6;
	v5 =	vmul.u32 $0xFFFFFFF6, v9  }
0x1dd: {  	v8 =	vand.u32 $0x78, v8;
	v6 =	vld.idx.msk [tilespmem:v10+s3+$0x0], $0xffff  }
0x1de: {  	v7 =	vor.u32 s9, v0;
	v4 =	vadd.s32 v61, v4;
	v5 =	vadd.s32 v62, v5  }
0x1df: {  	v62 =	vshrl.u32 v60, $0x4;
	v4 =	vshll.u32 v4, $0xA;
	v60 =	vmul.u32 $0x34, v5  }
0x1e0: {  	s9 =	sadd.s32 $0x2D0, s8;
	v11 =	vand.u32 $0x7, v7;
	v10 =	vand.u32 $0x68, v62;
	v4 =	vor.u32 v8, v4  }
0x1e1: {  	v10 =	vor.u32 v11, v10;
	v11 =	vshra.s32 v60, $0x8;
	v60 =	vmov s9  }
0x1e2: {  	v10 =	vshll.u32 v10, $0x1;
	v61 =	vshll.u32 v6, $0x4;
	v62 =	vshrl.u32 v60, $0xB  }
0x1e3: {  	v10 =	vor.u32 v10, v11;
	v6 =	vand.u32 $0x7, v6;
	v8 =	vmul.u32 $0xCD, v62  }
0x1e4: {  	v61 =	vand.u32 $0xFFFFFF80, v61;
	v4 =	vor.u32 v6, v4;
	v6 =	vmul.u32 $0x5, v9  }
0x1e5: {  	v4 =	vor.u32 v61, v4;
	v8 =	vshrl.u32 v8, $0xB  }
0x1e6: {  	[tilespmem:s19+$0xB0] =	vst v4;
	v4 =	vadd.s32 v6, v5;
	v5 =	vmul.u32 $0xFFFFFFF6, v8  }
0x1e7: {  	v63 =	vmul.u32 $0x3FFFFB, v11;
	v9 =	vor.u32 s9, v0;
	v61 =	vshrl.u32 v60, $0x4  }
0x1e8: {  	v11 =	vand.u32 $0x7, v9;
	v6 =	vand.u32 $0x78, v7;
	v7 =	vld.idx.msk [tilespmem:v10+s3+$0x0], $0xffff;
	v5 =	vadd.s32 v62, v5  }
0x1e9: {  	s9 =	sadd.s32 $0x2E0, s8;
	v4 =	vadd.s32 v63, v4;
	v10 =	vand.u32 $0x68, v61;
	v60 =	vmul.u32 $0x34, v5  }
0x1ea: {  	v4 =	vshll.u32 v4, $0xA;
	v10 =	vor.u32 v11, v10;
	v11 =	vmov s9  }
0x1eb: {  	v10 =	vshll.u32 v10, $0x1;
	v61 =	vshrl.u32 v11, $0xB;
	v60 =	vshra.s32 v60, $0x8  }
0x1ec: {  	v4 =	vor.u32 v6, v4;
	v63 =	vmul.u32 $0xCD, v61;
	v10 =	vor.u32 v10, v60  }
0x1ed: {  	v6 =	vmul.u32 $0x5, v8;
	v62 =	vshll.u32 v7, $0x4;
	v7 =	vand.u32 $0x7, v7  }
0x1ee: {  	v62 =	vand.u32 $0xFFFFFF80, v62;
	v4 =	vor.u32 v7, v4;
	v7 =	vshrl.u32 v63, $0xB  }
0x1ef: {  	v4 =	vor.u32 v62, v4;
	v62 =	vmul.u32 $0xFFFFFFF6, v7  }
0x1f0: {  	v11 =	vshrl.u32 v11, $0x4;
	v5 =	vadd.s32 v6, v5;
	[tilespmem:s19+$0xC0] =	vst v4;
	v4 =	vand.u32 $0x78, v9  }
0x1f1: {  	v9 =	vmul.u32 $0x3FFFFB, v60;
	v8 =	vadd.s32 v61, v62;
	v6 =	vld.idx.msk [tilespmem:v10+s3+$0x0], $0xffff;
	v10 =	vor.u32 s9, v0  }
0x1f2: {  	v11 =	vand.u32 $0x68, v11;
	v61 =	vmul.u32 $0x34, v8;
	s9 =	sadd.s32 $0x2F0, s8;
	v60 =	vand.u32 $0x7, v10  }
0x1f3: {  	v5 =	vadd.s32 v9, v5;
	v9 =	vor.u32 v60, v11;
	v11 =	vmov s9  }
0x1f4: {  	v60 =	vshra.s32 v61, $0x8;
	v9 =	vshll.u32 v9, $0x1;
	v61 =	vshrl.u32 v11, $0xB  }
0x1f5: {  	v5 =	vshll.u32 v5, $0xA;
	v9 =	vor.u32 v9, v60;
	v62 =	vmul.u32 $0xCD, v61  }
0x1f6: {  	v4 =	vor.u32 v4, v5;
	v63 =	vshll.u32 v6, $0x4;
	v6 =	vand.u32 $0x7, v6  }
0x1f7: {  	v5 =	vand.u32 $0xFFFFFF80, v63;
	v4 =	vor.u32 v6, v4;
	v6 =	vshrl.u32 v62, $0xB  }
0x1f8: {  	v4 =	vor.u32 v5, v4;
	v5 =	vmul.u32 $0xFFFFFFF6, v6  }
0x1f9: {  	v7 =	vmul.u32 $0x5, v7;
	v11 =	vshrl.u32 v11, $0x4;
	[tilespmem:s19+$0xD0] =	vst v4  }
0x1fa: {  	v4 =	vmul.u32 $0x3FFFFB, v60;
	v60 =	vor.u32 s9, v0;
	v9 =	vld.idx.msk [tilespmem:v9+s3+$0x0], $0xffff;
	v5 =	vadd.s32 v61, v5  }
0x1fb: {  	v11 =	vand.u32 $0x68, v11;
	v61 =	vand.u32 $0x7, v60;
	v62 =	vmul.u32 $0x34, v5  }
0x1fc: {  	v7 =	vadd.s32 v7, v8;
	v63 =	vor.u32 v61, v11  }
0x1fd: {  	v4 =	vadd.s32 v4, v7;
	v8 =	vshll.u32 v63, $0x1;
	v61 =	vshra.s32 v62, $0x8  }
0x1fe: {  	v10 =	vand.u32 $0x78, v10;
	v4 =	vshll.u32 v4, $0xA;
	v8 =	vor.u32 v8, v61  }
0x1ff: {  	v4 =	vor.u32 v10, v4;
	v62 =	vshll.u32 v9, $0x4;
	v9 =	vand.u32 $0x7, v9  }
0x200: {  	v63 =	vand.u32 $0xFFFFFF80, v62;
	v4 =	vor.u32 v9, v4  }
0x201: {  	v4 =	vor.u32 v63, v4  }
0x202: {  	[tilespmem:s19+$0xE0] =	vst v4  }
0x203: {  	v6 =	vmul.u32 $0x5, v6;
	v4 =	vld.idx.msk [tilespmem:v8+s3+$0x0], $0xffff  }
0x204: {  	s9 =	sadd.s32 $0x300, s8;
	v7 =	vmul.u32 $0x3FFFFB, v61  }
0x205: {  	v5 =	vadd.s32 v6, v5;
	v8 =	vmov s9  }
0x206: {  	v5 =	vadd.s32 v7, v5;
	v9 =	vshrl.u32 v8, $0xB  }
0x207: {  	v62 =	vand.u32 $0x78, v60;
	v5 =	vshll.u32 v5, $0xA;
	v61 =	vmul.u32 $0xCD, v9  }
0x208: {  	v5 =	vor.u32 v62, v5;
	v63 =	vshll.u32 v4, $0x4  }
0x209: {  	v6 =	vshrl.u32 v61, $0xB;
	v4 =	vand.u32 $0x7, v4;
	v5 =	vor.u32 v63, v5  }
0x20a: {  	v60 =	vmul.u32 $0xFFFFFFF6, v6;
	v4 =	vor.u32 v4, v5  }
0x20b: {  	s9 =	sadd.s32 $0x80, s19;
	[tilespmem:s19+$0xF0] =	vst v4  }
0x20c: {  	v5 =	vadd.s32 v9, v60;
	[tilespmem:s20], [sflag:$0x2] =	stream.indirect.gather [hbm4b:s1+s16], $0x80, s9, s16, $0xb8;
	[tilespmem:$0x11F00] =	vst v63  }
0x20d: {  	v4 =	vmul.u32 $0x34, v5;
	s9 =	sadd.s32 $0x310, s8  }
0x20e: {  	v61 =	vshrl.u32 v8, $0x3;
	v62 =	vmov s9  }
0x20f: {  	v7 =	vand.u32 $0xE0, v61;
	_ =	swait.ge [sflag:s31], $0x4000;
	v4 =	vshra.s32 v4, $0x8;
	v63 =	vshrl.u32 v62, $0xB  }
0x210: {  	[sflag:s31] =	ssyncset.done $0x0;
	v7 =	vor.u32 v4, v7;
	v60 =	vmul.u32 $0xCD, v63  }
0x211: {  	[sflag:s31] =	ssyncadd.s32 $0xFFFFC000;
	v7 =	vor.u32 v1, v7  }
0x212: {  	[hbm4b:s11+s3] =	stream.linear.scatter [tilespmem:s25], [sflag:$0x8], $0x4000, $0x38;
	v10 =	vshrl.u32 v60, $0xB;
	[tilespmem:$0x11F00] =	vst v63  }
0x213: {  	v6 =	vmul.u32 $0x5, v6;
	_ =	swait.ge [sflag:s2], $0x4000;
	v61 =	vmul.u32 $0xFFFFFFF6, v10  }
0x214: {  	v4 =	vmul.u32 $0x3FFFFB, v4;
	[sflag:s2] =	ssyncset.done $0x0  }
0x215: {  	v5 =	vadd.s32 v6, v5;
	v8 =	vshrl.u32 v62, $0x4;
	[sflag:s2] =	ssyncadd.s32 $0xFFFFC000;
	v6 =	vadd.s32 v63, v61  }
0x216: {  	v4 =	vadd.s32 v4, v5;
	v5 =	vor.u32 s9, v0;
	v7 =	vld.idx.msk [tilespmem:v7+s3+$0x0], $0xffff;
	v11 =	vmul.u32 $0x34, v6  }
0x217: {  	v8 =	vand.u32 $0x70, v8;
	s9 =	sadd.s32 $0x320, s8;
	v9 =	vand.u32 $0x7, v5  }
0x218: {  	v8 =	vor.u32 v9, v8;
	v9 =	vshra.s32 v11, $0x8;
	v11 =	vmov s9  }
0x219: {  	v61 =	vshrl.u32 v11, $0xB  }
0x21a: {  	v4 =	vshll.u32 v4, $0xA;
	v8 =	vshll.u32 v8, $0x1;
	v62 =	vmul.u32 $0xCD, v61  }
0x21b: {  	v8 =	vor.u32 v8, v9;
	v60 =	vshll.u32 v7, $0x4;
	v7 =	vand.u32 $0x7, v7  }
0x21c: {  	v60 =	vand.u32 $0xFFFFFF80, v60;
	v4 =	vor.u32 v7, v4;
	v7 =	vshrl.u32 v62, $0xB  }
0x21d: {  	v10 =	vmul.u32 $0x5, v10;
	v4 =	vor.u32 v60, v4;
	v63 =	vmul.u32 $0xFFFFFFF6, v7  }
0x21e: {  	v9 =	vmul.u32 $0x3FFFFB, v9;
	v60 =	vshrl.u32 v11, $0x4;
	v4 =	vor.u32 v2, v4  }
0x21f: {  	[tilespmem:s19+$0x100] =	vst v4;
	v4 =	vadd.s32 v10, v6;
	v10 =	vand.u32 $0x70, v60;
	v6 =	vadd.s32 v61, v63  }
0x220: {  	v8 =	vld.idx.msk [tilespmem:v8+s3+$0x0], $0xffff;
	v4 =	vadd.s32 v9, v4;
	v9 =	vor.u32 s9, v0;
	v60 =	vmul.u32 $0x34, v6  }
0x221: {  	v5 =	vand.u32 $0x78, v5;
	s9 =	sadd.s32 $0x330, s8;
	v11 =	vand.u32 $0x7, v9  }
0x222: {  	v10 =	vor.u32 v11, v10;
	v11 =	vshra.s32 v60, $0x8;
	v60 =	vmov s9  }
0x223: {  	v4 =	vshll.u32 v4, $0xA;
	v10 =	vshll.u32 v10, $0x1;
	v62 =	vshrl.u32 v60, $0xB  }
0x224: {  	v4 =	vor.u32 v5, v4;
	v10 =	vor.u32 v10, v11;
	v5 =	vmul.u32 $0xCD, v62  }
0x225: {  	v61 =	vshll.u32 v8, $0x4;
	v8 =	vand.u32 $0x7, v8  }
0x226: {  	v61 =	vand.u32 $0xFFFFFF80, v61;
	v4 =	vor.u32 v8, v4;
	v5 =	vshrl.u32 v5, $0xB  }
0x227: {  	v7 =	vmul.u32 $0x5, v7;
	v4 =	vor.u32 v61, v4;
	v63 =	vmul.u32 $0xFFFFFFF6, v5  }
0x228: {  	v60 =	vshrl.u32 v60, $0x4;
	v8 =	vor.u32 s9, v0;
	v61 =	vmul.u32 $0x3FFFFB, v11;
	[tilespmem:s19+$0x110] =	vst v4  }
0x229: {  	v11 =	vand.u32 $0x7, v8;
	v4 =	vadd.s32 v7, v6;
	v7 =	vld.idx.msk [tilespmem:v10+s3+$0x0], $0xffff;
	v6 =	vadd.s32 v62, v63  }
0x22a: {  	v4 =	vadd.s32 v61, v4;
	v10 =	vand.u32 $0x70, v60;
	v60 =	vmul.u32 $0x34, v6  }
0x22b: {  	v9 =	vand.u32 $0x78, v9;
	s9 =	sadd.s32 $0x340, s8;
	v4 =	vshll.u32 v4, $0xA;
	v10 =	vor.u32 v11, v10  }
0x22c: {  	v10 =	vshll.u32 v10, $0x1;
	v11 =	vshra.s32 v60, $0x8;
	v60 =	vmov s9  }
0x22d: {  	v4 =	vor.u32 v9, v4;
	v10 =	vor.u32 v10, v11;
	v62 =	vshrl.u32 v60, $0xB  }
0x22e: {  	v61 =	vshll.u32 v7, $0x4;
	v7 =	vand.u32 $0x7, v7;
	v9 =	vmul.u32 $0xCD, v62  }
0x22f: {  	v5 =	vmul.u32 $0x5, v5;
	v61 =	vand.u32 $0xFFFFFF80, v61;
	v4 =	vor.u32 v7, v4  }
0x230: {  	v4 =	vor.u32 v61, v4;
	v9 =	vshrl.u32 v9, $0xB  }
0x231: {  	v61 =	vmul.u32 $0x3FFFFB, v11;
	[tilespmem:s19+$0x120] =	vst v4;
	v4 =	vadd.s32 v5, v6;
	v5 =	vmul.u32 $0xFFFFFFF6, v9  }
0x232: {  	v8 =	vand.u32 $0x78, v8;
	v6 =	vld.idx.msk [tilespmem:v10+s3+$0x0], $0xffff  }
0x233: {  	v7 =	vor.u32 s9, v0;
	v4 =	vadd.s32 v61, v4;
	v5 =	vadd.s32 v62, v5  }
0x234: {  	v4 =	vshll.u32 v4, $0xA;
	v62 =	vshrl.u32 v60, $0x4;
	v60 =	vmul.u32 $0x34, v5  }
0x235: {  	s9 =	sadd.s32 $0x350, s8;
	v11 =	vand.u32 $0x7, v7;
	v4 =	vor.u32 v8, v4;
	v10 =	vand.u32 $0x70, v62  }
0x236: {  	v10 =	vor.u32 v11, v10;
	v11 =	vshra.s32 v60, $0x8;
	v60 =	vmov s9  }
0x237: {  	v10 =	vshll.u32 v10, $0x1;
	v61 =	vshll.u32 v6, $0x4;
	v62 =	vshrl.u32 v60, $0xB  }
0x238: {  	v10 =	vor.u32 v10, v11;
	v6 =	vand.u32 $0x7, v6;
	v8 =	vmul.u32 $0xCD, v62  }
0x239: {  	v61 =	vand.u32 $0xFFFFFF80, v61;
	v4 =	vor.u32 v6, v4;
	v6 =	vmul.u32 $0x5, v9  }
0x23a: {  	v4 =	vor.u32 v61, v4;
	v8 =	vshrl.u32 v8, $0xB  }
0x23b: {  	[tilespmem:s19+$0x130] =	vst v4;
	v4 =	vadd.s32 v6, v5;
	v5 =	vmul.u32 $0xFFFFFFF6, v8  }
0x23c: {  	v63 =	vmul.u32 $0x3FFFFB, v11;
	v9 =	vor.u32 s9, v0;
	v61 =	vshrl.u32 v60, $0x4  }
0x23d: {  	v11 =	vand.u32 $0x7, v9;
	v6 =	vand.u32 $0x78, v7;
	v7 =	vld.idx.msk [tilespmem:v10+s3+$0x0], $0xffff;
	v5 =	vadd.s32 v62, v5  }
0x23e: {  	s9 =	sadd.s32 $0x360, s8;
	v4 =	vadd.s32 v63, v4;
	v10 =	vand.u32 $0x70, v61;
	v60 =	vmul.u32 $0x34, v5  }
0x23f: {  	v4 =	vshll.u32 v4, $0xA;
	v10 =	vor.u32 v11, v10;
	v11 =	vmov s9  }
0x240: {  	v10 =	vshll.u32 v10, $0x1;
	v61 =	vshrl.u32 v11, $0xB;
	v60 =	vshra.s32 v60, $0x8  }
0x241: {  	v4 =	vor.u32 v6, v4;
	v63 =	vmul.u32 $0xCD, v61;
	v10 =	vor.u32 v10, v60  }
0x242: {  	v6 =	vmul.u32 $0x5, v8;
	v62 =	vshll.u32 v7, $0x4;
	v7 =	vand.u32 $0x7, v7  }
0x243: {  	v62 =	vand.u32 $0xFFFFFF80, v62;
	v4 =	vor.u32 v7, v4;
	v7 =	vshrl.u32 v63, $0xB  }
0x244: {  	v4 =	vor.u32 v62, v4;
	v62 =	vmul.u32 $0xFFFFFFF6, v7  }
0x245: {  	v11 =	vshrl.u32 v11, $0x4;
	v5 =	vadd.s32 v6, v5;
	[tilespmem:s19+$0x140] =	vst v4;
	v4 =	vand.u32 $0x78, v9  }
0x246: {  	v9 =	vmul.u32 $0x3FFFFB, v60;
	v8 =	vadd.s32 v61, v62;
	v6 =	vld.idx.msk [tilespmem:v10+s3+$0x0], $0xffff;
	v10 =	vor.u32 s9, v0  }
0x247: {  	v11 =	vand.u32 $0x70, v11;
	v61 =	vmul.u32 $0x34, v8;
	s9 =	sadd.s32 $0x370, s8;
	v60 =	vand.u32 $0x7, v10  }
0x248: {  	v5 =	vadd.s32 v9, v5;
	v9 =	vor.u32 v60, v11;
	v11 =	vmov s9  }
0x249: {  	v60 =	vshra.s32 v61, $0x8;
	v9 =	vshll.u32 v9, $0x1;
	v61 =	vshrl.u32 v11, $0xB  }
0x24a: {  	v5 =	vshll.u32 v5, $0xA;
	v9 =	vor.u32 v9, v60;
	v62 =	vmul.u32 $0xCD, v61  }
0x24b: {  	v4 =	vor.u32 v4, v5;
	v63 =	vshll.u32 v6, $0x4;
	v6 =	vand.u32 $0x7, v6  }
0x24c: {  	v5 =	vand.u32 $0xFFFFFF80, v63;
	v4 =	vor.u32 v6, v4;
	v6 =	vshrl.u32 v62, $0xB  }
0x24d: {  	v4 =	vor.u32 v5, v4;
	v5 =	vmul.u32 $0xFFFFFFF6, v6  }
0x24e: {  	v7 =	vmul.u32 $0x5, v7;
	v11 =	vshrl.u32 v11, $0x4;
	[tilespmem:s19+$0x150] =	vst v4  }
0x24f: {  	v4 =	vmul.u32 $0x3FFFFB, v60;
	v60 =	vor.u32 s9, v0;
	v9 =	vld.idx.msk [tilespmem:v9+s3+$0x0], $0xffff;
	v5 =	vadd.s32 v61, v5  }
0x250: {  	v11 =	vand.u32 $0x70, v11;
	v61 =	vand.u32 $0x7, v60;
	v62 =	vmul.u32 $0x34, v5  }
0x251: {  	v7 =	vadd.s32 v7, v8;
	v63 =	vor.u32 v61, v11  }
0x252: {  	v4 =	vadd.s32 v4, v7;
	v8 =	vshll.u32 v63, $0x1;
	v61 =	vshra.s32 v62, $0x8  }
0x253: {  	v10 =	vand.u32 $0x78, v10;
	v4 =	vshll.u32 v4, $0xA;
	v8 =	vor.u32 v8, v61  }
0x254: {  	v4 =	vor.u32 v10, v4;
	v62 =	vshll.u32 v9, $0x4;
	v9 =	vand.u32 $0x7, v9  }
0x255: {  	v63 =	vand.u32 $0xFFFFFF80, v62;
	v4 =	vor.u32 v9, v4  }
0x256: {  	v4 =	vor.u32 v63, v4  }
0x257: {  	[tilespmem:s19+$0x160] =	vst v4  }
0x258: {  	v6 =	vmul.u32 $0x5, v6;
	s9 =	sadd.s32 $0x380, s8;
	v4 =	vld.idx.msk [tilespmem:v8+s3+$0x0], $0xffff  }
0x259: {  	v7 =	vmul.u32 $0x3FFFFB, v61;
	v8 =	vmov s9  }
0x25a: {  	v5 =	vadd.s32 v6, v5;
	v9 =	vshrl.u32 v8, $0xB  }
0x25b: {  	v5 =	vadd.s32 v7, v5;
	v61 =	vmul.u32 $0xCD, v9  }
0x25c: {  	v62 =	vand.u32 $0x78, v60;
	v5 =	vshll.u32 v5, $0xA  }
0x25d: {  	v5 =	vor.u32 v62, v5;
	v6 =	vshrl.u32 v61, $0xB;
	v63 =	vshll.u32 v4, $0x4  }
0x25e: {  	v60 =	vmul.u32 $0xFFFFFFF6, v6;
	v4 =	vand.u32 $0x7, v4;
	v5 =	vor.u32 v63, v5  }
0x25f: {  	v4 =	vor.u32 v4, v5  }
0x260: {  	s9 =	sadd.s32 $0x100, s19;
	v5 =	vadd.s32 v9, v60;
	[tilespmem:s19+$0x170] =	vst v4  }
0x261: {  	v4 =	vmul.u32 $0x34, v5;
	[tilespmem:s22], [sflag:$0x3] =	stream.indirect.gather [hbm4b:s1+s16], $0x80, s9, s16, $0xb8;
	[tilespmem:$0x11F00] =	vst v63  }
0x262: {  	v61 =	vshrl.u32 v8, $0x3;
	s9 =	sadd.s32 $0x390, s8  }
0x263: {  	v7 =	vand.u32 $0xF0, v61;
	_ =	swait.ge [sflag:s23], $0x4000;
	v4 =	vshra.s32 v4, $0x8;
	v62 =	vmov s9  }
0x264: {  	[sflag:s23] =	ssyncset.done $0x0;
	v7 =	vor.u32 v4, v7;
	v63 =	vshrl.u32 v62, $0xB  }
0x265: {  	[sflag:s23] =	ssyncadd.s32 $0xFFFFC000;
	v7 =	vor.u32 v1, v7;
	v60 =	vmul.u32 $0xCD, v63  }
0x266: {  	[hbm4b:s14+s3] =	stream.linear.scatter [tilespmem:s18], [sflag:$0x5], $0x4000, $0x38;
	[tilespmem:$0x11F00] =	vst v63  }
0x267: {  	v6 =	vmul.u32 $0x5, v6;
	_ =	swait.ge [sflag:s0], $0x4000;
	v10 =	vshrl.u32 v60, $0xB  }
0x268: {  	v4 =	vmul.u32 $0x3FFFFB, v4;
	[sflag:s0] =	ssyncset.done $0x0;
	v61 =	vmul.u32 $0xFFFFFFF6, v10  }
0x269: {  	v5 =	vadd.s32 v6, v5;
	v8 =	vshrl.u32 v62, $0x4;
	[sflag:s0] =	ssyncadd.s32 $0xFFFFC000  }
0x26a: {  	v4 =	vadd.s32 v4, v5;
	v5 =	vor.u32 s9, v0;
	v7 =	vld.idx.msk [tilespmem:v7+s3+$0x0], $0xffff;
	v6 =	vadd.s32 v63, v61  }
0x26b: {  	v8 =	vand.u32 $0x78, v8;
	v9 =	vand.u32 $0x7, v5;
	v11 =	vmul.u32 $0x34, v6  }
0x26c: {  	s9 =	sadd.s32 $0x3A0, s8;
	v8 =	vor.u32 v9, v8  }
0x26d: {  	v8 =	vshll.u32 v8, $0x1;
	v9 =	vshra.s32 v11, $0x8;
	v11 =	vmov s9  }
0x26e: {  	v4 =	vshll.u32 v4, $0xA;
	v8 =	vor.u32 v8, v9;
	v61 =	vshrl.u32 v11, $0xB  }
0x26f: {  	v60 =	vshll.u32 v7, $0x4;
	v7 =	vand.u32 $0x7, v7;
	v62 =	vmul.u32 $0xCD, v61  }
0x270: {  	v60 =	vand.u32 $0xFFFFFF80, v60;
	v4 =	vor.u32 v7, v4  }
0x271: {  	v10 =	vmul.u32 $0x5, v10;
	v4 =	vor.u32 v60, v4;
	v7 =	vshrl.u32 v62, $0xB  }
0x272: {  	v9 =	vmul.u32 $0x3FFFFB, v9;
	v4 =	vor.u32 v2, v4;
	v63 =	vmul.u32 $0xFFFFFFF6, v7  }
0x273: {  	v60 =	vshrl.u32 v11, $0x4;
	[tilespmem:s19+$0x180] =	vst v4;
	v4 =	vadd.s32 v10, v6  }
0x274: {  	v8 =	vld.idx.msk [tilespmem:v8+s3+$0x0], $0xffff;
	v4 =	vadd.s32 v9, v4;
	v9 =	vor.u32 s9, v0;
	v6 =	vadd.s32 v61, v63  }
0x275: {  	v10 =	vand.u32 $0x78, v60;
	v11 =	vand.u32 $0x7, v9;
	v60 =	vmul.u32 $0x34, v6  }
0x276: {  	v5 =	vand.u32 $0x78, v5;
	s9 =	sadd.s32 $0x3B0, s8;
	v4 =	vshll.u32 v4, $0xA;
	v10 =	vor.u32 v11, v10  }
0x277: {  	v11 =	vshra.s32 v60, $0x8;
	v10 =	vshll.u32 v10, $0x1;
	v60 =	vmov s9  }
0x278: {  	v4 =	vor.u32 v5, v4;
	v10 =	vor.u32 v10, v11;
	v62 =	vshrl.u32 v60, $0xB  }
0x279: {  	v61 =	vshll.u32 v8, $0x4;
	v8 =	vand.u32 $0x7, v8;
	v5 =	vmul.u32 $0xCD, v62  }
0x27a: {  	v61 =	vand.u32 $0xFFFFFF80, v61;
	v4 =	vor.u32 v8, v4  }
0x27b: {  	v7 =	vmul.u32 $0x5, v7;
	v4 =	vor.u32 v61, v4;
	v5 =	vshrl.u32 v5, $0xB  }
0x27c: {  	[tilespmem:s19+$0x190] =	vst v4;
	v63 =	vmul.u32 $0xFFFFFFF6, v5  }
0x27d: {  	v8 =	vor.u32 s9, v0;
	v61 =	vmul.u32 $0x3FFFFB, v11;
	v4 =	vadd.s32 v7, v6;
	v7 =	vld.idx.msk [tilespmem:v10+s3+$0x0], $0xffff  }
0x27e: {  	v60 =	vshrl.u32 v60, $0x4;
	v11 =	vand.u32 $0x7, v8;
	v6 =	vadd.s32 v62, v63  }
0x27f: {  	v4 =	vadd.s32 v61, v4;
	v10 =	vand.u32 $0x78, v60;
	v60 =	vmul.u32 $0x34, v6  }
0x280: {  	v9 =	vand.u32 $0x78, v9;
	s9 =	sadd.s32 $0x3C0, s8;
	v4 =	vshll.u32 v4, $0xA;
	v10 =	vor.u32 v11, v10  }
0x281: {  	v10 =	vshll.u32 v10, $0x1;
	v11 =	vshra.s32 v60, $0x8;
	v60 =	vmov s9  }
0x282: {  	v4 =	vor.u32 v9, v4;
	v61 =	vshll.u32 v7, $0x4;
	v62 =	vshrl.u32 v60, $0xB  }
0x283: {  	v10 =	vor.u32 v10, v11;
	v7 =	vand.u32 $0x7, v7;
	v9 =	vmul.u32 $0xCD, v62  }
0x284: {  	v5 =	vmul.u32 $0x5, v5;
	v61 =	vand.u32 $0xFFFFFF80, v61;
	v4 =	vor.u32 v7, v4  }
0x285: {  	v4 =	vor.u32 v61, v4;
	v9 =	vshrl.u32 v9, $0xB  }
0x286: {  	[tilespmem:s19+$0x1A0] =	vst v4;
	v4 =	vadd.s32 v5, v6;
	v5 =	vmul.u32 $0xFFFFFFF6, v9  }
0x287: {  	v7 =	vor.u32 s9, v0;
	v61 =	vmul.u32 $0x3FFFFB, v11  }
0x288: {  	v11 =	vand.u32 $0x7, v7;
	v6 =	vld.idx.msk [tilespmem:v10+s3+$0x0], $0xffff;
	v5 =	vadd.s32 v62, v5;
	v62 =	vshrl.u32 v60, $0x4  }
0x289: {  	v4 =	vadd.s32 v61, v4;
	v10 =	vand.u32 $0x78, v62;
	v60 =	vmul.u32 $0x34, v5  }
0x28a: {  	v8 =	vand.u32 $0x78, v8;
	s9 =	sadd.s32 $0x3D0, s8;
	v4 =	vshll.u32 v4, $0xA;
	v10 =	vor.u32 v11, v10  }
0x28b: {  	v11 =	vshra.s32 v60, $0x8;
	v10 =	vshll.u32 v10, $0x1;
	v60 =	vmov s9  }
0x28c: {  	v4 =	vor.u32 v8, v4;
	v10 =	vor.u32 v10, v11;
	v62 =	vshrl.u32 v60, $0xB  }
0x28d: {  	v61 =	vshll.u32 v6, $0x4;
	v6 =	vand.u32 $0x7, v6;
	v8 =	vmul.u32 $0xCD, v62  }
0x28e: {  	v61 =	vand.u32 $0xFFFFFF80, v61;
	v4 =	vor.u32 v6, v4;
	v6 =	vmul.u32 $0x5, v9  }
0x28f: {  	v4 =	vor.u32 v61, v4;
	v8 =	vshrl.u32 v8, $0xB  }
0x290: {  	[tilespmem:s19+$0x1B0] =	vst v4;
	v4 =	vadd.s32 v6, v5;
	v5 =	vmul.u32 $0xFFFFFFF6, v8  }
0x291: {  	v63 =	vmul.u32 $0x3FFFFB, v11;
	v9 =	vor.u32 s9, v0;
	v6 =	vand.u32 $0x78, v7;
	v7 =	vld.idx.msk [tilespmem:v10+s3+$0x0], $0xffff  }
0x292: {  	v61 =	vshrl.u32 v60, $0x4;
	v11 =	vand.u32 $0x7, v9;
	v5 =	vadd.s32 v62, v5  }
0x293: {  	s9 =	sadd.s32 $0x3E0, s8;
	v4 =	vadd.s32 v63, v4;
	v10 =	vand.u32 $0x78, v61;
	v60 =	vmul.u32 $0x34, v5  }
0x294: {  	v4 =	vshll.u32 v4, $0xA;
	v10 =	vor.u32 v11, v10;
	v11 =	vmov s9  }
0x295: {  	v10 =	vshll.u32 v10, $0x1;
	v61 =	vshrl.u32 v11, $0xB;
	v60 =	vshra.s32 v60, $0x8  }
0x296: {  	v63 =	vmul.u32 $0xCD, v61;
	v62 =	vshll.u32 v7, $0x4;
	v10 =	vor.u32 v10, v60  }
0x297: {  	v4 =	vor.u32 v6, v4;
	v7 =	vand.u32 $0x7, v7;
	v6 =	vand.u32 $0xFFFFFF80, v62  }
0x298: {  	v4 =	vor.u32 v7, v4;
	v62 =	vmul.u32 $0x5, v8;
	v8 =	vshrl.u32 v63, $0xB  }
0x299: {  	v11 =	vshrl.u32 v11, $0x4;
	v4 =	vor.u32 v6, v4;
	v63 =	vmul.u32 $0xFFFFFFF6, v8  }
0x29a: {  	v11 =	vand.u32 $0x78, v11;
	[tilespmem:s19+$0x1C0] =	vst v4;
	v4 =	vand.u32 $0x78, v9  }
0x29b: {  	v9 =	vmul.u32 $0x3FFFFB, v60;
	v6 =	vadd.s32 v61, v63;
	v7 =	vld.idx.msk [tilespmem:v10+s3+$0x0], $0xffff;
	v10 =	vor.u32 s9, v0  }
0x29c: {  	s8 =	sadd.s32 $0x3F0, s8;
	v5 =	vadd.s32 v62, v5;
	v61 =	vmul.u32 $0x34, v6;
	v60 =	vand.u32 $0x7, v10  }
0x29d: {  	v5 =	vadd.s32 v9, v5;
	v9 =	vor.u32 v60, v11;
	v11 =	vmov s8  }
0x29e: {  	v60 =	vshra.s32 v61, $0x8;
	v9 =	vshll.u32 v9, $0x1;
	v61 =	vshrl.u32 v11, $0xB  }
0x29f: {  	v5 =	vshll.u32 v5, $0xA;
	v9 =	vor.u32 v9, v60;
	v62 =	vmul.u32 $0xCD, v61  }
0x2a0: {  	v4 =	vor.u32 v4, v5;
	v5 =	vshll.u32 v7, $0x4;
	v7 =	vand.u32 $0x7, v7  }
0x2a1: {  	v5 =	vand.u32 $0xFFFFFF80, v5;
	v4 =	vor.u32 v7, v4;
	v7 =	vshrl.u32 v62, $0xB  }
0x2a2: {  	v4 =	vor.u32 v5, v4;
	v5 =	vmul.u32 $0xFFFFFFF6, v7  }
0x2a3: {  	v8 =	vmul.u32 $0x5, v8;
	v11 =	vshrl.u32 v11, $0x4;
	[tilespmem:s19+$0x1D0] =	vst v4  }
0x2a4: {  	v4 =	vmul.u32 $0x3FFFFB, v60;
	v60 =	vor.u32 s8, v0;
	v9 =	vld.idx.msk [tilespmem:v9+s3+$0x0], $0xffff;
	v5 =	vadd.s32 v61, v5  }
0x2a5: {  	v11 =	vand.u32 $0x78, v11;
	v61 =	vand.u32 $0x7, v60;
	v62 =	vmul.u32 $0x34, v5  }
0x2a6: {  	v6 =	vadd.s32 v8, v6;
	v61 =	vor.u32 v61, v11  }
0x2a7: {  	v4 =	vadd.s32 v4, v6;
	v8 =	vshll.u32 v61, $0x1;
	v62 =	vshra.s32 v62, $0x8  }
0x2a8: {  	v10 =	vand.u32 $0x78, v10;
	v4 =	vshll.u32 v4, $0xA;
	v8 =	vor.u32 v8, v62  }
0x2a9: {  	v4 =	vor.u32 v10, v4;
	v63 =	vshll.u32 v9, $0x4;
	v9 =	vand.u32 $0x7, v9  }
0x2aa: {  	v4 =	vor.u32 v9, v4;
	v61 =	vand.u32 $0xFFFFFF80, v63  }
0x2ab: {  	v4 =	vor.u32 v61, v4  }
0x2ac: {  	[tilespmem:s19+$0x1E0] =	vst v4  }
0x2ad: {  	v7 =	vmul.u32 $0x5, v7;
	v4 =	vld.idx.msk [tilespmem:v8+s3+$0x0], $0xffff  }
0x2ae: {  	v6 =	vmul.u32 $0x3FFFFB, v62  }
0x2af: {  	v5 =	vadd.s32 v7, v5  }
0x2b0: {  	v5 =	vadd.s32 v6, v5  }
0x2b1: {  	v62 =	vand.u32 $0x78, v60;
	v5 =	vshll.u32 v5, $0xA  }
0x2b2: {  	v5 =	vor.u32 v62, v5;
	v63 =	vshll.u32 v4, $0x4  }
0x2b3: {  	v4 =	vand.u32 $0x7, v4;
	v5 =	vor.u32 v63, v5  }
0x2b4: {  	v4 =	vor.u32 v4, v5  }
0x2b5: {  	p0 =	sne.s32 s7, $0x1A00;
	s9 =	sadd.s32 $0x180, s19;
	[tilespmem:s19+$0x1F0] =	vst v4  }
0x2b6: {  	[tilespmem:s25], [sflag:$0x4] =	stream.indirect.gather [hbm4b:s1+s16], $0x80, s9, s16, $0xb8;
	[tilespmem:$0x11F00] =	vst v63  }
.Ltmp0:
0x2b7: {  	_ =	swait.ge [sflag:s26], $0x4000;
	(pc) =	sbr.rel @p0 .LBB2_2-.Ltmp0, $4  }
0x2b8: {  	s7 =	sadd.s32 $0x200, s7;
	[sflag:s26] =	ssyncset.done $0x0  }
0x2b9: {  	s12 =	sadd.s32 $0x2000, s12;
	s11 =	sadd.s32 $0x2000, s11;
	[sflag:s26] =	ssyncadd.s32 $0xFFFFC000  }
0x2ba: {  	[hbm4b:s13+s3] =	stream.linear.scatter [tilespmem:s20], [sflag:$0x6], $0x4000, $0x38;
	[tilespmem:$0x11F00] =	vst v63  }
0x2bb: {  	s14 =	sadd.s32 $0x2000, s14;
	s19 =	sadd.s32 $0x200, s19;
	s13 =	sadd.s32 $0x2000, s13  }
0x2bc: {  	_ =	swait.ge [sflag:s29], $0x4000  }
0x2bd: {  	[sflag:s29] =	ssyncset.done $0x0  }
0x2be: {  	s7 =	rddreg [dreg:$0x7];
	[sflag:s29] =	ssyncadd.s32 $0xFFFFC000  }
0x2bf: {  	[hbm4b:s7+s3] =	stream.linear.scatter [tilespmem:s22], [sflag:$0x7], $0x4000, $0x38;
	[tilespmem:$0x11F00] =	vst v63  }
0x2c0: {  	_ =	swait.ge [sflag:s31], $0x4000  }
0x2c1: {  	[sflag:s31] =	ssyncset.done $0x0  }
0x2c2: {  	s19 =	rddreg [dreg:$0x8];
	[sflag:s31] =	ssyncadd.s32 $0xFFFFC000  }
0x2c3: {  	[hbm4b:s19+s3] =	stream.linear.scatter [tilespmem:s25], [sflag:$0x8], $0x4000, $0x38;
	[tilespmem:$0x11F00] =	vst v63  }
0x2c4: {  	_ =	swait.ge [sflag:s28], $0x4000  }
0x2c5: {  	[sflag:s28] =	ssyncset.done $0x0  }
0x2c6: {  	[sflag:s28] =	ssyncadd.s32 $0xFFFFC000  }
0x2c7: {  	_ =	swait.ge [sflag:s30], $0x4000  }
0x2c8: {  	[sflag:s30] =	ssyncset.done $0x0  }
0x2c9: {  	s17 =	sadd.s32 $0x1, s17;
	[sflag:s30] =	ssyncadd.s32 $0xFFFFC000  }
0x2ca: {  	p0 =	sne.s32 s17, s10;
	_ =	swait.ge [sflag:s2], $0x4000  }
.Ltmp1:
0x2cb: {  	[sflag:s2] =	ssyncset.done $0x0;
	(pc) =	sbr.rel @p0 .LBB2_1-.Ltmp1, $4  }
0x2cc: {  	[sflag:s2] =	ssyncadd.s32 $0xFFFFC000  }
0x2cd: {  	_ =	swait.ge [sflag:s0], $0x4000  }
0x2ce: {  	[sflag:s0] =	ssyncset.done $0x0  }
0x2cf: {  	[sflag:s0] =	ssyncadd.s32 $0xFFFFC000  }
0x2d0: {  	_ =	sfence.sel $0x180000  }
0x2d1: {  	[bflag:$0x0] =	sbarrier.arrive $0xFFFF  }
0x2d2: {  	_ =	strace $0x90000047  }
0x2d3: {  	s0 =	stileid.u32;
	[bflag:$0x2] =	sbarrier.arrive $0xFFFF  }
0x2d4: {  	p0 =	sne.s32 s0, $0x0;
	s0 =	rddreg [dreg:$0x3]  }
0x2d5: {  	s0 =	sadd.s32 @!p0 $0x100000, s0  }
0x2d6: {  	[sflag:s0] =	ssyncadd.tile.s32 @!p0 $0x1;
	_ =	shalt  }
.Lfunc_end2:
_tile_overlayer_lowered:
.L_overlay_start_2:
0x2d7: {  	(tag) =	ssettag $0x2  }
0x2d8: {  	s0 =	rddreg [dreg:$0x0];
	s2 =	stileid.u32  }
0x2d9: {  	s1 =	rddreg [dreg:$0x1];
	p0 =	sne.s32 s2, $0x0  }
0x2da: {  	s3 =	rddreg [dreg:$0x2];
	[bflag:$0x3] =	sbarrier.arrive $0xFFFF;
	s2 =	simm.s32 @!p0 $0x1C09  }
0x2db: {  	[timem:s3], [sflag:s2] =	dma.local @!p0 [hbm:s0], s1  }
0x2dc: {  	s0 =	simm.s32 @!p0 $0x9  }
0x2dd: {  	_ =	swait.ge @!p0 [sflag:s0], s1  }
0x2de: {  	s1 =	ssub.s32 @!p0 $0x0, s1;
	[sflag:s0] =	ssyncset.done @!p0 $0x0  }
0x2df: {  	[sflag:s0] =	ssyncadd.s32 @!p0 s1  }
0x2e0: {  	[bflag:$0x3] =	sbarrier.arrive $0xFFFF  }
0x2e1: {  	_ =	shalt  }

</sc_bundles>
